<compile_context>
chip_gen: v7x
topology: tpu7x:2x2x1
jax: 0.10.2.dev20260603
libtpu: 0.0.44.dev20260713+nightly
codegen_flags: <defaults>
</compile_context>

<pallas_src>
import functools

import jax
import jax.numpy as jnp
from jax import lax
from jax.experimental import pallas as pl
from jax.experimental.pallas import tpu as pltpu
from jax.experimental.pallas import tpu_sc as plsc

S = 2048
D = 1024
E = 8
NODE = 1024
CAP = 512
NTOT = S * 2
EPS = 1e-6
NW = 32
EPW = NTOT // NW
TPW = S // NW
DUMPN = NTOT + 16


def _router_body(x_ref, wr_ref, br_ref, ss_ref, sg_ref, gg_ref):
    x = x_ref[...]
    logits = jnp.dot(x, wr_ref[...], preferred_element_type=jnp.float32)
    logits = logits + br_ref[...]
    eiota = lax.broadcasted_iota(jnp.int32, (S, E), 1)
    m1 = jnp.max(logits, axis=1, keepdims=True)
    e1 = jnp.min(jnp.where(logits == m1, eiota, E), axis=1, keepdims=True)
    l2 = jnp.where(eiota == e1, -jnp.inf, logits)
    m2 = jnp.max(l2, axis=1, keepdims=True)
    e2 = jnp.min(jnp.where(l2 == m2, eiota, E), axis=1, keepdims=True)
    ed = jnp.exp(m2 - m1)
    g1 = 1.0 / (1.0 + ed)
    g2 = ed / (1.0 + ed)
    oh1 = (eiota == e1).astype(jnp.float32)
    oh2 = (eiota == e2).astype(jnp.float32)
    h = oh1 + oh2
    CH = 256
    riota = lax.broadcasted_iota(jnp.int32, (CH, CH), 0)
    ciota = lax.broadcasted_iota(jnp.int32, (CH, CH), 1)
    tri = (ciota < riota).astype(jnp.float32)
    carry = jnp.zeros((1, E), jnp.float32)
    parts = []
    for c in range(S // CH):
        hc = lax.slice_in_dim(h, c * CH, (c + 1) * CH, axis=0)
        parts.append(jnp.dot(tri, hc, preferred_element_type=jnp.float32) + carry)
        carry = carry + jnp.sum(hc, axis=0, keepdims=True)
    excl = jnp.concatenate(parts, axis=0)
    pos1 = jnp.sum(excl * oh1, axis=1, keepdims=True).astype(jnp.int32)
    pos2 = jnp.sum(excl * oh2, axis=1, keepdims=True).astype(jnp.int32)
    v1 = pos1 < CAP
    v2 = pos2 < CAP
    slot1 = e1 * CAP + pos1
    slot2 = e2 * CAP + pos2
    tio = lax.broadcasted_iota(jnp.int32, (S, 1), 0)
    dump1 = NTOT + ((2 * tio) % 16)
    dump2 = NTOT + ((2 * tio + 1) % 16)
    ss_ref[...] = jnp.concatenate(
        [jnp.where(v1, slot1, dump1), jnp.where(v2, slot2, dump2)], axis=1)
    sg_ref[...] = jnp.concatenate(
        [jnp.where(v1, slot1, 0), jnp.where(v2, slot2, 0)], axis=1)
    g1m = jnp.where(v1, g1, 0.0)
    g2m = jnp.where(v2, g2, 0.0)
    gg_ref[...] = jnp.concatenate(
        [jnp.broadcast_to(g1m, (S, 16)), jnp.broadcast_to(g2m, (S, 16))],
        axis=1)


_router = pl.pallas_call(
    _router_body,
    out_shape=[
        jax.ShapeDtypeStruct((S, 2), jnp.int32),
        jax.ShapeDtypeStruct((S, 2), jnp.int32),
        jax.ShapeDtypeStruct((S, 32), jnp.float32),
    ],
)


def _expert_body(x_ref, w1_ref, b1_ref, s1_ref, bb1_ref,
                 w2_ref, b2_ref, s2_ref, bb2_ref, y_ref):
    x = x_ref[...]
    h = jnp.dot(x, w1_ref[0], preferred_element_type=jnp.float32) + b1_ref[0]
    m = jnp.mean(h, axis=1, keepdims=True)
    v = jnp.mean((h - m) * (h - m), axis=1, keepdims=True)
    h = (h - m) / jnp.sqrt(v + EPS) * s1_ref[0] + bb1_ref[0]
    h = jnp.maximum(h, 0.0)
    y = jnp.dot(h, w2_ref[0], preferred_element_type=jnp.float32) + b2_ref[0]
    m2 = jnp.mean(y, axis=1, keepdims=True)
    v2 = jnp.mean((y - m2) * (y - m2), axis=1, keepdims=True)
    y_ref[...] = (y - m2) / jnp.sqrt(v2 + EPS) * s2_ref[0] + bb2_ref[0]


_experts = pl.pallas_call(
    _expert_body,
    grid=(E,),
    in_specs=[
        pl.BlockSpec((CAP, D), lambda e: (e, 0)),
        pl.BlockSpec((1, D, NODE), lambda e: (e, 0, 0)),
        pl.BlockSpec((1, 1, NODE), lambda e: (e, 0, 0)),
        pl.BlockSpec((1, 1, NODE), lambda e: (e, 0, 0)),
        pl.BlockSpec((1, 1, NODE), lambda e: (e, 0, 0)),
        pl.BlockSpec((1, NODE, D), lambda e: (e, 0, 0)),
        pl.BlockSpec((1, 1, D), lambda e: (e, 0, 0)),
        pl.BlockSpec((1, 1, D), lambda e: (e, 0, 0)),
        pl.BlockSpec((1, 1, D), lambda e: (e, 0, 0)),
    ],
    out_specs=pl.BlockSpec((CAP, D), lambda e: (e, 0)),
    out_shape=jax.ShapeDtypeStruct((NTOT, D), jnp.float32),
)


@functools.cache
def _make_dispatch():
    mesh = plsc.VectorSubcoreMesh(core_axis_name="c", subcore_axis_name="s")
    return functools.partial(
        pl.kernel,
        mesh=mesh,
        out_type=jax.ShapeDtypeStruct((NTOT, D), jnp.float32),
        scratch_types=[
            pltpu.VMEM((NTOT,), jnp.int32),
            pltpu.VMEM((DUMPN,), jnp.int32),
            pltpu.VMEM((16, D), jnp.float32),
            pltpu.VMEM((16, D), jnp.float32),
            pltpu.VMEM((16, D), jnp.float32),
            pltpu.SemaphoreType.DMA,
            pltpu.SemaphoreType.DMA,
            pltpu.SemaphoreType.DMA,
        ],
        compiler_params=pltpu.CompilerParams(needs_layout_passes=False),
    )(_dispatch_body)


def _dispatch_body(x_hbm, ss_hbm, out_hbm, sf_v, src_v, rb0, rb1, rb2,
                   semi, semg, semw):
    wid = lax.axis_index("s") * 2 + lax.axis_index("c")
    ih = pltpu.async_copy(ss_hbm, sf_v, semi)

    def zbody(i, c):
        for u in range(4):
            src_v[pl.ds(i * 64 + u * 16, 16)] = jnp.zeros((16,), jnp.int32)
        return c

    lax.fori_loop(0, NTOT // 64, zbody, 0)
    src_v[pl.ds(NTOT, 16)] = jnp.zeros((16,), jnp.int32)
    ih.wait()

    def sbody(i, c):
        for u in range(4):
            off = i * 64 + u * 16
            idxv = sf_v[pl.ds(off, 16)]
            ent = lax.iota(jnp.int32, 16) + off
            plsc.store_scatter(src_v, [idxv], lax.shift_right_logical(ent, 1))
        return c

    lax.fori_loop(0, NTOT // 64, sbody, 0)

    NCH = 8
    CH = EPW // NCH
    rbufs = (rb0, rb1, rb2)
    gh = [None] * NCH
    wh = [None] * NCH
    gh[0] = pltpu.async_copy(
        x_hbm.at[src_v.at[pl.ds(wid * EPW, CH)]], rb0, semg)
    for c in range(NCH):
        if c < NCH - 1:
            if c >= 2:
                wh[c - 2].wait()
            gh[c + 1] = pltpu.async_copy(
                x_hbm.at[src_v.at[pl.ds(wid * EPW + (c + 1) * CH, CH)]],
                rbufs[(c + 1) % 3], semg)
        gh[c].wait()
        wh[c] = pltpu.async_copy(
            rbufs[c % 3], out_hbm.at[pl.ds(wid * EPW + c * CH, CH)], semw)
    wh[NCH - 2].wait()
    wh[NCH - 1].wait()


@functools.cache
def _make_combine():
    mesh = plsc.VectorSubcoreMesh(core_axis_name="c", subcore_axis_name="s")
    return functools.partial(
        pl.kernel,
        mesh=mesh,
        out_type=jax.ShapeDtypeStruct((S, D), jnp.float32),
        scratch_types=[
            pltpu.VMEM((EPW,), jnp.int32),
            pltpu.VMEM((EPW, 16), jnp.float32),
            pltpu.VMEM((16, D), jnp.float32),
            pltpu.VMEM((16, D), jnp.float32),
            pltpu.VMEM((8, D), jnp.float32),
            pltpu.VMEM((8, D), jnp.float32),
            pltpu.VMEM((8, D), jnp.float32),
            pltpu.VMEM((8, D), jnp.float32),
            pltpu.SemaphoreType.DMA,
            pltpu.SemaphoreType.DMA,
            pltpu.SemaphoreType.DMA,
        ],
        compiler_params=pltpu.CompilerParams(needs_layout_passes=False),
    )(_combine_body)


def _combine_body(x_hbm, y_hbm, sg_hbm, g_hbm, out_hbm,
                  idx_v, gate_v, yb0, yb1, xb0, xb1, ob0, ob1,
                  semy, semx, semo):
    wid = lax.axis_index("s") * 2 + lax.axis_index("c")
    ebase = wid * EPW
    pltpu.sync_copy(sg_hbm.at[pl.ds(ebase, EPW)], idx_v)
    pltpu.sync_copy(g_hbm.at[pl.ds(ebase, EPW)], gate_v)
    ybufs = (yb0, yb1)
    xbufs = (xb0, xb1)
    obufs = (ob0, ob1)
    NCH = 8
    TPC = TPW // NCH
    gh = [None] * NCH
    xh = [None] * NCH
    oh = [None] * NCH
    gh[0] = pltpu.async_copy(y_hbm.at[idx_v.at[pl.ds(0, 2 * TPC)]], yb0, semy)
    xh[0] = pltpu.async_copy(x_hbm.at[pl.ds(wid * TPW, TPC)], xb0, semx)
    for cch in range(NCH):
        if cch < NCH - 1:
            gh[cch + 1] = pltpu.async_copy(
                y_hbm.at[idx_v.at[pl.ds((cch + 1) * 2 * TPC, 2 * TPC)]],
                ybufs[(cch + 1) % 2], semy)
            xh[cch + 1] = pltpu.async_copy(
                x_hbm.at[pl.ds(wid * TPW + (cch + 1) * TPC, TPC)],
                xbufs[(cch + 1) % 2], semx)
        gh[cch].wait()
        xh[cch].wait()
        if cch >= 2:
            oh[cch - 2].wait()
        yb = ybufs[cch % 2]
        xb = xbufs[cch % 2]
        ob = obufs[cch % 2]
        gs = [gate_v[cch * 2 * TPC + e] for e in range(2 * TPC)]

        def cb(k, c, yb=yb, xb=xb, ob=ob, gs=gs):
            sl = pl.ds(k * 16, 16)
            for j in range(TPC):
                ob[j, sl] = jnp.maximum(
                    xb[j, sl]
                    + gs[2 * j] * yb[2 * j, sl]
                    + gs[2 * j + 1] * yb[2 * j + 1, sl],
                    0.0)
            return c

        lax.fori_loop(0, D // 16, cb, 0)
        oh[cch] = pltpu.async_copy(
            ob, out_hbm.at[pl.ds(wid * TPW + cch * TPC, TPC)], semo)
    oh[NCH - 2].wait()
    oh[NCH - 1].wait()


def kernel(x0, Wr, br, W1, b1, ln1_s, ln1_b, W2, b2, ln2_s, ln2_b):
    x = x0.reshape(S, D)
    ss, sg, gg = _router(x, Wr, br.reshape(1, E))
    xin = _make_dispatch()(x, ss.reshape(NTOT))
    y = _experts(xin, W1,
                 b1.reshape(E, 1, NODE), ln1_s.reshape(E, 1, NODE),
                 ln1_b.reshape(E, 1, NODE), W2,
                 b2.reshape(E, 1, D), ln2_s.reshape(E, 1, D),
                 ln2_b.reshape(E, 1, D))
    out = _make_combine()(x, y, sg.reshape(NTOT), gg.reshape(NTOT, 16))
    return out.reshape(x0.shape)

# --- scband reference (transcript-rebuilt; emitter-appended) ---
"""Pipeline reference for scband-mo-eres-block-9560597201202 (READ-ONLY COPY).

The authoritative reference and input builder live on the scoring server;
editing this copy changes nothing except your own understanding.
"""

import jax, jax.numpy as jnp
import numpy as np

B, S, D = 1, 2048, 1024
E = 8
TOPK = 2
NODE = 1024
EPS = 1e-6


def _ln(x, scale, bias):
    m = jnp.mean(x, axis=-1, keepdims=True)
    v = jnp.var(x, axis=-1, keepdims=True)
    return (x - m) / jnp.sqrt(v + EPS) * scale + bias


def setup_inputs(seed: int = 0) -> dict:
    key = jax.random.key(seed)
    ks = jax.random.split(key, 6)
    x0 = jax.random.normal(ks[0], (B, S, D), dtype=jnp.float32)
    Wr = jax.random.normal(ks[1], (D, E), dtype=jnp.float32) * 0.02
    br = jnp.zeros((E,), dtype=jnp.float32)
    W1 = jax.random.normal(ks[2], (E, D, NODE), dtype=jnp.float32) * 0.02
    b1 = jnp.zeros((E, NODE), dtype=jnp.float32)
    ln1_s = jnp.ones((E, NODE), dtype=jnp.float32)
    ln1_b = jnp.zeros((E, NODE), dtype=jnp.float32)
    W2 = jax.random.normal(ks[3], (E, NODE, D), dtype=jnp.float32) * 0.02
    b2 = jnp.zeros((E, D), dtype=jnp.float32)
    ln2_s = jnp.ones((E, D), dtype=jnp.float32)
    ln2_b = jnp.zeros((E, D), dtype=jnp.float32)
    return {"x0": x0, "Wr": Wr, "br": br, "W1": W1, "b1": b1,
            "ln1_s": ln1_s, "ln1_b": ln1_b, "W2": W2, "b2": b2,
            "ln2_s": ln2_s, "ln2_b": ln2_b}


def reference(x0, Wr, br, W1, b1, ln1_s, ln1_b, W2, b2, ln2_s, ln2_b):
    Bv, Sv, Dv = x0.shape
    n = Bv * Sv
    x_in = x0.reshape(n, Dv)
    # router
    logits = (x_in @ Wr + br).astype(jnp.float32)  # temperature = 1.0
    top_vals, top_idx = jax.lax.top_k(logits, TOPK)
    top_gates = jax.nn.softmax(top_vals, axis=-1)
    capacity = max(1, (n * TOPK + E - 1) // E)
    # dispatch construction (faithful to module)
    x_flat = jnp.repeat(x_in, TOPK, axis=0)
    expert_idx = top_idx.reshape(-1)
    gate_flat = top_gates.reshape(-1)
    eoh_i = jax.nn.one_hot(expert_idx, E, dtype=jnp.int32)
    positions = jnp.cumsum(eoh_i, axis=0) - 1
    pos = jnp.sum(positions * eoh_i, axis=1).astype(jnp.int32)
    mask = (pos < capacity).astype(jnp.float32)
    pos_oh = jax.nn.one_hot(pos, capacity, dtype=jnp.float32)
    dispatch = eoh_i.astype(jnp.float32)[:, :, None] * pos_oh[:, None, :]
    dispatch = dispatch * mask[:, None, None]
    expert_inputs = jnp.einsum('bec,bd->ecd', dispatch, x_flat)
    # vmapped MoEExpert: MLP(Dense->LayerNorm->relu) -> Dense -> LayerNorm
    h = jnp.einsum('ecd,edh->ech', expert_inputs, W1) + b1[:, None, :]
    h = _ln(h, ln1_s[:, None, :], ln1_b[:, None, :])
    h = jax.nn.relu(h)
    y = jnp.einsum('ech,eho->eco', h, W2) + b2[:, None, :]
    y = _ln(y, ln2_s[:, None, :], ln2_b[:, None, :])
    # combine
    combine = dispatch * gate_flat[:, None, None]
    y_flat = jnp.einsum('bec,ecd->bd', combine, y)
    mixture = y_flat.reshape(n, TOPK, Dv).sum(axis=1)
    out = jax.nn.relu(mixture + x_in)
    return out.reshape(Bv, Sv, Dv)

if __name__ == "__main__":
    import jax
    _d = setup_inputs()
    print(jax.jit(kernel)(*tuple(_d.values())))

</pallas_src>

<mosaic_0001>
#map = affine_map<(d0, d1) -> (0, 0)>
#map1 = affine_map<(d0, d1) -> (0)>
module attributes {stable_mosaic.version = 14 : i64} {
  func.func @_combine_body(%arg0: i32, %arg1: i32, %arg2: memref<2048x1024xf32, #tpu.memory_space<hbm>>, %arg3: memref<4096x1024xf32, #tpu.memory_space<hbm>>, %arg4: memref<4096xi32, #tpu.memory_space<hbm>>, %arg5: memref<4096x16xf32, #tpu.memory_space<hbm>>, %arg6: memref<2048x1024xf32, #tpu.memory_space<hbm>>, %arg7: memref<128xi32, #tpu.memory_space<vmem>>, %arg8: memref<128x16xf32, #tpu.memory_space<vmem>>, %arg9: memref<16x1024xf32, #tpu.memory_space<vmem>>, %arg10: memref<16x1024xf32, #tpu.memory_space<vmem>>, %arg11: memref<8x1024xf32, #tpu.memory_space<vmem>>, %arg12: memref<8x1024xf32, #tpu.memory_space<vmem>>, %arg13: memref<8x1024xf32, #tpu.memory_space<vmem>>, %arg14: memref<8x1024xf32, #tpu.memory_space<vmem>>, %arg15: memref<!tpu.dma_semaphore, #tpu.memory_space<semaphore_mem>>, %arg16: memref<!tpu.dma_semaphore, #tpu.memory_space<semaphore_mem>>, %arg17: memref<!tpu.dma_semaphore, #tpu.memory_space<semaphore_mem>>) attributes {dimension_semantics = [#tpu.dimension_semantics<core_parallel>, #tpu.dimension_semantics<subcore_parallel>], iteration_bounds = array<i64: 2, 16>, scalar_prefetch = 0 : i64, scratch_operands = 11 : i64, tpu.core_type = #tpu.core_type<sc_vector_subcore>, window_params = [{transform_indices = #map}, {transform_indices = #map}, {transform_indices = #map1}, {transform_indices = #map}, {transform_indices = #map}]} {
    %mul3A = arith.constant 2 : i32
    %mul3A_0 = arith.muli %arg1, %mul3A : i32
    %add3A = arith.addi %mul3A_0, %arg0 : i32
    %mul3A_1 = arith.constant 128 : i32
    %mul3A_2 = arith.muli %add3A, %mul3A_1 : i32
    "tpu.region"() ({
      %run_scoped3A = tpu.sem_alloc : memref<!tpu.dma_semaphore, #tpu.memory_space<semaphore_mem>>
      %dma_start3A_829 = tpu.memref_slice %arg4[%mul3A_2] : memref<4096xi32, #tpu.memory_space<hbm>> -> memref<128xi32, #tpu.memory_space<hbm>>
      %dma_start3A_830 = tpu.memref_slice %arg4[%mul3A_2] : memref<4096xi32, #tpu.memory_space<hbm>> -> memref<128xi32, #tpu.memory_space<hbm>>
      tpu.enqueue_dma source(%dma_start3A_830 : memref<128xi32, #tpu.memory_space<hbm>>) target(%arg7 : memref<128xi32, #tpu.memory_space<vmem>>) target_semaphore(%run_scoped3A : memref<!tpu.dma_semaphore, #tpu.memory_space<semaphore_mem>>)
      %dma_wait3A_831 = tpu.memref_slice %arg4[%mul3A_2] : memref<4096xi32, #tpu.memory_space<hbm>> -> memref<128xi32, #tpu.memory_space<hbm>>
      %dma_wait3A_832 = tpu.memref_slice %arg4[%mul3A_2] : memref<4096xi32, #tpu.memory_space<hbm>> -> memref<128xi32, #tpu.memory_space<hbm>>
      tpu.wait_dma2 semaphore(%run_scoped3A : memref<!tpu.dma_semaphore, #tpu.memory_space<semaphore_mem>>) src(%dma_wait3A_832 : memref<128xi32, #tpu.memory_space<hbm>>) dst(%arg7 : memref<128xi32, #tpu.memory_space<vmem>>)
      tpu.yield
    }) : () -> ()
    "tpu.region"() ({
      %run_scoped3A = tpu.sem_alloc : memref<!tpu.dma_semaphore, #tpu.memory_space<semaphore_mem>>
      %dma_start3A_829 = arith.constant 0 : i32
      %dma_start3A_830 = tpu.memref_slice %arg5[%mul3A_2, %dma_start3A_829] : memref<4096x16xf32, #tpu.memory_space<hbm>> -> memref<128x16xf32, #tpu.memory_space<hbm>>
      %dma_start3A_831 = arith.constant 0 : i32
      %dma_start3A_832 = tpu.memref_slice %arg5[%mul3A_2, %dma_start3A_831] : memref<4096x16xf32, #tpu.memory_space<hbm>> -> memref<128x16xf32, #tpu.memory_space<hbm>>
      tpu.enqueue_dma source(%dma_start3A_832 : memref<128x16xf32, #tpu.memory_space<hbm>>) target(%arg8 : memref<128x16xf32, #tpu.memory_space<vmem>>) target_semaphore(%run_scoped3A : memref<!tpu.dma_semaphore, #tpu.memory_space<semaphore_mem>>)
      %dma_wait3A_833 = arith.constant 0 : i32
      %dma_wait3A_834 = tpu.memref_slice %arg5[%mul3A_2, %dma_wait3A_833] : memref<4096x16xf32, #tpu.memory_space<hbm>> -> memref<128x16xf32, #tpu.memory_space<hbm>>
      %dma_wait3A_835 = arith.constant 0 : i32
      %dma_wait3A_836 = tpu.memref_slice %arg5[%mul3A_2, %dma_wait3A_835] : memref<4096x16xf32, #tpu.memory_space<hbm>> -> memref<128x16xf32, #tpu.memory_space<hbm>>
      tpu.wait_dma2 semaphore(%run_scoped3A : memref<!tpu.dma_semaphore, #tpu.memory_space<semaphore_mem>>) src(%dma_wait3A_836 : memref<128x16xf32, #tpu.memory_space<hbm>>) dst(%arg8 : memref<128x16xf32, #tpu.memory_space<vmem>>)
      tpu.yield
    }) : () -> ()
    %dma_start3A = arith.constant 0 : i32
    %dma_start3A_3 = tpu.memref_slice %arg7[%dma_start3A] : memref<128xi32, #tpu.memory_space<vmem>> -> memref<16xi32, #tpu.memory_space<vmem>>
    %dma_start3A_4 = arith.constant 0 : i32
    %dma_start3A_5 = arith.constant 0 : i32
    %dma_start3A_6 = tpu.memref_slice %arg3[%dma_start3A_4, %dma_start3A_5] : memref<4096x1024xf32, #tpu.memory_space<hbm>> -> memref<4096x1024xf32, #tpu.memory_space<hbm>>
    tpu.enqueue_indirect_dma source(%dma_start3A_6 : memref<4096x1024xf32, #tpu.memory_space<hbm>>) target(%arg9 : memref<16x1024xf32, #tpu.memory_space<vmem>>) offsets(%dma_start3A_3 : memref<16xi32, #tpu.memory_space<vmem>>) semaphore(%arg15 : memref<!tpu.dma_semaphore, #tpu.memory_space<semaphore_mem>>)
    %mul3A_7 = arith.constant 64 : i32
    %mul3A_8 = arith.muli %add3A, %mul3A_7 : i32
    %dma_start3A_9 = arith.constant 0 : i32
    %dma_start3A_10 = tpu.memref_slice %arg2[%mul3A_8, %dma_start3A_9] : memref<2048x1024xf32, #tpu.memory_space<hbm>> -> memref<8x1024xf32, #tpu.memory_space<hbm>>
    %dma_start3A_11 = arith.constant 0 : i32
    %dma_start3A_12 = tpu.memref_slice %arg2[%mul3A_8, %dma_start3A_11] : memref<2048x1024xf32, #tpu.memory_space<hbm>> -> memref<8x1024xf32, #tpu.memory_space<hbm>>
    tpu.enqueue_dma source(%dma_start3A_12 : memref<8x1024xf32, #tpu.memory_space<hbm>>) target(%arg11 : memref<8x1024xf32, #tpu.memory_space<vmem>>) target_semaphore(%arg16 : memref<!tpu.dma_semaphore, #tpu.memory_space<semaphore_mem>>)
    %dma_start3A_13 = arith.constant 16 : i32
    %dma_start3A_14 = tpu.memref_slice %arg7[%dma_start3A_13] : memref<128xi32, #tpu.memory_space<vmem>> -> memref<16xi32, #tpu.memory_space<vmem>>
    %dma_start3A_15 = arith.constant 0 : i32
    %dma_start3A_16 = arith.constant 0 : i32
    %dma_start3A_17 = tpu.memref_slice %arg3[%dma_start3A_15, %dma_start3A_16] : memref<4096x1024xf32, #tpu.memory_space<hbm>> -> memref<4096x1024xf32, #tpu.memory_space<hbm>>
    tpu.enqueue_indirect_dma source(%dma_start3A_17 : memref<4096x1024xf32, #tpu.memory_space<hbm>>) target(%arg10 : memref<16x1024xf32, #tpu.memory_space<vmem>>) offsets(%dma_start3A_14 : memref<16xi32, #tpu.memory_space<vmem>>) semaphore(%arg15 : memref<!tpu.dma_semaphore, #tpu.memory_space<semaphore_mem>>)
    %mul3A_18 = arith.constant 64 : i32
    %mul3A_19 = arith.muli %add3A, %mul3A_18 : i32
    %add3A_20 = arith.constant 8 : i32
    %add3A_21 = arith.addi %mul3A_19, %add3A_20 : i32
    %dma_start3A_22 = arith.constant 0 : i32
    %dma_start3A_23 = tpu.memref_slice %arg2[%add3A_21, %dma_start3A_22] : memref<2048x1024xf32, #tpu.memory_space<hbm>> -> memref<8x1024xf32, #tpu.memory_space<hbm>>
    %dma_start3A_24 = arith.constant 0 : i32
    %dma_start3A_25 = tpu.memref_slice %arg2[%add3A_21, %dma_start3A_24] : memref<2048x1024xf32, #tpu.memory_space<hbm>> -> memref<8x1024xf32, #tpu.memory_space<hbm>>
    tpu.enqueue_dma source(%dma_start3A_25 : memref<8x1024xf32, #tpu.memory_space<hbm>>) target(%arg12 : memref<8x1024xf32, #tpu.memory_space<vmem>>) target_semaphore(%arg16 : memref<!tpu.dma_semaphore, #tpu.memory_space<semaphore_mem>>)
    %dma_wait3A = arith.constant 0 : i32
    %dma_wait3A_26 = tpu.memref_slice %arg7[%dma_wait3A] : memref<128xi32, #tpu.memory_space<vmem>> -> memref<16xi32, #tpu.memory_space<vmem>>
    %dma_wait3A_27 = arith.constant 0 : i32
    %dma_wait3A_28 = arith.constant 0 : i32
    %dma_wait3A_29 = tpu.memref_slice %arg3[%dma_wait3A_27, %dma_wait3A_28] : memref<4096x1024xf32, #tpu.memory_space<hbm>> -> memref<4096x1024xf32, #tpu.memory_space<hbm>>
    tpu.wait_indirect_dma semaphore(%arg15 : memref<!tpu.dma_semaphore, #tpu.memory_space<semaphore_mem>>) src(%dma_wait3A_29 : memref<4096x1024xf32, #tpu.memory_space<hbm>>) dst(%arg9 : memref<16x1024xf32, #tpu.memory_space<vmem>>)
    %dma_wait3A_30 = arith.constant 0 : i32
    %dma_wait3A_31 = tpu.memref_slice %arg2[%mul3A_8, %dma_wait3A_30] : memref<2048x1024xf32, #tpu.memory_space<hbm>> -> memref<8x1024xf32, #tpu.memory_space<hbm>>
    %dma_wait3A_32 = arith.constant 0 : i32
    %dma_wait3A_33 = tpu.memref_slice %arg2[%mul3A_8, %dma_wait3A_32] : memref<2048x1024xf32, #tpu.memory_space<hbm>> -> memref<8x1024xf32, #tpu.memory_space<hbm>>
    tpu.wait_dma2 semaphore(%arg16 : memref<!tpu.dma_semaphore, #tpu.memory_space<semaphore_mem>>) src(%dma_wait3A_33 : memref<8x1024xf32, #tpu.memory_space<hbm>>) dst(%arg11 : memref<8x1024xf32, #tpu.memory_space<vmem>>)
    %get3A = arith.constant 0 : i32
    %get3A_34 = arith.index_cast %get3A : i32 to index
    %get3A_35 = arith.constant 0 : index
    %get3A_36 = tpu.vector_load %arg8[%get3A_34, %get3A_35] {strides = array<i32>} : memref<128x16xf32, #tpu.memory_space<vmem>>, vector<16xf32>,
    %get3A_37 = arith.constant 1 : i32
    %get3A_38 = arith.index_cast %get3A_37 : i32 to index
    %get3A_39 = arith.constant 0 : index
    %get3A_40 = tpu.vector_load %arg8[%get3A_38, %get3A_39] {strides = array<i32>} : memref<128x16xf32, #tpu.memory_space<vmem>>, vector<16xf32>,
    %get3A_41 = arith.constant 2 : i32
    %get3A_42 = arith.index_cast %get3A_41 : i32 to index
    %get3A_43 = arith.constant 0 : index
    %get3A_44 = tpu.vector_load %arg8[%get3A_42, %get3A_43] {strides = array<i32>} : memref<128x16xf32, #tpu.memory_space<vmem>>, vector<16xf32>,
    %get3A_45 = arith.constant 3 : i32
    %get3A_46 = arith.index_cast %get3A_45 : i32 to index
    %get3A_47 = arith.constant 0 : index
    %get3A_48 = tpu.vector_load %arg8[%get3A_46, %get3A_47] {strides = array<i32>} : memref<128x16xf32, #tpu.memory_space<vmem>>, vector<16xf32>,
    %get3A_49 = arith.constant 4 : i32
    %get3A_50 = arith.index_cast %get3A_49 : i32 to index
    %get3A_51 = arith.constant 0 : index
    %get3A_52 = tpu.vector_load %arg8[%get3A_50, %get3A_51] {strides = array<i32>} : memref<128x16xf32, #tpu.memory_space<vmem>>, vector<16xf32>,
    %get3A_53 = arith.constant 5 : i32
    %get3A_54 = arith.index_cast %get3A_53 : i32 to index
    %get3A_55 = arith.constant 0 : index
    %get3A_56 = tpu.vector_load %arg8[%get3A_54, %get3A_55] {strides = array<i32>} : memref<128x16xf32, #tpu.memory_space<vmem>>, vector<16xf32>,
    %get3A_57 = arith.constant 6 : i32
    %get3A_58 = arith.index_cast %get3A_57 : i32 to index
    %get3A_59 = arith.constant 0 : index
    %get3A_60 = tpu.vector_load %arg8[%get3A_58, %get3A_59] {strides = array<i32>} : memref<128x16xf32, #tpu.memory_space<vmem>>, vector<16xf32>,
    %get3A_61 = arith.constant 7 : i32
    %get3A_62 = arith.index_cast %get3A_61 : i32 to index
    %get3A_63 = arith.constant 0 : index
    %get3A_64 = tpu.vector_load %arg8[%get3A_62, %get3A_63] {strides = array<i32>} : memref<128x16xf32, #tpu.memory_space<vmem>>, vector<16xf32>,
    %get3A_65 = arith.constant 8 : i32
    %get3A_66 = arith.index_cast %get3A_65 : i32 to index
    %get3A_67 = arith.constant 0 : index
    %get3A_68 = tpu.vector_load %arg8[%get3A_66, %get3A_67] {strides = array<i32>} : memref<128x16xf32, #tpu.memory_space<vmem>>, vector<16xf32>,
    %get3A_69 = arith.constant 9 : i32
    %get3A_70 = arith.index_cast %get3A_69 : i32 to index
    %get3A_71 = arith.constant 0 : index
    %get3A_72 = tpu.vector_load %arg8[%get3A_70, %get3A_71] {strides = array<i32>} : memref<128x16xf32, #tpu.memory_space<vmem>>, vector<16xf32>,
    %get3A_73 = arith.constant 10 : i32
    %get3A_74 = arith.index_cast %get3A_73 : i32 to index
    %get3A_75 = arith.constant 0 : index
    %get3A_76 = tpu.vector_load %arg8[%get3A_74, %get3A_75] {strides = array<i32>} : memref<128x16xf32, #tpu.memory_space<vmem>>, vector<16xf32>,
    %get3A_77 = arith.constant 11 : i32
    %get3A_78 = arith.index_cast %get3A_77 : i32 to index
    %get3A_79 = arith.constant 0 : index
    %get3A_80 = tpu.vector_load %arg8[%get3A_78, %get3A_79] {strides = array<i32>} : memref<128x16xf32, #tpu.memory_space<vmem>>, vector<16xf32>,
    %get3A_81 = arith.constant 12 : i32
    %get3A_82 = arith.index_cast %get3A_81 : i32 to index
    %get3A_83 = arith.constant 0 : index
    %get3A_84 = tpu.vector_load %arg8[%get3A_82, %get3A_83] {strides = array<i32>} : memref<128x16xf32, #tpu.memory_space<vmem>>, vector<16xf32>,
    %get3A_85 = arith.constant 13 : i32
    %get3A_86 = arith.index_cast %get3A_85 : i32 to index
    %get3A_87 = arith.constant 0 : index
    %get3A_88 = tpu.vector_load %arg8[%get3A_86, %get3A_87] {strides = array<i32>} : memref<128x16xf32, #tpu.memory_space<vmem>>, vector<16xf32>,
    %get3A_89 = arith.constant 14 : i32
    %get3A_90 = arith.index_cast %get3A_89 : i32 to index
    %get3A_91 = arith.constant 0 : index
    %get3A_92 = tpu.vector_load %arg8[%get3A_90, %get3A_91] {strides = array<i32>} : memref<128x16xf32, #tpu.memory_space<vmem>>, vector<16xf32>,
    %get3A_93 = arith.constant 15 : i32
    %get3A_94 = arith.index_cast %get3A_93 : i32 to index
    %get3A_95 = arith.constant 0 : index
    %get3A_96 = tpu.vector_load %arg8[%get3A_94, %get3A_95] {strides = array<i32>} : memref<128x16xf32, #tpu.memory_space<vmem>>, vector<16xf32>,
    %scan3A = arith.constant 0 : i32
    %scan3A_97 = arith.constant 0 : i32
    %scan3A_98 = arith.constant 64 : i32
    %scan3A_99 = arith.addi %scan3A_97, %scan3A_98 : i32
    %scan3A_100 = arith.constant 1 : i32
    scf.for %scan3A_829 = %scan3A_97 to %scan3A_99 step %scan3A_100  : i32 {
      %mul3A_830 = arith.constant 16 : i32
      %mul3A_831 = arith.muli %scan3A_829, %mul3A_830 : i32
      %get3A_832 = arith.constant 0 : i32
      %get3A_833 = arith.index_cast %get3A_832 : i32 to index
      %get3A_834 = arith.index_cast %mul3A_831 : i32 to index
      %get3A_835 = tpu.vector_load %arg11[%get3A_833, %get3A_834] {strides = array<i32>} : memref<8x1024xf32, #tpu.memory_space<vmem>>, vector<16xf32>,
      %get3A_836 = arith.constant 0 : i32
      %get3A_837 = arith.index_cast %get3A_836 : i32 to index
      %get3A_838 = arith.index_cast %mul3A_831 : i32 to index
      %get3A_839 = tpu.vector_load %arg9[%get3A_837, %get3A_838] {strides = array<i32>} : memref<16x1024xf32, #tpu.memory_space<vmem>>, vector<16xf32>,
      %mul3A_840 = arith.mulf %get3A_36, %get3A_839 : vector<16xf32>
      %add3A_841 = arith.addf %get3A_835, %mul3A_840 : vector<16xf32>
      %get3A_842 = arith.constant 1 : i32
      %get3A_843 = arith.index_cast %get3A_842 : i32 to index
      %get3A_844 = arith.index_cast %mul3A_831 : i32 to index
      %get3A_845 = tpu.vector_load %arg9[%get3A_843, %get3A_844] {strides = array<i32>} : memref<16x1024xf32, #tpu.memory_space<vmem>>, vector<16xf32>,
      %mul3A_846 = arith.mulf %get3A_40, %get3A_845 : vector<16xf32>
      %add3A_847 = arith.addf %add3A_841, %mul3A_846 : vector<16xf32>
      %max3A = arith.constant 0.000000e+00 : f32
      %max3A_848 = vector.broadcast %max3A : f32 to vector<16xf32>
      %max3A_849 = arith.maximumf %add3A_847, %max3A_848 : vector<16xf32>
      %swap3A = arith.constant 0 : i32
      %swap3A_850 = arith.index_cast %swap3A : i32 to index
      %swap3A_851 = arith.index_cast %mul3A_831 : i32 to index
      %swap3A_852 = tpu.vector_load %arg13[%swap3A_850, %swap3A_851] {strides = array<i32>} : memref<8x1024xf32, #tpu.memory_space<vmem>>, vector<16xf32>,
      tpu.vector_store %arg13[%swap3A_850, %swap3A_851], %max3A_849 {strides = array<i32>} : memref<8x1024xf32, #tpu.memory_space<vmem>>, vector<16xf32>,
      %get3A_853 = arith.constant 1 : i32
      %get3A_854 = arith.index_cast %get3A_853 : i32 to index
      %get3A_855 = arith.index_cast %mul3A_831 : i32 to index
      %get3A_856 = tpu.vector_load %arg11[%get3A_854, %get3A_855] {strides = array<i32>} : memref<8x1024xf32, #tpu.memory_space<vmem>>, vector<16xf32>,
      %get3A_857 = arith.constant 2 : i32
      %get3A_858 = arith.index_cast %get3A_857 : i32 to index
      %get3A_859 = arith.index_cast %mul3A_831 : i32 to index
      %get3A_860 = tpu.vector_load %arg9[%get3A_858, %get3A_859] {strides = array<i32>} : memref<16x1024xf32, #tpu.memory_space<vmem>>, vector<16xf32>,
      %mul3A_861 = arith.mulf %get3A_44, %get3A_860 : vector<16xf32>
      %add3A_862 = arith.addf %get3A_856, %mul3A_861 : vector<16xf32>
      %get3A_863 = arith.constant 3 : i32
      %get3A_864 = arith.index_cast %get3A_863 : i32 to index
      %get3A_865 = arith.index_cast %mul3A_831 : i32 to index
      %get3A_866 = tpu.vector_load %arg9[%get3A_864, %get3A_865] {strides = array<i32>} : memref<16x1024xf32, #tpu.memory_space<vmem>>, vector<16xf32>,
      %mul3A_867 = arith.mulf %get3A_48, %get3A_866 : vector<16xf32>
      %add3A_868 = arith.addf %add3A_862, %mul3A_867 : vector<16xf32>
      %max3A_869 = arith.constant 0.000000e+00 : f32
      %max3A_870 = vector.broadcast %max3A_869 : f32 to vector<16xf32>
      %max3A_871 = arith.maximumf %add3A_868, %max3A_870 : vector<16xf32>
      %swap3A_872 = arith.constant 1 : i32
      %swap3A_873 = arith.index_cast %swap3A_872 : i32 to index
      %swap3A_874 = arith.index_cast %mul3A_831 : i32 to index
      %swap3A_875 = tpu.vector_load %arg13[%swap3A_873, %swap3A_874] {strides = array<i32>} : memref<8x1024xf32, #tpu.memory_space<vmem>>, vector<16xf32>,
      tpu.vector_store %arg13[%swap3A_873, %swap3A_874], %max3A_871 {strides = array<i32>} : memref<8x1024xf32, #tpu.memory_space<vmem>>, vector<16xf32>,
      %get3A_876 = arith.constant 2 : i32
      %get3A_877 = arith.index_cast %get3A_876 : i32 to index
      %get3A_878 = arith.index_cast %mul3A_831 : i32 to index
      %get3A_879 = tpu.vector_load %arg11[%get3A_877, %get3A_878] {strides = array<i32>} : memref<8x1024xf32, #tpu.memory_space<vmem>>, vector<16xf32>,
      %get3A_880 = arith.constant 4 : i32
      %get3A_881 = arith.index_cast %get3A_880 : i32 to index
      %get3A_882 = arith.index_cast %mul3A_831 : i32 to index
      %get3A_883 = tpu.vector_load %arg9[%get3A_881, %get3A_882] {strides = array<i32>} : memref<16x1024xf32, #tpu.memory_space<vmem>>, vector<16xf32>,
      %mul3A_884 = arith.mulf %get3A_52, %get3A_883 : vector<16xf32>
      %add3A_885 = arith.addf %get3A_879, %mul3A_884 : vector<16xf32>
      %get3A_886 = arith.constant 5 : i32
      %get3A_887 = arith.index_cast %get3A_886 : i32 to index
      %get3A_888 = arith.index_cast %mul3A_831 : i32 to index
      %get3A_889 = tpu.vector_load %arg9[%get3A_887, %get3A_888] {strides = array<i32>} : memref<16x1024xf32, #tpu.memory_space<vmem>>, vector<16xf32>,
      %mul3A_890 = arith.mulf %get3A_56, %get3A_889 : vector<16xf32>
      %add3A_891 = arith.addf %add3A_885, %mul3A_890 : vector<16xf32>
      %max3A_892 = arith.constant 0.000000e+00 : f32
      %max3A_893 = vector.broadcast %max3A_892 : f32 to vector<16xf32>
      %max3A_894 = arith.maximumf %add3A_891, %max3A_893 : vector<16xf32>
      %swap3A_895 = arith.constant 2 : i32
      %swap3A_896 = arith.index_cast %swap3A_895 : i32 to index
      %swap3A_897 = arith.index_cast %mul3A_831 : i32 to index
      %swap3A_898 = tpu.vector_load %arg13[%swap3A_896, %swap3A_897] {strides = array<i32>} : memref<8x1024xf32, #tpu.memory_space<vmem>>, vector<16xf32>,
      tpu.vector_store %arg13[%swap3A_896, %swap3A_897], %max3A_894 {strides = array<i32>} : memref<8x1024xf32, #tpu.memory_space<vmem>>, vector<16xf32>,
      %get3A_899 = arith.constant 3 : i32
      %get3A_900 = arith.index_cast %get3A_899 : i32 to index
      %get3A_901 = arith.index_cast %mul3A_831 : i32 to index
      %get3A_902 = tpu.vector_load %arg11[%get3A_900, %get3A_901] {strides = array<i32>} : memref<8x1024xf32, #tpu.memory_space<vmem>>, vector<16xf32>,
      %get3A_903 = arith.constant 6 : i32
      %get3A_904 = arith.index_cast %get3A_903 : i32 to index
      %get3A_905 = arith.index_cast %mul3A_831 : i32 to index
      %get3A_906 = tpu.vector_load %arg9[%get3A_904, %get3A_905] {strides = array<i32>} : memref<16x1024xf32, #tpu.memory_space<vmem>>, vector<16xf32>,
      %mul3A_907 = arith.mulf %get3A_60, %get3A_906 : vector<16xf32>
      %add3A_908 = arith.addf %get3A_902, %mul3A_907 : vector<16xf32>
      %get3A_909 = arith.constant 7 : i32
      %get3A_910 = arith.index_cast %get3A_909 : i32 to index
      %get3A_911 = arith.index_cast %mul3A_831 : i32 to index
      %get3A_912 = tpu.vector_load %arg9[%get3A_910, %get3A_911] {strides = array<i32>} : memref<16x1024xf32, #tpu.memory_space<vmem>>, vector<16xf32>,
      %mul3A_913 = arith.mulf %get3A_64, %get3A_912 : vector<16xf32>
      %add3A_914 = arith.addf %add3A_908, %mul3A_913 : vector<16xf32>
      %max3A_915 = arith.constant 0.000000e+00 : f32
      %max3A_916 = vector.broadcast %max3A_915 : f32 to vector<16xf32>
      %max3A_917 = arith.maximumf %add3A_914, %max3A_916 : vector<16xf32>
      %swap3A_918 = arith.constant 3 : i32
      %swap3A_919 = arith.index_cast %swap3A_918 : i32 to index
      %swap3A_920 = arith.index_cast %mul3A_831 : i32 to index
      %swap3A_921 = tpu.vector_load %arg13[%swap3A_919, %swap3A_920] {strides = array<i32>} : memref<8x1024xf32, #tpu.memory_space<vmem>>, vector<16xf32>,
      tpu.vector_store %arg13[%swap3A_919, %swap3A_920], %max3A_917 {strides = array<i32>} : memref<8x1024xf32, #tpu.memory_space<vmem>>, vector<16xf32>,
      %get3A_922 = arith.constant 4 : i32
      %get3A_923 = arith.index_cast %get3A_922 : i32 to index
      %get3A_924 = arith.index_cast %mul3A_831 : i32 to index
      %get3A_925 = tpu.vector_load %arg11[%get3A_923, %get3A_924] {strides = array<i32>} : memref<8x1024xf32, #tpu.memory_space<vmem>>, vector<16xf32>,
      %get3A_926 = arith.constant 8 : i32
      %get3A_927 = arith.index_cast %get3A_926 : i32 to index
      %get3A_928 = arith.index_cast %mul3A_831 : i32 to index
      %get3A_929 = tpu.vector_load %arg9[%get3A_927, %get3A_928] {strides = array<i32>} : memref<16x1024xf32, #tpu.memory_space<vmem>>, vector<16xf32>,
      %mul3A_930 = arith.mulf %get3A_68, %get3A_929 : vector<16xf32>
      %add3A_931 = arith.addf %get3A_925, %mul3A_930 : vector<16xf32>
      %get3A_932 = arith.constant 9 : i32
      %get3A_933 = arith.index_cast %get3A_932 : i32 to index
      %get3A_934 = arith.index_cast %mul3A_831 : i32 to index
      %get3A_935 = tpu.vector_load %arg9[%get3A_933, %get3A_934] {strides = array<i32>} : memref<16x1024xf32, #tpu.memory_space<vmem>>, vector<16xf32>,
      %mul3A_936 = arith.mulf %get3A_72, %get3A_935 : vector<16xf32>
      %add3A_937 = arith.addf %add3A_931, %mul3A_936 : vector<16xf32>
      %max3A_938 = arith.constant 0.000000e+00 : f32
      %max3A_939 = vector.broadcast %max3A_938 : f32 to vector<16xf32>
      %max3A_940 = arith.maximumf %add3A_937, %max3A_939 : vector<16xf32>
      %swap3A_941 = arith.constant 4 : i32
      %swap3A_942 = arith.index_cast %swap3A_941 : i32 to index
      %swap3A_943 = arith.index_cast %mul3A_831 : i32 to index
      %swap3A_944 = tpu.vector_load %arg13[%swap3A_942, %swap3A_943] {strides = array<i32>} : memref<8x1024xf32, #tpu.memory_space<vmem>>, vector<16xf32>,
      tpu.vector_store %arg13[%swap3A_942, %swap3A_943], %max3A_940 {strides = array<i32>} : memref<8x1024xf32, #tpu.memory_space<vmem>>, vector<16xf32>,
      %get3A_945 = arith.constant 5 : i32
      %get3A_946 = arith.index_cast %get3A_945 : i32 to index
      %get3A_947 = arith.index_cast %mul3A_831 : i32 to index
      %get3A_948 = tpu.vector_load %arg11[%get3A_946, %get3A_947] {strides = array<i32>} : memref<8x1024xf32, #tpu.memory_space<vmem>>, vector<16xf32>,
      %get3A_949 = arith.constant 10 : i32
      %get3A_950 = arith.index_cast %get3A_949 : i32 to index
      %get3A_951 = arith.index_cast %mul3A_831 : i32 to index
      %get3A_952 = tpu.vector_load %arg9[%get3A_950, %get3A_951] {strides = array<i32>} : memref<16x1024xf32, #tpu.memory_space<vmem>>, vector<16xf32>,
      %mul3A_953 = arith.mulf %get3A_76, %get3A_952 : vector<16xf32>
      %add3A_954 = arith.addf %get3A_948, %mul3A_953 : vector<16xf32>
      %get3A_955 = arith.constant 11 : i32
      %get3A_956 = arith.index_cast %get3A_955 : i32 to index
      %get3A_957 = arith.index_cast %mul3A_831 : i32 to index
      %get3A_958 = tpu.vector_load %arg9[%get3A_956, %get3A_957] {strides = array<i32>} : memref<16x1024xf32, #tpu.memory_space<vmem>>, vector<16xf32>,
      %mul3A_959 = arith.mulf %get3A_80, %get3A_958 : vector<16xf32>
      %add3A_960 = arith.addf %add3A_954, %mul3A_959 : vector<16xf32>
      %max3A_961 = arith.constant 0.000000e+00 : f32
      %max3A_962 = vector.broadcast %max3A_961 : f32 to vector<16xf32>
      %max3A_963 = arith.maximumf %add3A_960, %max3A_962 : vector<16xf32>
      %swap3A_964 = arith.constant 5 : i32
      %swap3A_965 = arith.index_cast %swap3A_964 : i32 to index
      %swap3A_966 = arith.index_cast %mul3A_831 : i32 to index
      %swap3A_967 = tpu.vector_load %arg13[%swap3A_965, %swap3A_966] {strides = array<i32>} : memref<8x1024xf32, #tpu.memory_space<vmem>>, vector<16xf32>,
      tpu.vector_store %arg13[%swap3A_965, %swap3A_966], %max3A_963 {strides = array<i32>} : memref<8x1024xf32, #tpu.memory_space<vmem>>, vector<16xf32>,
      %get3A_968 = arith.constant 6 : i32
      %get3A_969 = arith.index_cast %get3A_968 : i32 to index
      %get3A_970 = arith.index_cast %mul3A_831 : i32 to index
      %get3A_971 = tpu.vector_load %arg11[%get3A_969, %get3A_970] {strides = array<i32>} : memref<8x1024xf32, #tpu.memory_space<vmem>>, vector<16xf32>,
      %get3A_972 = arith.constant 12 : i32
      %get3A_973 = arith.index_cast %get3A_972 : i32 to index
      %get3A_974 = arith.index_cast %mul3A_831 : i32 to index
      %get3A_975 = tpu.vector_load %arg9[%get3A_973, %get3A_974] {strides = array<i32>} : memref<16x1024xf32, #tpu.memory_space<vmem>>, vector<16xf32>,
      %mul3A_976 = arith.mulf %get3A_84, %get3A_975 : vector<16xf32>
      %add3A_977 = arith.addf %get3A_971, %mul3A_976 : vector<16xf32>
      %get3A_978 = arith.constant 13 : i32
      %get3A_979 = arith.index_cast %get3A_978 : i32 to index
      %get3A_980 = arith.index_cast %mul3A_831 : i32 to index
      %get3A_981 = tpu.vector_load %arg9[%get3A_979, %get3A_980] {strides = array<i32>} : memref<16x1024xf32, #tpu.memory_space<vmem>>, vector<16xf32>,
      %mul3A_982 = arith.mulf %get3A_88, %get3A_981 : vector<16xf32>
      %add3A_983 = arith.addf %add3A_977, %mul3A_982 : vector<16xf32>
      %max3A_984 = arith.constant 0.000000e+00 : f32
      %max3A_985 = vector.broadcast %max3A_984 : f32 to vector<16xf32>
      %max3A_986 = arith.maximumf %add3A_983, %max3A_985 : vector<16xf32>
      %swap3A_987 = arith.constant 6 : i32
      %swap3A_988 = arith.index_cast %swap3A_987 : i32 to index
      %swap3A_989 = arith.index_cast %mul3A_831 : i32 to index
      %swap3A_990 = tpu.vector_load %arg13[%swap3A_988, %swap3A_989] {strides = array<i32>} : memref<8x1024xf32, #tpu.memory_space<vmem>>, vector<16xf32>,
      tpu.vector_store %arg13[%swap3A_988, %swap3A_989], %max3A_986 {strides = array<i32>} : memref<8x1024xf32, #tpu.memory_space<vmem>>, vector<16xf32>,
      %get3A_991 = arith.constant 7 : i32
      %get3A_992 = arith.index_cast %get3A_991 : i32 to index
      %get3A_993 = arith.index_cast %mul3A_831 : i32 to index
      %get3A_994 = tpu.vector_load %arg11[%get3A_992, %get3A_993] {strides = array<i32>} : memref<8x1024xf32, #tpu.memory_space<vmem>>, vector<16xf32>,
      %get3A_995 = arith.constant 14 : i32
      %get3A_996 = arith.index_cast %get3A_995 : i32 to index
      %get3A_997 = arith.index_cast %mul3A_831 : i32 to index
      %get3A_998 = tpu.vector_load %arg9[%get3A_996, %get3A_997] {strides = array<i32>} : memref<16x1024xf32, #tpu.memory_space<vmem>>, vector<16xf32>,
      %mul3A_999 = arith.mulf %get3A_92, %get3A_998 : vector<16xf32>
      %add3A_1000 = arith.addf %get3A_994, %mul3A_999 : vector<16xf32>
      %get3A_1001 = arith.constant 15 : i32
      %get3A_1002 = arith.index_cast %get3A_1001 : i32 to index
      %get3A_1003 = arith.index_cast %mul3A_831 : i32 to index
      %get3A_1004 = tpu.vector_load %arg9[%get3A_1002, %get3A_1003] {strides = array<i32>} : memref<16x1024xf32, #tpu.memory_space<vmem>>, vector<16xf32>,
      %mul3A_1005 = arith.mulf %get3A_96, %get3A_1004 : vector<16xf32>
      %add3A_1006 = arith.addf %add3A_1000, %mul3A_1005 : vector<16xf32>
      %max3A_1007 = arith.constant 0.000000e+00 : f32
      %max3A_1008 = vector.broadcast %max3A_1007 : f32 to vector<16xf32>
      %max3A_1009 = arith.maximumf %add3A_1006, %max3A_1008 : vector<16xf32>
      %swap3A_1010 = arith.constant 7 : i32
      %swap3A_1011 = arith.index_cast %swap3A_1010 : i32 to index
      %swap3A_1012 = arith.index_cast %mul3A_831 : i32 to index
      %swap3A_1013 = tpu.vector_load %arg13[%swap3A_1011, %swap3A_1012] {strides = array<i32>} : memref<8x1024xf32, #tpu.memory_space<vmem>>, vector<16xf32>,
      tpu.vector_store %arg13[%swap3A_1011, %swap3A_1012], %max3A_1009 {strides = array<i32>} : memref<8x1024xf32, #tpu.memory_space<vmem>>, vector<16xf32>,
    }
    %scan3A_101 = arith.constant 64 : i32
    %mul3A_102 = arith.constant 64 : i32
    %mul3A_103 = arith.muli %add3A, %mul3A_102 : i32
    %add3A_104 = arith.constant 0 : i32
    %add3A_105 = arith.addi %mul3A_103, %add3A_104 : i32
    %dma_start3A_106 = arith.constant 0 : i32
    %dma_start3A_107 = tpu.memref_slice %arg6[%add3A_105, %dma_start3A_106] : memref<2048x1024xf32, #tpu.memory_space<hbm>> -> memref<8x1024xf32, #tpu.memory_space<hbm>>
    %dma_start3A_108 = arith.constant 0 : i32
    %dma_start3A_109 = tpu.memref_slice %arg6[%add3A_105, %dma_start3A_108] : memref<2048x1024xf32, #tpu.memory_space<hbm>> -> memref<8x1024xf32, #tpu.memory_space<hbm>>
    tpu.enqueue_dma source(%arg13 : memref<8x1024xf32, #tpu.memory_space<vmem>>) target(%dma_start3A_109 : memref<8x1024xf32, #tpu.memory_space<hbm>>) target_semaphore(%arg17 : memref<!tpu.dma_semaphore, #tpu.memory_space<semaphore_mem>>)
    %dma_start3A_110 = arith.constant 32 : i32
    %dma_start3A_111 = tpu.memref_slice %arg7[%dma_start3A_110] : memref<128xi32, #tpu.memory_space<vmem>> -> memref<16xi32, #tpu.memory_space<vmem>>
    %dma_start3A_112 = arith.constant 0 : i32
    %dma_start3A_113 = arith.constant 0 : i32
    %dma_start3A_114 = tpu.memref_slice %arg3[%dma_start3A_112, %dma_start3A_113] : memref<4096x1024xf32, #tpu.memory_space<hbm>> -> memref<4096x1024xf32, #tpu.memory_space<hbm>>
    tpu.enqueue_indirect_dma source(%dma_start3A_114 : memref<4096x1024xf32, #tpu.memory_space<hbm>>) target(%arg9 : memref<16x1024xf32, #tpu.memory_space<vmem>>) offsets(%dma_start3A_111 : memref<16xi32, #tpu.memory_space<vmem>>) semaphore(%arg15 : memref<!tpu.dma_semaphore, #tpu.memory_space<semaphore_mem>>)
    %mul3A_115 = arith.constant 64 : i32
    %mul3A_116 = arith.muli %add3A, %mul3A_115 : i32
    %add3A_117 = arith.constant 16 : i32
    %add3A_118 = arith.addi %mul3A_116, %add3A_117 : i32
    %dma_start3A_119 = arith.constant 0 : i32
    %dma_start3A_120 = tpu.memref_slice %arg2[%add3A_118, %dma_start3A_119] : memref<2048x1024xf32, #tpu.memory_space<hbm>> -> memref<8x1024xf32, #tpu.memory_space<hbm>>
    %dma_start3A_121 = arith.constant 0 : i32
    %dma_start3A_122 = tpu.memref_slice %arg2[%add3A_118, %dma_start3A_121] : memref<2048x1024xf32, #tpu.memory_space<hbm>> -> memref<8x1024xf32, #tpu.memory_space<hbm>>
    tpu.enqueue_dma source(%dma_start3A_122 : memref<8x1024xf32, #tpu.memory_space<hbm>>) target(%arg11 : memref<8x1024xf32, #tpu.memory_space<vmem>>) target_semaphore(%arg16 : memref<!tpu.dma_semaphore, #tpu.memory_space<semaphore_mem>>)
    %dma_wait3A_123 = arith.constant 16 : i32
    %dma_wait3A_124 = tpu.memref_slice %arg7[%dma_wait3A_123] : memref<128xi32, #tpu.memory_space<vmem>> -> memref<16xi32, #tpu.memory_space<vmem>>
    %dma_wait3A_125 = arith.constant 0 : i32
    %dma_wait3A_126 = arith.constant 0 : i32
    %dma_wait3A_127 = tpu.memref_slice %arg3[%dma_wait3A_125, %dma_wait3A_126] : memref<4096x1024xf32, #tpu.memory_space<hbm>> -> memref<4096x1024xf32, #tpu.memory_space<hbm>>
    tpu.wait_indirect_dma semaphore(%arg15 : memref<!tpu.dma_semaphore, #tpu.memory_space<semaphore_mem>>) src(%dma_wait3A_127 : memref<4096x1024xf32, #tpu.memory_space<hbm>>) dst(%arg10 : memref<16x1024xf32, #tpu.memory_space<vmem>>)
    %dma_wait3A_128 = arith.constant 0 : i32
    %dma_wait3A_129 = tpu.memref_slice %arg2[%add3A_21, %dma_wait3A_128] : memref<2048x1024xf32, #tpu.memory_space<hbm>> -> memref<8x1024xf32, #tpu.memory_space<hbm>>
    %dma_wait3A_130 = arith.constant 0 : i32
    %dma_wait3A_131 = tpu.memref_slice %arg2[%add3A_21, %dma_wait3A_130] : memref<2048x1024xf32, #tpu.memory_space<hbm>> -> memref<8x1024xf32, #tpu.memory_space<hbm>>
    tpu.wait_dma2 semaphore(%arg16 : memref<!tpu.dma_semaphore, #tpu.memory_space<semaphore_mem>>) src(%dma_wait3A_131 : memref<8x1024xf32, #tpu.memory_space<hbm>>) dst(%arg12 : memref<8x1024xf32, #tpu.memory_space<vmem>>)
    %get3A_132 = arith.constant 16 : i32
    %get3A_133 = arith.index_cast %get3A_132 : i32 to index
    %get3A_134 = arith.constant 0 : index
    %get3A_135 = tpu.vector_load %arg8[%get3A_133, %get3A_134] {strides = array<i32>} : memref<128x16xf32, #tpu.memory_space<vmem>>, vector<16xf32>,
    %get3A_136 = arith.constant 17 : i32
    %get3A_137 = arith.index_cast %get3A_136 : i32 to index
    %get3A_138 = arith.constant 0 : index
    %get3A_139 = tpu.vector_load %arg8[%get3A_137, %get3A_138] {strides = array<i32>} : memref<128x16xf32, #tpu.memory_space<vmem>>, vector<16xf32>,
    %get3A_140 = arith.constant 18 : i32
    %get3A_141 = arith.index_cast %get3A_140 : i32 to index
    %get3A_142 = arith.constant 0 : index
    %get3A_143 = tpu.vector_load %arg8[%get3A_141, %get3A_142] {strides = array<i32>} : memref<128x16xf32, #tpu.memory_space<vmem>>, vector<16xf32>,
    %get3A_144 = arith.constant 19 : i32
    %get3A_145 = arith.index_cast %get3A_144 : i32 to index
    %get3A_146 = arith.constant 0 : index
    %get3A_147 = tpu.vector_load %arg8[%get3A_145, %get3A_146] {strides = array<i32>} : memref<128x16xf32, #tpu.memory_space<vmem>>, vector<16xf32>,
    %get3A_148 = arith.constant 20 : i32
    %get3A_149 = arith.index_cast %get3A_148 : i32 to index
    %get3A_150 = arith.constant 0 : index
    %get3A_151 = tpu.vector_load %arg8[%get3A_149, %get3A_150] {strides = array<i32>} : memref<128x16xf32, #tpu.memory_space<vmem>>, vector<16xf32>,
    %get3A_152 = arith.constant 21 : i32
    %get3A_153 = arith.index_cast %get3A_152 : i32 to index
    %get3A_154 = arith.constant 0 : index
    %get3A_155 = tpu.vector_load %arg8[%get3A_153, %get3A_154] {strides = array<i32>} : memref<128x16xf32, #tpu.memory_space<vmem>>, vector<16xf32>,
    %get3A_156 = arith.constant 22 : i32
    %get3A_157 = arith.index_cast %get3A_156 : i32 to index
    %get3A_158 = arith.constant 0 : index
    %get3A_159 = tpu.vector_load %arg8[%get3A_157, %get3A_158] {strides = array<i32>} : memref<128x16xf32, #tpu.memory_space<vmem>>, vector<16xf32>,
    %get3A_160 = arith.constant 23 : i32
    %get3A_161 = arith.index_cast %get3A_160 : i32 to index
    %get3A_162 = arith.constant 0 : index
    %get3A_163 = tpu.vector_load %arg8[%get3A_161, %get3A_162] {strides = array<i32>} : memref<128x16xf32, #tpu.memory_space<vmem>>, vector<16xf32>,
    %get3A_164 = arith.constant 24 : i32
    %get3A_165 = arith.index_cast %get3A_164 : i32 to index
    %get3A_166 = arith.constant 0 : index
    %get3A_167 = tpu.vector_load %arg8[%get3A_165, %get3A_166] {strides = array<i32>} : memref<128x16xf32, #tpu.memory_space<vmem>>, vector<16xf32>,
    %get3A_168 = arith.constant 25 : i32
    %get3A_169 = arith.index_cast %get3A_168 : i32 to index
    %get3A_170 = arith.constant 0 : index
    %get3A_171 = tpu.vector_load %arg8[%get3A_169, %get3A_170] {strides = array<i32>} : memref<128x16xf32, #tpu.memory_space<vmem>>, vector<16xf32>,
    %get3A_172 = arith.constant 26 : i32
    %get3A_173 = arith.index_cast %get3A_172 : i32 to index
    %get3A_174 = arith.constant 0 : index
    %get3A_175 = tpu.vector_load %arg8[%get3A_173, %get3A_174] {strides = array<i32>} : memref<128x16xf32, #tpu.memory_space<vmem>>, vector<16xf32>,
    %get3A_176 = arith.constant 27 : i32
    %get3A_177 = arith.index_cast %get3A_176 : i32 to index
    %get3A_178 = arith.constant 0 : index
    %get3A_179 = tpu.vector_load %arg8[%get3A_177, %get3A_178] {strides = array<i32>} : memref<128x16xf32, #tpu.memory_space<vmem>>, vector<16xf32>,
    %get3A_180 = arith.constant 28 : i32
    %get3A_181 = arith.index_cast %get3A_180 : i32 to index
    %get3A_182 = arith.constant 0 : index
    %get3A_183 = tpu.vector_load %arg8[%get3A_181, %get3A_182] {strides = array<i32>} : memref<128x16xf32, #tpu.memory_space<vmem>>, vector<16xf32>,
    %get3A_184 = arith.constant 29 : i32
    %get3A_185 = arith.index_cast %get3A_184 : i32 to index
    %get3A_186 = arith.constant 0 : index
    %get3A_187 = tpu.vector_load %arg8[%get3A_185, %get3A_186] {strides = array<i32>} : memref<128x16xf32, #tpu.memory_space<vmem>>, vector<16xf32>,
    %get3A_188 = arith.constant 30 : i32
    %get3A_189 = arith.index_cast %get3A_188 : i32 to index
    %get3A_190 = arith.constant 0 : index
    %get3A_191 = tpu.vector_load %arg8[%get3A_189, %get3A_190] {strides = array<i32>} : memref<128x16xf32, #tpu.memory_space<vmem>>, vector<16xf32>,
    %get3A_192 = arith.constant 31 : i32
    %get3A_193 = arith.index_cast %get3A_192 : i32 to index
    %get3A_194 = arith.constant 0 : index
    %get3A_195 = tpu.vector_load %arg8[%get3A_193, %get3A_194] {strides = array<i32>} : memref<128x16xf32, #tpu.memory_space<vmem>>, vector<16xf32>,
    %scan3A_196 = arith.constant 0 : i32
    %scan3A_197 = arith.constant 0 : i32
    %scan3A_198 = arith.constant 64 : i32
    %scan3A_199 = arith.addi %scan3A_197, %scan3A_198 : i32
    %scan3A_200 = arith.constant 1 : i32
    scf.for %scan3A_829 = %scan3A_197 to %scan3A_199 step %scan3A_200  : i32 {
      %mul3A_830 = arith.constant 16 : i32
      %mul3A_831 = arith.muli %scan3A_829, %mul3A_830 : i32
      %get3A_832 = arith.constant 0 : i32
      %get3A_833 = arith.index_cast %get3A_832 : i32 to index
      %get3A_834 = arith.index_cast %mul3A_831 : i32 to index
      %get3A_835 = tpu.vector_load %arg12[%get3A_833, %get3A_834] {strides = array<i32>} : memref<8x1024xf32, #tpu.memory_space<vmem>>, vector<16xf32>,
      %get3A_836 = arith.constant 0 : i32
      %get3A_837 = arith.index_cast %get3A_836 : i32 to index
      %get3A_838 = arith.index_cast %mul3A_831 : i32 to index
      %get3A_839 = tpu.vector_load %arg10[%get3A_837, %get3A_838] {strides = array<i32>} : memref<16x1024xf32, #tpu.memory_space<vmem>>, vector<16xf32>,
      %mul3A_840 = arith.mulf %get3A_135, %get3A_839 : vector<16xf32>
      %add3A_841 = arith.addf %get3A_835, %mul3A_840 : vector<16xf32>
      %get3A_842 = arith.constant 1 : i32
      %get3A_843 = arith.index_cast %get3A_842 : i32 to index
      %get3A_844 = arith.index_cast %mul3A_831 : i32 to index
      %get3A_845 = tpu.vector_load %arg10[%get3A_843, %get3A_844] {strides = array<i32>} : memref<16x1024xf32, #tpu.memory_space<vmem>>, vector<16xf32>,
      %mul3A_846 = arith.mulf %get3A_139, %get3A_845 : vector<16xf32>
      %add3A_847 = arith.addf %add3A_841, %mul3A_846 : vector<16xf32>
      %max3A = arith.constant 0.000000e+00 : f32
      %max3A_848 = vector.broadcast %max3A : f32 to vector<16xf32>
      %max3A_849 = arith.maximumf %add3A_847, %max3A_848 : vector<16xf32>
      %swap3A = arith.constant 0 : i32
      %swap3A_850 = arith.index_cast %swap3A : i32 to index
      %swap3A_851 = arith.index_cast %mul3A_831 : i32 to index
      %swap3A_852 = tpu.vector_load %arg14[%swap3A_850, %swap3A_851] {strides = array<i32>} : memref<8x1024xf32, #tpu.memory_space<vmem>>, vector<16xf32>,
      tpu.vector_store %arg14[%swap3A_850, %swap3A_851], %max3A_849 {strides = array<i32>} : memref<8x1024xf32, #tpu.memory_space<vmem>>, vector<16xf32>,
      %get3A_853 = arith.constant 1 : i32
      %get3A_854 = arith.index_cast %get3A_853 : i32 to index
      %get3A_855 = arith.index_cast %mul3A_831 : i32 to index
      %get3A_856 = tpu.vector_load %arg12[%get3A_854, %get3A_855] {strides = array<i32>} : memref<8x1024xf32, #tpu.memory_space<vmem>>, vector<16xf32>,
      %get3A_857 = arith.constant 2 : i32
      %get3A_858 = arith.index_cast %get3A_857 : i32 to index
      %get3A_859 = arith.index_cast %mul3A_831 : i32 to index
      %get3A_860 = tpu.vector_load %arg10[%get3A_858, %get3A_859] {strides = array<i32>} : memref<16x1024xf32, #tpu.memory_space<vmem>>, vector<16xf32>,
      %mul3A_861 = arith.mulf %get3A_143, %get3A_860 : vector<16xf32>
      %add3A_862 = arith.addf %get3A_856, %mul3A_861 : vector<16xf32>
      %get3A_863 = arith.constant 3 : i32
      %get3A_864 = arith.index_cast %get3A_863 : i32 to index
      %get3A_865 = arith.index_cast %mul3A_831 : i32 to index
      %get3A_866 = tpu.vector_load %arg10[%get3A_864, %get3A_865] {strides = array<i32>} : memref<16x1024xf32, #tpu.memory_space<vmem>>, vector<16xf32>,
      %mul3A_867 = arith.mulf %get3A_147, %get3A_866 : vector<16xf32>
      %add3A_868 = arith.addf %add3A_862, %mul3A_867 : vector<16xf32>
      %max3A_869 = arith.constant 0.000000e+00 : f32
      %max3A_870 = vector.broadcast %max3A_869 : f32 to vector<16xf32>
      %max3A_871 = arith.maximumf %add3A_868, %max3A_870 : vector<16xf32>
      %swap3A_872 = arith.constant 1 : i32
      %swap3A_873 = arith.index_cast %swap3A_872 : i32 to index
      %swap3A_874 = arith.index_cast %mul3A_831 : i32 to index
      %swap3A_875 = tpu.vector_load %arg14[%swap3A_873, %swap3A_874] {strides = array<i32>} : memref<8x1024xf32, #tpu.memory_space<vmem>>, vector<16xf32>,
      tpu.vector_store %arg14[%swap3A_873, %swap3A_874], %max3A_871 {strides = array<i32>} : memref<8x1024xf32, #tpu.memory_space<vmem>>, vector<16xf32>,
      %get3A_876 = arith.constant 2 : i32
      %get3A_877 = arith.index_cast %get3A_876 : i32 to index
      %get3A_878 = arith.index_cast %mul3A_831 : i32 to index
      %get3A_879 = tpu.vector_load %arg12[%get3A_877, %get3A_878] {strides = array<i32>} : memref<8x1024xf32, #tpu.memory_space<vmem>>, vector<16xf32>,
      %get3A_880 = arith.constant 4 : i32
      %get3A_881 = arith.index_cast %get3A_880 : i32 to index
      %get3A_882 = arith.index_cast %mul3A_831 : i32 to index
      %get3A_883 = tpu.vector_load %arg10[%get3A_881, %get3A_882] {strides = array<i32>} : memref<16x1024xf32, #tpu.memory_space<vmem>>, vector<16xf32>,
      %mul3A_884 = arith.mulf %get3A_151, %get3A_883 : vector<16xf32>
      %add3A_885 = arith.addf %get3A_879, %mul3A_884 : vector<16xf32>
      %get3A_886 = arith.constant 5 : i32
      %get3A_887 = arith.index_cast %get3A_886 : i32 to index
      %get3A_888 = arith.index_cast %mul3A_831 : i32 to index
      %get3A_889 = tpu.vector_load %arg10[%get3A_887, %get3A_888] {strides = array<i32>} : memref<16x1024xf32, #tpu.memory_space<vmem>>, vector<16xf32>,
      %mul3A_890 = arith.mulf %get3A_155, %get3A_889 : vector<16xf32>
      %add3A_891 = arith.addf %add3A_885, %mul3A_890 : vector<16xf32>
      %max3A_892 = arith.constant 0.000000e+00 : f32
      %max3A_893 = vector.broadcast %max3A_892 : f32 to vector<16xf32>
      %max3A_894 = arith.maximumf %add3A_891, %max3A_893 : vector<16xf32>
      %swap3A_895 = arith.constant 2 : i32
      %swap3A_896 = arith.index_cast %swap3A_895 : i32 to index
      %swap3A_897 = arith.index_cast %mul3A_831 : i32 to index
      %swap3A_898 = tpu.vector_load %arg14[%swap3A_896, %swap3A_897] {strides = array<i32>} : memref<8x1024xf32, #tpu.memory_space<vmem>>, vector<16xf32>,
      tpu.vector_store %arg14[%swap3A_896, %swap3A_897], %max3A_894 {strides = array<i32>} : memref<8x1024xf32, #tpu.memory_space<vmem>>, vector<16xf32>,
      %get3A_899 = arith.constant 3 : i32
      %get3A_900 = arith.index_cast %get3A_899 : i32 to index
      %get3A_901 = arith.index_cast %mul3A_831 : i32 to index
      %get3A_902 = tpu.vector_load %arg12[%get3A_900, %get3A_901] {strides = array<i32>} : memref<8x1024xf32, #tpu.memory_space<vmem>>, vector<16xf32>,
      %get3A_903 = arith.constant 6 : i32
      %get3A_904 = arith.index_cast %get3A_903 : i32 to index
      %get3A_905 = arith.index_cast %mul3A_831 : i32 to index
      %get3A_906 = tpu.vector_load %arg10[%get3A_904, %get3A_905] {strides = array<i32>} : memref<16x1024xf32, #tpu.memory_space<vmem>>, vector<16xf32>,
      %mul3A_907 = arith.mulf %get3A_159, %get3A_906 : vector<16xf32>
      %add3A_908 = arith.addf %get3A_902, %mul3A_907 : vector<16xf32>
      %get3A_909 = arith.constant 7 : i32
      %get3A_910 = arith.index_cast %get3A_909 : i32 to index
      %get3A_911 = arith.index_cast %mul3A_831 : i32 to index
      %get3A_912 = tpu.vector_load %arg10[%get3A_910, %get3A_911] {strides = array<i32>} : memref<16x1024xf32, #tpu.memory_space<vmem>>, vector<16xf32>,
      %mul3A_913 = arith.mulf %get3A_163, %get3A_912 : vector<16xf32>
      %add3A_914 = arith.addf %add3A_908, %mul3A_913 : vector<16xf32>
      %max3A_915 = arith.constant 0.000000e+00 : f32
      %max3A_916 = vector.broadcast %max3A_915 : f32 to vector<16xf32>
      %max3A_917 = arith.maximumf %add3A_914, %max3A_916 : vector<16xf32>
      %swap3A_918 = arith.constant 3 : i32
      %swap3A_919 = arith.index_cast %swap3A_918 : i32 to index
      %swap3A_920 = arith.index_cast %mul3A_831 : i32 to index
      %swap3A_921 = tpu.vector_load %arg14[%swap3A_919, %swap3A_920] {strides = array<i32>} : memref<8x1024xf32, #tpu.memory_space<vmem>>, vector<16xf32>,
      tpu.vector_store %arg14[%swap3A_919, %swap3A_920], %max3A_917 {strides = array<i32>} : memref<8x1024xf32, #tpu.memory_space<vmem>>, vector<16xf32>,
      %get3A_922 = arith.constant 4 : i32
      %get3A_923 = arith.index_cast %get3A_922 : i32 to index
      %get3A_924 = arith.index_cast %mul3A_831 : i32 to index
      %get3A_925 = tpu.vector_load %arg12[%get3A_923, %get3A_924] {strides = array<i32>} : memref<8x1024xf32, #tpu.memory_space<vmem>>, vector<16xf32>,
      %get3A_926 = arith.constant 8 : i32
      %get3A_927 = arith.index_cast %get3A_926 : i32 to index
      %get3A_928 = arith.index_cast %mul3A_831 : i32 to index
      %get3A_929 = tpu.vector_load %arg10[%get3A_927, %get3A_928] {strides = array<i32>} : memref<16x1024xf32, #tpu.memory_space<vmem>>, vector<16xf32>,
      %mul3A_930 = arith.mulf %get3A_167, %get3A_929 : vector<16xf32>
      %add3A_931 = arith.addf %get3A_925, %mul3A_930 : vector<16xf32>
      %get3A_932 = arith.constant 9 : i32
      %get3A_933 = arith.index_cast %get3A_932 : i32 to index
      %get3A_934 = arith.index_cast %mul3A_831 : i32 to index
      %get3A_935 = tpu.vector_load %arg10[%get3A_933, %get3A_934] {strides = array<i32>} : memref<16x1024xf32, #tpu.memory_space<vmem>>, vector<16xf32>,
      %mul3A_936 = arith.mulf %get3A_171, %get3A_935 : vector<16xf32>
      %add3A_937 = arith.addf %add3A_931, %mul3A_936 : vector<16xf32>
      %max3A_938 = arith.constant 0.000000e+00 : f32
      %max3A_939 = vector.broadcast %max3A_938 : f32 to vector<16xf32>
      %max3A_940 = arith.maximumf %add3A_937, %max3A_939 : vector<16xf32>
      %swap3A_941 = arith.constant 4 : i32
      %swap3A_942 = arith.index_cast %swap3A_941 : i32 to index
      %swap3A_943 = arith.index_cast %mul3A_831 : i32 to index
      %swap3A_944 = tpu.vector_load %arg14[%swap3A_942, %swap3A_943] {strides = array<i32>} : memref<8x1024xf32, #tpu.memory_space<vmem>>, vector<16xf32>,
      tpu.vector_store %arg14[%swap3A_942, %swap3A_943], %max3A_940 {strides = array<i32>} : memref<8x1024xf32, #tpu.memory_space<vmem>>, vector<16xf32>,
      %get3A_945 = arith.constant 5 : i32
      %get3A_946 = arith.index_cast %get3A_945 : i32 to index
      %get3A_947 = arith.index_cast %mul3A_831 : i32 to index
      %get3A_948 = tpu.vector_load %arg12[%get3A_946, %get3A_947] {strides = array<i32>} : memref<8x1024xf32, #tpu.memory_space<vmem>>, vector<16xf32>,
      %get3A_949 = arith.constant 10 : i32
      %get3A_950 = arith.index_cast %get3A_949 : i32 to index
      %get3A_951 = arith.index_cast %mul3A_831 : i32 to index
      %get3A_952 = tpu.vector_load %arg10[%get3A_950, %get3A_951] {strides = array<i32>} : memref<16x1024xf32, #tpu.memory_space<vmem>>, vector<16xf32>,
      %mul3A_953 = arith.mulf %get3A_175, %get3A_952 : vector<16xf32>
      %add3A_954 = arith.addf %get3A_948, %mul3A_953 : vector<16xf32>
      %get3A_955 = arith.constant 11 : i32
      %get3A_956 = arith.index_cast %get3A_955 : i32 to index
      %get3A_957 = arith.index_cast %mul3A_831 : i32 to index
      %get3A_958 = tpu.vector_load %arg10[%get3A_956, %get3A_957] {strides = array<i32>} : memref<16x1024xf32, #tpu.memory_space<vmem>>, vector<16xf32>,
      %mul3A_959 = arith.mulf %get3A_179, %get3A_958 : vector<16xf32>
      %add3A_960 = arith.addf %add3A_954, %mul3A_959 : vector<16xf32>
      %max3A_961 = arith.constant 0.000000e+00 : f32
      %max3A_962 = vector.broadcast %max3A_961 : f32 to vector<16xf32>
      %max3A_963 = arith.maximumf %add3A_960, %max3A_962 : vector<16xf32>
      %swap3A_964 = arith.constant 5 : i32
      %swap3A_965 = arith.index_cast %swap3A_964 : i32 to index
      %swap3A_966 = arith.index_cast %mul3A_831 : i32 to index
      %swap3A_967 = tpu.vector_load %arg14[%swap3A_965, %swap3A_966] {strides = array<i32>} : memref<8x1024xf32, #tpu.memory_space<vmem>>, vector<16xf32>,
      tpu.vector_store %arg14[%swap3A_965, %swap3A_966], %max3A_963 {strides = array<i32>} : memref<8x1024xf32, #tpu.memory_space<vmem>>, vector<16xf32>,
      %get3A_968 = arith.constant 6 : i32
      %get3A_969 = arith.index_cast %get3A_968 : i32 to index
      %get3A_970 = arith.index_cast %mul3A_831 : i32 to index
      %get3A_971 = tpu.vector_load %arg12[%get3A_969, %get3A_970] {strides = array<i32>} : memref<8x1024xf32, #tpu.memory_space<vmem>>, vector<16xf32>,
      %get3A_972 = arith.constant 12 : i32
      %get3A_973 = arith.index_cast %get3A_972 : i32 to index
      %get3A_974 = arith.index_cast %mul3A_831 : i32 to index
      %get3A_975 = tpu.vector_load %arg10[%get3A_973, %get3A_974] {strides = array<i32>} : memref<16x1024xf32, #tpu.memory_space<vmem>>, vector<16xf32>,
      %mul3A_976 = arith.mulf %get3A_183, %get3A_975 : vector<16xf32>
      %add3A_977 = arith.addf %get3A_971, %mul3A_976 : vector<16xf32>
      %get3A_978 = arith.constant 13 : i32
      %get3A_979 = arith.index_cast %get3A_978 : i32 to index
      %get3A_980 = arith.index_cast %mul3A_831 : i32 to index
      %get3A_981 = tpu.vector_load %arg10[%get3A_979, %get3A_980] {strides = array<i32>} : memref<16x1024xf32, #tpu.memory_space<vmem>>, vector<16xf32>,
      %mul3A_982 = arith.mulf %get3A_187, %get3A_981 : vector<16xf32>
      %add3A_983 = arith.addf %add3A_977, %mul3A_982 : vector<16xf32>
      %max3A_984 = arith.constant 0.000000e+00 : f32
      %max3A_985 = vector.broadcast %max3A_984 : f32 to vector<16xf32>
      %max3A_986 = arith.maximumf %add3A_983, %max3A_985 : vector<16xf32>
      %swap3A_987 = arith.constant 6 : i32
      %swap3A_988 = arith.index_cast %swap3A_987 : i32 to index
      %swap3A_989 = arith.index_cast %mul3A_831 : i32 to index
      %swap3A_990 = tpu.vector_load %arg14[%swap3A_988, %swap3A_989] {strides = array<i32>} : memref<8x1024xf32, #tpu.memory_space<vmem>>, vector<16xf32>,
      tpu.vector_store %arg14[%swap3A_988, %swap3A_989], %max3A_986 {strides = array<i32>} : memref<8x1024xf32, #tpu.memory_space<vmem>>, vector<16xf32>,
      %get3A_991 = arith.constant 7 : i32
      %get3A_992 = arith.index_cast %get3A_991 : i32 to index
      %get3A_993 = arith.index_cast %mul3A_831 : i32 to index
      %get3A_994 = tpu.vector_load %arg12[%get3A_992, %get3A_993] {strides = array<i32>} : memref<8x1024xf32, #tpu.memory_space<vmem>>, vector<16xf32>,
      %get3A_995 = arith.constant 14 : i32
      %get3A_996 = arith.index_cast %get3A_995 : i32 to index
      %get3A_997 = arith.index_cast %mul3A_831 : i32 to index
      %get3A_998 = tpu.vector_load %arg10[%get3A_996, %get3A_997] {strides = array<i32>} : memref<16x1024xf32, #tpu.memory_space<vmem>>, vector<16xf32>,
      %mul3A_999 = arith.mulf %get3A_191, %get3A_998 : vector<16xf32>
      %add3A_1000 = arith.addf %get3A_994, %mul3A_999 : vector<16xf32>
      %get3A_1001 = arith.constant 15 : i32
      %get3A_1002 = arith.index_cast %get3A_1001 : i32 to index
      %get3A_1003 = arith.index_cast %mul3A_831 : i32 to index
      %get3A_1004 = tpu.vector_load %arg10[%get3A_1002, %get3A_1003] {strides = array<i32>} : memref<16x1024xf32, #tpu.memory_space<vmem>>, vector<16xf32>,
      %mul3A_1005 = arith.mulf %get3A_195, %get3A_1004 : vector<16xf32>
      %add3A_1006 = arith.addf %add3A_1000, %mul3A_1005 : vector<16xf32>
      %max3A_1007 = arith.constant 0.000000e+00 : f32
      %max3A_1008 = vector.broadcast %max3A_1007 : f32 to vector<16xf32>
      %max3A_1009 = arith.maximumf %add3A_1006, %max3A_1008 : vector<16xf32>
      %swap3A_1010 = arith.constant 7 : i32
      %swap3A_1011 = arith.index_cast %swap3A_1010 : i32 to index
      %swap3A_1012 = arith.index_cast %mul3A_831 : i32 to index
      %swap3A_1013 = tpu.vector_load %arg14[%swap3A_1011, %swap3A_1012] {strides = array<i32>} : memref<8x1024xf32, #tpu.memory_space<vmem>>, vector<16xf32>,
      tpu.vector_store %arg14[%swap3A_1011, %swap3A_1012], %max3A_1009 {strides = array<i32>} : memref<8x1024xf32, #tpu.memory_space<vmem>>, vector<16xf32>,
    }
    %scan3A_201 = arith.constant 64 : i32
    %mul3A_202 = arith.constant 64 : i32
    %mul3A_203 = arith.muli %add3A, %mul3A_202 : i32
    %add3A_204 = arith.constant 8 : i32
    %add3A_205 = arith.addi %mul3A_203, %add3A_204 : i32
    %dma_start3A_206 = arith.constant 0 : i32
    %dma_start3A_207 = tpu.memref_slice %arg6[%add3A_205, %dma_start3A_206] : memref<2048x1024xf32, #tpu.memory_space<hbm>> -> memref<8x1024xf32, #tpu.memory_space<hbm>>
    %dma_start3A_208 = arith.constant 0 : i32
    %dma_start3A_209 = tpu.memref_slice %arg6[%add3A_205, %dma_start3A_208] : memref<2048x1024xf32, #tpu.memory_space<hbm>> -> memref<8x1024xf32, #tpu.memory_space<hbm>>
    tpu.enqueue_dma source(%arg14 : memref<8x1024xf32, #tpu.memory_space<vmem>>) target(%dma_start3A_209 : memref<8x1024xf32, #tpu.memory_space<hbm>>) target_semaphore(%arg17 : memref<!tpu.dma_semaphore, #tpu.memory_space<semaphore_mem>>)
    %dma_start3A_210 = arith.constant 48 : i32
    %dma_start3A_211 = tpu.memref_slice %arg7[%dma_start3A_210] : memref<128xi32, #tpu.memory_space<vmem>> -> memref<16xi32, #tpu.memory_space<vmem>>
    %dma_start3A_212 = arith.constant 0 : i32
    %dma_start3A_213 = arith.constant 0 : i32
    %dma_start3A_214 = tpu.memref_slice %arg3[%dma_start3A_212, %dma_start3A_213] : memref<4096x1024xf32, #tpu.memory_space<hbm>> -> memref<4096x1024xf32, #tpu.memory_space<hbm>>
    tpu.enqueue_indirect_dma source(%dma_start3A_214 : memref<4096x1024xf32, #tpu.memory_space<hbm>>) target(%arg10 : memref<16x1024xf32, #tpu.memory_space<vmem>>) offsets(%dma_start3A_211 : memref<16xi32, #tpu.memory_space<vmem>>) semaphore(%arg15 : memref<!tpu.dma_semaphore, #tpu.memory_space<semaphore_mem>>)
    %mul3A_215 = arith.constant 64 : i32
    %mul3A_216 = arith.muli %add3A, %mul3A_215 : i32
    %add3A_217 = arith.constant 24 : i32
    %add3A_218 = arith.addi %mul3A_216, %add3A_217 : i32
    %dma_start3A_219 = arith.constant 0 : i32
    %dma_start3A_220 = tpu.memref_slice %arg2[%add3A_218, %dma_start3A_219] : memref<2048x1024xf32, #tpu.memory_space<hbm>> -> memref<8x1024xf32, #tpu.memory_space<hbm>>
    %dma_start3A_221 = arith.constant 0 : i32
    %dma_start3A_222 = tpu.memref_slice %arg2[%add3A_218, %dma_start3A_221] : memref<2048x1024xf32, #tpu.memory_space<hbm>> -> memref<8x1024xf32, #tpu.memory_space<hbm>>
    tpu.enqueue_dma source(%dma_start3A_222 : memref<8x1024xf32, #tpu.memory_space<hbm>>) target(%arg12 : memref<8x1024xf32, #tpu.memory_space<vmem>>) target_semaphore(%arg16 : memref<!tpu.dma_semaphore, #tpu.memory_space<semaphore_mem>>)
    %dma_wait3A_223 = arith.constant 32 : i32
    %dma_wait3A_224 = tpu.memref_slice %arg7[%dma_wait3A_223] : memref<128xi32, #tpu.memory_space<vmem>> -> memref<16xi32, #tpu.memory_space<vmem>>
    %dma_wait3A_225 = arith.constant 0 : i32
    %dma_wait3A_226 = arith.constant 0 : i32
    %dma_wait3A_227 = tpu.memref_slice %arg3[%dma_wait3A_225, %dma_wait3A_226] : memref<4096x1024xf32, #tpu.memory_space<hbm>> -> memref<4096x1024xf32, #tpu.memory_space<hbm>>
    tpu.wait_indirect_dma semaphore(%arg15 : memref<!tpu.dma_semaphore, #tpu.memory_space<semaphore_mem>>) src(%dma_wait3A_227 : memref<4096x1024xf32, #tpu.memory_space<hbm>>) dst(%arg9 : memref<16x1024xf32, #tpu.memory_space<vmem>>)
    %dma_wait3A_228 = arith.constant 0 : i32
    %dma_wait3A_229 = tpu.memref_slice %arg2[%add3A_118, %dma_wait3A_228] : memref<2048x1024xf32, #tpu.memory_space<hbm>> -> memref<8x1024xf32, #tpu.memory_space<hbm>>
    %dma_wait3A_230 = arith.constant 0 : i32
    %dma_wait3A_231 = tpu.memref_slice %arg2[%add3A_118, %dma_wait3A_230] : memref<2048x1024xf32, #tpu.memory_space<hbm>> -> memref<8x1024xf32, #tpu.memory_space<hbm>>
    tpu.wait_dma2 semaphore(%arg16 : memref<!tpu.dma_semaphore, #tpu.memory_space<semaphore_mem>>) src(%dma_wait3A_231 : memref<8x1024xf32, #tpu.memory_space<hbm>>) dst(%arg11 : memref<8x1024xf32, #tpu.memory_space<vmem>>)
    %dma_wait3A_232 = arith.constant 0 : i32
    %dma_wait3A_233 = tpu.memref_slice %arg6[%add3A_105, %dma_wait3A_232] : memref<2048x1024xf32, #tpu.memory_space<hbm>> -> memref<8x1024xf32, #tpu.memory_space<hbm>>
    %dma_wait3A_234 = arith.constant 0 : i32
    %dma_wait3A_235 = tpu.memref_slice %arg6[%add3A_105, %dma_wait3A_234] : memref<2048x1024xf32, #tpu.memory_space<hbm>> -> memref<8x1024xf32, #tpu.memory_space<hbm>>
    tpu.wait_dma2 semaphore(%arg17 : memref<!tpu.dma_semaphore, #tpu.memory_space<semaphore_mem>>) src(%arg13 : memref<8x1024xf32, #tpu.memory_space<vmem>>) dst(%dma_wait3A_235 : memref<8x1024xf32, #tpu.memory_space<hbm>>)
    %get3A_236 = arith.constant 32 : i32
    %get3A_237 = arith.index_cast %get3A_236 : i32 to index
    %get3A_238 = arith.constant 0 : index
    %get3A_239 = tpu.vector_load %arg8[%get3A_237, %get3A_238] {strides = array<i32>} : memref<128x16xf32, #tpu.memory_space<vmem>>, vector<16xf32>,
    %get3A_240 = arith.constant 33 : i32
    %get3A_241 = arith.index_cast %get3A_240 : i32 to index
    %get3A_242 = arith.constant 0 : index
    %get3A_243 = tpu.vector_load %arg8[%get3A_241, %get3A_242] {strides = array<i32>} : memref<128x16xf32, #tpu.memory_space<vmem>>, vector<16xf32>,
    %get3A_244 = arith.constant 34 : i32
    %get3A_245 = arith.index_cast %get3A_244 : i32 to index
    %get3A_246 = arith.constant 0 : index
    %get3A_247 = tpu.vector_load %arg8[%get3A_245, %get3A_246] {strides = array<i32>} : memref<128x16xf32, #tpu.memory_space<vmem>>, vector<16xf32>,
    %get3A_248 = arith.constant 35 : i32
    %get3A_249 = arith.index_cast %get3A_248 : i32 to index
    %get3A_250 = arith.constant 0 : index
    %get3A_251 = tpu.vector_load %arg8[%get3A_249, %get3A_250] {strides = array<i32>} : memref<128x16xf32, #tpu.memory_space<vmem>>, vector<16xf32>,
    %get3A_252 = arith.constant 36 : i32
    %get3A_253 = arith.index_cast %get3A_252 : i32 to index
    %get3A_254 = arith.constant 0 : index
    %get3A_255 = tpu.vector_load %arg8[%get3A_253, %get3A_254] {strides = array<i32>} : memref<128x16xf32, #tpu.memory_space<vmem>>, vector<16xf32>,
    %get3A_256 = arith.constant 37 : i32
    %get3A_257 = arith.index_cast %get3A_256 : i32 to index
    %get3A_258 = arith.constant 0 : index
    %get3A_259 = tpu.vector_load %arg8[%get3A_257, %get3A_258] {strides = array<i32>} : memref<128x16xf32, #tpu.memory_space<vmem>>, vector<16xf32>,
    %get3A_260 = arith.constant 38 : i32
    %get3A_261 = arith.index_cast %get3A_260 : i32 to index
    %get3A_262 = arith.constant 0 : index
    %get3A_263 = tpu.vector_load %arg8[%get3A_261, %get3A_262] {strides = array<i32>} : memref<128x16xf32, #tpu.memory_space<vmem>>, vector<16xf32>,
    %get3A_264 = arith.constant 39 : i32
    %get3A_265 = arith.index_cast %get3A_264 : i32 to index
    %get3A_266 = arith.constant 0 : index
    %get3A_267 = tpu.vector_load %arg8[%get3A_265, %get3A_266] {strides = array<i32>} : memref<128x16xf32, #tpu.memory_space<vmem>>, vector<16xf32>,
    %get3A_268 = arith.constant 40 : i32
    %get3A_269 = arith.index_cast %get3A_268 : i32 to index
    %get3A_270 = arith.constant 0 : index
    %get3A_271 = tpu.vector_load %arg8[%get3A_269, %get3A_270] {strides = array<i32>} : memref<128x16xf32, #tpu.memory_space<vmem>>, vector<16xf32>,
    %get3A_272 = arith.constant 41 : i32
    %get3A_273 = arith.index_cast %get3A_272 : i32 to index
    %get3A_274 = arith.constant 0 : index
    %get3A_275 = tpu.vector_load %arg8[%get3A_273, %get3A_274] {strides = array<i32>} : memref<128x16xf32, #tpu.memory_space<vmem>>, vector<16xf32>,
    %get3A_276 = arith.constant 42 : i32
    %get3A_277 = arith.index_cast %get3A_276 : i32 to index
    %get3A_278 = arith.constant 0 : index
    %get3A_279 = tpu.vector_load %arg8[%get3A_277, %get3A_278] {strides = array<i32>} : memref<128x16xf32, #tpu.memory_space<vmem>>, vector<16xf32>,
    %get3A_280 = arith.constant 43 : i32
    %get3A_281 = arith.index_cast %get3A_280 : i32 to index
    %get3A_282 = arith.constant 0 : index
    %get3A_283 = tpu.vector_load %arg8[%get3A_281, %get3A_282] {strides = array<i32>} : memref<128x16xf32, #tpu.memory_space<vmem>>, vector<16xf32>,
    %get3A_284 = arith.constant 44 : i32
    %get3A_285 = arith.index_cast %get3A_284 : i32 to index
    %get3A_286 = arith.constant 0 : index
    %get3A_287 = tpu.vector_load %arg8[%get3A_285, %get3A_286] {strides = array<i32>} : memref<128x16xf32, #tpu.memory_space<vmem>>, vector<16xf32>,
    %get3A_288 = arith.constant 45 : i32
    %get3A_289 = arith.index_cast %get3A_288 : i32 to index
    %get3A_290 = arith.constant 0 : index
    %get3A_291 = tpu.vector_load %arg8[%get3A_289, %get3A_290] {strides = array<i32>} : memref<128x16xf32, #tpu.memory_space<vmem>>, vector<16xf32>,
    %get3A_292 = arith.constant 46 : i32
    %get3A_293 = arith.index_cast %get3A_292 : i32 to index
    %get3A_294 = arith.constant 0 : index
    %get3A_295 = tpu.vector_load %arg8[%get3A_293, %get3A_294] {strides = array<i32>} : memref<128x16xf32, #tpu.memory_space<vmem>>, vector<16xf32>,
    %get3A_296 = arith.constant 47 : i32
    %get3A_297 = arith.index_cast %get3A_296 : i32 to index
    %get3A_298 = arith.constant 0 : index
    %get3A_299 = tpu.vector_load %arg8[%get3A_297, %get3A_298] {strides = array<i32>} : memref<128x16xf32, #tpu.memory_space<vmem>>, vector<16xf32>,
    %scan3A_300 = arith.constant 0 : i32
    %scan3A_301 = arith.constant 0 : i32
    %scan3A_302 = arith.constant 64 : i32
    %scan3A_303 = arith.addi %scan3A_301, %scan3A_302 : i32
    %scan3A_304 = arith.constant 1 : i32
    scf.for %scan3A_829 = %scan3A_301 to %scan3A_303 step %scan3A_304  : i32 {
      %mul3A_830 = arith.constant 16 : i32
      %mul3A_831 = arith.muli %scan3A_829, %mul3A_830 : i32
      %get3A_832 = arith.constant 0 : i32
      %get3A_833 = arith.index_cast %get3A_832 : i32 to index
      %get3A_834 = arith.index_cast %mul3A_831 : i32 to index
      %get3A_835 = tpu.vector_load %arg11[%get3A_833, %get3A_834] {strides = array<i32>} : memref<8x1024xf32, #tpu.memory_space<vmem>>, vector<16xf32>,
      %get3A_836 = arith.constant 0 : i32
      %get3A_837 = arith.index_cast %get3A_836 : i32 to index
      %get3A_838 = arith.index_cast %mul3A_831 : i32 to index
      %get3A_839 = tpu.vector_load %arg9[%get3A_837, %get3A_838] {strides = array<i32>} : memref<16x1024xf32, #tpu.memory_space<vmem>>, vector<16xf32>,
      %mul3A_840 = arith.mulf %get3A_239, %get3A_839 : vector<16xf32>
      %add3A_841 = arith.addf %get3A_835, %mul3A_840 : vector<16xf32>
      %get3A_842 = arith.constant 1 : i32
      %get3A_843 = arith.index_cast %get3A_842 : i32 to index
      %get3A_844 = arith.index_cast %mul3A_831 : i32 to index
      %get3A_845 = tpu.vector_load %arg9[%get3A_843, %get3A_844] {strides = array<i32>} : memref<16x1024xf32, #tpu.memory_space<vmem>>, vector<16xf32>,
      %mul3A_846 = arith.mulf %get3A_243, %get3A_845 : vector<16xf32>
      %add3A_847 = arith.addf %add3A_841, %mul3A_846 : vector<16xf32>
      %max3A = arith.constant 0.000000e+00 : f32
      %max3A_848 = vector.broadcast %max3A : f32 to vector<16xf32>
      %max3A_849 = arith.maximumf %add3A_847, %max3A_848 : vector<16xf32>
      %swap3A = arith.constant 0 : i32
      %swap3A_850 = arith.index_cast %swap3A : i32 to index
      %swap3A_851 = arith.index_cast %mul3A_831 : i32 to index
      %swap3A_852 = tpu.vector_load %arg13[%swap3A_850, %swap3A_851] {strides = array<i32>} : memref<8x1024xf32, #tpu.memory_space<vmem>>, vector<16xf32>,
      tpu.vector_store %arg13[%swap3A_850, %swap3A_851], %max3A_849 {strides = array<i32>} : memref<8x1024xf32, #tpu.memory_space<vmem>>, vector<16xf32>,
      %get3A_853 = arith.constant 1 : i32
      %get3A_854 = arith.index_cast %get3A_853 : i32 to index
      %get3A_855 = arith.index_cast %mul3A_831 : i32 to index
      %get3A_856 = tpu.vector_load %arg11[%get3A_854, %get3A_855] {strides = array<i32>} : memref<8x1024xf32, #tpu.memory_space<vmem>>, vector<16xf32>,
      %get3A_857 = arith.constant 2 : i32
      %get3A_858 = arith.index_cast %get3A_857 : i32 to index
      %get3A_859 = arith.index_cast %mul3A_831 : i32 to index
      %get3A_860 = tpu.vector_load %arg9[%get3A_858, %get3A_859] {strides = array<i32>} : memref<16x1024xf32, #tpu.memory_space<vmem>>, vector<16xf32>,
      %mul3A_861 = arith.mulf %get3A_247, %get3A_860 : vector<16xf32>
      %add3A_862 = arith.addf %get3A_856, %mul3A_861 : vector<16xf32>
      %get3A_863 = arith.constant 3 : i32
      %get3A_864 = arith.index_cast %get3A_863 : i32 to index
      %get3A_865 = arith.index_cast %mul3A_831 : i32 to index
      %get3A_866 = tpu.vector_load %arg9[%get3A_864, %get3A_865] {strides = array<i32>} : memref<16x1024xf32, #tpu.memory_space<vmem>>, vector<16xf32>,
      %mul3A_867 = arith.mulf %get3A_251, %get3A_866 : vector<16xf32>
      %add3A_868 = arith.addf %add3A_862, %mul3A_867 : vector<16xf32>
      %max3A_869 = arith.constant 0.000000e+00 : f32
      %max3A_870 = vector.broadcast %max3A_869 : f32 to vector<16xf32>
      %max3A_871 = arith.maximumf %add3A_868, %max3A_870 : vector<16xf32>
      %swap3A_872 = arith.constant 1 : i32
      %swap3A_873 = arith.index_cast %swap3A_872 : i32 to index
      %swap3A_874 = arith.index_cast %mul3A_831 : i32 to index
      %swap3A_875 = tpu.vector_load %arg13[%swap3A_873, %swap3A_874] {strides = array<i32>} : memref<8x1024xf32, #tpu.memory_space<vmem>>, vector<16xf32>,
      tpu.vector_store %arg13[%swap3A_873, %swap3A_874], %max3A_871 {strides = array<i32>} : memref<8x1024xf32, #tpu.memory_space<vmem>>, vector<16xf32>,
      %get3A_876 = arith.constant 2 : i32
      %get3A_877 = arith.index_cast %get3A_876 : i32 to index
      %get3A_878 = arith.index_cast %mul3A_831 : i32 to index
      %get3A_879 = tpu.vector_load %arg11[%get3A_877, %get3A_878] {strides = array<i32>} : memref<8x1024xf32, #tpu.memory_space<vmem>>, vector<16xf32>,
      %get3A_880 = arith.constant 4 : i32
      %get3A_881 = arith.index_cast %get3A_880 : i32 to index
      %get3A_882 = arith.index_cast %mul3A_831 : i32 to index
      %get3A_883 = tpu.vector_load %arg9[%get3A_881, %get3A_882] {strides = array<i32>} : memref<16x1024xf32, #tpu.memory_space<vmem>>, vector<16xf32>,
      %mul3A_884 = arith.mulf %get3A_255, %get3A_883 : vector<16xf32>
      %add3A_885 = arith.addf %get3A_879, %mul3A_884 : vector<16xf32>
      %get3A_886 = arith.constant 5 : i32
      %get3A_887 = arith.index_cast %get3A_886 : i32 to index
      %get3A_888 = arith.index_cast %mul3A_831 : i32 to index
      %get3A_889 = tpu.vector_load %arg9[%get3A_887, %get3A_888] {strides = array<i32>} : memref<16x1024xf32, #tpu.memory_space<vmem>>, vector<16xf32>,
      %mul3A_890 = arith.mulf %get3A_259, %get3A_889 : vector<16xf32>
      %add3A_891 = arith.addf %add3A_885, %mul3A_890 : vector<16xf32>
      %max3A_892 = arith.constant 0.000000e+00 : f32
      %max3A_893 = vector.broadcast %max3A_892 : f32 to vector<16xf32>
      %max3A_894 = arith.maximumf %add3A_891, %max3A_893 : vector<16xf32>
      %swap3A_895 = arith.constant 2 : i32
      %swap3A_896 = arith.index_cast %swap3A_895 : i32 to index
      %swap3A_897 = arith.index_cast %mul3A_831 : i32 to index
      %swap3A_898 = tpu.vector_load %arg13[%swap3A_896, %swap3A_897] {strides = array<i32>} : memref<8x1024xf32, #tpu.memory_space<vmem>>, vector<16xf32>,
      tpu.vector_store %arg13[%swap3A_896, %swap3A_897], %max3A_894 {strides = array<i32>} : memref<8x1024xf32, #tpu.memory_space<vmem>>, vector<16xf32>,
      %get3A_899 = arith.constant 3 : i32
      %get3A_900 = arith.index_cast %get3A_899 : i32 to index
      %get3A_901 = arith.index_cast %mul3A_831 : i32 to index
      %get3A_902 = tpu.vector_load %arg11[%get3A_900, %get3A_901] {strides = array<i32>} : memref<8x1024xf32, #tpu.memory_space<vmem>>, vector<16xf32>,
      %get3A_903 = arith.constant 6 : i32
      %get3A_904 = arith.index_cast %get3A_903 : i32 to index
      %get3A_905 = arith.index_cast %mul3A_831 : i32 to index
      %get3A_906 = tpu.vector_load %arg9[%get3A_904, %get3A_905] {strides = array<i32>} : memref<16x1024xf32, #tpu.memory_space<vmem>>, vector<16xf32>,
      %mul3A_907 = arith.mulf %get3A_263, %get3A_906 : vector<16xf32>
      %add3A_908 = arith.addf %get3A_902, %mul3A_907 : vector<16xf32>
      %get3A_909 = arith.constant 7 : i32
      %get3A_910 = arith.index_cast %get3A_909 : i32 to index
      %get3A_911 = arith.index_cast %mul3A_831 : i32 to index
      %get3A_912 = tpu.vector_load %arg9[%get3A_910, %get3A_911] {strides = array<i32>} : memref<16x1024xf32, #tpu.memory_space<vmem>>, vector<16xf32>,
      %mul3A_913 = arith.mulf %get3A_267, %get3A_912 : vector<16xf32>
      %add3A_914 = arith.addf %add3A_908, %mul3A_913 : vector<16xf32>
      %max3A_915 = arith.constant 0.000000e+00 : f32
      %max3A_916 = vector.broadcast %max3A_915 : f32 to vector<16xf32>
      %max3A_917 = arith.maximumf %add3A_914, %max3A_916 : vector<16xf32>
      %swap3A_918 = arith.constant 3 : i32
      %swap3A_919 = arith.index_cast %swap3A_918 : i32 to index
      %swap3A_920 = arith.index_cast %mul3A_831 : i32 to index
      %swap3A_921 = tpu.vector_load %arg13[%swap3A_919, %swap3A_920] {strides = array<i32>} : memref<8x1024xf32, #tpu.memory_space<vmem>>, vector<16xf32>,
      tpu.vector_store %arg13[%swap3A_919, %swap3A_920], %max3A_917 {strides = array<i32>} : memref<8x1024xf32, #tpu.memory_space<vmem>>, vector<16xf32>,
      %get3A_922 = arith.constant 4 : i32
      %get3A_923 = arith.index_cast %get3A_922 : i32 to index
      %get3A_924 = arith.index_cast %mul3A_831 : i32 to index
      %get3A_925 = tpu.vector_load %arg11[%get3A_923, %get3A_924] {strides = array<i32>} : memref<8x1024xf32, #tpu.memory_space<vmem>>, vector<16xf32>,
      %get3A_926 = arith.constant 8 : i32
      %get3A_927 = arith.index_cast %get3A_926 : i32 to index
      %get3A_928 = arith.index_cast %mul3A_831 : i32 to index
      %get3A_929 = tpu.vector_load %arg9[%get3A_927, %get3A_928] {strides = array<i32>} : memref<16x1024xf32, #tpu.memory_space<vmem>>, vector<16xf32>,
      %mul3A_930 = arith.mulf %get3A_271, %get3A_929 : vector<16xf32>
      %add3A_931 = arith.addf %get3A_925, %mul3A_930 : vector<16xf32>
      %get3A_932 = arith.constant 9 : i32
      %get3A_933 = arith.index_cast %get3A_932 : i32 to index
      %get3A_934 = arith.index_cast %mul3A_831 : i32 to index
      %get3A_935 = tpu.vector_load %arg9[%get3A_933, %get3A_934] {strides = array<i32>} : memref<16x1024xf32, #tpu.memory_space<vmem>>, vector<16xf32>,
      %mul3A_936 = arith.mulf %get3A_275, %get3A_935 : vector<16xf32>
      %add3A_937 = arith.addf %add3A_931, %mul3A_936 : vector<16xf32>
      %max3A_938 = arith.constant 0.000000e+00 : f32
      %max3A_939 = vector.broadcast %max3A_938 : f32 to vector<16xf32>
      %max3A_940 = arith.maximumf %add3A_937, %max3A_939 : vector<16xf32>
      %swap3A_941 = arith.constant 4 : i32
      %swap3A_942 = arith.index_cast %swap3A_941 : i32 to index
      %swap3A_943 = arith.index_cast %mul3A_831 : i32 to index
      %swap3A_944 = tpu.vector_load %arg13[%swap3A_942, %swap3A_943] {strides = array<i32>} : memref<8x1024xf32, #tpu.memory_space<vmem>>, vector<16xf32>,
      tpu.vector_store %arg13[%swap3A_942, %swap3A_943], %max3A_940 {strides = array<i32>} : memref<8x1024xf32, #tpu.memory_space<vmem>>, vector<16xf32>,
      %get3A_945 = arith.constant 5 : i32
      %get3A_946 = arith.index_cast %get3A_945 : i32 to index
      %get3A_947 = arith.index_cast %mul3A_831 : i32 to index
      %get3A_948 = tpu.vector_load %arg11[%get3A_946, %get3A_947] {strides = array<i32>} : memref<8x1024xf32, #tpu.memory_space<vmem>>, vector<16xf32>,
      %get3A_949 = arith.constant 10 : i32
      %get3A_950 = arith.index_cast %get3A_949 : i32 to index
      %get3A_951 = arith.index_cast %mul3A_831 : i32 to index
      %get3A_952 = tpu.vector_load %arg9[%get3A_950, %get3A_951] {strides = array<i32>} : memref<16x1024xf32, #tpu.memory_space<vmem>>, vector<16xf32>,
      %mul3A_953 = arith.mulf %get3A_279, %get3A_952 : vector<16xf32>
      %add3A_954 = arith.addf %get3A_948, %mul3A_953 : vector<16xf32>
      %get3A_955 = arith.constant 11 : i32
      %get3A_956 = arith.index_cast %get3A_955 : i32 to index
      %get3A_957 = arith.index_cast %mul3A_831 : i32 to index
      %get3A_958 = tpu.vector_load %arg9[%get3A_956, %get3A_957] {strides = array<i32>} : memref<16x1024xf32, #tpu.memory_space<vmem>>, vector<16xf32>,
      %mul3A_959 = arith.mulf %get3A_283, %get3A_958 : vector<16xf32>
      %add3A_960 = arith.addf %add3A_954, %mul3A_959 : vector<16xf32>
      %max3A_961 = arith.constant 0.000000e+00 : f32
      %max3A_962 = vector.broadcast %max3A_961 : f32 to vector<16xf32>
      %max3A_963 = arith.maximumf %add3A_960, %max3A_962 : vector<16xf32>
      %swap3A_964 = arith.constant 5 : i32
      %swap3A_965 = arith.index_cast %swap3A_964 : i32 to index
      %swap3A_966 = arith.index_cast %mul3A_831 : i32 to index
      %swap3A_967 = tpu.vector_load %arg13[%swap3A_965, %swap3A_966] {strides = array<i32>} : memref<8x1024xf32, #tpu.memory_space<vmem>>, vector<16xf32>,
      tpu.vector_store %arg13[%swap3A_965, %swap3A_966], %max3A_963 {strides = array<i32>} : memref<8x1024xf32, #tpu.memory_space<vmem>>, vector<16xf32>,
      %get3A_968 = arith.constant 6 : i32
      %get3A_969 = arith.index_cast %get3A_968 : i32 to index
      %get3A_970 = arith.index_cast %mul3A_831 : i32 to index
      %get3A_971 = tpu.vector_load %arg11[%get3A_969, %get3A_970] {strides = array<i32>} : memref<8x1024xf32, #tpu.memory_space<vmem>>, vector<16xf32>,
      %get3A_972 = arith.constant 12 : i32
      %get3A_973 = arith.index_cast %get3A_972 : i32 to index
      %get3A_974 = arith.index_cast %mul3A_831 : i32 to index
      %get3A_975 = tpu.vector_load %arg9[%get3A_973, %get3A_974] {strides = array<i32>} : memref<16x1024xf32, #tpu.memory_space<vmem>>, vector<16xf32>,
      %mul3A_976 = arith.mulf %get3A_287, %get3A_975 : vector<16xf32>
      %add3A_977 = arith.addf %get3A_971, %mul3A_976 : vector<16xf32>
      %get3A_978 = arith.constant 13 : i32
      %get3A_979 = arith.index_cast %get3A_978 : i32 to index
      %get3A_980 = arith.index_cast %mul3A_831 : i32 to index
      %get3A_981 = tpu.vector_load %arg9[%get3A_979, %get3A_980] {strides = array<i32>} : memref<16x1024xf32, #tpu.memory_space<vmem>>, vector<16xf32>,
      %mul3A_982 = arith.mulf %get3A_291, %get3A_981 : vector<16xf32>
      %add3A_983 = arith.addf %add3A_977, %mul3A_982 : vector<16xf32>
      %max3A_984 = arith.constant 0.000000e+00 : f32
      %max3A_985 = vector.broadcast %max3A_984 : f32 to vector<16xf32>
      %max3A_986 = arith.maximumf %add3A_983, %max3A_985 : vector<16xf32>
      %swap3A_987 = arith.constant 6 : i32
      %swap3A_988 = arith.index_cast %swap3A_987 : i32 to index
      %swap3A_989 = arith.index_cast %mul3A_831 : i32 to index
      %swap3A_990 = tpu.vector_load %arg13[%swap3A_988, %swap3A_989] {strides = array<i32>} : memref<8x1024xf32, #tpu.memory_space<vmem>>, vector<16xf32>,
      tpu.vector_store %arg13[%swap3A_988, %swap3A_989], %max3A_986 {strides = array<i32>} : memref<8x1024xf32, #tpu.memory_space<vmem>>, vector<16xf32>,
      %get3A_991 = arith.constant 7 : i32
      %get3A_992 = arith.index_cast %get3A_991 : i32 to index
      %get3A_993 = arith.index_cast %mul3A_831 : i32 to index
      %get3A_994 = tpu.vector_load %arg11[%get3A_992, %get3A_993] {strides = array<i32>} : memref<8x1024xf32, #tpu.memory_space<vmem>>, vector<16xf32>,
      %get3A_995 = arith.constant 14 : i32
      %get3A_996 = arith.index_cast %get3A_995 : i32 to index
      %get3A_997 = arith.index_cast %mul3A_831 : i32 to index
      %get3A_998 = tpu.vector_load %arg9[%get3A_996, %get3A_997] {strides = array<i32>} : memref<16x1024xf32, #tpu.memory_space<vmem>>, vector<16xf32>,
      %mul3A_999 = arith.mulf %get3A_295, %get3A_998 : vector<16xf32>
      %add3A_1000 = arith.addf %get3A_994, %mul3A_999 : vector<16xf32>
      %get3A_1001 = arith.constant 15 : i32
      %get3A_1002 = arith.index_cast %get3A_1001 : i32 to index
      %get3A_1003 = arith.index_cast %mul3A_831 : i32 to index
      %get3A_1004 = tpu.vector_load %arg9[%get3A_1002, %get3A_1003] {strides = array<i32>} : memref<16x1024xf32, #tpu.memory_space<vmem>>, vector<16xf32>,
      %mul3A_1005 = arith.mulf %get3A_299, %get3A_1004 : vector<16xf32>
      %add3A_1006 = arith.addf %add3A_1000, %mul3A_1005 : vector<16xf32>
      %max3A_1007 = arith.constant 0.000000e+00 : f32
      %max3A_1008 = vector.broadcast %max3A_1007 : f32 to vector<16xf32>
      %max3A_1009 = arith.maximumf %add3A_1006, %max3A_1008 : vector<16xf32>
      %swap3A_1010 = arith.constant 7 : i32
      %swap3A_1011 = arith.index_cast %swap3A_1010 : i32 to index
      %swap3A_1012 = arith.index_cast %mul3A_831 : i32 to index
      %swap3A_1013 = tpu.vector_load %arg13[%swap3A_1011, %swap3A_1012] {strides = array<i32>} : memref<8x1024xf32, #tpu.memory_space<vmem>>, vector<16xf32>,
      tpu.vector_store %arg13[%swap3A_1011, %swap3A_1012], %max3A_1009 {strides = array<i32>} : memref<8x1024xf32, #tpu.memory_space<vmem>>, vector<16xf32>,
    }
    %scan3A_305 = arith.constant 64 : i32
    %mul3A_306 = arith.constant 64 : i32
    %mul3A_307 = arith.muli %add3A, %mul3A_306 : i32
    %add3A_308 = arith.constant 16 : i32
    %add3A_309 = arith.addi %mul3A_307, %add3A_308 : i32
    %dma_start3A_310 = arith.constant 0 : i32
    %dma_start3A_311 = tpu.memref_slice %arg6[%add3A_309, %dma_start3A_310] : memref<2048x1024xf32, #tpu.memory_space<hbm>> -> memref<8x1024xf32, #tpu.memory_space<hbm>>
    %dma_start3A_312 = arith.constant 0 : i32
    %dma_start3A_313 = tpu.memref_slice %arg6[%add3A_309, %dma_start3A_312] : memref<2048x1024xf32, #tpu.memory_space<hbm>> -> memref<8x1024xf32, #tpu.memory_space<hbm>>
    tpu.enqueue_dma source(%arg13 : memref<8x1024xf32, #tpu.memory_space<vmem>>) target(%dma_start3A_313 : memref<8x1024xf32, #tpu.memory_space<hbm>>) target_semaphore(%arg17 : memref<!tpu.dma_semaphore, #tpu.memory_space<semaphore_mem>>)
    %dma_start3A_314 = arith.constant 64 : i32
    %dma_start3A_315 = tpu.memref_slice %arg7[%dma_start3A_314] : memref<128xi32, #tpu.memory_space<vmem>> -> memref<16xi32, #tpu.memory_space<vmem>>
    %dma_start3A_316 = arith.constant 0 : i32
    %dma_start3A_317 = arith.constant 0 : i32
    %dma_start3A_318 = tpu.memref_slice %arg3[%dma_start3A_316, %dma_start3A_317] : memref<4096x1024xf32, #tpu.memory_space<hbm>> -> memref<4096x1024xf32, #tpu.memory_space<hbm>>
    tpu.enqueue_indirect_dma source(%dma_start3A_318 : memref<4096x1024xf32, #tpu.memory_space<hbm>>) target(%arg9 : memref<16x1024xf32, #tpu.memory_space<vmem>>) offsets(%dma_start3A_315 : memref<16xi32, #tpu.memory_space<vmem>>) semaphore(%arg15 : memref<!tpu.dma_semaphore, #tpu.memory_space<semaphore_mem>>)
    %mul3A_319 = arith.constant 64 : i32
    %mul3A_320 = arith.muli %add3A, %mul3A_319 : i32
    %add3A_321 = arith.constant 32 : i32
    %add3A_322 = arith.addi %mul3A_320, %add3A_321 : i32
    %dma_start3A_323 = arith.constant 0 : i32
    %dma_start3A_324 = tpu.memref_slice %arg2[%add3A_322, %dma_start3A_323] : memref<2048x1024xf32, #tpu.memory_space<hbm>> -> memref<8x1024xf32, #tpu.memory_space<hbm>>
    %dma_start3A_325 = arith.constant 0 : i32
    %dma_start3A_326 = tpu.memref_slice %arg2[%add3A_322, %dma_start3A_325] : memref<2048x1024xf32, #tpu.memory_space<hbm>> -> memref<8x1024xf32, #tpu.memory_space<hbm>>
    tpu.enqueue_dma source(%dma_start3A_326 : memref<8x1024xf32, #tpu.memory_space<hbm>>) target(%arg11 : memref<8x1024xf32, #tpu.memory_space<vmem>>) target_semaphore(%arg16 : memref<!tpu.dma_semaphore, #tpu.memory_space<semaphore_mem>>)
    %dma_wait3A_327 = arith.constant 48 : i32
    %dma_wait3A_328 = tpu.memref_slice %arg7[%dma_wait3A_327] : memref<128xi32, #tpu.memory_space<vmem>> -> memref<16xi32, #tpu.memory_space<vmem>>
    %dma_wait3A_329 = arith.constant 0 : i32
    %dma_wait3A_330 = arith.constant 0 : i32
    %dma_wait3A_331 = tpu.memref_slice %arg3[%dma_wait3A_329, %dma_wait3A_330] : memref<4096x1024xf32, #tpu.memory_space<hbm>> -> memref<4096x1024xf32, #tpu.memory_space<hbm>>
    tpu.wait_indirect_dma semaphore(%arg15 : memref<!tpu.dma_semaphore, #tpu.memory_space<semaphore_mem>>) src(%dma_wait3A_331 : memref<4096x1024xf32, #tpu.memory_space<hbm>>) dst(%arg10 : memref<16x1024xf32, #tpu.memory_space<vmem>>)
    %dma_wait3A_332 = arith.constant 0 : i32
    %dma_wait3A_333 = tpu.memref_slice %arg2[%add3A_218, %dma_wait3A_332] : memref<2048x1024xf32, #tpu.memory_space<hbm>> -> memref<8x1024xf32, #tpu.memory_space<hbm>>
    %dma_wait3A_334 = arith.constant 0 : i32
    %dma_wait3A_335 = tpu.memref_slice %arg2[%add3A_218, %dma_wait3A_334] : memref<2048x1024xf32, #tpu.memory_space<hbm>> -> memref<8x1024xf32, #tpu.memory_space<hbm>>
    tpu.wait_dma2 semaphore(%arg16 : memref<!tpu.dma_semaphore, #tpu.memory_space<semaphore_mem>>) src(%dma_wait3A_335 : memref<8x1024xf32, #tpu.memory_space<hbm>>) dst(%arg12 : memref<8x1024xf32, #tpu.memory_space<vmem>>)
    %dma_wait3A_336 = arith.constant 0 : i32
    %dma_wait3A_337 = tpu.memref_slice %arg6[%add3A_205, %dma_wait3A_336] : memref<2048x1024xf32, #tpu.memory_space<hbm>> -> memref<8x1024xf32, #tpu.memory_space<hbm>>
    %dma_wait3A_338 = arith.constant 0 : i32
    %dma_wait3A_339 = tpu.memref_slice %arg6[%add3A_205, %dma_wait3A_338] : memref<2048x1024xf32, #tpu.memory_space<hbm>> -> memref<8x1024xf32, #tpu.memory_space<hbm>>
    tpu.wait_dma2 semaphore(%arg17 : memref<!tpu.dma_semaphore, #tpu.memory_space<semaphore_mem>>) src(%arg14 : memref<8x1024xf32, #tpu.memory_space<vmem>>) dst(%dma_wait3A_339 : memref<8x1024xf32, #tpu.memory_space<hbm>>)
    %get3A_340 = arith.constant 48 : i32
    %get3A_341 = arith.index_cast %get3A_340 : i32 to index
    %get3A_342 = arith.constant 0 : index
    %get3A_343 = tpu.vector_load %arg8[%get3A_341, %get3A_342] {strides = array<i32>} : memref<128x16xf32, #tpu.memory_space<vmem>>, vector<16xf32>,
    %get3A_344 = arith.constant 49 : i32
    %get3A_345 = arith.index_cast %get3A_344 : i32 to index
    %get3A_346 = arith.constant 0 : index
    %get3A_347 = tpu.vector_load %arg8[%get3A_345, %get3A_346] {strides = array<i32>} : memref<128x16xf32, #tpu.memory_space<vmem>>, vector<16xf32>,
    %get3A_348 = arith.constant 50 : i32
    %get3A_349 = arith.index_cast %get3A_348 : i32 to index
    %get3A_350 = arith.constant 0 : index
    %get3A_351 = tpu.vector_load %arg8[%get3A_349, %get3A_350] {strides = array<i32>} : memref<128x16xf32, #tpu.memory_space<vmem>>, vector<16xf32>,
    %get3A_352 = arith.constant 51 : i32
    %get3A_353 = arith.index_cast %get3A_352 : i32 to index
    %get3A_354 = arith.constant 0 : index
    %get3A_355 = tpu.vector_load %arg8[%get3A_353, %get3A_354] {strides = array<i32>} : memref<128x16xf32, #tpu.memory_space<vmem>>, vector<16xf32>,
    %get3A_356 = arith.constant 52 : i32
    %get3A_357 = arith.index_cast %get3A_356 : i32 to index
    %get3A_358 = arith.constant 0 : index
    %get3A_359 = tpu.vector_load %arg8[%get3A_357, %get3A_358] {strides = array<i32>} : memref<128x16xf32, #tpu.memory_space<vmem>>, vector<16xf32>,
    %get3A_360 = arith.constant 53 : i32
    %get3A_361 = arith.index_cast %get3A_360 : i32 to index
    %get3A_362 = arith.constant 0 : index
    %get3A_363 = tpu.vector_load %arg8[%get3A_361, %get3A_362] {strides = array<i32>} : memref<128x16xf32, #tpu.memory_space<vmem>>, vector<16xf32>,
    %get3A_364 = arith.constant 54 : i32
    %get3A_365 = arith.index_cast %get3A_364 : i32 to index
    %get3A_366 = arith.constant 0 : index
    %get3A_367 = tpu.vector_load %arg8[%get3A_365, %get3A_366] {strides = array<i32>} : memref<128x16xf32, #tpu.memory_space<vmem>>, vector<16xf32>,
    %get3A_368 = arith.constant 55 : i32
    %get3A_369 = arith.index_cast %get3A_368 : i32 to index
    %get3A_370 = arith.constant 0 : index
    %get3A_371 = tpu.vector_load %arg8[%get3A_369, %get3A_370] {strides = array<i32>} : memref<128x16xf32, #tpu.memory_space<vmem>>, vector<16xf32>,
    %get3A_372 = arith.constant 56 : i32
    %get3A_373 = arith.index_cast %get3A_372 : i32 to index
    %get3A_374 = arith.constant 0 : index
    %get3A_375 = tpu.vector_load %arg8[%get3A_373, %get3A_374] {strides = array<i32>} : memref<128x16xf32, #tpu.memory_space<vmem>>, vector<16xf32>,
    %get3A_376 = arith.constant 57 : i32
    %get3A_377 = arith.index_cast %get3A_376 : i32 to index
    %get3A_378 = arith.constant 0 : index
    %get3A_379 = tpu.vector_load %arg8[%get3A_377, %get3A_378] {strides = array<i32>} : memref<128x16xf32, #tpu.memory_space<vmem>>, vector<16xf32>,
    %get3A_380 = arith.constant 58 : i32
    %get3A_381 = arith.index_cast %get3A_380 : i32 to index
    %get3A_382 = arith.constant 0 : index
    %get3A_383 = tpu.vector_load %arg8[%get3A_381, %get3A_382] {strides = array<i32>} : memref<128x16xf32, #tpu.memory_space<vmem>>, vector<16xf32>,
    %get3A_384 = arith.constant 59 : i32
    %get3A_385 = arith.index_cast %get3A_384 : i32 to index
    %get3A_386 = arith.constant 0 : index
    %get3A_387 = tpu.vector_load %arg8[%get3A_385, %get3A_386] {strides = array<i32>} : memref<128x16xf32, #tpu.memory_space<vmem>>, vector<16xf32>,
    %get3A_388 = arith.constant 60 : i32
    %get3A_389 = arith.index_cast %get3A_388 : i32 to index
    %get3A_390 = arith.constant 0 : index
    %get3A_391 = tpu.vector_load %arg8[%get3A_389, %get3A_390] {strides = array<i32>} : memref<128x16xf32, #tpu.memory_space<vmem>>, vector<16xf32>,
    %get3A_392 = arith.constant 61 : i32
    %get3A_393 = arith.index_cast %get3A_392 : i32 to index
    %get3A_394 = arith.constant 0 : index
    %get3A_395 = tpu.vector_load %arg8[%get3A_393, %get3A_394] {strides = array<i32>} : memref<128x16xf32, #tpu.memory_space<vmem>>, vector<16xf32>,
    %get3A_396 = arith.constant 62 : i32
    %get3A_397 = arith.index_cast %get3A_396 : i32 to index
    %get3A_398 = arith.constant 0 : index
    %get3A_399 = tpu.vector_load %arg8[%get3A_397, %get3A_398] {strides = array<i32>} : memref<128x16xf32, #tpu.memory_space<vmem>>, vector<16xf32>,
    %get3A_400 = arith.constant 63 : i32
    %get3A_401 = arith.index_cast %get3A_400 : i32 to index
    %get3A_402 = arith.constant 0 : index
    %get3A_403 = tpu.vector_load %arg8[%get3A_401, %get3A_402] {strides = array<i32>} : memref<128x16xf32, #tpu.memory_space<vmem>>, vector<16xf32>,
    %scan3A_404 = arith.constant 0 : i32
    %scan3A_405 = arith.constant 0 : i32
    %scan3A_406 = arith.constant 64 : i32
    %scan3A_407 = arith.addi %scan3A_405, %scan3A_406 : i32
    %scan3A_408 = arith.constant 1 : i32
    scf.for %scan3A_829 = %scan3A_405 to %scan3A_407 step %scan3A_408  : i32 {
      %mul3A_830 = arith.constant 16 : i32
      %mul3A_831 = arith.muli %scan3A_829, %mul3A_830 : i32
      %get3A_832 = arith.constant 0 : i32
      %get3A_833 = arith.index_cast %get3A_832 : i32 to index
      %get3A_834 = arith.index_cast %mul3A_831 : i32 to index
      %get3A_835 = tpu.vector_load %arg12[%get3A_833, %get3A_834] {strides = array<i32>} : memref<8x1024xf32, #tpu.memory_space<vmem>>, vector<16xf32>,
      %get3A_836 = arith.constant 0 : i32
      %get3A_837 = arith.index_cast %get3A_836 : i32 to index
      %get3A_838 = arith.index_cast %mul3A_831 : i32 to index
      %get3A_839 = tpu.vector_load %arg10[%get3A_837, %get3A_838] {strides = array<i32>} : memref<16x1024xf32, #tpu.memory_space<vmem>>, vector<16xf32>,
      %mul3A_840 = arith.mulf %get3A_343, %get3A_839 : vector<16xf32>
      %add3A_841 = arith.addf %get3A_835, %mul3A_840 : vector<16xf32>
      %get3A_842 = arith.constant 1 : i32
      %get3A_843 = arith.index_cast %get3A_842 : i32 to index
      %get3A_844 = arith.index_cast %mul3A_831 : i32 to index
      %get3A_845 = tpu.vector_load %arg10[%get3A_843, %get3A_844] {strides = array<i32>} : memref<16x1024xf32, #tpu.memory_space<vmem>>, vector<16xf32>,
      %mul3A_846 = arith.mulf %get3A_347, %get3A_845 : vector<16xf32>
      %add3A_847 = arith.addf %add3A_841, %mul3A_846 : vector<16xf32>
      %max3A = arith.constant 0.000000e+00 : f32
      %max3A_848 = vector.broadcast %max3A : f32 to vector<16xf32>
      %max3A_849 = arith.maximumf %add3A_847, %max3A_848 : vector<16xf32>
      %swap3A = arith.constant 0 : i32
      %swap3A_850 = arith.index_cast %swap3A : i32 to index
      %swap3A_851 = arith.index_cast %mul3A_831 : i32 to index
      %swap3A_852 = tpu.vector_load %arg14[%swap3A_850, %swap3A_851] {strides = array<i32>} : memref<8x1024xf32, #tpu.memory_space<vmem>>, vector<16xf32>,
      tpu.vector_store %arg14[%swap3A_850, %swap3A_851], %max3A_849 {strides = array<i32>} : memref<8x1024xf32, #tpu.memory_space<vmem>>, vector<16xf32>,
      %get3A_853 = arith.constant 1 : i32
      %get3A_854 = arith.index_cast %get3A_853 : i32 to index
      %get3A_855 = arith.index_cast %mul3A_831 : i32 to index
      %get3A_856 = tpu.vector_load %arg12[%get3A_854, %get3A_855] {strides = array<i32>} : memref<8x1024xf32, #tpu.memory_space<vmem>>, vector<16xf32>,
      %get3A_857 = arith.constant 2 : i32
      %get3A_858 = arith.index_cast %get3A_857 : i32 to index
      %get3A_859 = arith.index_cast %mul3A_831 : i32 to index
      %get3A_860 = tpu.vector_load %arg10[%get3A_858, %get3A_859] {strides = array<i32>} : memref<16x1024xf32, #tpu.memory_space<vmem>>, vector<16xf32>,
      %mul3A_861 = arith.mulf %get3A_351, %get3A_860 : vector<16xf32>
      %add3A_862 = arith.addf %get3A_856, %mul3A_861 : vector<16xf32>
      %get3A_863 = arith.constant 3 : i32
      %get3A_864 = arith.index_cast %get3A_863 : i32 to index
      %get3A_865 = arith.index_cast %mul3A_831 : i32 to index
      %get3A_866 = tpu.vector_load %arg10[%get3A_864, %get3A_865] {strides = array<i32>} : memref<16x1024xf32, #tpu.memory_space<vmem>>, vector<16xf32>,
      %mul3A_867 = arith.mulf %get3A_355, %get3A_866 : vector<16xf32>
      %add3A_868 = arith.addf %add3A_862, %mul3A_867 : vector<16xf32>
      %max3A_869 = arith.constant 0.000000e+00 : f32
      %max3A_870 = vector.broadcast %max3A_869 : f32 to vector<16xf32>
      %max3A_871 = arith.maximumf %add3A_868, %max3A_870 : vector<16xf32>
      %swap3A_872 = arith.constant 1 : i32
      %swap3A_873 = arith.index_cast %swap3A_872 : i32 to index
      %swap3A_874 = arith.index_cast %mul3A_831 : i32 to index
      %swap3A_875 = tpu.vector_load %arg14[%swap3A_873, %swap3A_874] {strides = array<i32>} : memref<8x1024xf32, #tpu.memory_space<vmem>>, vector<16xf32>,
      tpu.vector_store %arg14[%swap3A_873, %swap3A_874], %max3A_871 {strides = array<i32>} : memref<8x1024xf32, #tpu.memory_space<vmem>>, vector<16xf32>,
      %get3A_876 = arith.constant 2 : i32
      %get3A_877 = arith.index_cast %get3A_876 : i32 to index
      %get3A_878 = arith.index_cast %mul3A_831 : i32 to index
      %get3A_879 = tpu.vector_load %arg12[%get3A_877, %get3A_878] {strides = array<i32>} : memref<8x1024xf32, #tpu.memory_space<vmem>>, vector<16xf32>,
      %get3A_880 = arith.constant 4 : i32
      %get3A_881 = arith.index_cast %get3A_880 : i32 to index
      %get3A_882 = arith.index_cast %mul3A_831 : i32 to index
      %get3A_883 = tpu.vector_load %arg10[%get3A_881, %get3A_882] {strides = array<i32>} : memref<16x1024xf32, #tpu.memory_space<vmem>>, vector<16xf32>,
      %mul3A_884 = arith.mulf %get3A_359, %get3A_883 : vector<16xf32>
      %add3A_885 = arith.addf %get3A_879, %mul3A_884 : vector<16xf32>
      %get3A_886 = arith.constant 5 : i32
      %get3A_887 = arith.index_cast %get3A_886 : i32 to index
      %get3A_888 = arith.index_cast %mul3A_831 : i32 to index
      %get3A_889 = tpu.vector_load %arg10[%get3A_887, %get3A_888] {strides = array<i32>} : memref<16x1024xf32, #tpu.memory_space<vmem>>, vector<16xf32>,
      %mul3A_890 = arith.mulf %get3A_363, %get3A_889 : vector<16xf32>
      %add3A_891 = arith.addf %add3A_885, %mul3A_890 : vector<16xf32>
      %max3A_892 = arith.constant 0.000000e+00 : f32
      %max3A_893 = vector.broadcast %max3A_892 : f32 to vector<16xf32>
      %max3A_894 = arith.maximumf %add3A_891, %max3A_893 : vector<16xf32>
      %swap3A_895 = arith.constant 2 : i32
      %swap3A_896 = arith.index_cast %swap3A_895 : i32 to index
      %swap3A_897 = arith.index_cast %mul3A_831 : i32 to index
      %swap3A_898 = tpu.vector_load %arg14[%swap3A_896, %swap3A_897] {strides = array<i32>} : memref<8x1024xf32, #tpu.memory_space<vmem>>, vector<16xf32>,
      tpu.vector_store %arg14[%swap3A_896, %swap3A_897], %max3A_894 {strides = array<i32>} : memref<8x1024xf32, #tpu.memory_space<vmem>>, vector<16xf32>,
      %get3A_899 = arith.constant 3 : i32
      %get3A_900 = arith.index_cast %get3A_899 : i32 to index
      %get3A_901 = arith.index_cast %mul3A_831 : i32 to index
      %get3A_902 = tpu.vector_load %arg12[%get3A_900, %get3A_901] {strides = array<i32>} : memref<8x1024xf32, #tpu.memory_space<vmem>>, vector<16xf32>,
      %get3A_903 = arith.constant 6 : i32
      %get3A_904 = arith.index_cast %get3A_903 : i32 to index
      %get3A_905 = arith.index_cast %mul3A_831 : i32 to index
      %get3A_906 = tpu.vector_load %arg10[%get3A_904, %get3A_905] {strides = array<i32>} : memref<16x1024xf32, #tpu.memory_space<vmem>>, vector<16xf32>,
      %mul3A_907 = arith.mulf %get3A_367, %get3A_906 : vector<16xf32>
      %add3A_908 = arith.addf %get3A_902, %mul3A_907 : vector<16xf32>
      %get3A_909 = arith.constant 7 : i32
      %get3A_910 = arith.index_cast %get3A_909 : i32 to index
      %get3A_911 = arith.index_cast %mul3A_831 : i32 to index
      %get3A_912 = tpu.vector_load %arg10[%get3A_910, %get3A_911] {strides = array<i32>} : memref<16x1024xf32, #tpu.memory_space<vmem>>, vector<16xf32>,
      %mul3A_913 = arith.mulf %get3A_371, %get3A_912 : vector<16xf32>
      %add3A_914 = arith.addf %add3A_908, %mul3A_913 : vector<16xf32>
      %max3A_915 = arith.constant 0.000000e+00 : f32
      %max3A_916 = vector.broadcast %max3A_915 : f32 to vector<16xf32>
      %max3A_917 = arith.maximumf %add3A_914, %max3A_916 : vector<16xf32>
      %swap3A_918 = arith.constant 3 : i32
      %swap3A_919 = arith.index_cast %swap3A_918 : i32 to index
      %swap3A_920 = arith.index_cast %mul3A_831 : i32 to index
      %swap3A_921 = tpu.vector_load %arg14[%swap3A_919, %swap3A_920] {strides = array<i32>} : memref<8x1024xf32, #tpu.memory_space<vmem>>, vector<16xf32>,
      tpu.vector_store %arg14[%swap3A_919, %swap3A_920], %max3A_917 {strides = array<i32>} : memref<8x1024xf32, #tpu.memory_space<vmem>>, vector<16xf32>,
      %get3A_922 = arith.constant 4 : i32
      %get3A_923 = arith.index_cast %get3A_922 : i32 to index
      %get3A_924 = arith.index_cast %mul3A_831 : i32 to index
      %get3A_925 = tpu.vector_load %arg12[%get3A_923, %get3A_924] {strides = array<i32>} : memref<8x1024xf32, #tpu.memory_space<vmem>>, vector<16xf32>,
      %get3A_926 = arith.constant 8 : i32
      %get3A_927 = arith.index_cast %get3A_926 : i32 to index
      %get3A_928 = arith.index_cast %mul3A_831 : i32 to index
      %get3A_929 = tpu.vector_load %arg10[%get3A_927, %get3A_928] {strides = array<i32>} : memref<16x1024xf32, #tpu.memory_space<vmem>>, vector<16xf32>,
      %mul3A_930 = arith.mulf %get3A_375, %get3A_929 : vector<16xf32>
      %add3A_931 = arith.addf %get3A_925, %mul3A_930 : vector<16xf32>
      %get3A_932 = arith.constant 9 : i32
      %get3A_933 = arith.index_cast %get3A_932 : i32 to index
      %get3A_934 = arith.index_cast %mul3A_831 : i32 to index
      %get3A_935 = tpu.vector_load %arg10[%get3A_933, %get3A_934] {strides = array<i32>} : memref<16x1024xf32, #tpu.memory_space<vmem>>, vector<16xf32>,
      %mul3A_936 = arith.mulf %get3A_379, %get3A_935 : vector<16xf32>
      %add3A_937 = arith.addf %add3A_931, %mul3A_936 : vector<16xf32>
      %max3A_938 = arith.constant 0.000000e+00 : f32
      %max3A_939 = vector.broadcast %max3A_938 : f32 to vector<16xf32>
      %max3A_940 = arith.maximumf %add3A_937, %max3A_939 : vector<16xf32>
      %swap3A_941 = arith.constant 4 : i32
      %swap3A_942 = arith.index_cast %swap3A_941 : i32 to index
      %swap3A_943 = arith.index_cast %mul3A_831 : i32 to index
      %swap3A_944 = tpu.vector_load %arg14[%swap3A_942, %swap3A_943] {strides = array<i32>} : memref<8x1024xf32, #tpu.memory_space<vmem>>, vector<16xf32>,
      tpu.vector_store %arg14[%swap3A_942, %swap3A_943], %max3A_940 {strides = array<i32>} : memref<8x1024xf32, #tpu.memory_space<vmem>>, vector<16xf32>,
      %get3A_945 = arith.constant 5 : i32
      %get3A_946 = arith.index_cast %get3A_945 : i32 to index
      %get3A_947 = arith.index_cast %mul3A_831 : i32 to index
      %get3A_948 = tpu.vector_load %arg12[%get3A_946, %get3A_947] {strides = array<i32>} : memref<8x1024xf32, #tpu.memory_space<vmem>>, vector<16xf32>,
      %get3A_949 = arith.constant 10 : i32
      %get3A_950 = arith.index_cast %get3A_949 : i32 to index
      %get3A_951 = arith.index_cast %mul3A_831 : i32 to index
      %get3A_952 = tpu.vector_load %arg10[%get3A_950, %get3A_951] {strides = array<i32>} : memref<16x1024xf32, #tpu.memory_space<vmem>>, vector<16xf32>,
      %mul3A_953 = arith.mulf %get3A_383, %get3A_952 : vector<16xf32>
      %add3A_954 = arith.addf %get3A_948, %mul3A_953 : vector<16xf32>
      %get3A_955 = arith.constant 11 : i32
      %get3A_956 = arith.index_cast %get3A_955 : i32 to index
      %get3A_957 = arith.index_cast %mul3A_831 : i32 to index
      %get3A_958 = tpu.vector_load %arg10[%get3A_956, %get3A_957] {strides = array<i32>} : memref<16x1024xf32, #tpu.memory_space<vmem>>, vector<16xf32>,
      %mul3A_959 = arith.mulf %get3A_387, %get3A_958 : vector<16xf32>
      %add3A_960 = arith.addf %add3A_954, %mul3A_959 : vector<16xf32>
      %max3A_961 = arith.constant 0.000000e+00 : f32
      %max3A_962 = vector.broadcast %max3A_961 : f32 to vector<16xf32>
      %max3A_963 = arith.maximumf %add3A_960, %max3A_962 : vector<16xf32>
      %swap3A_964 = arith.constant 5 : i32
      %swap3A_965 = arith.index_cast %swap3A_964 : i32 to index
      %swap3A_966 = arith.index_cast %mul3A_831 : i32 to index
      %swap3A_967 = tpu.vector_load %arg14[%swap3A_965, %swap3A_966] {strides = array<i32>} : memref<8x1024xf32, #tpu.memory_space<vmem>>, vector<16xf32>,
      tpu.vector_store %arg14[%swap3A_965, %swap3A_966], %max3A_963 {strides = array<i32>} : memref<8x1024xf32, #tpu.memory_space<vmem>>, vector<16xf32>,
      %get3A_968 = arith.constant 6 : i32
      %get3A_969 = arith.index_cast %get3A_968 : i32 to index
      %get3A_970 = arith.index_cast %mul3A_831 : i32 to index
      %get3A_971 = tpu.vector_load %arg12[%get3A_969, %get3A_970] {strides = array<i32>} : memref<8x1024xf32, #tpu.memory_space<vmem>>, vector<16xf32>,
      %get3A_972 = arith.constant 12 : i32
      %get3A_973 = arith.index_cast %get3A_972 : i32 to index
      %get3A_974 = arith.index_cast %mul3A_831 : i32 to index
      %get3A_975 = tpu.vector_load %arg10[%get3A_973, %get3A_974] {strides = array<i32>} : memref<16x1024xf32, #tpu.memory_space<vmem>>, vector<16xf32>,
      %mul3A_976 = arith.mulf %get3A_391, %get3A_975 : vector<16xf32>
      %add3A_977 = arith.addf %get3A_971, %mul3A_976 : vector<16xf32>
      %get3A_978 = arith.constant 13 : i32
      %get3A_979 = arith.index_cast %get3A_978 : i32 to index
      %get3A_980 = arith.index_cast %mul3A_831 : i32 to index
      %get3A_981 = tpu.vector_load %arg10[%get3A_979, %get3A_980] {strides = array<i32>} : memref<16x1024xf32, #tpu.memory_space<vmem>>, vector<16xf32>,
      %mul3A_982 = arith.mulf %get3A_395, %get3A_981 : vector<16xf32>
      %add3A_983 = arith.addf %add3A_977, %mul3A_982 : vector<16xf32>
      %max3A_984 = arith.constant 0.000000e+00 : f32
      %max3A_985 = vector.broadcast %max3A_984 : f32 to vector<16xf32>
      %max3A_986 = arith.maximumf %add3A_983, %max3A_985 : vector<16xf32>
      %swap3A_987 = arith.constant 6 : i32
      %swap3A_988 = arith.index_cast %swap3A_987 : i32 to index
      %swap3A_989 = arith.index_cast %mul3A_831 : i32 to index
      %swap3A_990 = tpu.vector_load %arg14[%swap3A_988, %swap3A_989] {strides = array<i32>} : memref<8x1024xf32, #tpu.memory_space<vmem>>, vector<16xf32>,
      tpu.vector_store %arg14[%swap3A_988, %swap3A_989], %max3A_986 {strides = array<i32>} : memref<8x1024xf32, #tpu.memory_space<vmem>>, vector<16xf32>,
      %get3A_991 = arith.constant 7 : i32
      %get3A_992 = arith.index_cast %get3A_991 : i32 to index
      %get3A_993 = arith.index_cast %mul3A_831 : i32 to index
      %get3A_994 = tpu.vector_load %arg12[%get3A_992, %get3A_993] {strides = array<i32>} : memref<8x1024xf32, #tpu.memory_space<vmem>>, vector<16xf32>,
      %get3A_995 = arith.constant 14 : i32
      %get3A_996 = arith.index_cast %get3A_995 : i32 to index
      %get3A_997 = arith.index_cast %mul3A_831 : i32 to index
      %get3A_998 = tpu.vector_load %arg10[%get3A_996, %get3A_997] {strides = array<i32>} : memref<16x1024xf32, #tpu.memory_space<vmem>>, vector<16xf32>,
      %mul3A_999 = arith.mulf %get3A_399, %get3A_998 : vector<16xf32>
      %add3A_1000 = arith.addf %get3A_994, %mul3A_999 : vector<16xf32>
      %get3A_1001 = arith.constant 15 : i32
      %get3A_1002 = arith.index_cast %get3A_1001 : i32 to index
      %get3A_1003 = arith.index_cast %mul3A_831 : i32 to index
      %get3A_1004 = tpu.vector_load %arg10[%get3A_1002, %get3A_1003] {strides = array<i32>} : memref<16x1024xf32, #tpu.memory_space<vmem>>, vector<16xf32>,
      %mul3A_1005 = arith.mulf %get3A_403, %get3A_1004 : vector<16xf32>
      %add3A_1006 = arith.addf %add3A_1000, %mul3A_1005 : vector<16xf32>
      %max3A_1007 = arith.constant 0.000000e+00 : f32
      %max3A_1008 = vector.broadcast %max3A_1007 : f32 to vector<16xf32>
      %max3A_1009 = arith.maximumf %add3A_1006, %max3A_1008 : vector<16xf32>
      %swap3A_1010 = arith.constant 7 : i32
      %swap3A_1011 = arith.index_cast %swap3A_1010 : i32 to index
      %swap3A_1012 = arith.index_cast %mul3A_831 : i32 to index
      %swap3A_1013 = tpu.vector_load %arg14[%swap3A_1011, %swap3A_1012] {strides = array<i32>} : memref<8x1024xf32, #tpu.memory_space<vmem>>, vector<16xf32>,
      tpu.vector_store %arg14[%swap3A_1011, %swap3A_1012], %max3A_1009 {strides = array<i32>} : memref<8x1024xf32, #tpu.memory_space<vmem>>, vector<16xf32>,
    }
    %scan3A_409 = arith.constant 64 : i32
    %mul3A_410 = arith.constant 64 : i32
    %mul3A_411 = arith.muli %add3A, %mul3A_410 : i32
    %add3A_412 = arith.constant 24 : i32
    %add3A_413 = arith.addi %mul3A_411, %add3A_412 : i32
    %dma_start3A_414 = arith.constant 0 : i32
    %dma_start3A_415 = tpu.memref_slice %arg6[%add3A_413, %dma_start3A_414] : memref<2048x1024xf32, #tpu.memory_space<hbm>> -> memref<8x1024xf32, #tpu.memory_space<hbm>>
    %dma_start3A_416 = arith.constant 0 : i32
    %dma_start3A_417 = tpu.memref_slice %arg6[%add3A_413, %dma_start3A_416] : memref<2048x1024xf32, #tpu.memory_space<hbm>> -> memref<8x1024xf32, #tpu.memory_space<hbm>>
    tpu.enqueue_dma source(%arg14 : memref<8x1024xf32, #tpu.memory_space<vmem>>) target(%dma_start3A_417 : memref<8x1024xf32, #tpu.memory_space<hbm>>) target_semaphore(%arg17 : memref<!tpu.dma_semaphore, #tpu.memory_space<semaphore_mem>>)
    %dma_start3A_418 = arith.constant 80 : i32
    %dma_start3A_419 = tpu.memref_slice %arg7[%dma_start3A_418] : memref<128xi32, #tpu.memory_space<vmem>> -> memref<16xi32, #tpu.memory_space<vmem>>
    %dma_start3A_420 = arith.constant 0 : i32
    %dma_start3A_421 = arith.constant 0 : i32
    %dma_start3A_422 = tpu.memref_slice %arg3[%dma_start3A_420, %dma_start3A_421] : memref<4096x1024xf32, #tpu.memory_space<hbm>> -> memref<4096x1024xf32, #tpu.memory_space<hbm>>
    tpu.enqueue_indirect_dma source(%dma_start3A_422 : memref<4096x1024xf32, #tpu.memory_space<hbm>>) target(%arg10 : memref<16x1024xf32, #tpu.memory_space<vmem>>) offsets(%dma_start3A_419 : memref<16xi32, #tpu.memory_space<vmem>>) semaphore(%arg15 : memref<!tpu.dma_semaphore, #tpu.memory_space<semaphore_mem>>)
    %mul3A_423 = arith.constant 64 : i32
    %mul3A_424 = arith.muli %add3A, %mul3A_423 : i32
    %add3A_425 = arith.constant 40 : i32
    %add3A_426 = arith.addi %mul3A_424, %add3A_425 : i32
    %dma_start3A_427 = arith.constant 0 : i32
    %dma_start3A_428 = tpu.memref_slice %arg2[%add3A_426, %dma_start3A_427] : memref<2048x1024xf32, #tpu.memory_space<hbm>> -> memref<8x1024xf32, #tpu.memory_space<hbm>>
    %dma_start3A_429 = arith.constant 0 : i32
    %dma_start3A_430 = tpu.memref_slice %arg2[%add3A_426, %dma_start3A_429] : memref<2048x1024xf32, #tpu.memory_space<hbm>> -> memref<8x1024xf32, #tpu.memory_space<hbm>>
    tpu.enqueue_dma source(%dma_start3A_430 : memref<8x1024xf32, #tpu.memory_space<hbm>>) target(%arg12 : memref<8x1024xf32, #tpu.memory_space<vmem>>) target_semaphore(%arg16 : memref<!tpu.dma_semaphore, #tpu.memory_space<semaphore_mem>>)
    %dma_wait3A_431 = arith.constant 64 : i32
    %dma_wait3A_432 = tpu.memref_slice %arg7[%dma_wait3A_431] : memref<128xi32, #tpu.memory_space<vmem>> -> memref<16xi32, #tpu.memory_space<vmem>>
    %dma_wait3A_433 = arith.constant 0 : i32
    %dma_wait3A_434 = arith.constant 0 : i32
    %dma_wait3A_435 = tpu.memref_slice %arg3[%dma_wait3A_433, %dma_wait3A_434] : memref<4096x1024xf32, #tpu.memory_space<hbm>> -> memref<4096x1024xf32, #tpu.memory_space<hbm>>
    tpu.wait_indirect_dma semaphore(%arg15 : memref<!tpu.dma_semaphore, #tpu.memory_space<semaphore_mem>>) src(%dma_wait3A_435 : memref<4096x1024xf32, #tpu.memory_space<hbm>>) dst(%arg9 : memref<16x1024xf32, #tpu.memory_space<vmem>>)
    %dma_wait3A_436 = arith.constant 0 : i32
    %dma_wait3A_437 = tpu.memref_slice %arg2[%add3A_322, %dma_wait3A_436] : memref<2048x1024xf32, #tpu.memory_space<hbm>> -> memref<8x1024xf32, #tpu.memory_space<hbm>>
    %dma_wait3A_438 = arith.constant 0 : i32
    %dma_wait3A_439 = tpu.memref_slice %arg2[%add3A_322, %dma_wait3A_438] : memref<2048x1024xf32, #tpu.memory_space<hbm>> -> memref<8x1024xf32, #tpu.memory_space<hbm>>
    tpu.wait_dma2 semaphore(%arg16 : memref<!tpu.dma_semaphore, #tpu.memory_space<semaphore_mem>>) src(%dma_wait3A_439 : memref<8x1024xf32, #tpu.memory_space<hbm>>) dst(%arg11 : memref<8x1024xf32, #tpu.memory_space<vmem>>)
    %dma_wait3A_440 = arith.constant 0 : i32
    %dma_wait3A_441 = tpu.memref_slice %arg6[%add3A_309, %dma_wait3A_440] : memref<2048x1024xf32, #tpu.memory_space<hbm>> -> memref<8x1024xf32, #tpu.memory_space<hbm>>
    %dma_wait3A_442 = arith.constant 0 : i32
    %dma_wait3A_443 = tpu.memref_slice %arg6[%add3A_309, %dma_wait3A_442] : memref<2048x1024xf32, #tpu.memory_space<hbm>> -> memref<8x1024xf32, #tpu.memory_space<hbm>>
    tpu.wait_dma2 semaphore(%arg17 : memref<!tpu.dma_semaphore, #tpu.memory_space<semaphore_mem>>) src(%arg13 : memref<8x1024xf32, #tpu.memory_space<vmem>>) dst(%dma_wait3A_443 : memref<8x1024xf32, #tpu.memory_space<hbm>>)
    %get3A_444 = arith.constant 64 : i32
    %get3A_445 = arith.index_cast %get3A_444 : i32 to index
    %get3A_446 = arith.constant 0 : index
    %get3A_447 = tpu.vector_load %arg8[%get3A_445, %get3A_446] {strides = array<i32>} : memref<128x16xf32, #tpu.memory_space<vmem>>, vector<16xf32>,
    %get3A_448 = arith.constant 65 : i32
    %get3A_449 = arith.index_cast %get3A_448 : i32 to index
    %get3A_450 = arith.constant 0 : index
    %get3A_451 = tpu.vector_load %arg8[%get3A_449, %get3A_450] {strides = array<i32>} : memref<128x16xf32, #tpu.memory_space<vmem>>, vector<16xf32>,
    %get3A_452 = arith.constant 66 : i32
    %get3A_453 = arith.index_cast %get3A_452 : i32 to index
    %get3A_454 = arith.constant 0 : index
    %get3A_455 = tpu.vector_load %arg8[%get3A_453, %get3A_454] {strides = array<i32>} : memref<128x16xf32, #tpu.memory_space<vmem>>, vector<16xf32>,
    %get3A_456 = arith.constant 67 : i32
    %get3A_457 = arith.index_cast %get3A_456 : i32 to index
    %get3A_458 = arith.constant 0 : index
    %get3A_459 = tpu.vector_load %arg8[%get3A_457, %get3A_458] {strides = array<i32>} : memref<128x16xf32, #tpu.memory_space<vmem>>, vector<16xf32>,
    %get3A_460 = arith.constant 68 : i32
    %get3A_461 = arith.index_cast %get3A_460 : i32 to index
    %get3A_462 = arith.constant 0 : index
    %get3A_463 = tpu.vector_load %arg8[%get3A_461, %get3A_462] {strides = array<i32>} : memref<128x16xf32, #tpu.memory_space<vmem>>, vector<16xf32>,
    %get3A_464 = arith.constant 69 : i32
    %get3A_465 = arith.index_cast %get3A_464 : i32 to index
    %get3A_466 = arith.constant 0 : index
    %get3A_467 = tpu.vector_load %arg8[%get3A_465, %get3A_466] {strides = array<i32>} : memref<128x16xf32, #tpu.memory_space<vmem>>, vector<16xf32>,
    %get3A_468 = arith.constant 70 : i32
    %get3A_469 = arith.index_cast %get3A_468 : i32 to index
    %get3A_470 = arith.constant 0 : index
    %get3A_471 = tpu.vector_load %arg8[%get3A_469, %get3A_470] {strides = array<i32>} : memref<128x16xf32, #tpu.memory_space<vmem>>, vector<16xf32>,
    %get3A_472 = arith.constant 71 : i32
    %get3A_473 = arith.index_cast %get3A_472 : i32 to index
    %get3A_474 = arith.constant 0 : index
    %get3A_475 = tpu.vector_load %arg8[%get3A_473, %get3A_474] {strides = array<i32>} : memref<128x16xf32, #tpu.memory_space<vmem>>, vector<16xf32>,
    %get3A_476 = arith.constant 72 : i32
    %get3A_477 = arith.index_cast %get3A_476 : i32 to index
    %get3A_478 = arith.constant 0 : index
    %get3A_479 = tpu.vector_load %arg8[%get3A_477, %get3A_478] {strides = array<i32>} : memref<128x16xf32, #tpu.memory_space<vmem>>, vector<16xf32>,
    %get3A_480 = arith.constant 73 : i32
    %get3A_481 = arith.index_cast %get3A_480 : i32 to index
    %get3A_482 = arith.constant 0 : index
    %get3A_483 = tpu.vector_load %arg8[%get3A_481, %get3A_482] {strides = array<i32>} : memref<128x16xf32, #tpu.memory_space<vmem>>, vector<16xf32>,
    %get3A_484 = arith.constant 74 : i32
    %get3A_485 = arith.index_cast %get3A_484 : i32 to index
    %get3A_486 = arith.constant 0 : index
    %get3A_487 = tpu.vector_load %arg8[%get3A_485, %get3A_486] {strides = array<i32>} : memref<128x16xf32, #tpu.memory_space<vmem>>, vector<16xf32>,
    %get3A_488 = arith.constant 75 : i32
    %get3A_489 = arith.index_cast %get3A_488 : i32 to index
    %get3A_490 = arith.constant 0 : index
    %get3A_491 = tpu.vector_load %arg8[%get3A_489, %get3A_490] {strides = array<i32>} : memref<128x16xf32, #tpu.memory_space<vmem>>, vector<16xf32>,
    %get3A_492 = arith.constant 76 : i32
    %get3A_493 = arith.index_cast %get3A_492 : i32 to index
    %get3A_494 = arith.constant 0 : index
    %get3A_495 = tpu.vector_load %arg8[%get3A_493, %get3A_494] {strides = array<i32>} : memref<128x16xf32, #tpu.memory_space<vmem>>, vector<16xf32>,
    %get3A_496 = arith.constant 77 : i32
    %get3A_497 = arith.index_cast %get3A_496 : i32 to index
    %get3A_498 = arith.constant 0 : index
    %get3A_499 = tpu.vector_load %arg8[%get3A_497, %get3A_498] {strides = array<i32>} : memref<128x16xf32, #tpu.memory_space<vmem>>, vector<16xf32>,
    %get3A_500 = arith.constant 78 : i32
    %get3A_501 = arith.index_cast %get3A_500 : i32 to index
    %get3A_502 = arith.constant 0 : index
    %get3A_503 = tpu.vector_load %arg8[%get3A_501, %get3A_502] {strides = array<i32>} : memref<128x16xf32, #tpu.memory_space<vmem>>, vector<16xf32>,
    %get3A_504 = arith.constant 79 : i32
    %get3A_505 = arith.index_cast %get3A_504 : i32 to index
    %get3A_506 = arith.constant 0 : index
    %get3A_507 = tpu.vector_load %arg8[%get3A_505, %get3A_506] {strides = array<i32>} : memref<128x16xf32, #tpu.memory_space<vmem>>, vector<16xf32>,
    %scan3A_508 = arith.constant 0 : i32
    %scan3A_509 = arith.constant 0 : i32
    %scan3A_510 = arith.constant 64 : i32
    %scan3A_511 = arith.addi %scan3A_509, %scan3A_510 : i32
    %scan3A_512 = arith.constant 1 : i32
    scf.for %scan3A_829 = %scan3A_509 to %scan3A_511 step %scan3A_512  : i32 {
      %mul3A_830 = arith.constant 16 : i32
      %mul3A_831 = arith.muli %scan3A_829, %mul3A_830 : i32
      %get3A_832 = arith.constant 0 : i32
      %get3A_833 = arith.index_cast %get3A_832 : i32 to index
      %get3A_834 = arith.index_cast %mul3A_831 : i32 to index
      %get3A_835 = tpu.vector_load %arg11[%get3A_833, %get3A_834] {strides = array<i32>} : memref<8x1024xf32, #tpu.memory_space<vmem>>, vector<16xf32>,
      %get3A_836 = arith.constant 0 : i32
      %get3A_837 = arith.index_cast %get3A_836 : i32 to index
      %get3A_838 = arith.index_cast %mul3A_831 : i32 to index
      %get3A_839 = tpu.vector_load %arg9[%get3A_837, %get3A_838] {strides = array<i32>} : memref<16x1024xf32, #tpu.memory_space<vmem>>, vector<16xf32>,
      %mul3A_840 = arith.mulf %get3A_447, %get3A_839 : vector<16xf32>
      %add3A_841 = arith.addf %get3A_835, %mul3A_840 : vector<16xf32>
      %get3A_842 = arith.constant 1 : i32
      %get3A_843 = arith.index_cast %get3A_842 : i32 to index
      %get3A_844 = arith.index_cast %mul3A_831 : i32 to index
      %get3A_845 = tpu.vector_load %arg9[%get3A_843, %get3A_844] {strides = array<i32>} : memref<16x1024xf32, #tpu.memory_space<vmem>>, vector<16xf32>,
      %mul3A_846 = arith.mulf %get3A_451, %get3A_845 : vector<16xf32>
      %add3A_847 = arith.addf %add3A_841, %mul3A_846 : vector<16xf32>
      %max3A = arith.constant 0.000000e+00 : f32
      %max3A_848 = vector.broadcast %max3A : f32 to vector<16xf32>
      %max3A_849 = arith.maximumf %add3A_847, %max3A_848 : vector<16xf32>
      %swap3A = arith.constant 0 : i32
      %swap3A_850 = arith.index_cast %swap3A : i32 to index
      %swap3A_851 = arith.index_cast %mul3A_831 : i32 to index
      %swap3A_852 = tpu.vector_load %arg13[%swap3A_850, %swap3A_851] {strides = array<i32>} : memref<8x1024xf32, #tpu.memory_space<vmem>>, vector<16xf32>,
      tpu.vector_store %arg13[%swap3A_850, %swap3A_851], %max3A_849 {strides = array<i32>} : memref<8x1024xf32, #tpu.memory_space<vmem>>, vector<16xf32>,
      %get3A_853 = arith.constant 1 : i32
      %get3A_854 = arith.index_cast %get3A_853 : i32 to index
      %get3A_855 = arith.index_cast %mul3A_831 : i32 to index
      %get3A_856 = tpu.vector_load %arg11[%get3A_854, %get3A_855] {strides = array<i32>} : memref<8x1024xf32, #tpu.memory_space<vmem>>, vector<16xf32>,
      %get3A_857 = arith.constant 2 : i32
      %get3A_858 = arith.index_cast %get3A_857 : i32 to index
      %get3A_859 = arith.index_cast %mul3A_831 : i32 to index
      %get3A_860 = tpu.vector_load %arg9[%get3A_858, %get3A_859] {strides = array<i32>} : memref<16x1024xf32, #tpu.memory_space<vmem>>, vector<16xf32>,
      %mul3A_861 = arith.mulf %get3A_455, %get3A_860 : vector<16xf32>
      %add3A_862 = arith.addf %get3A_856, %mul3A_861 : vector<16xf32>
      %get3A_863 = arith.constant 3 : i32
      %get3A_864 = arith.index_cast %get3A_863 : i32 to index
      %get3A_865 = arith.index_cast %mul3A_831 : i32 to index
      %get3A_866 = tpu.vector_load %arg9[%get3A_864, %get3A_865] {strides = array<i32>} : memref<16x1024xf32, #tpu.memory_space<vmem>>, vector<16xf32>,
      %mul3A_867 = arith.mulf %get3A_459, %get3A_866 : vector<16xf32>
      %add3A_868 = arith.addf %add3A_862, %mul3A_867 : vector<16xf32>
      %max3A_869 = arith.constant 0.000000e+00 : f32
      %max3A_870 = vector.broadcast %max3A_869 : f32 to vector<16xf32>
      %max3A_871 = arith.maximumf %add3A_868, %max3A_870 : vector<16xf32>
      %swap3A_872 = arith.constant 1 : i32
      %swap3A_873 = arith.index_cast %swap3A_872 : i32 to index
      %swap3A_874 = arith.index_cast %mul3A_831 : i32 to index
      %swap3A_875 = tpu.vector_load %arg13[%swap3A_873, %swap3A_874] {strides = array<i32>} : memref<8x1024xf32, #tpu.memory_space<vmem>>, vector<16xf32>,
      tpu.vector_store %arg13[%swap3A_873, %swap3A_874], %max3A_871 {strides = array<i32>} : memref<8x1024xf32, #tpu.memory_space<vmem>>, vector<16xf32>,
      %get3A_876 = arith.constant 2 : i32
      %get3A_877 = arith.index_cast %get3A_876 : i32 to index
      %get3A_878 = arith.index_cast %mul3A_831 : i32 to index
      %get3A_879 = tpu.vector_load %arg11[%get3A_877, %get3A_878] {strides = array<i32>} : memref<8x1024xf32, #tpu.memory_space<vmem>>, vector<16xf32>,
      %get3A_880 = arith.constant 4 : i32
      %get3A_881 = arith.index_cast %get3A_880 : i32 to index
      %get3A_882 = arith.index_cast %mul3A_831 : i32 to index
      %get3A_883 = tpu.vector_load %arg9[%get3A_881, %get3A_882] {strides = array<i32>} : memref<16x1024xf32, #tpu.memory_space<vmem>>, vector<16xf32>,
      %mul3A_884 = arith.mulf %get3A_463, %get3A_883 : vector<16xf32>
      %add3A_885 = arith.addf %get3A_879, %mul3A_884 : vector<16xf32>
      %get3A_886 = arith.constant 5 : i32
      %get3A_887 = arith.index_cast %get3A_886 : i32 to index
      %get3A_888 = arith.index_cast %mul3A_831 : i32 to index
      %get3A_889 = tpu.vector_load %arg9[%get3A_887, %get3A_888] {strides = array<i32>} : memref<16x1024xf32, #tpu.memory_space<vmem>>, vector<16xf32>,
      %mul3A_890 = arith.mulf %get3A_467, %get3A_889 : vector<16xf32>
      %add3A_891 = arith.addf %add3A_885, %mul3A_890 : vector<16xf32>
      %max3A_892 = arith.constant 0.000000e+00 : f32
      %max3A_893 = vector.broadcast %max3A_892 : f32 to vector<16xf32>
      %max3A_894 = arith.maximumf %add3A_891, %max3A_893 : vector<16xf32>
      %swap3A_895 = arith.constant 2 : i32
      %swap3A_896 = arith.index_cast %swap3A_895 : i32 to index
      %swap3A_897 = arith.index_cast %mul3A_831 : i32 to index
      %swap3A_898 = tpu.vector_load %arg13[%swap3A_896, %swap3A_897] {strides = array<i32>} : memref<8x1024xf32, #tpu.memory_space<vmem>>, vector<16xf32>,
      tpu.vector_store %arg13[%swap3A_896, %swap3A_897], %max3A_894 {strides = array<i32>} : memref<8x1024xf32, #tpu.memory_space<vmem>>, vector<16xf32>,
      %get3A_899 = arith.constant 3 : i32
      %get3A_900 = arith.index_cast %get3A_899 : i32 to index
      %get3A_901 = arith.index_cast %mul3A_831 : i32 to index
      %get3A_902 = tpu.vector_load %arg11[%get3A_900, %get3A_901] {strides = array<i32>} : memref<8x1024xf32, #tpu.memory_space<vmem>>, vector<16xf32>,
      %get3A_903 = arith.constant 6 : i32
      %get3A_904 = arith.index_cast %get3A_903 : i32 to index
      %get3A_905 = arith.index_cast %mul3A_831 : i32 to index
      %get3A_906 = tpu.vector_load %arg9[%get3A_904, %get3A_905] {strides = array<i32>} : memref<16x1024xf32, #tpu.memory_space<vmem>>, vector<16xf32>,
      %mul3A_907 = arith.mulf %get3A_471, %get3A_906 : vector<16xf32>
      %add3A_908 = arith.addf %get3A_902, %mul3A_907 : vector<16xf32>
      %get3A_909 = arith.constant 7 : i32
      %get3A_910 = arith.index_cast %get3A_909 : i32 to index
      %get3A_911 = arith.index_cast %mul3A_831 : i32 to index
      %get3A_912 = tpu.vector_load %arg9[%get3A_910, %get3A_911] {strides = array<i32>} : memref<16x1024xf32, #tpu.memory_space<vmem>>, vector<16xf32>,
      %mul3A_913 = arith.mulf %get3A_475, %get3A_912 : vector<16xf32>
      %add3A_914 = arith.addf %add3A_908, %mul3A_913 : vector<16xf32>
      %max3A_915 = arith.constant 0.000000e+00 : f32
      %max3A_916 = vector.broadcast %max3A_915 : f32 to vector<16xf32>
      %max3A_917 = arith.maximumf %add3A_914, %max3A_916 : vector<16xf32>
      %swap3A_918 = arith.constant 3 : i32
      %swap3A_919 = arith.index_cast %swap3A_918 : i32 to index
      %swap3A_920 = arith.index_cast %mul3A_831 : i32 to index
      %swap3A_921 = tpu.vector_load %arg13[%swap3A_919, %swap3A_920] {strides = array<i32>} : memref<8x1024xf32, #tpu.memory_space<vmem>>, vector<16xf32>,
      tpu.vector_store %arg13[%swap3A_919, %swap3A_920], %max3A_917 {strides = array<i32>} : memref<8x1024xf32, #tpu.memory_space<vmem>>, vector<16xf32>,
      %get3A_922 = arith.constant 4 : i32
      %get3A_923 = arith.index_cast %get3A_922 : i32 to index
      %get3A_924 = arith.index_cast %mul3A_831 : i32 to index
      %get3A_925 = tpu.vector_load %arg11[%get3A_923, %get3A_924] {strides = array<i32>} : memref<8x1024xf32, #tpu.memory_space<vmem>>, vector<16xf32>,
      %get3A_926 = arith.constant 8 : i32
      %get3A_927 = arith.index_cast %get3A_926 : i32 to index
      %get3A_928 = arith.index_cast %mul3A_831 : i32 to index
      %get3A_929 = tpu.vector_load %arg9[%get3A_927, %get3A_928] {strides = array<i32>} : memref<16x1024xf32, #tpu.memory_space<vmem>>, vector<16xf32>,
      %mul3A_930 = arith.mulf %get3A_479, %get3A_929 : vector<16xf32>
      %add3A_931 = arith.addf %get3A_925, %mul3A_930 : vector<16xf32>
      %get3A_932 = arith.constant 9 : i32
      %get3A_933 = arith.index_cast %get3A_932 : i32 to index
      %get3A_934 = arith.index_cast %mul3A_831 : i32 to index
      %get3A_935 = tpu.vector_load %arg9[%get3A_933, %get3A_934] {strides = array<i32>} : memref<16x1024xf32, #tpu.memory_space<vmem>>, vector<16xf32>,
      %mul3A_936 = arith.mulf %get3A_483, %get3A_935 : vector<16xf32>
      %add3A_937 = arith.addf %add3A_931, %mul3A_936 : vector<16xf32>
      %max3A_938 = arith.constant 0.000000e+00 : f32
      %max3A_939 = vector.broadcast %max3A_938 : f32 to vector<16xf32>
      %max3A_940 = arith.maximumf %add3A_937, %max3A_939 : vector<16xf32>
      %swap3A_941 = arith.constant 4 : i32
      %swap3A_942 = arith.index_cast %swap3A_941 : i32 to index
      %swap3A_943 = arith.index_cast %mul3A_831 : i32 to index
      %swap3A_944 = tpu.vector_load %arg13[%swap3A_942, %swap3A_943] {strides = array<i32>} : memref<8x1024xf32, #tpu.memory_space<vmem>>, vector<16xf32>,
      tpu.vector_store %arg13[%swap3A_942, %swap3A_943], %max3A_940 {strides = array<i32>} : memref<8x1024xf32, #tpu.memory_space<vmem>>, vector<16xf32>,
      %get3A_945 = arith.constant 5 : i32
      %get3A_946 = arith.index_cast %get3A_945 : i32 to index
      %get3A_947 = arith.index_cast %mul3A_831 : i32 to index
      %get3A_948 = tpu.vector_load %arg11[%get3A_946, %get3A_947] {strides = array<i32>} : memref<8x1024xf32, #tpu.memory_space<vmem>>, vector<16xf32>,
      %get3A_949 = arith.constant 10 : i32
      %get3A_950 = arith.index_cast %get3A_949 : i32 to index
      %get3A_951 = arith.index_cast %mul3A_831 : i32 to index
      %get3A_952 = tpu.vector_load %arg9[%get3A_950, %get3A_951] {strides = array<i32>} : memref<16x1024xf32, #tpu.memory_space<vmem>>, vector<16xf32>,
      %mul3A_953 = arith.mulf %get3A_487, %get3A_952 : vector<16xf32>
      %add3A_954 = arith.addf %get3A_948, %mul3A_953 : vector<16xf32>
      %get3A_955 = arith.constant 11 : i32
      %get3A_956 = arith.index_cast %get3A_955 : i32 to index
      %get3A_957 = arith.index_cast %mul3A_831 : i32 to index
      %get3A_958 = tpu.vector_load %arg9[%get3A_956, %get3A_957] {strides = array<i32>} : memref<16x1024xf32, #tpu.memory_space<vmem>>, vector<16xf32>,
      %mul3A_959 = arith.mulf %get3A_491, %get3A_958 : vector<16xf32>
      %add3A_960 = arith.addf %add3A_954, %mul3A_959 : vector<16xf32>
      %max3A_961 = arith.constant 0.000000e+00 : f32
      %max3A_962 = vector.broadcast %max3A_961 : f32 to vector<16xf32>
      %max3A_963 = arith.maximumf %add3A_960, %max3A_962 : vector<16xf32>
      %swap3A_964 = arith.constant 5 : i32
      %swap3A_965 = arith.index_cast %swap3A_964 : i32 to index
      %swap3A_966 = arith.index_cast %mul3A_831 : i32 to index
      %swap3A_967 = tpu.vector_load %arg13[%swap3A_965, %swap3A_966] {strides = array<i32>} : memref<8x1024xf32, #tpu.memory_space<vmem>>, vector<16xf32>,
      tpu.vector_store %arg13[%swap3A_965, %swap3A_966], %max3A_963 {strides = array<i32>} : memref<8x1024xf32, #tpu.memory_space<vmem>>, vector<16xf32>,
      %get3A_968 = arith.constant 6 : i32
      %get3A_969 = arith.index_cast %get3A_968 : i32 to index
      %get3A_970 = arith.index_cast %mul3A_831 : i32 to index
      %get3A_971 = tpu.vector_load %arg11[%get3A_969, %get3A_970] {strides = array<i32>} : memref<8x1024xf32, #tpu.memory_space<vmem>>, vector<16xf32>,
      %get3A_972 = arith.constant 12 : i32
      %get3A_973 = arith.index_cast %get3A_972 : i32 to index
      %get3A_974 = arith.index_cast %mul3A_831 : i32 to index
      %get3A_975 = tpu.vector_load %arg9[%get3A_973, %get3A_974] {strides = array<i32>} : memref<16x1024xf32, #tpu.memory_space<vmem>>, vector<16xf32>,
      %mul3A_976 = arith.mulf %get3A_495, %get3A_975 : vector<16xf32>
      %add3A_977 = arith.addf %get3A_971, %mul3A_976 : vector<16xf32>
      %get3A_978 = arith.constant 13 : i32
      %get3A_979 = arith.index_cast %get3A_978 : i32 to index
      %get3A_980 = arith.index_cast %mul3A_831 : i32 to index
      %get3A_981 = tpu.vector_load %arg9[%get3A_979, %get3A_980] {strides = array<i32>} : memref<16x1024xf32, #tpu.memory_space<vmem>>, vector<16xf32>,
      %mul3A_982 = arith.mulf %get3A_499, %get3A_981 : vector<16xf32>
      %add3A_983 = arith.addf %add3A_977, %mul3A_982 : vector<16xf32>
      %max3A_984 = arith.constant 0.000000e+00 : f32
      %max3A_985 = vector.broadcast %max3A_984 : f32 to vector<16xf32>
      %max3A_986 = arith.maximumf %add3A_983, %max3A_985 : vector<16xf32>
      %swap3A_987 = arith.constant 6 : i32
      %swap3A_988 = arith.index_cast %swap3A_987 : i32 to index
      %swap3A_989 = arith.index_cast %mul3A_831 : i32 to index
      %swap3A_990 = tpu.vector_load %arg13[%swap3A_988, %swap3A_989] {strides = array<i32>} : memref<8x1024xf32, #tpu.memory_space<vmem>>, vector<16xf32>,
      tpu.vector_store %arg13[%swap3A_988, %swap3A_989], %max3A_986 {strides = array<i32>} : memref<8x1024xf32, #tpu.memory_space<vmem>>, vector<16xf32>,
      %get3A_991 = arith.constant 7 : i32
      %get3A_992 = arith.index_cast %get3A_991 : i32 to index
      %get3A_993 = arith.index_cast %mul3A_831 : i32 to index
      %get3A_994 = tpu.vector_load %arg11[%get3A_992, %get3A_993] {strides = array<i32>} : memref<8x1024xf32, #tpu.memory_space<vmem>>, vector<16xf32>,
      %get3A_995 = arith.constant 14 : i32
      %get3A_996 = arith.index_cast %get3A_995 : i32 to index
      %get3A_997 = arith.index_cast %mul3A_831 : i32 to index
      %get3A_998 = tpu.vector_load %arg9[%get3A_996, %get3A_997] {strides = array<i32>} : memref<16x1024xf32, #tpu.memory_space<vmem>>, vector<16xf32>,
      %mul3A_999 = arith.mulf %get3A_503, %get3A_998 : vector<16xf32>
      %add3A_1000 = arith.addf %get3A_994, %mul3A_999 : vector<16xf32>
      %get3A_1001 = arith.constant 15 : i32
      %get3A_1002 = arith.index_cast %get3A_1001 : i32 to index
      %get3A_1003 = arith.index_cast %mul3A_831 : i32 to index
      %get3A_1004 = tpu.vector_load %arg9[%get3A_1002, %get3A_1003] {strides = array<i32>} : memref<16x1024xf32, #tpu.memory_space<vmem>>, vector<16xf32>,
      %mul3A_1005 = arith.mulf %get3A_507, %get3A_1004 : vector<16xf32>
      %add3A_1006 = arith.addf %add3A_1000, %mul3A_1005 : vector<16xf32>
      %max3A_1007 = arith.constant 0.000000e+00 : f32
      %max3A_1008 = vector.broadcast %max3A_1007 : f32 to vector<16xf32>
      %max3A_1009 = arith.maximumf %add3A_1006, %max3A_1008 : vector<16xf32>
      %swap3A_1010 = arith.constant 7 : i32
      %swap3A_1011 = arith.index_cast %swap3A_1010 : i32 to index
      %swap3A_1012 = arith.index_cast %mul3A_831 : i32 to index
      %swap3A_1013 = tpu.vector_load %arg13[%swap3A_1011, %swap3A_1012] {strides = array<i32>} : memref<8x1024xf32, #tpu.memory_space<vmem>>, vector<16xf32>,
      tpu.vector_store %arg13[%swap3A_1011, %swap3A_1012], %max3A_1009 {strides = array<i32>} : memref<8x1024xf32, #tpu.memory_space<vmem>>, vector<16xf32>,
    }
    %scan3A_513 = arith.constant 64 : i32
    %mul3A_514 = arith.constant 64 : i32
    %mul3A_515 = arith.muli %add3A, %mul3A_514 : i32
    %add3A_516 = arith.constant 32 : i32
    %add3A_517 = arith.addi %mul3A_515, %add3A_516 : i32
    %dma_start3A_518 = arith.constant 0 : i32
    %dma_start3A_519 = tpu.memref_slice %arg6[%add3A_517, %dma_start3A_518] : memref<2048x1024xf32, #tpu.memory_space<hbm>> -> memref<8x1024xf32, #tpu.memory_space<hbm>>
    %dma_start3A_520 = arith.constant 0 : i32
    %dma_start3A_521 = tpu.memref_slice %arg6[%add3A_517, %dma_start3A_520] : memref<2048x1024xf32, #tpu.memory_space<hbm>> -> memref<8x1024xf32, #tpu.memory_space<hbm>>
    tpu.enqueue_dma source(%arg13 : memref<8x1024xf32, #tpu.memory_space<vmem>>) target(%dma_start3A_521 : memref<8x1024xf32, #tpu.memory_space<hbm>>) target_semaphore(%arg17 : memref<!tpu.dma_semaphore, #tpu.memory_space<semaphore_mem>>)
    %dma_start3A_522 = arith.constant 96 : i32
    %dma_start3A_523 = tpu.memref_slice %arg7[%dma_start3A_522] : memref<128xi32, #tpu.memory_space<vmem>> -> memref<16xi32, #tpu.memory_space<vmem>>
    %dma_start3A_524 = arith.constant 0 : i32
    %dma_start3A_525 = arith.constant 0 : i32
    %dma_start3A_526 = tpu.memref_slice %arg3[%dma_start3A_524, %dma_start3A_525] : memref<4096x1024xf32, #tpu.memory_space<hbm>> -> memref<4096x1024xf32, #tpu.memory_space<hbm>>
    tpu.enqueue_indirect_dma source(%dma_start3A_526 : memref<4096x1024xf32, #tpu.memory_space<hbm>>) target(%arg9 : memref<16x1024xf32, #tpu.memory_space<vmem>>) offsets(%dma_start3A_523 : memref<16xi32, #tpu.memory_space<vmem>>) semaphore(%arg15 : memref<!tpu.dma_semaphore, #tpu.memory_space<semaphore_mem>>)
    %mul3A_527 = arith.constant 64 : i32
    %mul3A_528 = arith.muli %add3A, %mul3A_527 : i32
    %add3A_529 = arith.constant 48 : i32
    %add3A_530 = arith.addi %mul3A_528, %add3A_529 : i32
    %dma_start3A_531 = arith.constant 0 : i32
    %dma_start3A_532 = tpu.memref_slice %arg2[%add3A_530, %dma_start3A_531] : memref<2048x1024xf32, #tpu.memory_space<hbm>> -> memref<8x1024xf32, #tpu.memory_space<hbm>>
    %dma_start3A_533 = arith.constant 0 : i32
    %dma_start3A_534 = tpu.memref_slice %arg2[%add3A_530, %dma_start3A_533] : memref<2048x1024xf32, #tpu.memory_space<hbm>> -> memref<8x1024xf32, #tpu.memory_space<hbm>>
    tpu.enqueue_dma source(%dma_start3A_534 : memref<8x1024xf32, #tpu.memory_space<hbm>>) target(%arg11 : memref<8x1024xf32, #tpu.memory_space<vmem>>) target_semaphore(%arg16 : memref<!tpu.dma_semaphore, #tpu.memory_space<semaphore_mem>>)
    %dma_wait3A_535 = arith.constant 80 : i32
    %dma_wait3A_536 = tpu.memref_slice %arg7[%dma_wait3A_535] : memref<128xi32, #tpu.memory_space<vmem>> -> memref<16xi32, #tpu.memory_space<vmem>>
    %dma_wait3A_537 = arith.constant 0 : i32
    %dma_wait3A_538 = arith.constant 0 : i32
    %dma_wait3A_539 = tpu.memref_slice %arg3[%dma_wait3A_537, %dma_wait3A_538] : memref<4096x1024xf32, #tpu.memory_space<hbm>> -> memref<4096x1024xf32, #tpu.memory_space<hbm>>
    tpu.wait_indirect_dma semaphore(%arg15 : memref<!tpu.dma_semaphore, #tpu.memory_space<semaphore_mem>>) src(%dma_wait3A_539 : memref<4096x1024xf32, #tpu.memory_space<hbm>>) dst(%arg10 : memref<16x1024xf32, #tpu.memory_space<vmem>>)
    %dma_wait3A_540 = arith.constant 0 : i32
    %dma_wait3A_541 = tpu.memref_slice %arg2[%add3A_426, %dma_wait3A_540] : memref<2048x1024xf32, #tpu.memory_space<hbm>> -> memref<8x1024xf32, #tpu.memory_space<hbm>>
    %dma_wait3A_542 = arith.constant 0 : i32
    %dma_wait3A_543 = tpu.memref_slice %arg2[%add3A_426, %dma_wait3A_542] : memref<2048x1024xf32, #tpu.memory_space<hbm>> -> memref<8x1024xf32, #tpu.memory_space<hbm>>
    tpu.wait_dma2 semaphore(%arg16 : memref<!tpu.dma_semaphore, #tpu.memory_space<semaphore_mem>>) src(%dma_wait3A_543 : memref<8x1024xf32, #tpu.memory_space<hbm>>) dst(%arg12 : memref<8x1024xf32, #tpu.memory_space<vmem>>)
    %dma_wait3A_544 = arith.constant 0 : i32
    %dma_wait3A_545 = tpu.memref_slice %arg6[%add3A_413, %dma_wait3A_544] : memref<2048x1024xf32, #tpu.memory_space<hbm>> -> memref<8x1024xf32, #tpu.memory_space<hbm>>
    %dma_wait3A_546 = arith.constant 0 : i32
    %dma_wait3A_547 = tpu.memref_slice %arg6[%add3A_413, %dma_wait3A_546] : memref<2048x1024xf32, #tpu.memory_space<hbm>> -> memref<8x1024xf32, #tpu.memory_space<hbm>>
    tpu.wait_dma2 semaphore(%arg17 : memref<!tpu.dma_semaphore, #tpu.memory_space<semaphore_mem>>) src(%arg14 : memref<8x1024xf32, #tpu.memory_space<vmem>>) dst(%dma_wait3A_547 : memref<8x1024xf32, #tpu.memory_space<hbm>>)
    %get3A_548 = arith.constant 80 : i32
    %get3A_549 = arith.index_cast %get3A_548 : i32 to index
    %get3A_550 = arith.constant 0 : index
    %get3A_551 = tpu.vector_load %arg8[%get3A_549, %get3A_550] {strides = array<i32>} : memref<128x16xf32, #tpu.memory_space<vmem>>, vector<16xf32>,
    %get3A_552 = arith.constant 81 : i32
    %get3A_553 = arith.index_cast %get3A_552 : i32 to index
    %get3A_554 = arith.constant 0 : index
    %get3A_555 = tpu.vector_load %arg8[%get3A_553, %get3A_554] {strides = array<i32>} : memref<128x16xf32, #tpu.memory_space<vmem>>, vector<16xf32>,
    %get3A_556 = arith.constant 82 : i32
    %get3A_557 = arith.index_cast %get3A_556 : i32 to index
    %get3A_558 = arith.constant 0 : index
    %get3A_559 = tpu.vector_load %arg8[%get3A_557, %get3A_558] {strides = array<i32>} : memref<128x16xf32, #tpu.memory_space<vmem>>, vector<16xf32>,
    %get3A_560 = arith.constant 83 : i32
    %get3A_561 = arith.index_cast %get3A_560 : i32 to index
    %get3A_562 = arith.constant 0 : index
    %get3A_563 = tpu.vector_load %arg8[%get3A_561, %get3A_562] {strides = array<i32>} : memref<128x16xf32, #tpu.memory_space<vmem>>, vector<16xf32>,
    %get3A_564 = arith.constant 84 : i32
    %get3A_565 = arith.index_cast %get3A_564 : i32 to index
    %get3A_566 = arith.constant 0 : index
    %get3A_567 = tpu.vector_load %arg8[%get3A_565, %get3A_566] {strides = array<i32>} : memref<128x16xf32, #tpu.memory_space<vmem>>, vector<16xf32>,
    %get3A_568 = arith.constant 85 : i32
    %get3A_569 = arith.index_cast %get3A_568 : i32 to index
    %get3A_570 = arith.constant 0 : index
    %get3A_571 = tpu.vector_load %arg8[%get3A_569, %get3A_570] {strides = array<i32>} : memref<128x16xf32, #tpu.memory_space<vmem>>, vector<16xf32>,
    %get3A_572 = arith.constant 86 : i32
    %get3A_573 = arith.index_cast %get3A_572 : i32 to index
    %get3A_574 = arith.constant 0 : index
    %get3A_575 = tpu.vector_load %arg8[%get3A_573, %get3A_574] {strides = array<i32>} : memref<128x16xf32, #tpu.memory_space<vmem>>, vector<16xf32>,
    %get3A_576 = arith.constant 87 : i32
    %get3A_577 = arith.index_cast %get3A_576 : i32 to index
    %get3A_578 = arith.constant 0 : index
    %get3A_579 = tpu.vector_load %arg8[%get3A_577, %get3A_578] {strides = array<i32>} : memref<128x16xf32, #tpu.memory_space<vmem>>, vector<16xf32>,
    %get3A_580 = arith.constant 88 : i32
    %get3A_581 = arith.index_cast %get3A_580 : i32 to index
    %get3A_582 = arith.constant 0 : index
    %get3A_583 = tpu.vector_load %arg8[%get3A_581, %get3A_582] {strides = array<i32>} : memref<128x16xf32, #tpu.memory_space<vmem>>, vector<16xf32>,
    %get3A_584 = arith.constant 89 : i32
    %get3A_585 = arith.index_cast %get3A_584 : i32 to index
    %get3A_586 = arith.constant 0 : index
    %get3A_587 = tpu.vector_load %arg8[%get3A_585, %get3A_586] {strides = array<i32>} : memref<128x16xf32, #tpu.memory_space<vmem>>, vector<16xf32>,
    %get3A_588 = arith.constant 90 : i32
    %get3A_589 = arith.index_cast %get3A_588 : i32 to index
    %get3A_590 = arith.constant 0 : index
    %get3A_591 = tpu.vector_load %arg8[%get3A_589, %get3A_590] {strides = array<i32>} : memref<128x16xf32, #tpu.memory_space<vmem>>, vector<16xf32>,
    %get3A_592 = arith.constant 91 : i32
    %get3A_593 = arith.index_cast %get3A_592 : i32 to index
    %get3A_594 = arith.constant 0 : index
    %get3A_595 = tpu.vector_load %arg8[%get3A_593, %get3A_594] {strides = array<i32>} : memref<128x16xf32, #tpu.memory_space<vmem>>, vector<16xf32>,
    %get3A_596 = arith.constant 92 : i32
    %get3A_597 = arith.index_cast %get3A_596 : i32 to index
    %get3A_598 = arith.constant 0 : index
    %get3A_599 = tpu.vector_load %arg8[%get3A_597, %get3A_598] {strides = array<i32>} : memref<128x16xf32, #tpu.memory_space<vmem>>, vector<16xf32>,
    %get3A_600 = arith.constant 93 : i32
    %get3A_601 = arith.index_cast %get3A_600 : i32 to index
    %get3A_602 = arith.constant 0 : index
    %get3A_603 = tpu.vector_load %arg8[%get3A_601, %get3A_602] {strides = array<i32>} : memref<128x16xf32, #tpu.memory_space<vmem>>, vector<16xf32>,
    %get3A_604 = arith.constant 94 : i32
    %get3A_605 = arith.index_cast %get3A_604 : i32 to index
    %get3A_606 = arith.constant 0 : index
    %get3A_607 = tpu.vector_load %arg8[%get3A_605, %get3A_606] {strides = array<i32>} : memref<128x16xf32, #tpu.memory_space<vmem>>, vector<16xf32>,
    %get3A_608 = arith.constant 95 : i32
    %get3A_609 = arith.index_cast %get3A_608 : i32 to index
    %get3A_610 = arith.constant 0 : index
    %get3A_611 = tpu.vector_load %arg8[%get3A_609, %get3A_610] {strides = array<i32>} : memref<128x16xf32, #tpu.memory_space<vmem>>, vector<16xf32>,
    %scan3A_612 = arith.constant 0 : i32
    %scan3A_613 = arith.constant 0 : i32
    %scan3A_614 = arith.constant 64 : i32
    %scan3A_615 = arith.addi %scan3A_613, %scan3A_614 : i32
    %scan3A_616 = arith.constant 1 : i32
    scf.for %scan3A_829 = %scan3A_613 to %scan3A_615 step %scan3A_616  : i32 {
      %mul3A_830 = arith.constant 16 : i32
      %mul3A_831 = arith.muli %scan3A_829, %mul3A_830 : i32
      %get3A_832 = arith.constant 0 : i32
      %get3A_833 = arith.index_cast %get3A_832 : i32 to index
      %get3A_834 = arith.index_cast %mul3A_831 : i32 to index
      %get3A_835 = tpu.vector_load %arg12[%get3A_833, %get3A_834] {strides = array<i32>} : memref<8x1024xf32, #tpu.memory_space<vmem>>, vector<16xf32>,
      %get3A_836 = arith.constant 0 : i32
      %get3A_837 = arith.index_cast %get3A_836 : i32 to index
      %get3A_838 = arith.index_cast %mul3A_831 : i32 to index
      %get3A_839 = tpu.vector_load %arg10[%get3A_837, %get3A_838] {strides = array<i32>} : memref<16x1024xf32, #tpu.memory_space<vmem>>, vector<16xf32>,
      %mul3A_840 = arith.mulf %get3A_551, %get3A_839 : vector<16xf32>
      %add3A_841 = arith.addf %get3A_835, %mul3A_840 : vector<16xf32>
      %get3A_842 = arith.constant 1 : i32
      %get3A_843 = arith.index_cast %get3A_842 : i32 to index
      %get3A_844 = arith.index_cast %mul3A_831 : i32 to index
      %get3A_845 = tpu.vector_load %arg10[%get3A_843, %get3A_844] {strides = array<i32>} : memref<16x1024xf32, #tpu.memory_space<vmem>>, vector<16xf32>,
      %mul3A_846 = arith.mulf %get3A_555, %get3A_845 : vector<16xf32>
      %add3A_847 = arith.addf %add3A_841, %mul3A_846 : vector<16xf32>
      %max3A = arith.constant 0.000000e+00 : f32
      %max3A_848 = vector.broadcast %max3A : f32 to vector<16xf32>
      %max3A_849 = arith.maximumf %add3A_847, %max3A_848 : vector<16xf32>
      %swap3A = arith.constant 0 : i32
      %swap3A_850 = arith.index_cast %swap3A : i32 to index
      %swap3A_851 = arith.index_cast %mul3A_831 : i32 to index
      %swap3A_852 = tpu.vector_load %arg14[%swap3A_850, %swap3A_851] {strides = array<i32>} : memref<8x1024xf32, #tpu.memory_space<vmem>>, vector<16xf32>,
      tpu.vector_store %arg14[%swap3A_850, %swap3A_851], %max3A_849 {strides = array<i32>} : memref<8x1024xf32, #tpu.memory_space<vmem>>, vector<16xf32>,
      %get3A_853 = arith.constant 1 : i32
      %get3A_854 = arith.index_cast %get3A_853 : i32 to index
      %get3A_855 = arith.index_cast %mul3A_831 : i32 to index
      %get3A_856 = tpu.vector_load %arg12[%get3A_854, %get3A_855] {strides = array<i32>} : memref<8x1024xf32, #tpu.memory_space<vmem>>, vector<16xf32>,
      %get3A_857 = arith.constant 2 : i32
      %get3A_858 = arith.index_cast %get3A_857 : i32 to index
      %get3A_859 = arith.index_cast %mul3A_831 : i32 to index
      %get3A_860 = tpu.vector_load %arg10[%get3A_858, %get3A_859] {strides = array<i32>} : memref<16x1024xf32, #tpu.memory_space<vmem>>, vector<16xf32>,
      %mul3A_861 = arith.mulf %get3A_559, %get3A_860 : vector<16xf32>
      %add3A_862 = arith.addf %get3A_856, %mul3A_861 : vector<16xf32>
      %get3A_863 = arith.constant 3 : i32
      %get3A_864 = arith.index_cast %get3A_863 : i32 to index
      %get3A_865 = arith.index_cast %mul3A_831 : i32 to index
      %get3A_866 = tpu.vector_load %arg10[%get3A_864, %get3A_865] {strides = array<i32>} : memref<16x1024xf32, #tpu.memory_space<vmem>>, vector<16xf32>,
      %mul3A_867 = arith.mulf %get3A_563, %get3A_866 : vector<16xf32>
      %add3A_868 = arith.addf %add3A_862, %mul3A_867 : vector<16xf32>
      %max3A_869 = arith.constant 0.000000e+00 : f32
      %max3A_870 = vector.broadcast %max3A_869 : f32 to vector<16xf32>
      %max3A_871 = arith.maximumf %add3A_868, %max3A_870 : vector<16xf32>
      %swap3A_872 = arith.constant 1 : i32
      %swap3A_873 = arith.index_cast %swap3A_872 : i32 to index
      %swap3A_874 = arith.index_cast %mul3A_831 : i32 to index
      %swap3A_875 = tpu.vector_load %arg14[%swap3A_873, %swap3A_874] {strides = array<i32>} : memref<8x1024xf32, #tpu.memory_space<vmem>>, vector<16xf32>,
      tpu.vector_store %arg14[%swap3A_873, %swap3A_874], %max3A_871 {strides = array<i32>} : memref<8x1024xf32, #tpu.memory_space<vmem>>, vector<16xf32>,
      %get3A_876 = arith.constant 2 : i32
      %get3A_877 = arith.index_cast %get3A_876 : i32 to index
      %get3A_878 = arith.index_cast %mul3A_831 : i32 to index
      %get3A_879 = tpu.vector_load %arg12[%get3A_877, %get3A_878] {strides = array<i32>} : memref<8x1024xf32, #tpu.memory_space<vmem>>, vector<16xf32>,
      %get3A_880 = arith.constant 4 : i32
      %get3A_881 = arith.index_cast %get3A_880 : i32 to index
      %get3A_882 = arith.index_cast %mul3A_831 : i32 to index
      %get3A_883 = tpu.vector_load %arg10[%get3A_881, %get3A_882] {strides = array<i32>} : memref<16x1024xf32, #tpu.memory_space<vmem>>, vector<16xf32>,
      %mul3A_884 = arith.mulf %get3A_567, %get3A_883 : vector<16xf32>
      %add3A_885 = arith.addf %get3A_879, %mul3A_884 : vector<16xf32>
      %get3A_886 = arith.constant 5 : i32
      %get3A_887 = arith.index_cast %get3A_886 : i32 to index
      %get3A_888 = arith.index_cast %mul3A_831 : i32 to index
      %get3A_889 = tpu.vector_load %arg10[%get3A_887, %get3A_888] {strides = array<i32>} : memref<16x1024xf32, #tpu.memory_space<vmem>>, vector<16xf32>,
      %mul3A_890 = arith.mulf %get3A_571, %get3A_889 : vector<16xf32>
      %add3A_891 = arith.addf %add3A_885, %mul3A_890 : vector<16xf32>
      %max3A_892 = arith.constant 0.000000e+00 : f32
      %max3A_893 = vector.broadcast %max3A_892 : f32 to vector<16xf32>
      %max3A_894 = arith.maximumf %add3A_891, %max3A_893 : vector<16xf32>
      %swap3A_895 = arith.constant 2 : i32
      %swap3A_896 = arith.index_cast %swap3A_895 : i32 to index
      %swap3A_897 = arith.index_cast %mul3A_831 : i32 to index
      %swap3A_898 = tpu.vector_load %arg14[%swap3A_896, %swap3A_897] {strides = array<i32>} : memref<8x1024xf32, #tpu.memory_space<vmem>>, vector<16xf32>,
      tpu.vector_store %arg14[%swap3A_896, %swap3A_897], %max3A_894 {strides = array<i32>} : memref<8x1024xf32, #tpu.memory_space<vmem>>, vector<16xf32>,
      %get3A_899 = arith.constant 3 : i32
      %get3A_900 = arith.index_cast %get3A_899 : i32 to index
      %get3A_901 = arith.index_cast %mul3A_831 : i32 to index
      %get3A_902 = tpu.vector_load %arg12[%get3A_900, %get3A_901] {strides = array<i32>} : memref<8x1024xf32, #tpu.memory_space<vmem>>, vector<16xf32>,
      %get3A_903 = arith.constant 6 : i32
      %get3A_904 = arith.index_cast %get3A_903 : i32 to index
      %get3A_905 = arith.index_cast %mul3A_831 : i32 to index
      %get3A_906 = tpu.vector_load %arg10[%get3A_904, %get3A_905] {strides = array<i32>} : memref<16x1024xf32, #tpu.memory_space<vmem>>, vector<16xf32>,
      %mul3A_907 = arith.mulf %get3A_575, %get3A_906 : vector<16xf32>
      %add3A_908 = arith.addf %get3A_902, %mul3A_907 : vector<16xf32>
      %get3A_909 = arith.constant 7 : i32
      %get3A_910 = arith.index_cast %get3A_909 : i32 to index
      %get3A_911 = arith.index_cast %mul3A_831 : i32 to index
      %get3A_912 = tpu.vector_load %arg10[%get3A_910, %get3A_911] {strides = array<i32>} : memref<16x1024xf32, #tpu.memory_space<vmem>>, vector<16xf32>,
      %mul3A_913 = arith.mulf %get3A_579, %get3A_912 : vector<16xf32>
      %add3A_914 = arith.addf %add3A_908, %mul3A_913 : vector<16xf32>
      %max3A_915 = arith.constant 0.000000e+00 : f32
      %max3A_916 = vector.broadcast %max3A_915 : f32 to vector<16xf32>
      %max3A_917 = arith.maximumf %add3A_914, %max3A_916 : vector<16xf32>
      %swap3A_918 = arith.constant 3 : i32
      %swap3A_919 = arith.index_cast %swap3A_918 : i32 to index
      %swap3A_920 = arith.index_cast %mul3A_831 : i32 to index
      %swap3A_921 = tpu.vector_load %arg14[%swap3A_919, %swap3A_920] {strides = array<i32>} : memref<8x1024xf32, #tpu.memory_space<vmem>>, vector<16xf32>,
      tpu.vector_store %arg14[%swap3A_919, %swap3A_920], %max3A_917 {strides = array<i32>} : memref<8x1024xf32, #tpu.memory_space<vmem>>, vector<16xf32>,
      %get3A_922 = arith.constant 4 : i32
      %get3A_923 = arith.index_cast %get3A_922 : i32 to index
      %get3A_924 = arith.index_cast %mul3A_831 : i32 to index
      %get3A_925 = tpu.vector_load %arg12[%get3A_923, %get3A_924] {strides = array<i32>} : memref<8x1024xf32, #tpu.memory_space<vmem>>, vector<16xf32>,
      %get3A_926 = arith.constant 8 : i32
      %get3A_927 = arith.index_cast %get3A_926 : i32 to index
      %get3A_928 = arith.index_cast %mul3A_831 : i32 to index
      %get3A_929 = tpu.vector_load %arg10[%get3A_927, %get3A_928] {strides = array<i32>} : memref<16x1024xf32, #tpu.memory_space<vmem>>, vector<16xf32>,
      %mul3A_930 = arith.mulf %get3A_583, %get3A_929 : vector<16xf32>
      %add3A_931 = arith.addf %get3A_925, %mul3A_930 : vector<16xf32>
      %get3A_932 = arith.constant 9 : i32
      %get3A_933 = arith.index_cast %get3A_932 : i32 to index
      %get3A_934 = arith.index_cast %mul3A_831 : i32 to index
      %get3A_935 = tpu.vector_load %arg10[%get3A_933, %get3A_934] {strides = array<i32>} : memref<16x1024xf32, #tpu.memory_space<vmem>>, vector<16xf32>,
      %mul3A_936 = arith.mulf %get3A_587, %get3A_935 : vector<16xf32>
      %add3A_937 = arith.addf %add3A_931, %mul3A_936 : vector<16xf32>
      %max3A_938 = arith.constant 0.000000e+00 : f32
      %max3A_939 = vector.broadcast %max3A_938 : f32 to vector<16xf32>
      %max3A_940 = arith.maximumf %add3A_937, %max3A_939 : vector<16xf32>
      %swap3A_941 = arith.constant 4 : i32
      %swap3A_942 = arith.index_cast %swap3A_941 : i32 to index
      %swap3A_943 = arith.index_cast %mul3A_831 : i32 to index
      %swap3A_944 = tpu.vector_load %arg14[%swap3A_942, %swap3A_943] {strides = array<i32>} : memref<8x1024xf32, #tpu.memory_space<vmem>>, vector<16xf32>,
      tpu.vector_store %arg14[%swap3A_942, %swap3A_943], %max3A_940 {strides = array<i32>} : memref<8x1024xf32, #tpu.memory_space<vmem>>, vector<16xf32>,
      %get3A_945 = arith.constant 5 : i32
      %get3A_946 = arith.index_cast %get3A_945 : i32 to index
      %get3A_947 = arith.index_cast %mul3A_831 : i32 to index
      %get3A_948 = tpu.vector_load %arg12[%get3A_946, %get3A_947] {strides = array<i32>} : memref<8x1024xf32, #tpu.memory_space<vmem>>, vector<16xf32>,
      %get3A_949 = arith.constant 10 : i32
      %get3A_950 = arith.index_cast %get3A_949 : i32 to index
      %get3A_951 = arith.index_cast %mul3A_831 : i32 to index
      %get3A_952 = tpu.vector_load %arg10[%get3A_950, %get3A_951] {strides = array<i32>} : memref<16x1024xf32, #tpu.memory_space<vmem>>, vector<16xf32>,
      %mul3A_953 = arith.mulf %get3A_591, %get3A_952 : vector<16xf32>
      %add3A_954 = arith.addf %get3A_948, %mul3A_953 : vector<16xf32>
      %get3A_955 = arith.constant 11 : i32
      %get3A_956 = arith.index_cast %get3A_955 : i32 to index
      %get3A_957 = arith.index_cast %mul3A_831 : i32 to index
      %get3A_958 = tpu.vector_load %arg10[%get3A_956, %get3A_957] {strides = array<i32>} : memref<16x1024xf32, #tpu.memory_space<vmem>>, vector<16xf32>,
      %mul3A_959 = arith.mulf %get3A_595, %get3A_958 : vector<16xf32>
      %add3A_960 = arith.addf %add3A_954, %mul3A_959 : vector<16xf32>
      %max3A_961 = arith.constant 0.000000e+00 : f32
      %max3A_962 = vector.broadcast %max3A_961 : f32 to vector<16xf32>
      %max3A_963 = arith.maximumf %add3A_960, %max3A_962 : vector<16xf32>
      %swap3A_964 = arith.constant 5 : i32
      %swap3A_965 = arith.index_cast %swap3A_964 : i32 to index
      %swap3A_966 = arith.index_cast %mul3A_831 : i32 to index
      %swap3A_967 = tpu.vector_load %arg14[%swap3A_965, %swap3A_966] {strides = array<i32>} : memref<8x1024xf32, #tpu.memory_space<vmem>>, vector<16xf32>,
      tpu.vector_store %arg14[%swap3A_965, %swap3A_966], %max3A_963 {strides = array<i32>} : memref<8x1024xf32, #tpu.memory_space<vmem>>, vector<16xf32>,
      %get3A_968 = arith.constant 6 : i32
      %get3A_969 = arith.index_cast %get3A_968 : i32 to index
      %get3A_970 = arith.index_cast %mul3A_831 : i32 to index
      %get3A_971 = tpu.vector_load %arg12[%get3A_969, %get3A_970] {strides = array<i32>} : memref<8x1024xf32, #tpu.memory_space<vmem>>, vector<16xf32>,
      %get3A_972 = arith.constant 12 : i32
      %get3A_973 = arith.index_cast %get3A_972 : i32 to index
      %get3A_974 = arith.index_cast %mul3A_831 : i32 to index
      %get3A_975 = tpu.vector_load %arg10[%get3A_973, %get3A_974] {strides = array<i32>} : memref<16x1024xf32, #tpu.memory_space<vmem>>, vector<16xf32>,
      %mul3A_976 = arith.mulf %get3A_599, %get3A_975 : vector<16xf32>
      %add3A_977 = arith.addf %get3A_971, %mul3A_976 : vector<16xf32>
      %get3A_978 = arith.constant 13 : i32
      %get3A_979 = arith.index_cast %get3A_978 : i32 to index
      %get3A_980 = arith.index_cast %mul3A_831 : i32 to index
      %get3A_981 = tpu.vector_load %arg10[%get3A_979, %get3A_980] {strides = array<i32>} : memref<16x1024xf32, #tpu.memory_space<vmem>>, vector<16xf32>,
      %mul3A_982 = arith.mulf %get3A_603, %get3A_981 : vector<16xf32>
      %add3A_983 = arith.addf %add3A_977, %mul3A_982 : vector<16xf32>
      %max3A_984 = arith.constant 0.000000e+00 : f32
      %max3A_985 = vector.broadcast %max3A_984 : f32 to vector<16xf32>
      %max3A_986 = arith.maximumf %add3A_983, %max3A_985 : vector<16xf32>
      %swap3A_987 = arith.constant 6 : i32
      %swap3A_988 = arith.index_cast %swap3A_987 : i32 to index
      %swap3A_989 = arith.index_cast %mul3A_831 : i32 to index
      %swap3A_990 = tpu.vector_load %arg14[%swap3A_988, %swap3A_989] {strides = array<i32>} : memref<8x1024xf32, #tpu.memory_space<vmem>>, vector<16xf32>,
      tpu.vector_store %arg14[%swap3A_988, %swap3A_989], %max3A_986 {strides = array<i32>} : memref<8x1024xf32, #tpu.memory_space<vmem>>, vector<16xf32>,
      %get3A_991 = arith.constant 7 : i32
      %get3A_992 = arith.index_cast %get3A_991 : i32 to index
      %get3A_993 = arith.index_cast %mul3A_831 : i32 to index
      %get3A_994 = tpu.vector_load %arg12[%get3A_992, %get3A_993] {strides = array<i32>} : memref<8x1024xf32, #tpu.memory_space<vmem>>, vector<16xf32>,
      %get3A_995 = arith.constant 14 : i32
      %get3A_996 = arith.index_cast %get3A_995 : i32 to index
      %get3A_997 = arith.index_cast %mul3A_831 : i32 to index
      %get3A_998 = tpu.vector_load %arg10[%get3A_996, %get3A_997] {strides = array<i32>} : memref<16x1024xf32, #tpu.memory_space<vmem>>, vector<16xf32>,
      %mul3A_999 = arith.mulf %get3A_607, %get3A_998 : vector<16xf32>
      %add3A_1000 = arith.addf %get3A_994, %mul3A_999 : vector<16xf32>
      %get3A_1001 = arith.constant 15 : i32
      %get3A_1002 = arith.index_cast %get3A_1001 : i32 to index
      %get3A_1003 = arith.index_cast %mul3A_831 : i32 to index
      %get3A_1004 = tpu.vector_load %arg10[%get3A_1002, %get3A_1003] {strides = array<i32>} : memref<16x1024xf32, #tpu.memory_space<vmem>>, vector<16xf32>,
      %mul3A_1005 = arith.mulf %get3A_611, %get3A_1004 : vector<16xf32>
      %add3A_1006 = arith.addf %add3A_1000, %mul3A_1005 : vector<16xf32>
      %max3A_1007 = arith.constant 0.000000e+00 : f32
      %max3A_1008 = vector.broadcast %max3A_1007 : f32 to vector<16xf32>
      %max3A_1009 = arith.maximumf %add3A_1006, %max3A_1008 : vector<16xf32>
      %swap3A_1010 = arith.constant 7 : i32
      %swap3A_1011 = arith.index_cast %swap3A_1010 : i32 to index
      %swap3A_1012 = arith.index_cast %mul3A_831 : i32 to index
      %swap3A_1013 = tpu.vector_load %arg14[%swap3A_1011, %swap3A_1012] {strides = array<i32>} : memref<8x1024xf32, #tpu.memory_space<vmem>>, vector<16xf32>,
      tpu.vector_store %arg14[%swap3A_1011, %swap3A_1012], %max3A_1009 {strides = array<i32>} : memref<8x1024xf32, #tpu.memory_space<vmem>>, vector<16xf32>,
    }
    %scan3A_617 = arith.constant 64 : i32
    %mul3A_618 = arith.constant 64 : i32
    %mul3A_619 = arith.muli %add3A, %mul3A_618 : i32
    %add3A_620 = arith.constant 40 : i32
    %add3A_621 = arith.addi %mul3A_619, %add3A_620 : i32
    %dma_start3A_622 = arith.constant 0 : i32
    %dma_start3A_623 = tpu.memref_slice %arg6[%add3A_621, %dma_start3A_622] : memref<2048x1024xf32, #tpu.memory_space<hbm>> -> memref<8x1024xf32, #tpu.memory_space<hbm>>
    %dma_start3A_624 = arith.constant 0 : i32
    %dma_start3A_625 = tpu.memref_slice %arg6[%add3A_621, %dma_start3A_624] : memref<2048x1024xf32, #tpu.memory_space<hbm>> -> memref<8x1024xf32, #tpu.memory_space<hbm>>
    tpu.enqueue_dma source(%arg14 : memref<8x1024xf32, #tpu.memory_space<vmem>>) target(%dma_start3A_625 : memref<8x1024xf32, #tpu.memory_space<hbm>>) target_semaphore(%arg17 : memref<!tpu.dma_semaphore, #tpu.memory_space<semaphore_mem>>)
    %dma_start3A_626 = arith.constant 112 : i32
    %dma_start3A_627 = tpu.memref_slice %arg7[%dma_start3A_626] : memref<128xi32, #tpu.memory_space<vmem>> -> memref<16xi32, #tpu.memory_space<vmem>>
    %dma_start3A_628 = arith.constant 0 : i32
    %dma_start3A_629 = arith.constant 0 : i32
    %dma_start3A_630 = tpu.memref_slice %arg3[%dma_start3A_628, %dma_start3A_629] : memref<4096x1024xf32, #tpu.memory_space<hbm>> -> memref<4096x1024xf32, #tpu.memory_space<hbm>>
    tpu.enqueue_indirect_dma source(%dma_start3A_630 : memref<4096x1024xf32, #tpu.memory_space<hbm>>) target(%arg10 : memref<16x1024xf32, #tpu.memory_space<vmem>>) offsets(%dma_start3A_627 : memref<16xi32, #tpu.memory_space<vmem>>) semaphore(%arg15 : memref<!tpu.dma_semaphore, #tpu.memory_space<semaphore_mem>>)
    %mul3A_631 = arith.constant 64 : i32
    %mul3A_632 = arith.muli %add3A, %mul3A_631 : i32
    %add3A_633 = arith.constant 56 : i32
    %add3A_634 = arith.addi %mul3A_632, %add3A_633 : i32
    %dma_start3A_635 = arith.constant 0 : i32
    %dma_start3A_636 = tpu.memref_slice %arg2[%add3A_634, %dma_start3A_635] : memref<2048x1024xf32, #tpu.memory_space<hbm>> -> memref<8x1024xf32, #tpu.memory_space<hbm>>
    %dma_start3A_637 = arith.constant 0 : i32
    %dma_start3A_638 = tpu.memref_slice %arg2[%add3A_634, %dma_start3A_637] : memref<2048x1024xf32, #tpu.memory_space<hbm>> -> memref<8x1024xf32, #tpu.memory_space<hbm>>
    tpu.enqueue_dma source(%dma_start3A_638 : memref<8x1024xf32, #tpu.memory_space<hbm>>) target(%arg12 : memref<8x1024xf32, #tpu.memory_space<vmem>>) target_semaphore(%arg16 : memref<!tpu.dma_semaphore, #tpu.memory_space<semaphore_mem>>)
    %dma_wait3A_639 = arith.constant 96 : i32
    %dma_wait3A_640 = tpu.memref_slice %arg7[%dma_wait3A_639] : memref<128xi32, #tpu.memory_space<vmem>> -> memref<16xi32, #tpu.memory_space<vmem>>
    %dma_wait3A_641 = arith.constant 0 : i32
    %dma_wait3A_642 = arith.constant 0 : i32
    %dma_wait3A_643 = tpu.memref_slice %arg3[%dma_wait3A_641, %dma_wait3A_642] : memref<4096x1024xf32, #tpu.memory_space<hbm>> -> memref<4096x1024xf32, #tpu.memory_space<hbm>>
    tpu.wait_indirect_dma semaphore(%arg15 : memref<!tpu.dma_semaphore, #tpu.memory_space<semaphore_mem>>) src(%dma_wait3A_643 : memref<4096x1024xf32, #tpu.memory_space<hbm>>) dst(%arg9 : memref<16x1024xf32, #tpu.memory_space<vmem>>)
    %dma_wait3A_644 = arith.constant 0 : i32
    %dma_wait3A_645 = tpu.memref_slice %arg2[%add3A_530, %dma_wait3A_644] : memref<2048x1024xf32, #tpu.memory_space<hbm>> -> memref<8x1024xf32, #tpu.memory_space<hbm>>
    %dma_wait3A_646 = arith.constant 0 : i32
    %dma_wait3A_647 = tpu.memref_slice %arg2[%add3A_530, %dma_wait3A_646] : memref<2048x1024xf32, #tpu.memory_space<hbm>> -> memref<8x1024xf32, #tpu.memory_space<hbm>>
    tpu.wait_dma2 semaphore(%arg16 : memref<!tpu.dma_semaphore, #tpu.memory_space<semaphore_mem>>) src(%dma_wait3A_647 : memref<8x1024xf32, #tpu.memory_space<hbm>>) dst(%arg11 : memref<8x1024xf32, #tpu.memory_space<vmem>>)
    %dma_wait3A_648 = arith.constant 0 : i32
    %dma_wait3A_649 = tpu.memref_slice %arg6[%add3A_517, %dma_wait3A_648] : memref<2048x1024xf32, #tpu.memory_space<hbm>> -> memref<8x1024xf32, #tpu.memory_space<hbm>>
    %dma_wait3A_650 = arith.constant 0 : i32
    %dma_wait3A_651 = tpu.memref_slice %arg6[%add3A_517, %dma_wait3A_650] : memref<2048x1024xf32, #tpu.memory_space<hbm>> -> memref<8x1024xf32, #tpu.memory_space<hbm>>
    tpu.wait_dma2 semaphore(%arg17 : memref<!tpu.dma_semaphore, #tpu.memory_space<semaphore_mem>>) src(%arg13 : memref<8x1024xf32, #tpu.memory_space<vmem>>) dst(%dma_wait3A_651 : memref<8x1024xf32, #tpu.memory_space<hbm>>)
    %get3A_652 = arith.constant 96 : i32
    %get3A_653 = arith.index_cast %get3A_652 : i32 to index
    %get3A_654 = arith.constant 0 : index
    %get3A_655 = tpu.vector_load %arg8[%get3A_653, %get3A_654] {strides = array<i32>} : memref<128x16xf32, #tpu.memory_space<vmem>>, vector<16xf32>,
    %get3A_656 = arith.constant 97 : i32
    %get3A_657 = arith.index_cast %get3A_656 : i32 to index
    %get3A_658 = arith.constant 0 : index
    %get3A_659 = tpu.vector_load %arg8[%get3A_657, %get3A_658] {strides = array<i32>} : memref<128x16xf32, #tpu.memory_space<vmem>>, vector<16xf32>,
    %get3A_660 = arith.constant 98 : i32
    %get3A_661 = arith.index_cast %get3A_660 : i32 to index
    %get3A_662 = arith.constant 0 : index
    %get3A_663 = tpu.vector_load %arg8[%get3A_661, %get3A_662] {strides = array<i32>} : memref<128x16xf32, #tpu.memory_space<vmem>>, vector<16xf32>,
    %get3A_664 = arith.constant 99 : i32
    %get3A_665 = arith.index_cast %get3A_664 : i32 to index
    %get3A_666 = arith.constant 0 : index
    %get3A_667 = tpu.vector_load %arg8[%get3A_665, %get3A_666] {strides = array<i32>} : memref<128x16xf32, #tpu.memory_space<vmem>>, vector<16xf32>,
    %get3A_668 = arith.constant 100 : i32
    %get3A_669 = arith.index_cast %get3A_668 : i32 to index
    %get3A_670 = arith.constant 0 : index
    %get3A_671 = tpu.vector_load %arg8[%get3A_669, %get3A_670] {strides = array<i32>} : memref<128x16xf32, #tpu.memory_space<vmem>>, vector<16xf32>,
    %get3A_672 = arith.constant 101 : i32
    %get3A_673 = arith.index_cast %get3A_672 : i32 to index
    %get3A_674 = arith.constant 0 : index
    %get3A_675 = tpu.vector_load %arg8[%get3A_673, %get3A_674] {strides = array<i32>} : memref<128x16xf32, #tpu.memory_space<vmem>>, vector<16xf32>,
    %get3A_676 = arith.constant 102 : i32
    %get3A_677 = arith.index_cast %get3A_676 : i32 to index
    %get3A_678 = arith.constant 0 : index
    %get3A_679 = tpu.vector_load %arg8[%get3A_677, %get3A_678] {strides = array<i32>} : memref<128x16xf32, #tpu.memory_space<vmem>>, vector<16xf32>,
    %get3A_680 = arith.constant 103 : i32
    %get3A_681 = arith.index_cast %get3A_680 : i32 to index
    %get3A_682 = arith.constant 0 : index
    %get3A_683 = tpu.vector_load %arg8[%get3A_681, %get3A_682] {strides = array<i32>} : memref<128x16xf32, #tpu.memory_space<vmem>>, vector<16xf32>,
    %get3A_684 = arith.constant 104 : i32
    %get3A_685 = arith.index_cast %get3A_684 : i32 to index
    %get3A_686 = arith.constant 0 : index
    %get3A_687 = tpu.vector_load %arg8[%get3A_685, %get3A_686] {strides = array<i32>} : memref<128x16xf32, #tpu.memory_space<vmem>>, vector<16xf32>,
    %get3A_688 = arith.constant 105 : i32
    %get3A_689 = arith.index_cast %get3A_688 : i32 to index
    %get3A_690 = arith.constant 0 : index
    %get3A_691 = tpu.vector_load %arg8[%get3A_689, %get3A_690] {strides = array<i32>} : memref<128x16xf32, #tpu.memory_space<vmem>>, vector<16xf32>,
    %get3A_692 = arith.constant 106 : i32
    %get3A_693 = arith.index_cast %get3A_692 : i32 to index
    %get3A_694 = arith.constant 0 : index
    %get3A_695 = tpu.vector_load %arg8[%get3A_693, %get3A_694] {strides = array<i32>} : memref<128x16xf32, #tpu.memory_space<vmem>>, vector<16xf32>,
    %get3A_696 = arith.constant 107 : i32
    %get3A_697 = arith.index_cast %get3A_696 : i32 to index
    %get3A_698 = arith.constant 0 : index
    %get3A_699 = tpu.vector_load %arg8[%get3A_697, %get3A_698] {strides = array<i32>} : memref<128x16xf32, #tpu.memory_space<vmem>>, vector<16xf32>,
    %get3A_700 = arith.constant 108 : i32
    %get3A_701 = arith.index_cast %get3A_700 : i32 to index
    %get3A_702 = arith.constant 0 : index
    %get3A_703 = tpu.vector_load %arg8[%get3A_701, %get3A_702] {strides = array<i32>} : memref<128x16xf32, #tpu.memory_space<vmem>>, vector<16xf32>,
    %get3A_704 = arith.constant 109 : i32
    %get3A_705 = arith.index_cast %get3A_704 : i32 to index
    %get3A_706 = arith.constant 0 : index
    %get3A_707 = tpu.vector_load %arg8[%get3A_705, %get3A_706] {strides = array<i32>} : memref<128x16xf32, #tpu.memory_space<vmem>>, vector<16xf32>,
    %get3A_708 = arith.constant 110 : i32
    %get3A_709 = arith.index_cast %get3A_708 : i32 to index
    %get3A_710 = arith.constant 0 : index
    %get3A_711 = tpu.vector_load %arg8[%get3A_709, %get3A_710] {strides = array<i32>} : memref<128x16xf32, #tpu.memory_space<vmem>>, vector<16xf32>,
    %get3A_712 = arith.constant 111 : i32
    %get3A_713 = arith.index_cast %get3A_712 : i32 to index
    %get3A_714 = arith.constant 0 : index
    %get3A_715 = tpu.vector_load %arg8[%get3A_713, %get3A_714] {strides = array<i32>} : memref<128x16xf32, #tpu.memory_space<vmem>>, vector<16xf32>,
    %scan3A_716 = arith.constant 0 : i32
    %scan3A_717 = arith.constant 0 : i32
    %scan3A_718 = arith.constant 64 : i32
    %scan3A_719 = arith.addi %scan3A_717, %scan3A_718 : i32
    %scan3A_720 = arith.constant 1 : i32
    scf.for %scan3A_829 = %scan3A_717 to %scan3A_719 step %scan3A_720  : i32 {
      %mul3A_830 = arith.constant 16 : i32
      %mul3A_831 = arith.muli %scan3A_829, %mul3A_830 : i32
      %get3A_832 = arith.constant 0 : i32
      %get3A_833 = arith.index_cast %get3A_832 : i32 to index
      %get3A_834 = arith.index_cast %mul3A_831 : i32 to index
      %get3A_835 = tpu.vector_load %arg11[%get3A_833, %get3A_834] {strides = array<i32>} : memref<8x1024xf32, #tpu.memory_space<vmem>>, vector<16xf32>,
      %get3A_836 = arith.constant 0 : i32
      %get3A_837 = arith.index_cast %get3A_836 : i32 to index
      %get3A_838 = arith.index_cast %mul3A_831 : i32 to index
      %get3A_839 = tpu.vector_load %arg9[%get3A_837, %get3A_838] {strides = array<i32>} : memref<16x1024xf32, #tpu.memory_space<vmem>>, vector<16xf32>,
      %mul3A_840 = arith.mulf %get3A_655, %get3A_839 : vector<16xf32>
      %add3A_841 = arith.addf %get3A_835, %mul3A_840 : vector<16xf32>
      %get3A_842 = arith.constant 1 : i32
      %get3A_843 = arith.index_cast %get3A_842 : i32 to index
      %get3A_844 = arith.index_cast %mul3A_831 : i32 to index
      %get3A_845 = tpu.vector_load %arg9[%get3A_843, %get3A_844] {strides = array<i32>} : memref<16x1024xf32, #tpu.memory_space<vmem>>, vector<16xf32>,
      %mul3A_846 = arith.mulf %get3A_659, %get3A_845 : vector<16xf32>
      %add3A_847 = arith.addf %add3A_841, %mul3A_846 : vector<16xf32>
      %max3A = arith.constant 0.000000e+00 : f32
      %max3A_848 = vector.broadcast %max3A : f32 to vector<16xf32>
      %max3A_849 = arith.maximumf %add3A_847, %max3A_848 : vector<16xf32>
      %swap3A = arith.constant 0 : i32
      %swap3A_850 = arith.index_cast %swap3A : i32 to index
      %swap3A_851 = arith.index_cast %mul3A_831 : i32 to index
      %swap3A_852 = tpu.vector_load %arg13[%swap3A_850, %swap3A_851] {strides = array<i32>} : memref<8x1024xf32, #tpu.memory_space<vmem>>, vector<16xf32>,
      tpu.vector_store %arg13[%swap3A_850, %swap3A_851], %max3A_849 {strides = array<i32>} : memref<8x1024xf32, #tpu.memory_space<vmem>>, vector<16xf32>,
      %get3A_853 = arith.constant 1 : i32
      %get3A_854 = arith.index_cast %get3A_853 : i32 to index
      %get3A_855 = arith.index_cast %mul3A_831 : i32 to index
      %get3A_856 = tpu.vector_load %arg11[%get3A_854, %get3A_855] {strides = array<i32>} : memref<8x1024xf32, #tpu.memory_space<vmem>>, vector<16xf32>,
      %get3A_857 = arith.constant 2 : i32
      %get3A_858 = arith.index_cast %get3A_857 : i32 to index
      %get3A_859 = arith.index_cast %mul3A_831 : i32 to index
      %get3A_860 = tpu.vector_load %arg9[%get3A_858, %get3A_859] {strides = array<i32>} : memref<16x1024xf32, #tpu.memory_space<vmem>>, vector<16xf32>,
      %mul3A_861 = arith.mulf %get3A_663, %get3A_860 : vector<16xf32>
      %add3A_862 = arith.addf %get3A_856, %mul3A_861 : vector<16xf32>
      %get3A_863 = arith.constant 3 : i32
      %get3A_864 = arith.index_cast %get3A_863 : i32 to index
      %get3A_865 = arith.index_cast %mul3A_831 : i32 to index
      %get3A_866 = tpu.vector_load %arg9[%get3A_864, %get3A_865] {strides = array<i32>} : memref<16x1024xf32, #tpu.memory_space<vmem>>, vector<16xf32>,
      %mul3A_867 = arith.mulf %get3A_667, %get3A_866 : vector<16xf32>
      %add3A_868 = arith.addf %add3A_862, %mul3A_867 : vector<16xf32>
      %max3A_869 = arith.constant 0.000000e+00 : f32
      %max3A_870 = vector.broadcast %max3A_869 : f32 to vector<16xf32>
      %max3A_871 = arith.maximumf %add3A_868, %max3A_870 : vector<16xf32>
      %swap3A_872 = arith.constant 1 : i32
      %swap3A_873 = arith.index_cast %swap3A_872 : i32 to index
      %swap3A_874 = arith.index_cast %mul3A_831 : i32 to index
      %swap3A_875 = tpu.vector_load %arg13[%swap3A_873, %swap3A_874] {strides = array<i32>} : memref<8x1024xf32, #tpu.memory_space<vmem>>, vector<16xf32>,
      tpu.vector_store %arg13[%swap3A_873, %swap3A_874], %max3A_871 {strides = array<i32>} : memref<8x1024xf32, #tpu.memory_space<vmem>>, vector<16xf32>,
      %get3A_876 = arith.constant 2 : i32
      %get3A_877 = arith.index_cast %get3A_876 : i32 to index
      %get3A_878 = arith.index_cast %mul3A_831 : i32 to index
      %get3A_879 = tpu.vector_load %arg11[%get3A_877, %get3A_878] {strides = array<i32>} : memref<8x1024xf32, #tpu.memory_space<vmem>>, vector<16xf32>,
      %get3A_880 = arith.constant 4 : i32
      %get3A_881 = arith.index_cast %get3A_880 : i32 to index
      %get3A_882 = arith.index_cast %mul3A_831 : i32 to index
      %get3A_883 = tpu.vector_load %arg9[%get3A_881, %get3A_882] {strides = array<i32>} : memref<16x1024xf32, #tpu.memory_space<vmem>>, vector<16xf32>,
      %mul3A_884 = arith.mulf %get3A_671, %get3A_883 : vector<16xf32>
      %add3A_885 = arith.addf %get3A_879, %mul3A_884 : vector<16xf32>
      %get3A_886 = arith.constant 5 : i32
      %get3A_887 = arith.index_cast %get3A_886 : i32 to index
      %get3A_888 = arith.index_cast %mul3A_831 : i32 to index
      %get3A_889 = tpu.vector_load %arg9[%get3A_887, %get3A_888] {strides = array<i32>} : memref<16x1024xf32, #tpu.memory_space<vmem>>, vector<16xf32>,
      %mul3A_890 = arith.mulf %get3A_675, %get3A_889 : vector<16xf32>
      %add3A_891 = arith.addf %add3A_885, %mul3A_890 : vector<16xf32>
      %max3A_892 = arith.constant 0.000000e+00 : f32
      %max3A_893 = vector.broadcast %max3A_892 : f32 to vector<16xf32>
      %max3A_894 = arith.maximumf %add3A_891, %max3A_893 : vector<16xf32>
      %swap3A_895 = arith.constant 2 : i32
      %swap3A_896 = arith.index_cast %swap3A_895 : i32 to index
      %swap3A_897 = arith.index_cast %mul3A_831 : i32 to index
      %swap3A_898 = tpu.vector_load %arg13[%swap3A_896, %swap3A_897] {strides = array<i32>} : memref<8x1024xf32, #tpu.memory_space<vmem>>, vector<16xf32>,
      tpu.vector_store %arg13[%swap3A_896, %swap3A_897], %max3A_894 {strides = array<i32>} : memref<8x1024xf32, #tpu.memory_space<vmem>>, vector<16xf32>,
      %get3A_899 = arith.constant 3 : i32
      %get3A_900 = arith.index_cast %get3A_899 : i32 to index
      %get3A_901 = arith.index_cast %mul3A_831 : i32 to index
      %get3A_902 = tpu.vector_load %arg11[%get3A_900, %get3A_901] {strides = array<i32>} : memref<8x1024xf32, #tpu.memory_space<vmem>>, vector<16xf32>,
      %get3A_903 = arith.constant 6 : i32
      %get3A_904 = arith.index_cast %get3A_903 : i32 to index
      %get3A_905 = arith.index_cast %mul3A_831 : i32 to index
      %get3A_906 = tpu.vector_load %arg9[%get3A_904, %get3A_905] {strides = array<i32>} : memref<16x1024xf32, #tpu.memory_space<vmem>>, vector<16xf32>,
      %mul3A_907 = arith.mulf %get3A_679, %get3A_906 : vector<16xf32>
      %add3A_908 = arith.addf %get3A_902, %mul3A_907 : vector<16xf32>
      %get3A_909 = arith.constant 7 : i32
      %get3A_910 = arith.index_cast %get3A_909 : i32 to index
      %get3A_911 = arith.index_cast %mul3A_831 : i32 to index
      %get3A_912 = tpu.vector_load %arg9[%get3A_910, %get3A_911] {strides = array<i32>} : memref<16x1024xf32, #tpu.memory_space<vmem>>, vector<16xf32>,
      %mul3A_913 = arith.mulf %get3A_683, %get3A_912 : vector<16xf32>
      %add3A_914 = arith.addf %add3A_908, %mul3A_913 : vector<16xf32>
      %max3A_915 = arith.constant 0.000000e+00 : f32
      %max3A_916 = vector.broadcast %max3A_915 : f32 to vector<16xf32>
      %max3A_917 = arith.maximumf %add3A_914, %max3A_916 : vector<16xf32>
      %swap3A_918 = arith.constant 3 : i32
      %swap3A_919 = arith.index_cast %swap3A_918 : i32 to index
      %swap3A_920 = arith.index_cast %mul3A_831 : i32 to index
      %swap3A_921 = tpu.vector_load %arg13[%swap3A_919, %swap3A_920] {strides = array<i32>} : memref<8x1024xf32, #tpu.memory_space<vmem>>, vector<16xf32>,
      tpu.vector_store %arg13[%swap3A_919, %swap3A_920], %max3A_917 {strides = array<i32>} : memref<8x1024xf32, #tpu.memory_space<vmem>>, vector<16xf32>,
      %get3A_922 = arith.constant 4 : i32
      %get3A_923 = arith.index_cast %get3A_922 : i32 to index
      %get3A_924 = arith.index_cast %mul3A_831 : i32 to index
      %get3A_925 = tpu.vector_load %arg11[%get3A_923, %get3A_924] {strides = array<i32>} : memref<8x1024xf32, #tpu.memory_space<vmem>>, vector<16xf32>,
      %get3A_926 = arith.constant 8 : i32
      %get3A_927 = arith.index_cast %get3A_926 : i32 to index
      %get3A_928 = arith.index_cast %mul3A_831 : i32 to index
      %get3A_929 = tpu.vector_load %arg9[%get3A_927, %get3A_928] {strides = array<i32>} : memref<16x1024xf32, #tpu.memory_space<vmem>>, vector<16xf32>,
      %mul3A_930 = arith.mulf %get3A_687, %get3A_929 : vector<16xf32>
      %add3A_931 = arith.addf %get3A_925, %mul3A_930 : vector<16xf32>
      %get3A_932 = arith.constant 9 : i32
      %get3A_933 = arith.index_cast %get3A_932 : i32 to index
      %get3A_934 = arith.index_cast %mul3A_831 : i32 to index
      %get3A_935 = tpu.vector_load %arg9[%get3A_933, %get3A_934] {strides = array<i32>} : memref<16x1024xf32, #tpu.memory_space<vmem>>, vector<16xf32>,
      %mul3A_936 = arith.mulf %get3A_691, %get3A_935 : vector<16xf32>
      %add3A_937 = arith.addf %add3A_931, %mul3A_936 : vector<16xf32>
      %max3A_938 = arith.constant 0.000000e+00 : f32
      %max3A_939 = vector.broadcast %max3A_938 : f32 to vector<16xf32>
      %max3A_940 = arith.maximumf %add3A_937, %max3A_939 : vector<16xf32>
      %swap3A_941 = arith.constant 4 : i32
      %swap3A_942 = arith.index_cast %swap3A_941 : i32 to index
      %swap3A_943 = arith.index_cast %mul3A_831 : i32 to index
      %swap3A_944 = tpu.vector_load %arg13[%swap3A_942, %swap3A_943] {strides = array<i32>} : memref<8x1024xf32, #tpu.memory_space<vmem>>, vector<16xf32>,
      tpu.vector_store %arg13[%swap3A_942, %swap3A_943], %max3A_940 {strides = array<i32>} : memref<8x1024xf32, #tpu.memory_space<vmem>>, vector<16xf32>,
      %get3A_945 = arith.constant 5 : i32
      %get3A_946 = arith.index_cast %get3A_945 : i32 to index
      %get3A_947 = arith.index_cast %mul3A_831 : i32 to index
      %get3A_948 = tpu.vector_load %arg11[%get3A_946, %get3A_947] {strides = array<i32>} : memref<8x1024xf32, #tpu.memory_space<vmem>>, vector<16xf32>,
      %get3A_949 = arith.constant 10 : i32
      %get3A_950 = arith.index_cast %get3A_949 : i32 to index
      %get3A_951 = arith.index_cast %mul3A_831 : i32 to index
      %get3A_952 = tpu.vector_load %arg9[%get3A_950, %get3A_951] {strides = array<i32>} : memref<16x1024xf32, #tpu.memory_space<vmem>>, vector<16xf32>,
      %mul3A_953 = arith.mulf %get3A_695, %get3A_952 : vector<16xf32>
      %add3A_954 = arith.addf %get3A_948, %mul3A_953 : vector<16xf32>
      %get3A_955 = arith.constant 11 : i32
      %get3A_956 = arith.index_cast %get3A_955 : i32 to index
      %get3A_957 = arith.index_cast %mul3A_831 : i32 to index
      %get3A_958 = tpu.vector_load %arg9[%get3A_956, %get3A_957] {strides = array<i32>} : memref<16x1024xf32, #tpu.memory_space<vmem>>, vector<16xf32>,
      %mul3A_959 = arith.mulf %get3A_699, %get3A_958 : vector<16xf32>
      %add3A_960 = arith.addf %add3A_954, %mul3A_959 : vector<16xf32>
      %max3A_961 = arith.constant 0.000000e+00 : f32
      %max3A_962 = vector.broadcast %max3A_961 : f32 to vector<16xf32>
      %max3A_963 = arith.maximumf %add3A_960, %max3A_962 : vector<16xf32>
      %swap3A_964 = arith.constant 5 : i32
      %swap3A_965 = arith.index_cast %swap3A_964 : i32 to index
      %swap3A_966 = arith.index_cast %mul3A_831 : i32 to index
      %swap3A_967 = tpu.vector_load %arg13[%swap3A_965, %swap3A_966] {strides = array<i32>} : memref<8x1024xf32, #tpu.memory_space<vmem>>, vector<16xf32>,
      tpu.vector_store %arg13[%swap3A_965, %swap3A_966], %max3A_963 {strides = array<i32>} : memref<8x1024xf32, #tpu.memory_space<vmem>>, vector<16xf32>,
      %get3A_968 = arith.constant 6 : i32
      %get3A_969 = arith.index_cast %get3A_968 : i32 to index
      %get3A_970 = arith.index_cast %mul3A_831 : i32 to index
      %get3A_971 = tpu.vector_load %arg11[%get3A_969, %get3A_970] {strides = array<i32>} : memref<8x1024xf32, #tpu.memory_space<vmem>>, vector<16xf32>,
      %get3A_972 = arith.constant 12 : i32
      %get3A_973 = arith.index_cast %get3A_972 : i32 to index
      %get3A_974 = arith.index_cast %mul3A_831 : i32 to index
      %get3A_975 = tpu.vector_load %arg9[%get3A_973, %get3A_974] {strides = array<i32>} : memref<16x1024xf32, #tpu.memory_space<vmem>>, vector<16xf32>,
      %mul3A_976 = arith.mulf %get3A_703, %get3A_975 : vector<16xf32>
      %add3A_977 = arith.addf %get3A_971, %mul3A_976 : vector<16xf32>
      %get3A_978 = arith.constant 13 : i32
      %get3A_979 = arith.index_cast %get3A_978 : i32 to index
      %get3A_980 = arith.index_cast %mul3A_831 : i32 to index
      %get3A_981 = tpu.vector_load %arg9[%get3A_979, %get3A_980] {strides = array<i32>} : memref<16x1024xf32, #tpu.memory_space<vmem>>, vector<16xf32>,
      %mul3A_982 = arith.mulf %get3A_707, %get3A_981 : vector<16xf32>
      %add3A_983 = arith.addf %add3A_977, %mul3A_982 : vector<16xf32>
      %max3A_984 = arith.constant 0.000000e+00 : f32
      %max3A_985 = vector.broadcast %max3A_984 : f32 to vector<16xf32>
      %max3A_986 = arith.maximumf %add3A_983, %max3A_985 : vector<16xf32>
      %swap3A_987 = arith.constant 6 : i32
      %swap3A_988 = arith.index_cast %swap3A_987 : i32 to index
      %swap3A_989 = arith.index_cast %mul3A_831 : i32 to index
      %swap3A_990 = tpu.vector_load %arg13[%swap3A_988, %swap3A_989] {strides = array<i32>} : memref<8x1024xf32, #tpu.memory_space<vmem>>, vector<16xf32>,
      tpu.vector_store %arg13[%swap3A_988, %swap3A_989], %max3A_986 {strides = array<i32>} : memref<8x1024xf32, #tpu.memory_space<vmem>>, vector<16xf32>,
      %get3A_991 = arith.constant 7 : i32
      %get3A_992 = arith.index_cast %get3A_991 : i32 to index
      %get3A_993 = arith.index_cast %mul3A_831 : i32 to index
      %get3A_994 = tpu.vector_load %arg11[%get3A_992, %get3A_993] {strides = array<i32>} : memref<8x1024xf32, #tpu.memory_space<vmem>>, vector<16xf32>,
      %get3A_995 = arith.constant 14 : i32
      %get3A_996 = arith.index_cast %get3A_995 : i32 to index
      %get3A_997 = arith.index_cast %mul3A_831 : i32 to index
      %get3A_998 = tpu.vector_load %arg9[%get3A_996, %get3A_997] {strides = array<i32>} : memref<16x1024xf32, #tpu.memory_space<vmem>>, vector<16xf32>,
      %mul3A_999 = arith.mulf %get3A_711, %get3A_998 : vector<16xf32>
      %add3A_1000 = arith.addf %get3A_994, %mul3A_999 : vector<16xf32>
      %get3A_1001 = arith.constant 15 : i32
      %get3A_1002 = arith.index_cast %get3A_1001 : i32 to index
      %get3A_1003 = arith.index_cast %mul3A_831 : i32 to index
      %get3A_1004 = tpu.vector_load %arg9[%get3A_1002, %get3A_1003] {strides = array<i32>} : memref<16x1024xf32, #tpu.memory_space<vmem>>, vector<16xf32>,
      %mul3A_1005 = arith.mulf %get3A_715, %get3A_1004 : vector<16xf32>
      %add3A_1006 = arith.addf %add3A_1000, %mul3A_1005 : vector<16xf32>
      %max3A_1007 = arith.constant 0.000000e+00 : f32
      %max3A_1008 = vector.broadcast %max3A_1007 : f32 to vector<16xf32>
      %max3A_1009 = arith.maximumf %add3A_1006, %max3A_1008 : vector<16xf32>
      %swap3A_1010 = arith.constant 7 : i32
      %swap3A_1011 = arith.index_cast %swap3A_1010 : i32 to index
      %swap3A_1012 = arith.index_cast %mul3A_831 : i32 to index
      %swap3A_1013 = tpu.vector_load %arg13[%swap3A_1011, %swap3A_1012] {strides = array<i32>} : memref<8x1024xf32, #tpu.memory_space<vmem>>, vector<16xf32>,
      tpu.vector_store %arg13[%swap3A_1011, %swap3A_1012], %max3A_1009 {strides = array<i32>} : memref<8x1024xf32, #tpu.memory_space<vmem>>, vector<16xf32>,
    }
    %scan3A_721 = arith.constant 64 : i32
    %mul3A_722 = arith.constant 64 : i32
    %mul3A_723 = arith.muli %add3A, %mul3A_722 : i32
    %add3A_724 = arith.constant 48 : i32
    %add3A_725 = arith.addi %mul3A_723, %add3A_724 : i32
    %dma_start3A_726 = arith.constant 0 : i32
    %dma_start3A_727 = tpu.memref_slice %arg6[%add3A_725, %dma_start3A_726] : memref<2048x1024xf32, #tpu.memory_space<hbm>> -> memref<8x1024xf32, #tpu.memory_space<hbm>>
    %dma_start3A_728 = arith.constant 0 : i32
    %dma_start3A_729 = tpu.memref_slice %arg6[%add3A_725, %dma_start3A_728] : memref<2048x1024xf32, #tpu.memory_space<hbm>> -> memref<8x1024xf32, #tpu.memory_space<hbm>>
    tpu.enqueue_dma source(%arg13 : memref<8x1024xf32, #tpu.memory_space<vmem>>) target(%dma_start3A_729 : memref<8x1024xf32, #tpu.memory_space<hbm>>) target_semaphore(%arg17 : memref<!tpu.dma_semaphore, #tpu.memory_space<semaphore_mem>>)
    %dma_wait3A_730 = arith.constant 112 : i32
    %dma_wait3A_731 = tpu.memref_slice %arg7[%dma_wait3A_730] : memref<128xi32, #tpu.memory_space<vmem>> -> memref<16xi32, #tpu.memory_space<vmem>>
    %dma_wait3A_732 = arith.constant 0 : i32
    %dma_wait3A_733 = arith.constant 0 : i32
    %dma_wait3A_734 = tpu.memref_slice %arg3[%dma_wait3A_732, %dma_wait3A_733] : memref<4096x1024xf32, #tpu.memory_space<hbm>> -> memref<4096x1024xf32, #tpu.memory_space<hbm>>
    tpu.wait_indirect_dma semaphore(%arg15 : memref<!tpu.dma_semaphore, #tpu.memory_space<semaphore_mem>>) src(%dma_wait3A_734 : memref<4096x1024xf32, #tpu.memory_space<hbm>>) dst(%arg10 : memref<16x1024xf32, #tpu.memory_space<vmem>>)
    %dma_wait3A_735 = arith.constant 0 : i32
    %dma_wait3A_736 = tpu.memref_slice %arg2[%add3A_634, %dma_wait3A_735] : memref<2048x1024xf32, #tpu.memory_space<hbm>> -> memref<8x1024xf32, #tpu.memory_space<hbm>>
    %dma_wait3A_737 = arith.constant 0 : i32
    %dma_wait3A_738 = tpu.memref_slice %arg2[%add3A_634, %dma_wait3A_737] : memref<2048x1024xf32, #tpu.memory_space<hbm>> -> memref<8x1024xf32, #tpu.memory_space<hbm>>
    tpu.wait_dma2 semaphore(%arg16 : memref<!tpu.dma_semaphore, #tpu.memory_space<semaphore_mem>>) src(%dma_wait3A_738 : memref<8x1024xf32, #tpu.memory_space<hbm>>) dst(%arg12 : memref<8x1024xf32, #tpu.memory_space<vmem>>)
    %dma_wait3A_739 = arith.constant 0 : i32
    %dma_wait3A_740 = tpu.memref_slice %arg6[%add3A_621, %dma_wait3A_739] : memref<2048x1024xf32, #tpu.memory_space<hbm>> -> memref<8x1024xf32, #tpu.memory_space<hbm>>
    %dma_wait3A_741 = arith.constant 0 : i32
    %dma_wait3A_742 = tpu.memref_slice %arg6[%add3A_621, %dma_wait3A_741] : memref<2048x1024xf32, #tpu.memory_space<hbm>> -> memref<8x1024xf32, #tpu.memory_space<hbm>>
    tpu.wait_dma2 semaphore(%arg17 : memref<!tpu.dma_semaphore, #tpu.memory_space<semaphore_mem>>) src(%arg14 : memref<8x1024xf32, #tpu.memory_space<vmem>>) dst(%dma_wait3A_742 : memref<8x1024xf32, #tpu.memory_space<hbm>>)
    %get3A_743 = arith.constant 112 : i32
    %get3A_744 = arith.index_cast %get3A_743 : i32 to index
    %get3A_745 = arith.constant 0 : index
    %get3A_746 = tpu.vector_load %arg8[%get3A_744, %get3A_745] {strides = array<i32>} : memref<128x16xf32, #tpu.memory_space<vmem>>, vector<16xf32>,
    %get3A_747 = arith.constant 113 : i32
    %get3A_748 = arith.index_cast %get3A_747 : i32 to index
    %get3A_749 = arith.constant 0 : index
    %get3A_750 = tpu.vector_load %arg8[%get3A_748, %get3A_749] {strides = array<i32>} : memref<128x16xf32, #tpu.memory_space<vmem>>, vector<16xf32>,
    %get3A_751 = arith.constant 114 : i32
    %get3A_752 = arith.index_cast %get3A_751 : i32 to index
    %get3A_753 = arith.constant 0 : index
    %get3A_754 = tpu.vector_load %arg8[%get3A_752, %get3A_753] {strides = array<i32>} : memref<128x16xf32, #tpu.memory_space<vmem>>, vector<16xf32>,
    %get3A_755 = arith.constant 115 : i32
    %get3A_756 = arith.index_cast %get3A_755 : i32 to index
    %get3A_757 = arith.constant 0 : index
    %get3A_758 = tpu.vector_load %arg8[%get3A_756, %get3A_757] {strides = array<i32>} : memref<128x16xf32, #tpu.memory_space<vmem>>, vector<16xf32>,
    %get3A_759 = arith.constant 116 : i32
    %get3A_760 = arith.index_cast %get3A_759 : i32 to index
    %get3A_761 = arith.constant 0 : index
    %get3A_762 = tpu.vector_load %arg8[%get3A_760, %get3A_761] {strides = array<i32>} : memref<128x16xf32, #tpu.memory_space<vmem>>, vector<16xf32>,
    %get3A_763 = arith.constant 117 : i32
    %get3A_764 = arith.index_cast %get3A_763 : i32 to index
    %get3A_765 = arith.constant 0 : index
    %get3A_766 = tpu.vector_load %arg8[%get3A_764, %get3A_765] {strides = array<i32>} : memref<128x16xf32, #tpu.memory_space<vmem>>, vector<16xf32>,
    %get3A_767 = arith.constant 118 : i32
    %get3A_768 = arith.index_cast %get3A_767 : i32 to index
    %get3A_769 = arith.constant 0 : index
    %get3A_770 = tpu.vector_load %arg8[%get3A_768, %get3A_769] {strides = array<i32>} : memref<128x16xf32, #tpu.memory_space<vmem>>, vector<16xf32>,
    %get3A_771 = arith.constant 119 : i32
    %get3A_772 = arith.index_cast %get3A_771 : i32 to index
    %get3A_773 = arith.constant 0 : index
    %get3A_774 = tpu.vector_load %arg8[%get3A_772, %get3A_773] {strides = array<i32>} : memref<128x16xf32, #tpu.memory_space<vmem>>, vector<16xf32>,
    %get3A_775 = arith.constant 120 : i32
    %get3A_776 = arith.index_cast %get3A_775 : i32 to index
    %get3A_777 = arith.constant 0 : index
    %get3A_778 = tpu.vector_load %arg8[%get3A_776, %get3A_777] {strides = array<i32>} : memref<128x16xf32, #tpu.memory_space<vmem>>, vector<16xf32>,
    %get3A_779 = arith.constant 121 : i32
    %get3A_780 = arith.index_cast %get3A_779 : i32 to index
    %get3A_781 = arith.constant 0 : index
    %get3A_782 = tpu.vector_load %arg8[%get3A_780, %get3A_781] {strides = array<i32>} : memref<128x16xf32, #tpu.memory_space<vmem>>, vector<16xf32>,
    %get3A_783 = arith.constant 122 : i32
    %get3A_784 = arith.index_cast %get3A_783 : i32 to index
    %get3A_785 = arith.constant 0 : index
    %get3A_786 = tpu.vector_load %arg8[%get3A_784, %get3A_785] {strides = array<i32>} : memref<128x16xf32, #tpu.memory_space<vmem>>, vector<16xf32>,
    %get3A_787 = arith.constant 123 : i32
    %get3A_788 = arith.index_cast %get3A_787 : i32 to index
    %get3A_789 = arith.constant 0 : index
    %get3A_790 = tpu.vector_load %arg8[%get3A_788, %get3A_789] {strides = array<i32>} : memref<128x16xf32, #tpu.memory_space<vmem>>, vector<16xf32>,
    %get3A_791 = arith.constant 124 : i32
    %get3A_792 = arith.index_cast %get3A_791 : i32 to index
    %get3A_793 = arith.constant 0 : index
    %get3A_794 = tpu.vector_load %arg8[%get3A_792, %get3A_793] {strides = array<i32>} : memref<128x16xf32, #tpu.memory_space<vmem>>, vector<16xf32>,
    %get3A_795 = arith.constant 125 : i32
    %get3A_796 = arith.index_cast %get3A_795 : i32 to index
    %get3A_797 = arith.constant 0 : index
    %get3A_798 = tpu.vector_load %arg8[%get3A_796, %get3A_797] {strides = array<i32>} : memref<128x16xf32, #tpu.memory_space<vmem>>, vector<16xf32>,
    %get3A_799 = arith.constant 126 : i32
    %get3A_800 = arith.index_cast %get3A_799 : i32 to index
    %get3A_801 = arith.constant 0 : index
    %get3A_802 = tpu.vector_load %arg8[%get3A_800, %get3A_801] {strides = array<i32>} : memref<128x16xf32, #tpu.memory_space<vmem>>, vector<16xf32>,
    %get3A_803 = arith.constant 127 : i32
    %get3A_804 = arith.index_cast %get3A_803 : i32 to index
    %get3A_805 = arith.constant 0 : index
    %get3A_806 = tpu.vector_load %arg8[%get3A_804, %get3A_805] {strides = array<i32>} : memref<128x16xf32, #tpu.memory_space<vmem>>, vector<16xf32>,
    %scan3A_807 = arith.constant 0 : i32
    %scan3A_808 = arith.constant 0 : i32
    %scan3A_809 = arith.constant 64 : i32
    %scan3A_810 = arith.addi %scan3A_808, %scan3A_809 : i32
    %scan3A_811 = arith.constant 1 : i32
    scf.for %scan3A_829 = %scan3A_808 to %scan3A_810 step %scan3A_811  : i32 {
      %mul3A_830 = arith.constant 16 : i32
      %mul3A_831 = arith.muli %scan3A_829, %mul3A_830 : i32
      %get3A_832 = arith.constant 0 : i32
      %get3A_833 = arith.index_cast %get3A_832 : i32 to index
      %get3A_834 = arith.index_cast %mul3A_831 : i32 to index
      %get3A_835 = tpu.vector_load %arg12[%get3A_833, %get3A_834] {strides = array<i32>} : memref<8x1024xf32, #tpu.memory_space<vmem>>, vector<16xf32>,
      %get3A_836 = arith.constant 0 : i32
      %get3A_837 = arith.index_cast %get3A_836 : i32 to index
      %get3A_838 = arith.index_cast %mul3A_831 : i32 to index
      %get3A_839 = tpu.vector_load %arg10[%get3A_837, %get3A_838] {strides = array<i32>} : memref<16x1024xf32, #tpu.memory_space<vmem>>, vector<16xf32>,
      %mul3A_840 = arith.mulf %get3A_746, %get3A_839 : vector<16xf32>
      %add3A_841 = arith.addf %get3A_835, %mul3A_840 : vector<16xf32>
      %get3A_842 = arith.constant 1 : i32
      %get3A_843 = arith.index_cast %get3A_842 : i32 to index
      %get3A_844 = arith.index_cast %mul3A_831 : i32 to index
      %get3A_845 = tpu.vector_load %arg10[%get3A_843, %get3A_844] {strides = array<i32>} : memref<16x1024xf32, #tpu.memory_space<vmem>>, vector<16xf32>,
      %mul3A_846 = arith.mulf %get3A_750, %get3A_845 : vector<16xf32>
      %add3A_847 = arith.addf %add3A_841, %mul3A_846 : vector<16xf32>
      %max3A = arith.constant 0.000000e+00 : f32
      %max3A_848 = vector.broadcast %max3A : f32 to vector<16xf32>
      %max3A_849 = arith.maximumf %add3A_847, %max3A_848 : vector<16xf32>
      %swap3A = arith.constant 0 : i32
      %swap3A_850 = arith.index_cast %swap3A : i32 to index
      %swap3A_851 = arith.index_cast %mul3A_831 : i32 to index
      %swap3A_852 = tpu.vector_load %arg14[%swap3A_850, %swap3A_851] {strides = array<i32>} : memref<8x1024xf32, #tpu.memory_space<vmem>>, vector<16xf32>,
      tpu.vector_store %arg14[%swap3A_850, %swap3A_851], %max3A_849 {strides = array<i32>} : memref<8x1024xf32, #tpu.memory_space<vmem>>, vector<16xf32>,
      %get3A_853 = arith.constant 1 : i32
      %get3A_854 = arith.index_cast %get3A_853 : i32 to index
      %get3A_855 = arith.index_cast %mul3A_831 : i32 to index
      %get3A_856 = tpu.vector_load %arg12[%get3A_854, %get3A_855] {strides = array<i32>} : memref<8x1024xf32, #tpu.memory_space<vmem>>, vector<16xf32>,
      %get3A_857 = arith.constant 2 : i32
      %get3A_858 = arith.index_cast %get3A_857 : i32 to index
      %get3A_859 = arith.index_cast %mul3A_831 : i32 to index
      %get3A_860 = tpu.vector_load %arg10[%get3A_858, %get3A_859] {strides = array<i32>} : memref<16x1024xf32, #tpu.memory_space<vmem>>, vector<16xf32>,
      %mul3A_861 = arith.mulf %get3A_754, %get3A_860 : vector<16xf32>
      %add3A_862 = arith.addf %get3A_856, %mul3A_861 : vector<16xf32>
      %get3A_863 = arith.constant 3 : i32
      %get3A_864 = arith.index_cast %get3A_863 : i32 to index
      %get3A_865 = arith.index_cast %mul3A_831 : i32 to index
      %get3A_866 = tpu.vector_load %arg10[%get3A_864, %get3A_865] {strides = array<i32>} : memref<16x1024xf32, #tpu.memory_space<vmem>>, vector<16xf32>,
      %mul3A_867 = arith.mulf %get3A_758, %get3A_866 : vector<16xf32>
      %add3A_868 = arith.addf %add3A_862, %mul3A_867 : vector<16xf32>
      %max3A_869 = arith.constant 0.000000e+00 : f32
      %max3A_870 = vector.broadcast %max3A_869 : f32 to vector<16xf32>
      %max3A_871 = arith.maximumf %add3A_868, %max3A_870 : vector<16xf32>
      %swap3A_872 = arith.constant 1 : i32
      %swap3A_873 = arith.index_cast %swap3A_872 : i32 to index
      %swap3A_874 = arith.index_cast %mul3A_831 : i32 to index
      %swap3A_875 = tpu.vector_load %arg14[%swap3A_873, %swap3A_874] {strides = array<i32>} : memref<8x1024xf32, #tpu.memory_space<vmem>>, vector<16xf32>,
      tpu.vector_store %arg14[%swap3A_873, %swap3A_874], %max3A_871 {strides = array<i32>} : memref<8x1024xf32, #tpu.memory_space<vmem>>, vector<16xf32>,
      %get3A_876 = arith.constant 2 : i32
      %get3A_877 = arith.index_cast %get3A_876 : i32 to index
      %get3A_878 = arith.index_cast %mul3A_831 : i32 to index
      %get3A_879 = tpu.vector_load %arg12[%get3A_877, %get3A_878] {strides = array<i32>} : memref<8x1024xf32, #tpu.memory_space<vmem>>, vector<16xf32>,
      %get3A_880 = arith.constant 4 : i32
      %get3A_881 = arith.index_cast %get3A_880 : i32 to index
      %get3A_882 = arith.index_cast %mul3A_831 : i32 to index
      %get3A_883 = tpu.vector_load %arg10[%get3A_881, %get3A_882] {strides = array<i32>} : memref<16x1024xf32, #tpu.memory_space<vmem>>, vector<16xf32>,
      %mul3A_884 = arith.mulf %get3A_762, %get3A_883 : vector<16xf32>
      %add3A_885 = arith.addf %get3A_879, %mul3A_884 : vector<16xf32>
      %get3A_886 = arith.constant 5 : i32
      %get3A_887 = arith.index_cast %get3A_886 : i32 to index
      %get3A_888 = arith.index_cast %mul3A_831 : i32 to index
      %get3A_889 = tpu.vector_load %arg10[%get3A_887, %get3A_888] {strides = array<i32>} : memref<16x1024xf32, #tpu.memory_space<vmem>>, vector<16xf32>,
      %mul3A_890 = arith.mulf %get3A_766, %get3A_889 : vector<16xf32>
      %add3A_891 = arith.addf %add3A_885, %mul3A_890 : vector<16xf32>
      %max3A_892 = arith.constant 0.000000e+00 : f32
      %max3A_893 = vector.broadcast %max3A_892 : f32 to vector<16xf32>
      %max3A_894 = arith.maximumf %add3A_891, %max3A_893 : vector<16xf32>
      %swap3A_895 = arith.constant 2 : i32
      %swap3A_896 = arith.index_cast %swap3A_895 : i32 to index
      %swap3A_897 = arith.index_cast %mul3A_831 : i32 to index
      %swap3A_898 = tpu.vector_load %arg14[%swap3A_896, %swap3A_897] {strides = array<i32>} : memref<8x1024xf32, #tpu.memory_space<vmem>>, vector<16xf32>,
      tpu.vector_store %arg14[%swap3A_896, %swap3A_897], %max3A_894 {strides = array<i32>} : memref<8x1024xf32, #tpu.memory_space<vmem>>, vector<16xf32>,
      %get3A_899 = arith.constant 3 : i32
      %get3A_900 = arith.index_cast %get3A_899 : i32 to index
      %get3A_901 = arith.index_cast %mul3A_831 : i32 to index
      %get3A_902 = tpu.vector_load %arg12[%get3A_900, %get3A_901] {strides = array<i32>} : memref<8x1024xf32, #tpu.memory_space<vmem>>, vector<16xf32>,
      %get3A_903 = arith.constant 6 : i32
      %get3A_904 = arith.index_cast %get3A_903 : i32 to index
      %get3A_905 = arith.index_cast %mul3A_831 : i32 to index
      %get3A_906 = tpu.vector_load %arg10[%get3A_904, %get3A_905] {strides = array<i32>} : memref<16x1024xf32, #tpu.memory_space<vmem>>, vector<16xf32>,
      %mul3A_907 = arith.mulf %get3A_770, %get3A_906 : vector<16xf32>
      %add3A_908 = arith.addf %get3A_902, %mul3A_907 : vector<16xf32>
      %get3A_909 = arith.constant 7 : i32
      %get3A_910 = arith.index_cast %get3A_909 : i32 to index
      %get3A_911 = arith.index_cast %mul3A_831 : i32 to index
      %get3A_912 = tpu.vector_load %arg10[%get3A_910, %get3A_911] {strides = array<i32>} : memref<16x1024xf32, #tpu.memory_space<vmem>>, vector<16xf32>,
      %mul3A_913 = arith.mulf %get3A_774, %get3A_912 : vector<16xf32>
      %add3A_914 = arith.addf %add3A_908, %mul3A_913 : vector<16xf32>
      %max3A_915 = arith.constant 0.000000e+00 : f32
      %max3A_916 = vector.broadcast %max3A_915 : f32 to vector<16xf32>
      %max3A_917 = arith.maximumf %add3A_914, %max3A_916 : vector<16xf32>
      %swap3A_918 = arith.constant 3 : i32
      %swap3A_919 = arith.index_cast %swap3A_918 : i32 to index
      %swap3A_920 = arith.index_cast %mul3A_831 : i32 to index
      %swap3A_921 = tpu.vector_load %arg14[%swap3A_919, %swap3A_920] {strides = array<i32>} : memref<8x1024xf32, #tpu.memory_space<vmem>>, vector<16xf32>,
      tpu.vector_store %arg14[%swap3A_919, %swap3A_920], %max3A_917 {strides = array<i32>} : memref<8x1024xf32, #tpu.memory_space<vmem>>, vector<16xf32>,
      %get3A_922 = arith.constant 4 : i32
      %get3A_923 = arith.index_cast %get3A_922 : i32 to index
      %get3A_924 = arith.index_cast %mul3A_831 : i32 to index
      %get3A_925 = tpu.vector_load %arg12[%get3A_923, %get3A_924] {strides = array<i32>} : memref<8x1024xf32, #tpu.memory_space<vmem>>, vector<16xf32>,
      %get3A_926 = arith.constant 8 : i32
      %get3A_927 = arith.index_cast %get3A_926 : i32 to index
      %get3A_928 = arith.index_cast %mul3A_831 : i32 to index
      %get3A_929 = tpu.vector_load %arg10[%get3A_927, %get3A_928] {strides = array<i32>} : memref<16x1024xf32, #tpu.memory_space<vmem>>, vector<16xf32>,
      %mul3A_930 = arith.mulf %get3A_778, %get3A_929 : vector<16xf32>
      %add3A_931 = arith.addf %get3A_925, %mul3A_930 : vector<16xf32>
      %get3A_932 = arith.constant 9 : i32
      %get3A_933 = arith.index_cast %get3A_932 : i32 to index
      %get3A_934 = arith.index_cast %mul3A_831 : i32 to index
      %get3A_935 = tpu.vector_load %arg10[%get3A_933, %get3A_934] {strides = array<i32>} : memref<16x1024xf32, #tpu.memory_space<vmem>>, vector<16xf32>,
      %mul3A_936 = arith.mulf %get3A_782, %get3A_935 : vector<16xf32>
      %add3A_937 = arith.addf %add3A_931, %mul3A_936 : vector<16xf32>
      %max3A_938 = arith.constant 0.000000e+00 : f32
      %max3A_939 = vector.broadcast %max3A_938 : f32 to vector<16xf32>
      %max3A_940 = arith.maximumf %add3A_937, %max3A_939 : vector<16xf32>
      %swap3A_941 = arith.constant 4 : i32
      %swap3A_942 = arith.index_cast %swap3A_941 : i32 to index
      %swap3A_943 = arith.index_cast %mul3A_831 : i32 to index
      %swap3A_944 = tpu.vector_load %arg14[%swap3A_942, %swap3A_943] {strides = array<i32>} : memref<8x1024xf32, #tpu.memory_space<vmem>>, vector<16xf32>,
      tpu.vector_store %arg14[%swap3A_942, %swap3A_943], %max3A_940 {strides = array<i32>} : memref<8x1024xf32, #tpu.memory_space<vmem>>, vector<16xf32>,
      %get3A_945 = arith.constant 5 : i32
      %get3A_946 = arith.index_cast %get3A_945 : i32 to index
      %get3A_947 = arith.index_cast %mul3A_831 : i32 to index
      %get3A_948 = tpu.vector_load %arg12[%get3A_946, %get3A_947] {strides = array<i32>} : memref<8x1024xf32, #tpu.memory_space<vmem>>, vector<16xf32>,
      %get3A_949 = arith.constant 10 : i32
      %get3A_950 = arith.index_cast %get3A_949 : i32 to index
      %get3A_951 = arith.index_cast %mul3A_831 : i32 to index
      %get3A_952 = tpu.vector_load %arg10[%get3A_950, %get3A_951] {strides = array<i32>} : memref<16x1024xf32, #tpu.memory_space<vmem>>, vector<16xf32>,
      %mul3A_953 = arith.mulf %get3A_786, %get3A_952 : vector<16xf32>
      %add3A_954 = arith.addf %get3A_948, %mul3A_953 : vector<16xf32>
      %get3A_955 = arith.constant 11 : i32
      %get3A_956 = arith.index_cast %get3A_955 : i32 to index
      %get3A_957 = arith.index_cast %mul3A_831 : i32 to index
      %get3A_958 = tpu.vector_load %arg10[%get3A_956, %get3A_957] {strides = array<i32>} : memref<16x1024xf32, #tpu.memory_space<vmem>>, vector<16xf32>,
      %mul3A_959 = arith.mulf %get3A_790, %get3A_958 : vector<16xf32>
      %add3A_960 = arith.addf %add3A_954, %mul3A_959 : vector<16xf32>
      %max3A_961 = arith.constant 0.000000e+00 : f32
      %max3A_962 = vector.broadcast %max3A_961 : f32 to vector<16xf32>
      %max3A_963 = arith.maximumf %add3A_960, %max3A_962 : vector<16xf32>
      %swap3A_964 = arith.constant 5 : i32
      %swap3A_965 = arith.index_cast %swap3A_964 : i32 to index
      %swap3A_966 = arith.index_cast %mul3A_831 : i32 to index
      %swap3A_967 = tpu.vector_load %arg14[%swap3A_965, %swap3A_966] {strides = array<i32>} : memref<8x1024xf32, #tpu.memory_space<vmem>>, vector<16xf32>,
      tpu.vector_store %arg14[%swap3A_965, %swap3A_966], %max3A_963 {strides = array<i32>} : memref<8x1024xf32, #tpu.memory_space<vmem>>, vector<16xf32>,
      %get3A_968 = arith.constant 6 : i32
      %get3A_969 = arith.index_cast %get3A_968 : i32 to index
      %get3A_970 = arith.index_cast %mul3A_831 : i32 to index
      %get3A_971 = tpu.vector_load %arg12[%get3A_969, %get3A_970] {strides = array<i32>} : memref<8x1024xf32, #tpu.memory_space<vmem>>, vector<16xf32>,
      %get3A_972 = arith.constant 12 : i32
      %get3A_973 = arith.index_cast %get3A_972 : i32 to index
      %get3A_974 = arith.index_cast %mul3A_831 : i32 to index
      %get3A_975 = tpu.vector_load %arg10[%get3A_973, %get3A_974] {strides = array<i32>} : memref<16x1024xf32, #tpu.memory_space<vmem>>, vector<16xf32>,
      %mul3A_976 = arith.mulf %get3A_794, %get3A_975 : vector<16xf32>
      %add3A_977 = arith.addf %get3A_971, %mul3A_976 : vector<16xf32>
      %get3A_978 = arith.constant 13 : i32
      %get3A_979 = arith.index_cast %get3A_978 : i32 to index
      %get3A_980 = arith.index_cast %mul3A_831 : i32 to index
      %get3A_981 = tpu.vector_load %arg10[%get3A_979, %get3A_980] {strides = array<i32>} : memref<16x1024xf32, #tpu.memory_space<vmem>>, vector<16xf32>,
      %mul3A_982 = arith.mulf %get3A_798, %get3A_981 : vector<16xf32>
      %add3A_983 = arith.addf %add3A_977, %mul3A_982 : vector<16xf32>
      %max3A_984 = arith.constant 0.000000e+00 : f32
      %max3A_985 = vector.broadcast %max3A_984 : f32 to vector<16xf32>
      %max3A_986 = arith.maximumf %add3A_983, %max3A_985 : vector<16xf32>
      %swap3A_987 = arith.constant 6 : i32
      %swap3A_988 = arith.index_cast %swap3A_987 : i32 to index
      %swap3A_989 = arith.index_cast %mul3A_831 : i32 to index
      %swap3A_990 = tpu.vector_load %arg14[%swap3A_988, %swap3A_989] {strides = array<i32>} : memref<8x1024xf32, #tpu.memory_space<vmem>>, vector<16xf32>,
      tpu.vector_store %arg14[%swap3A_988, %swap3A_989], %max3A_986 {strides = array<i32>} : memref<8x1024xf32, #tpu.memory_space<vmem>>, vector<16xf32>,
      %get3A_991 = arith.constant 7 : i32
      %get3A_992 = arith.index_cast %get3A_991 : i32 to index
      %get3A_993 = arith.index_cast %mul3A_831 : i32 to index
      %get3A_994 = tpu.vector_load %arg12[%get3A_992, %get3A_993] {strides = array<i32>} : memref<8x1024xf32, #tpu.memory_space<vmem>>, vector<16xf32>,
      %get3A_995 = arith.constant 14 : i32
      %get3A_996 = arith.index_cast %get3A_995 : i32 to index
      %get3A_997 = arith.index_cast %mul3A_831 : i32 to index
      %get3A_998 = tpu.vector_load %arg10[%get3A_996, %get3A_997] {strides = array<i32>} : memref<16x1024xf32, #tpu.memory_space<vmem>>, vector<16xf32>,
      %mul3A_999 = arith.mulf %get3A_802, %get3A_998 : vector<16xf32>
      %add3A_1000 = arith.addf %get3A_994, %mul3A_999 : vector<16xf32>
      %get3A_1001 = arith.constant 15 : i32
      %get3A_1002 = arith.index_cast %get3A_1001 : i32 to index
      %get3A_1003 = arith.index_cast %mul3A_831 : i32 to index
      %get3A_1004 = tpu.vector_load %arg10[%get3A_1002, %get3A_1003] {strides = array<i32>} : memref<16x1024xf32, #tpu.memory_space<vmem>>, vector<16xf32>,
      %mul3A_1005 = arith.mulf %get3A_806, %get3A_1004 : vector<16xf32>
      %add3A_1006 = arith.addf %add3A_1000, %mul3A_1005 : vector<16xf32>
      %max3A_1007 = arith.constant 0.000000e+00 : f32
      %max3A_1008 = vector.broadcast %max3A_1007 : f32 to vector<16xf32>
      %max3A_1009 = arith.maximumf %add3A_1006, %max3A_1008 : vector<16xf32>
      %swap3A_1010 = arith.constant 7 : i32
      %swap3A_1011 = arith.index_cast %swap3A_1010 : i32 to index
      %swap3A_1012 = arith.index_cast %mul3A_831 : i32 to index
      %swap3A_1013 = tpu.vector_load %arg14[%swap3A_1011, %swap3A_1012] {strides = array<i32>} : memref<8x1024xf32, #tpu.memory_space<vmem>>, vector<16xf32>,
      tpu.vector_store %arg14[%swap3A_1011, %swap3A_1012], %max3A_1009 {strides = array<i32>} : memref<8x1024xf32, #tpu.memory_space<vmem>>, vector<16xf32>,
    }
    %scan3A_812 = arith.constant 64 : i32
    %mul3A_813 = arith.constant 64 : i32
    %mul3A_814 = arith.muli %add3A, %mul3A_813 : i32
    %add3A_815 = arith.constant 56 : i32
    %add3A_816 = arith.addi %mul3A_814, %add3A_815 : i32
    %dma_start3A_817 = arith.constant 0 : i32
    %dma_start3A_818 = tpu.memref_slice %arg6[%add3A_816, %dma_start3A_817] : memref<2048x1024xf32, #tpu.memory_space<hbm>> -> memref<8x1024xf32, #tpu.memory_space<hbm>>
    %dma_start3A_819 = arith.constant 0 : i32
    %dma_start3A_820 = tpu.memref_slice %arg6[%add3A_816, %dma_start3A_819] : memref<2048x1024xf32, #tpu.memory_space<hbm>> -> memref<8x1024xf32, #tpu.memory_space<hbm>>
    tpu.enqueue_dma source(%arg14 : memref<8x1024xf32, #tpu.memory_space<vmem>>) target(%dma_start3A_820 : memref<8x1024xf32, #tpu.memory_space<hbm>>) target_semaphore(%arg17 : memref<!tpu.dma_semaphore, #tpu.memory_space<semaphore_mem>>)
    %dma_wait3A_821 = arith.constant 0 : i32
    %dma_wait3A_822 = tpu.memref_slice %arg6[%add3A_725, %dma_wait3A_821] : memref<2048x1024xf32, #tpu.memory_space<hbm>> -> memref<8x1024xf32, #tpu.memory_space<hbm>>
    %dma_wait3A_823 = arith.constant 0 : i32
    %dma_wait3A_824 = tpu.memref_slice %arg6[%add3A_725, %dma_wait3A_823] : memref<2048x1024xf32, #tpu.memory_space<hbm>> -> memref<8x1024xf32, #tpu.memory_space<hbm>>
    tpu.wait_dma2 semaphore(%arg17 : memref<!tpu.dma_semaphore, #tpu.memory_space<semaphore_mem>>) src(%arg13 : memref<8x1024xf32, #tpu.memory_space<vmem>>) dst(%dma_wait3A_824 : memref<8x1024xf32, #tpu.memory_space<hbm>>)
    %dma_wait3A_825 = arith.constant 0 : i32
    %dma_wait3A_826 = tpu.memref_slice %arg6[%add3A_816, %dma_wait3A_825] : memref<2048x1024xf32, #tpu.memory_space<hbm>> -> memref<8x1024xf32, #tpu.memory_space<hbm>>
    %dma_wait3A_827 = arith.constant 0 : i32
    %dma_wait3A_828 = tpu.memref_slice %arg6[%add3A_816, %dma_wait3A_827] : memref<2048x1024xf32, #tpu.memory_space<hbm>> -> memref<8x1024xf32, #tpu.memory_space<hbm>>
    tpu.wait_dma2 semaphore(%arg17 : memref<!tpu.dma_semaphore, #tpu.memory_space<semaphore_mem>>) src(%arg14 : memref<8x1024xf32, #tpu.memory_space<vmem>>) dst(%dma_wait3A_828 : memref<8x1024xf32, #tpu.memory_space<hbm>>)
    return
  }
}

#map = affine_map<(d0, d1) -> (0, 0)>
#map1 = affine_map<(d0, d1) -> (0)>
module attributes {stable_mosaic.version = 14 : i64} {
  func.func @_dispatch_body(%arg0: i32, %arg1: i32, %arg2: memref<2048x1024xf32, #tpu.memory_space<hbm>>, %arg3: memref<4096xi32, #tpu.memory_space<hbm>>, %arg4: memref<4096x1024xf32, #tpu.memory_space<hbm>>, %arg5: memref<4096xi32, #tpu.memory_space<vmem>>, %arg6: memref<4112xi32, #tpu.memory_space<vmem>>, %arg7: memref<16x1024xf32, #tpu.memory_space<vmem>>, %arg8: memref<16x1024xf32, #tpu.memory_space<vmem>>, %arg9: memref<16x1024xf32, #tpu.memory_space<vmem>>, %arg10: memref<!tpu.dma_semaphore, #tpu.memory_space<semaphore_mem>>, %arg11: memref<!tpu.dma_semaphore, #tpu.memory_space<semaphore_mem>>, %arg12: memref<!tpu.dma_semaphore, #tpu.memory_space<semaphore_mem>>) attributes {dimension_semantics = [#tpu.dimension_semantics<core_parallel>, #tpu.dimension_semantics<subcore_parallel>], iteration_bounds = array<i64: 2, 16>, scalar_prefetch = 0 : i64, scratch_operands = 8 : i64, tpu.core_type = #tpu.core_type<sc_vector_subcore>, window_params = [{transform_indices = #map}, {transform_indices = #map1}, {transform_indices = #map}]} {
    %mul3A = arith.constant 2 : i32
    %mul3A_0 = arith.muli %arg1, %mul3A : i32
    %add3A = arith.addi %mul3A_0, %arg0 : i32
    tpu.enqueue_dma source(%arg3 : memref<4096xi32, #tpu.memory_space<hbm>>) target(%arg5 : memref<4096xi32, #tpu.memory_space<vmem>>) target_semaphore(%arg10 : memref<!tpu.dma_semaphore, #tpu.memory_space<semaphore_mem>>)
    %scan3A = arith.constant 0 : i32
    %scan3A_1 = arith.constant 0 : i32
    %scan3A_2 = arith.constant 64 : i32
    %scan3A_3 = arith.addi %scan3A_1, %scan3A_2 : i32
    %scan3A_4 = arith.constant 1 : i32
    scf.for %scan3A_198 = %scan3A_1 to %scan3A_3 step %scan3A_4  : i32 {
      %broadcast_in_dim3A_199 = arith.constant 0 : i32
      %broadcast_in_dim3A_200 = vector.broadcast %broadcast_in_dim3A_199 : i32 to vector<16xi32>
      %mul3A_201 = arith.constant 64 : i32
      %mul3A_202 = arith.muli %scan3A_198, %mul3A_201 : i32
      %add3A_203 = arith.constant 0 : i32
      %add3A_204 = arith.addi %mul3A_202, %add3A_203 : i32
      %swap3A_205 = arith.index_cast %add3A_204 : i32 to index
      %swap3A_206 = tpu.vector_load %arg6[%swap3A_205] {strides = array<i32>} : memref<4112xi32, #tpu.memory_space<vmem>>, vector<16xi32>,
      tpu.vector_store %arg6[%swap3A_205], %broadcast_in_dim3A_200 {strides = array<i32>} : memref<4112xi32, #tpu.memory_space<vmem>>, vector<16xi32>,
      %broadcast_in_dim3A_207 = arith.constant 0 : i32
      %broadcast_in_dim3A_208 = vector.broadcast %broadcast_in_dim3A_207 : i32 to vector<16xi32>
      %mul3A_209 = arith.constant 64 : i32
      %mul3A_210 = arith.muli %scan3A_198, %mul3A_209 : i32
      %add3A_211 = arith.constant 16 : i32
      %add3A_212 = arith.addi %mul3A_210, %add3A_211 : i32
      %swap3A_213 = arith.index_cast %add3A_212 : i32 to index
      %swap3A_214 = tpu.vector_load %arg6[%swap3A_213] {strides = array<i32>} : memref<4112xi32, #tpu.memory_space<vmem>>, vector<16xi32>,
      tpu.vector_store %arg6[%swap3A_213], %broadcast_in_dim3A_208 {strides = array<i32>} : memref<4112xi32, #tpu.memory_space<vmem>>, vector<16xi32>,
      %broadcast_in_dim3A_215 = arith.constant 0 : i32
      %broadcast_in_dim3A_216 = vector.broadcast %broadcast_in_dim3A_215 : i32 to vector<16xi32>
      %mul3A_217 = arith.constant 64 : i32
      %mul3A_218 = arith.muli %scan3A_198, %mul3A_217 : i32
      %add3A_219 = arith.constant 32 : i32
      %add3A_220 = arith.addi %mul3A_218, %add3A_219 : i32
      %swap3A_221 = arith.index_cast %add3A_220 : i32 to index
      %swap3A_222 = tpu.vector_load %arg6[%swap3A_221] {strides = array<i32>} : memref<4112xi32, #tpu.memory_space<vmem>>, vector<16xi32>,
      tpu.vector_store %arg6[%swap3A_221], %broadcast_in_dim3A_216 {strides = array<i32>} : memref<4112xi32, #tpu.memory_space<vmem>>, vector<16xi32>,
      %broadcast_in_dim3A_223 = arith.constant 0 : i32
      %broadcast_in_dim3A_224 = vector.broadcast %broadcast_in_dim3A_223 : i32 to vector<16xi32>
      %mul3A_225 = arith.constant 64 : i32
      %mul3A_226 = arith.muli %scan3A_198, %mul3A_225 : i32
      %add3A_227 = arith.constant 48 : i32
      %add3A_228 = arith.addi %mul3A_226, %add3A_227 : i32
      %swap3A_229 = arith.index_cast %add3A_228 : i32 to index
      %swap3A_230 = tpu.vector_load %arg6[%swap3A_229] {strides = array<i32>} : memref<4112xi32, #tpu.memory_space<vmem>>, vector<16xi32>,
      tpu.vector_store %arg6[%swap3A_229], %broadcast_in_dim3A_224 {strides = array<i32>} : memref<4112xi32, #tpu.memory_space<vmem>>, vector<16xi32>,
    }
    %scan3A_5 = arith.constant 64 : i32
    %broadcast_in_dim3A = arith.constant 0 : i32
    %broadcast_in_dim3A_6 = vector.broadcast %broadcast_in_dim3A : i32 to vector<16xi32>
    %swap3A = arith.constant 4096 : index
    %swap3A_7 = tpu.vector_load %arg6[%swap3A] {strides = array<i32>} : memref<4112xi32, #tpu.memory_space<vmem>>, vector<16xi32>,
    tpu.vector_store %arg6[%swap3A], %broadcast_in_dim3A_6 {strides = array<i32>} : memref<4112xi32, #tpu.memory_space<vmem>>, vector<16xi32>,
    tpu.wait_dma2 semaphore(%arg10 : memref<!tpu.dma_semaphore, #tpu.memory_space<semaphore_mem>>) src(%arg3 : memref<4096xi32, #tpu.memory_space<hbm>>) dst(%arg5 : memref<4096xi32, #tpu.memory_space<vmem>>)
    %scan3A_8 = arith.constant 0 : i32
    %scan3A_9 = arith.constant 0 : i32
    %scan3A_10 = arith.constant 64 : i32
    %scan3A_11 = arith.addi %scan3A_9, %scan3A_10 : i32
    %scan3A_12 = arith.constant 1 : i32
    scf.for %scan3A_198 = %scan3A_9 to %scan3A_11 step %scan3A_12  : i32 {
      %mul3A_199 = arith.constant 64 : i32
      %mul3A_200 = arith.muli %scan3A_198, %mul3A_199 : i32
      %add3A_201 = arith.constant 0 : i32
      %add3A_202 = arith.addi %mul3A_200, %add3A_201 : i32
      %get3A = arith.index_cast %add3A_202 : i32 to index
      %get3A_203 = tpu.vector_load %arg5[%get3A] {strides = array<i32>} : memref<4096xi32, #tpu.memory_space<vmem>>, vector<16xi32>,
      %iota3A = tpu.iota {dimensions = array<i32: 0>} : vector<16xi32>
      %add3A_204 = vector.broadcast %add3A_202 : i32 to vector<16xi32>
      %add3A_205 = arith.addi %iota3A, %add3A_204 : vector<16xi32>
      %shift_right_logical3A = arith.constant 1 : i32
      %shift_right_logical3A_206 = vector.broadcast %shift_right_logical3A : i32 to vector<16xi32>
      %shift_right_logical3A_207 = arith.shrui %add3A_205, %shift_right_logical3A_206 : vector<16xi32>
      tpu.vector_store_idx %arg6[%get3A_203], %shift_right_logical3A_207 : memref<4112xi32, #tpu.memory_space<vmem>>[vector<16xi32>], vector<16xi32>,
      %mul3A_208 = arith.constant 64 : i32
      %mul3A_209 = arith.muli %scan3A_198, %mul3A_208 : i32
      %add3A_210 = arith.constant 16 : i32
      %add3A_211 = arith.addi %mul3A_209, %add3A_210 : i32
      %get3A_212 = arith.index_cast %add3A_211 : i32 to index
      %get3A_213 = tpu.vector_load %arg5[%get3A_212] {strides = array<i32>} : memref<4096xi32, #tpu.memory_space<vmem>>, vector<16xi32>,
      %iota3A_214 = tpu.iota {dimensions = array<i32: 0>} : vector<16xi32>
      %add3A_215 = vector.broadcast %add3A_211 : i32 to vector<16xi32>
      %add3A_216 = arith.addi %iota3A_214, %add3A_215 : vector<16xi32>
      %shift_right_logical3A_217 = arith.constant 1 : i32
      %shift_right_logical3A_218 = vector.broadcast %shift_right_logical3A_217 : i32 to vector<16xi32>
      %shift_right_logical3A_219 = arith.shrui %add3A_216, %shift_right_logical3A_218 : vector<16xi32>
      tpu.vector_store_idx %arg6[%get3A_213], %shift_right_logical3A_219 : memref<4112xi32, #tpu.memory_space<vmem>>[vector<16xi32>], vector<16xi32>,
      %mul3A_220 = arith.constant 64 : i32
      %mul3A_221 = arith.muli %scan3A_198, %mul3A_220 : i32
      %add3A_222 = arith.constant 32 : i32
      %add3A_223 = arith.addi %mul3A_221, %add3A_222 : i32
      %get3A_224 = arith.index_cast %add3A_223 : i32 to index
      %get3A_225 = tpu.vector_load %arg5[%get3A_224] {strides = array<i32>} : memref<4096xi32, #tpu.memory_space<vmem>>, vector<16xi32>,
      %iota3A_226 = tpu.iota {dimensions = array<i32: 0>} : vector<16xi32>
      %add3A_227 = vector.broadcast %add3A_223 : i32 to vector<16xi32>
      %add3A_228 = arith.addi %iota3A_226, %add3A_227 : vector<16xi32>
      %shift_right_logical3A_229 = arith.constant 1 : i32
      %shift_right_logical3A_230 = vector.broadcast %shift_right_logical3A_229 : i32 to vector<16xi32>
      %shift_right_logical3A_231 = arith.shrui %add3A_228, %shift_right_logical3A_230 : vector<16xi32>
      tpu.vector_store_idx %arg6[%get3A_225], %shift_right_logical3A_231 : memref<4112xi32, #tpu.memory_space<vmem>>[vector<16xi32>], vector<16xi32>,
      %mul3A_232 = arith.constant 64 : i32
      %mul3A_233 = arith.muli %scan3A_198, %mul3A_232 : i32
      %add3A_234 = arith.constant 48 : i32
      %add3A_235 = arith.addi %mul3A_233, %add3A_234 : i32
      %get3A_236 = arith.index_cast %add3A_235 : i32 to index
      %get3A_237 = tpu.vector_load %arg5[%get3A_236] {strides = array<i32>} : memref<4096xi32, #tpu.memory_space<vmem>>, vector<16xi32>,
      %iota3A_238 = tpu.iota {dimensions = array<i32: 0>} : vector<16xi32>
      %add3A_239 = vector.broadcast %add3A_235 : i32 to vector<16xi32>
      %add3A_240 = arith.addi %iota3A_238, %add3A_239 : vector<16xi32>
      %shift_right_logical3A_241 = arith.constant 1 : i32
      %shift_right_logical3A_242 = vector.broadcast %shift_right_logical3A_241 : i32 to vector<16xi32>
      %shift_right_logical3A_243 = arith.shrui %add3A_240, %shift_right_logical3A_242 : vector<16xi32>
      tpu.vector_store_idx %arg6[%get3A_237], %shift_right_logical3A_243 : memref<4112xi32, #tpu.memory_space<vmem>>[vector<16xi32>], vector<16xi32>,
    }
    %scan3A_13 = arith.constant 64 : i32
    %mul3A_14 = arith.constant 128 : i32
    %mul3A_15 = arith.muli %add3A, %mul3A_14 : i32
    %dma_start3A = tpu.memref_slice %arg6[%mul3A_15] : memref<4112xi32, #tpu.memory_space<vmem>> -> memref<16xi32, #tpu.memory_space<vmem>>
    %dma_start3A_16 = arith.constant 0 : i32
    %dma_start3A_17 = arith.constant 0 : i32
    %dma_start3A_18 = tpu.memref_slice %arg2[%dma_start3A_16, %dma_start3A_17] : memref<2048x1024xf32, #tpu.memory_space<hbm>> -> memref<2048x1024xf32, #tpu.memory_space<hbm>>
    tpu.enqueue_indirect_dma source(%dma_start3A_18 : memref<2048x1024xf32, #tpu.memory_space<hbm>>) target(%arg7 : memref<16x1024xf32, #tpu.memory_space<vmem>>) offsets(%dma_start3A : memref<16xi32, #tpu.memory_space<vmem>>) semaphore(%arg11 : memref<!tpu.dma_semaphore, #tpu.memory_space<semaphore_mem>>)
    %mul3A_19 = arith.constant 128 : i32
    %mul3A_20 = arith.muli %add3A, %mul3A_19 : i32
    %add3A_21 = arith.constant 16 : i32
    %add3A_22 = arith.addi %mul3A_20, %add3A_21 : i32
    %dma_start3A_23 = tpu.memref_slice %arg6[%add3A_22] : memref<4112xi32, #tpu.memory_space<vmem>> -> memref<16xi32, #tpu.memory_space<vmem>>
    %dma_start3A_24 = arith.constant 0 : i32
    %dma_start3A_25 = arith.constant 0 : i32
    %dma_start3A_26 = tpu.memref_slice %arg2[%dma_start3A_24, %dma_start3A_25] : memref<2048x1024xf32, #tpu.memory_space<hbm>> -> memref<2048x1024xf32, #tpu.memory_space<hbm>>
    tpu.enqueue_indirect_dma source(%dma_start3A_26 : memref<2048x1024xf32, #tpu.memory_space<hbm>>) target(%arg8 : memref<16x1024xf32, #tpu.memory_space<vmem>>) offsets(%dma_start3A_23 : memref<16xi32, #tpu.memory_space<vmem>>) semaphore(%arg11 : memref<!tpu.dma_semaphore, #tpu.memory_space<semaphore_mem>>)
    %dma_wait3A = tpu.memref_slice %arg6[%mul3A_15] : memref<4112xi32, #tpu.memory_space<vmem>> -> memref<16xi32, #tpu.memory_space<vmem>>
    %dma_wait3A_27 = arith.constant 0 : i32
    %dma_wait3A_28 = arith.constant 0 : i32
    %dma_wait3A_29 = tpu.memref_slice %arg2[%dma_wait3A_27, %dma_wait3A_28] : memref<2048x1024xf32, #tpu.memory_space<hbm>> -> memref<2048x1024xf32, #tpu.memory_space<hbm>>
    tpu.wait_indirect_dma semaphore(%arg11 : memref<!tpu.dma_semaphore, #tpu.memory_space<semaphore_mem>>) src(%dma_wait3A_29 : memref<2048x1024xf32, #tpu.memory_space<hbm>>) dst(%arg7 : memref<16x1024xf32, #tpu.memory_space<vmem>>)
    %mul3A_30 = arith.constant 128 : i32
    %mul3A_31 = arith.muli %add3A, %mul3A_30 : i32
    %add3A_32 = arith.constant 0 : i32
    %add3A_33 = arith.addi %mul3A_31, %add3A_32 : i32
    %dma_start3A_34 = arith.constant 0 : i32
    %dma_start3A_35 = tpu.memref_slice %arg4[%add3A_33, %dma_start3A_34] : memref<4096x1024xf32, #tpu.memory_space<hbm>> -> memref<16x1024xf32, #tpu.memory_space<hbm>>
    %dma_start3A_36 = arith.constant 0 : i32
    %dma_start3A_37 = tpu.memref_slice %arg4[%add3A_33, %dma_start3A_36] : memref<4096x1024xf32, #tpu.memory_space<hbm>> -> memref<16x1024xf32, #tpu.memory_space<hbm>>
    tpu.enqueue_dma source(%arg7 : memref<16x1024xf32, #tpu.memory_space<vmem>>) target(%dma_start3A_37 : memref<16x1024xf32, #tpu.memory_space<hbm>>) target_semaphore(%arg12 : memref<!tpu.dma_semaphore, #tpu.memory_space<semaphore_mem>>)
    %mul3A_38 = arith.constant 128 : i32
    %mul3A_39 = arith.muli %add3A, %mul3A_38 : i32
    %add3A_40 = arith.constant 32 : i32
    %add3A_41 = arith.addi %mul3A_39, %add3A_40 : i32
    %dma_start3A_42 = tpu.memref_slice %arg6[%add3A_41] : memref<4112xi32, #tpu.memory_space<vmem>> -> memref<16xi32, #tpu.memory_space<vmem>>
    %dma_start3A_43 = arith.constant 0 : i32
    %dma_start3A_44 = arith.constant 0 : i32
    %dma_start3A_45 = tpu.memref_slice %arg2[%dma_start3A_43, %dma_start3A_44] : memref<2048x1024xf32, #tpu.memory_space<hbm>> -> memref<2048x1024xf32, #tpu.memory_space<hbm>>
    tpu.enqueue_indirect_dma source(%dma_start3A_45 : memref<2048x1024xf32, #tpu.memory_space<hbm>>) target(%arg9 : memref<16x1024xf32, #tpu.memory_space<vmem>>) offsets(%dma_start3A_42 : memref<16xi32, #tpu.memory_space<vmem>>) semaphore(%arg11 : memref<!tpu.dma_semaphore, #tpu.memory_space<semaphore_mem>>)
    %dma_wait3A_46 = tpu.memref_slice %arg6[%add3A_22] : memref<4112xi32, #tpu.memory_space<vmem>> -> memref<16xi32, #tpu.memory_space<vmem>>
    %dma_wait3A_47 = arith.constant 0 : i32
    %dma_wait3A_48 = arith.constant 0 : i32
    %dma_wait3A_49 = tpu.memref_slice %arg2[%dma_wait3A_47, %dma_wait3A_48] : memref<2048x1024xf32, #tpu.memory_space<hbm>> -> memref<2048x1024xf32, #tpu.memory_space<hbm>>
    tpu.wait_indirect_dma semaphore(%arg11 : memref<!tpu.dma_semaphore, #tpu.memory_space<semaphore_mem>>) src(%dma_wait3A_49 : memref<2048x1024xf32, #tpu.memory_space<hbm>>) dst(%arg8 : memref<16x1024xf32, #tpu.memory_space<vmem>>)
    %mul3A_50 = arith.constant 128 : i32
    %mul3A_51 = arith.muli %add3A, %mul3A_50 : i32
    %add3A_52 = arith.constant 16 : i32
    %add3A_53 = arith.addi %mul3A_51, %add3A_52 : i32
    %dma_start3A_54 = arith.constant 0 : i32
    %dma_start3A_55 = tpu.memref_slice %arg4[%add3A_53, %dma_start3A_54] : memref<4096x1024xf32, #tpu.memory_space<hbm>> -> memref<16x1024xf32, #tpu.memory_space<hbm>>
    %dma_start3A_56 = arith.constant 0 : i32
    %dma_start3A_57 = tpu.memref_slice %arg4[%add3A_53, %dma_start3A_56] : memref<4096x1024xf32, #tpu.memory_space<hbm>> -> memref<16x1024xf32, #tpu.memory_space<hbm>>
    tpu.enqueue_dma source(%arg8 : memref<16x1024xf32, #tpu.memory_space<vmem>>) target(%dma_start3A_57 : memref<16x1024xf32, #tpu.memory_space<hbm>>) target_semaphore(%arg12 : memref<!tpu.dma_semaphore, #tpu.memory_space<semaphore_mem>>)
    %dma_wait3A_58 = arith.constant 0 : i32
    %dma_wait3A_59 = tpu.memref_slice %arg4[%add3A_33, %dma_wait3A_58] : memref<4096x1024xf32, #tpu.memory_space<hbm>> -> memref<16x1024xf32, #tpu.memory_space<hbm>>
    %dma_wait3A_60 = arith.constant 0 : i32
    %dma_wait3A_61 = tpu.memref_slice %arg4[%add3A_33, %dma_wait3A_60] : memref<4096x1024xf32, #tpu.memory_space<hbm>> -> memref<16x1024xf32, #tpu.memory_space<hbm>>
    tpu.wait_dma2 semaphore(%arg12 : memref<!tpu.dma_semaphore, #tpu.memory_space<semaphore_mem>>) src(%arg7 : memref<16x1024xf32, #tpu.memory_space<vmem>>) dst(%dma_wait3A_61 : memref<16x1024xf32, #tpu.memory_space<hbm>>)
    %mul3A_62 = arith.constant 128 : i32
    %mul3A_63 = arith.muli %add3A, %mul3A_62 : i32
    %add3A_64 = arith.constant 48 : i32
    %add3A_65 = arith.addi %mul3A_63, %add3A_64 : i32
    %dma_start3A_66 = tpu.memref_slice %arg6[%add3A_65] : memref<4112xi32, #tpu.memory_space<vmem>> -> memref<16xi32, #tpu.memory_space<vmem>>
    %dma_start3A_67 = arith.constant 0 : i32
    %dma_start3A_68 = arith.constant 0 : i32
    %dma_start3A_69 = tpu.memref_slice %arg2[%dma_start3A_67, %dma_start3A_68] : memref<2048x1024xf32, #tpu.memory_space<hbm>> -> memref<2048x1024xf32, #tpu.memory_space<hbm>>
    tpu.enqueue_indirect_dma source(%dma_start3A_69 : memref<2048x1024xf32, #tpu.memory_space<hbm>>) target(%arg7 : memref<16x1024xf32, #tpu.memory_space<vmem>>) offsets(%dma_start3A_66 : memref<16xi32, #tpu.memory_space<vmem>>) semaphore(%arg11 : memref<!tpu.dma_semaphore, #tpu.memory_space<semaphore_mem>>)
    %dma_wait3A_70 = tpu.memref_slice %arg6[%add3A_41] : memref<4112xi32, #tpu.memory_space<vmem>> -> memref<16xi32, #tpu.memory_space<vmem>>
    %dma_wait3A_71 = arith.constant 0 : i32
    %dma_wait3A_72 = arith.constant 0 : i32
    %dma_wait3A_73 = tpu.memref_slice %arg2[%dma_wait3A_71, %dma_wait3A_72] : memref<2048x1024xf32, #tpu.memory_space<hbm>> -> memref<2048x1024xf32, #tpu.memory_space<hbm>>
    tpu.wait_indirect_dma semaphore(%arg11 : memref<!tpu.dma_semaphore, #tpu.memory_space<semaphore_mem>>) src(%dma_wait3A_73 : memref<2048x1024xf32, #tpu.memory_space<hbm>>) dst(%arg9 : memref<16x1024xf32, #tpu.memory_space<vmem>>)
    %mul3A_74 = arith.constant 128 : i32
    %mul3A_75 = arith.muli %add3A, %mul3A_74 : i32
    %add3A_76 = arith.constant 32 : i32
    %add3A_77 = arith.addi %mul3A_75, %add3A_76 : i32
    %dma_start3A_78 = arith.constant 0 : i32
    %dma_start3A_79 = tpu.memref_slice %arg4[%add3A_77, %dma_start3A_78] : memref<4096x1024xf32, #tpu.memory_space<hbm>> -> memref<16x1024xf32, #tpu.memory_space<hbm>>
    %dma_start3A_80 = arith.constant 0 : i32
    %dma_start3A_81 = tpu.memref_slice %arg4[%add3A_77, %dma_start3A_80] : memref<4096x1024xf32, #tpu.memory_space<hbm>> -> memref<16x1024xf32, #tpu.memory_space<hbm>>
    tpu.enqueue_dma source(%arg9 : memref<16x1024xf32, #tpu.memory_space<vmem>>) target(%dma_start3A_81 : memref<16x1024xf32, #tpu.memory_space<hbm>>) target_semaphore(%arg12 : memref<!tpu.dma_semaphore, #tpu.memory_space<semaphore_mem>>)
    %dma_wait3A_82 = arith.constant 0 : i32
    %dma_wait3A_83 = tpu.memref_slice %arg4[%add3A_53, %dma_wait3A_82] : memref<4096x1024xf32, #tpu.memory_space<hbm>> -> memref<16x1024xf32, #tpu.memory_space<hbm>>
    %dma_wait3A_84 = arith.constant 0 : i32
    %dma_wait3A_85 = tpu.memref_slice %arg4[%add3A_53, %dma_wait3A_84] : memref<4096x1024xf32, #tpu.memory_space<hbm>> -> memref<16x1024xf32, #tpu.memory_space<hbm>>
    tpu.wait_dma2 semaphore(%arg12 : memref<!tpu.dma_semaphore, #tpu.memory_space<semaphore_mem>>) src(%arg8 : memref<16x1024xf32, #tpu.memory_space<vmem>>) dst(%dma_wait3A_85 : memref<16x1024xf32, #tpu.memory_space<hbm>>)
    %mul3A_86 = arith.constant 128 : i32
    %mul3A_87 = arith.muli %add3A, %mul3A_86 : i32
    %add3A_88 = arith.constant 64 : i32
    %add3A_89 = arith.addi %mul3A_87, %add3A_88 : i32
    %dma_start3A_90 = tpu.memref_slice %arg6[%add3A_89] : memref<4112xi32, #tpu.memory_space<vmem>> -> memref<16xi32, #tpu.memory_space<vmem>>
    %dma_start3A_91 = arith.constant 0 : i32
    %dma_start3A_92 = arith.constant 0 : i32
    %dma_start3A_93 = tpu.memref_slice %arg2[%dma_start3A_91, %dma_start3A_92] : memref<2048x1024xf32, #tpu.memory_space<hbm>> -> memref<2048x1024xf32, #tpu.memory_space<hbm>>
    tpu.enqueue_indirect_dma source(%dma_start3A_93 : memref<2048x1024xf32, #tpu.memory_space<hbm>>) target(%arg8 : memref<16x1024xf32, #tpu.memory_space<vmem>>) offsets(%dma_start3A_90 : memref<16xi32, #tpu.memory_space<vmem>>) semaphore(%arg11 : memref<!tpu.dma_semaphore, #tpu.memory_space<semaphore_mem>>)
    %dma_wait3A_94 = tpu.memref_slice %arg6[%add3A_65] : memref<4112xi32, #tpu.memory_space<vmem>> -> memref<16xi32, #tpu.memory_space<vmem>>
    %dma_wait3A_95 = arith.constant 0 : i32
    %dma_wait3A_96 = arith.constant 0 : i32
    %dma_wait3A_97 = tpu.memref_slice %arg2[%dma_wait3A_95, %dma_wait3A_96] : memref<2048x1024xf32, #tpu.memory_space<hbm>> -> memref<2048x1024xf32, #tpu.memory_space<hbm>>
    tpu.wait_indirect_dma semaphore(%arg11 : memref<!tpu.dma_semaphore, #tpu.memory_space<semaphore_mem>>) src(%dma_wait3A_97 : memref<2048x1024xf32, #tpu.memory_space<hbm>>) dst(%arg7 : memref<16x1024xf32, #tpu.memory_space<vmem>>)
    %mul3A_98 = arith.constant 128 : i32
    %mul3A_99 = arith.muli %add3A, %mul3A_98 : i32
    %add3A_100 = arith.constant 48 : i32
    %add3A_101 = arith.addi %mul3A_99, %add3A_100 : i32
    %dma_start3A_102 = arith.constant 0 : i32
    %dma_start3A_103 = tpu.memref_slice %arg4[%add3A_101, %dma_start3A_102] : memref<4096x1024xf32, #tpu.memory_space<hbm>> -> memref<16x1024xf32, #tpu.memory_space<hbm>>
    %dma_start3A_104 = arith.constant 0 : i32
    %dma_start3A_105 = tpu.memref_slice %arg4[%add3A_101, %dma_start3A_104] : memref<4096x1024xf32, #tpu.memory_space<hbm>> -> memref<16x1024xf32, #tpu.memory_space<hbm>>
    tpu.enqueue_dma source(%arg7 : memref<16x1024xf32, #tpu.memory_space<vmem>>) target(%dma_start3A_105 : memref<16x1024xf32, #tpu.memory_space<hbm>>) target_semaphore(%arg12 : memref<!tpu.dma_semaphore, #tpu.memory_space<semaphore_mem>>)
    %dma_wait3A_106 = arith.constant 0 : i32
    %dma_wait3A_107 = tpu.memref_slice %arg4[%add3A_77, %dma_wait3A_106] : memref<4096x1024xf32, #tpu.memory_space<hbm>> -> memref<16x1024xf32, #tpu.memory_space<hbm>>
    %dma_wait3A_108 = arith.constant 0 : i32
    %dma_wait3A_109 = tpu.memref_slice %arg4[%add3A_77, %dma_wait3A_108] : memref<4096x1024xf32, #tpu.memory_space<hbm>> -> memref<16x1024xf32, #tpu.memory_space<hbm>>
    tpu.wait_dma2 semaphore(%arg12 : memref<!tpu.dma_semaphore, #tpu.memory_space<semaphore_mem>>) src(%arg9 : memref<16x1024xf32, #tpu.memory_space<vmem>>) dst(%dma_wait3A_109 : memref<16x1024xf32, #tpu.memory_space<hbm>>)
    %mul3A_110 = arith.constant 128 : i32
    %mul3A_111 = arith.muli %add3A, %mul3A_110 : i32
    %add3A_112 = arith.constant 80 : i32
    %add3A_113 = arith.addi %mul3A_111, %add3A_112 : i32
    %dma_start3A_114 = tpu.memref_slice %arg6[%add3A_113] : memref<4112xi32, #tpu.memory_space<vmem>> -> memref<16xi32, #tpu.memory_space<vmem>>
    %dma_start3A_115 = arith.constant 0 : i32
    %dma_start3A_116 = arith.constant 0 : i32
    %dma_start3A_117 = tpu.memref_slice %arg2[%dma_start3A_115, %dma_start3A_116] : memref<2048x1024xf32, #tpu.memory_space<hbm>> -> memref<2048x1024xf32, #tpu.memory_space<hbm>>
    tpu.enqueue_indirect_dma source(%dma_start3A_117 : memref<2048x1024xf32, #tpu.memory_space<hbm>>) target(%arg9 : memref<16x1024xf32, #tpu.memory_space<vmem>>) offsets(%dma_start3A_114 : memref<16xi32, #tpu.memory_space<vmem>>) semaphore(%arg11 : memref<!tpu.dma_semaphore, #tpu.memory_space<semaphore_mem>>)
    %dma_wait3A_118 = tpu.memref_slice %arg6[%add3A_89] : memref<4112xi32, #tpu.memory_space<vmem>> -> memref<16xi32, #tpu.memory_space<vmem>>
    %dma_wait3A_119 = arith.constant 0 : i32
    %dma_wait3A_120 = arith.constant 0 : i32
    %dma_wait3A_121 = tpu.memref_slice %arg2[%dma_wait3A_119, %dma_wait3A_120] : memref<2048x1024xf32, #tpu.memory_space<hbm>> -> memref<2048x1024xf32, #tpu.memory_space<hbm>>
    tpu.wait_indirect_dma semaphore(%arg11 : memref<!tpu.dma_semaphore, #tpu.memory_space<semaphore_mem>>) src(%dma_wait3A_121 : memref<2048x1024xf32, #tpu.memory_space<hbm>>) dst(%arg8 : memref<16x1024xf32, #tpu.memory_space<vmem>>)
    %mul3A_122 = arith.constant 128 : i32
    %mul3A_123 = arith.muli %add3A, %mul3A_122 : i32
    %add3A_124 = arith.constant 64 : i32
    %add3A_125 = arith.addi %mul3A_123, %add3A_124 : i32
    %dma_start3A_126 = arith.constant 0 : i32
    %dma_start3A_127 = tpu.memref_slice %arg4[%add3A_125, %dma_start3A_126] : memref<4096x1024xf32, #tpu.memory_space<hbm>> -> memref<16x1024xf32, #tpu.memory_space<hbm>>
    %dma_start3A_128 = arith.constant 0 : i32
    %dma_start3A_129 = tpu.memref_slice %arg4[%add3A_125, %dma_start3A_128] : memref<4096x1024xf32, #tpu.memory_space<hbm>> -> memref<16x1024xf32, #tpu.memory_space<hbm>>
    tpu.enqueue_dma source(%arg8 : memref<16x1024xf32, #tpu.memory_space<vmem>>) target(%dma_start3A_129 : memref<16x1024xf32, #tpu.memory_space<hbm>>) target_semaphore(%arg12 : memref<!tpu.dma_semaphore, #tpu.memory_space<semaphore_mem>>)
    %dma_wait3A_130 = arith.constant 0 : i32
    %dma_wait3A_131 = tpu.memref_slice %arg4[%add3A_101, %dma_wait3A_130] : memref<4096x1024xf32, #tpu.memory_space<hbm>> -> memref<16x1024xf32, #tpu.memory_space<hbm>>
    %dma_wait3A_132 = arith.constant 0 : i32
    %dma_wait3A_133 = tpu.memref_slice %arg4[%add3A_101, %dma_wait3A_132] : memref<4096x1024xf32, #tpu.memory_space<hbm>> -> memref<16x1024xf32, #tpu.memory_space<hbm>>
    tpu.wait_dma2 semaphore(%arg12 : memref<!tpu.dma_semaphore, #tpu.memory_space<semaphore_mem>>) src(%arg7 : memref<16x1024xf32, #tpu.memory_space<vmem>>) dst(%dma_wait3A_133 : memref<16x1024xf32, #tpu.memory_space<hbm>>)
    %mul3A_134 = arith.constant 128 : i32
    %mul3A_135 = arith.muli %add3A, %mul3A_134 : i32
    %add3A_136 = arith.constant 96 : i32
    %add3A_137 = arith.addi %mul3A_135, %add3A_136 : i32
    %dma_start3A_138 = tpu.memref_slice %arg6[%add3A_137] : memref<4112xi32, #tpu.memory_space<vmem>> -> memref<16xi32, #tpu.memory_space<vmem>>
    %dma_start3A_139 = arith.constant 0 : i32
    %dma_start3A_140 = arith.constant 0 : i32
    %dma_start3A_141 = tpu.memref_slice %arg2[%dma_start3A_139, %dma_start3A_140] : memref<2048x1024xf32, #tpu.memory_space<hbm>> -> memref<2048x1024xf32, #tpu.memory_space<hbm>>
    tpu.enqueue_indirect_dma source(%dma_start3A_141 : memref<2048x1024xf32, #tpu.memory_space<hbm>>) target(%arg7 : memref<16x1024xf32, #tpu.memory_space<vmem>>) offsets(%dma_start3A_138 : memref<16xi32, #tpu.memory_space<vmem>>) semaphore(%arg11 : memref<!tpu.dma_semaphore, #tpu.memory_space<semaphore_mem>>)
    %dma_wait3A_142 = tpu.memref_slice %arg6[%add3A_113] : memref<4112xi32, #tpu.memory_space<vmem>> -> memref<16xi32, #tpu.memory_space<vmem>>
    %dma_wait3A_143 = arith.constant 0 : i32
    %dma_wait3A_144 = arith.constant 0 : i32
    %dma_wait3A_145 = tpu.memref_slice %arg2[%dma_wait3A_143, %dma_wait3A_144] : memref<2048x1024xf32, #tpu.memory_space<hbm>> -> memref<2048x1024xf32, #tpu.memory_space<hbm>>
    tpu.wait_indirect_dma semaphore(%arg11 : memref<!tpu.dma_semaphore, #tpu.memory_space<semaphore_mem>>) src(%dma_wait3A_145 : memref<2048x1024xf32, #tpu.memory_space<hbm>>) dst(%arg9 : memref<16x1024xf32, #tpu.memory_space<vmem>>)
    %mul3A_146 = arith.constant 128 : i32
    %mul3A_147 = arith.muli %add3A, %mul3A_146 : i32
    %add3A_148 = arith.constant 80 : i32
    %add3A_149 = arith.addi %mul3A_147, %add3A_148 : i32
    %dma_start3A_150 = arith.constant 0 : i32
    %dma_start3A_151 = tpu.memref_slice %arg4[%add3A_149, %dma_start3A_150] : memref<4096x1024xf32, #tpu.memory_space<hbm>> -> memref<16x1024xf32, #tpu.memory_space<hbm>>
    %dma_start3A_152 = arith.constant 0 : i32
    %dma_start3A_153 = tpu.memref_slice %arg4[%add3A_149, %dma_start3A_152] : memref<4096x1024xf32, #tpu.memory_space<hbm>> -> memref<16x1024xf32, #tpu.memory_space<hbm>>
    tpu.enqueue_dma source(%arg9 : memref<16x1024xf32, #tpu.memory_space<vmem>>) target(%dma_start3A_153 : memref<16x1024xf32, #tpu.memory_space<hbm>>) target_semaphore(%arg12 : memref<!tpu.dma_semaphore, #tpu.memory_space<semaphore_mem>>)
    %dma_wait3A_154 = arith.constant 0 : i32
    %dma_wait3A_155 = tpu.memref_slice %arg4[%add3A_125, %dma_wait3A_154] : memref<4096x1024xf32, #tpu.memory_space<hbm>> -> memref<16x1024xf32, #tpu.memory_space<hbm>>
    %dma_wait3A_156 = arith.constant 0 : i32
    %dma_wait3A_157 = tpu.memref_slice %arg4[%add3A_125, %dma_wait3A_156] : memref<4096x1024xf32, #tpu.memory_space<hbm>> -> memref<16x1024xf32, #tpu.memory_space<hbm>>
    tpu.wait_dma2 semaphore(%arg12 : memref<!tpu.dma_semaphore, #tpu.memory_space<semaphore_mem>>) src(%arg8 : memref<16x1024xf32, #tpu.memory_space<vmem>>) dst(%dma_wait3A_157 : memref<16x1024xf32, #tpu.memory_space<hbm>>)
    %mul3A_158 = arith.constant 128 : i32
    %mul3A_159 = arith.muli %add3A, %mul3A_158 : i32
    %add3A_160 = arith.constant 112 : i32
    %add3A_161 = arith.addi %mul3A_159, %add3A_160 : i32
    %dma_start3A_162 = tpu.memref_slice %arg6[%add3A_161] : memref<4112xi32, #tpu.memory_space<vmem>> -> memref<16xi32, #tpu.memory_space<vmem>>
    %dma_start3A_163 = arith.constant 0 : i32
    %dma_start3A_164 = arith.constant 0 : i32
    %dma_start3A_165 = tpu.memref_slice %arg2[%dma_start3A_163, %dma_start3A_164] : memref<2048x1024xf32, #tpu.memory_space<hbm>> -> memref<2048x1024xf32, #tpu.memory_space<hbm>>
    tpu.enqueue_indirect_dma source(%dma_start3A_165 : memref<2048x1024xf32, #tpu.memory_space<hbm>>) target(%arg8 : memref<16x1024xf32, #tpu.memory_space<vmem>>) offsets(%dma_start3A_162 : memref<16xi32, #tpu.memory_space<vmem>>) semaphore(%arg11 : memref<!tpu.dma_semaphore, #tpu.memory_space<semaphore_mem>>)
    %dma_wait3A_166 = tpu.memref_slice %arg6[%add3A_137] : memref<4112xi32, #tpu.memory_space<vmem>> -> memref<16xi32, #tpu.memory_space<vmem>>
    %dma_wait3A_167 = arith.constant 0 : i32
    %dma_wait3A_168 = arith.constant 0 : i32
    %dma_wait3A_169 = tpu.memref_slice %arg2[%dma_wait3A_167, %dma_wait3A_168] : memref<2048x1024xf32, #tpu.memory_space<hbm>> -> memref<2048x1024xf32, #tpu.memory_space<hbm>>
    tpu.wait_indirect_dma semaphore(%arg11 : memref<!tpu.dma_semaphore, #tpu.memory_space<semaphore_mem>>) src(%dma_wait3A_169 : memref<2048x1024xf32, #tpu.memory_space<hbm>>) dst(%arg7 : memref<16x1024xf32, #tpu.memory_space<vmem>>)
    %mul3A_170 = arith.constant 128 : i32
    %mul3A_171 = arith.muli %add3A, %mul3A_170 : i32
    %add3A_172 = arith.constant 96 : i32
    %add3A_173 = arith.addi %mul3A_171, %add3A_172 : i32
    %dma_start3A_174 = arith.constant 0 : i32
    %dma_start3A_175 = tpu.memref_slice %arg4[%add3A_173, %dma_start3A_174] : memref<4096x1024xf32, #tpu.memory_space<hbm>> -> memref<16x1024xf32, #tpu.memory_space<hbm>>
    %dma_start3A_176 = arith.constant 0 : i32
    %dma_start3A_177 = tpu.memref_slice %arg4[%add3A_173, %dma_start3A_176] : memref<4096x1024xf32, #tpu.memory_space<hbm>> -> memref<16x1024xf32, #tpu.memory_space<hbm>>
    tpu.enqueue_dma source(%arg7 : memref<16x1024xf32, #tpu.memory_space<vmem>>) target(%dma_start3A_177 : memref<16x1024xf32, #tpu.memory_space<hbm>>) target_semaphore(%arg12 : memref<!tpu.dma_semaphore, #tpu.memory_space<semaphore_mem>>)
    %dma_wait3A_178 = tpu.memref_slice %arg6[%add3A_161] : memref<4112xi32, #tpu.memory_space<vmem>> -> memref<16xi32, #tpu.memory_space<vmem>>
    %dma_wait3A_179 = arith.constant 0 : i32
    %dma_wait3A_180 = arith.constant 0 : i32
    %dma_wait3A_181 = tpu.memref_slice %arg2[%dma_wait3A_179, %dma_wait3A_180] : memref<2048x1024xf32, #tpu.memory_space<hbm>> -> memref<2048x1024xf32, #tpu.memory_space<hbm>>
    tpu.wait_indirect_dma semaphore(%arg11 : memref<!tpu.dma_semaphore, #tpu.memory_space<semaphore_mem>>) src(%dma_wait3A_181 : memref<2048x1024xf32, #tpu.memory_space<hbm>>) dst(%arg8 : memref<16x1024xf32, #tpu.memory_space<vmem>>)
    %mul3A_182 = arith.constant 128 : i32
    %mul3A_183 = arith.muli %add3A, %mul3A_182 : i32
    %add3A_184 = arith.constant 112 : i32
    %add3A_185 = arith.addi %mul3A_183, %add3A_184 : i32
    %dma_start3A_186 = arith.constant 0 : i32
    %dma_start3A_187 = tpu.memref_slice %arg4[%add3A_185, %dma_start3A_186] : memref<4096x1024xf32, #tpu.memory_space<hbm>> -> memref<16x1024xf32, #tpu.memory_space<hbm>>
    %dma_start3A_188 = arith.constant 0 : i32
    %dma_start3A_189 = tpu.memref_slice %arg4[%add3A_185, %dma_start3A_188] : memref<4096x1024xf32, #tpu.memory_space<hbm>> -> memref<16x1024xf32, #tpu.memory_space<hbm>>
    tpu.enqueue_dma source(%arg8 : memref<16x1024xf32, #tpu.memory_space<vmem>>) target(%dma_start3A_189 : memref<16x1024xf32, #tpu.memory_space<hbm>>) target_semaphore(%arg12 : memref<!tpu.dma_semaphore, #tpu.memory_space<semaphore_mem>>)
    %dma_wait3A_190 = arith.constant 0 : i32
    %dma_wait3A_191 = tpu.memref_slice %arg4[%add3A_173, %dma_wait3A_190] : memref<4096x1024xf32, #tpu.memory_space<hbm>> -> memref<16x1024xf32, #tpu.memory_space<hbm>>
    %dma_wait3A_192 = arith.constant 0 : i32
    %dma_wait3A_193 = tpu.memref_slice %arg4[%add3A_173, %dma_wait3A_192] : memref<4096x1024xf32, #tpu.memory_space<hbm>> -> memref<16x1024xf32, #tpu.memory_space<hbm>>
    tpu.wait_dma2 semaphore(%arg12 : memref<!tpu.dma_semaphore, #tpu.memory_space<semaphore_mem>>) src(%arg7 : memref<16x1024xf32, #tpu.memory_space<vmem>>) dst(%dma_wait3A_193 : memref<16x1024xf32, #tpu.memory_space<hbm>>)
    %dma_wait3A_194 = arith.constant 0 : i32
    %dma_wait3A_195 = tpu.memref_slice %arg4[%add3A_185, %dma_wait3A_194] : memref<4096x1024xf32, #tpu.memory_space<hbm>> -> memref<16x1024xf32, #tpu.memory_space<hbm>>
    %dma_wait3A_196 = arith.constant 0 : i32
    %dma_wait3A_197 = tpu.memref_slice %arg4[%add3A_185, %dma_wait3A_196] : memref<4096x1024xf32, #tpu.memory_space<hbm>> -> memref<16x1024xf32, #tpu.memory_space<hbm>>
    tpu.wait_dma2 semaphore(%arg12 : memref<!tpu.dma_semaphore, #tpu.memory_space<semaphore_mem>>) src(%arg8 : memref<16x1024xf32, #tpu.memory_space<vmem>>) dst(%dma_wait3A_197 : memref<16x1024xf32, #tpu.memory_space<hbm>>)
    return
  }
}

module attributes {stable_mosaic.version = 14 : i64} {
  func.func @_router_body(%arg0: memref<2048x1024xf32, #tpu.memory_space<vmem>>, %arg1: memref<1024x8xf32, #tpu.memory_space<vmem>>, %arg2: memref<1x8xf32, #tpu.memory_space<vmem>>, %arg3: memref<2048x2xi32, #tpu.memory_space<vmem>>, %arg4: memref<2048x2xi32, #tpu.memory_space<vmem>>, %arg5: memref<2048x32xf32, #tpu.memory_space<vmem>>) attributes {dimension_semantics = [], scalar_prefetch = 0 : i64, scratch_operands = 0 : i64, tpu.core_type = #tpu.core_type<tc>} {
    %get3A = arith.constant 0 : index
    %get3A_0 = arith.constant 0 : index
    %get3A_1 = vector.load %arg0[%get3A, %get3A_0] : memref<2048x1024xf32, #tpu.memory_space<vmem>>, vector<2048x1024xf32>
    %get3A_2 = arith.constant 0 : index
    %get3A_3 = arith.constant 0 : index
    %get3A_4 = vector.load %arg1[%get3A_2, %get3A_3] : memref<1024x8xf32, #tpu.memory_space<vmem>>, vector<1024x8xf32>
    %dot_general3A = arith.constant dense<0.000000e+00> : vector<2048x8xf32>
    %dot_general3A_5 = tpu.matmul %get3A_1, %get3A_4, %dot_general3A {dimension_numbers = #tpu.dot_dimension_numbers<[1], [0], [0], [1], [0, 0, 1, 1], [], []>, transpose_lhs_hint = false} : vector<2048x1024xf32>, vector<1024x8xf32>, vector<2048x8xf32> -> vector<2048x8xf32>
    %get3A_6 = arith.constant 0 : index
    %get3A_7 = arith.constant 0 : index
    %get3A_8 = vector.load %arg2[%get3A_6, %get3A_7] : memref<1x8xf32, #tpu.memory_space<vmem>>, vector<1x8xf32>
    %add3A = vector.broadcast %get3A_8 : vector<1x8xf32> to vector<2048x8xf32>
    %add3A_9 = arith.addf %dot_general3A_5, %add3A : vector<2048x8xf32>
    %iota3A = tpu.iota {dimensions = array<i32: 1>} : vector<2048x8xi32>
    %reduce_max3A = arith.constant dense<0xFF800000> : vector<2048xf32>
    %reduce_max3A_10 = vector.multi_reduction <maximumf>, %add3A_9, %reduce_max3A [1] : vector<2048x8xf32> to vector<2048xf32>
    %broadcast_in_dim3A = vector.shape_cast %reduce_max3A_10 : vector<2048xf32> to vector<2048x1xf32>
    %eq3A = vector.broadcast %broadcast_in_dim3A : vector<2048x1xf32> to vector<2048x8xf32>
    %eq3A_11 = arith.cmpf oeq, %add3A_9, %eq3A : vector<2048x8xf32>
    %jit3A = arith.constant 8 : i32
    %broadcast_in_dim3A_12 = vector.broadcast %jit3A : i32 to vector<2048x8xi32>
    %select_n3A = arith.select %eq3A_11, %iota3A, %broadcast_in_dim3A_12 : vector<2048x8xi1>, vector<2048x8xi32>
    %reduce_min3A = arith.constant dense<2147483647> : vector<2048xi32>
    %reduce_min3A_13 = vector.multi_reduction <minsi>, %select_n3A, %reduce_min3A [1] : vector<2048x8xi32> to vector<2048xi32>
    %broadcast_in_dim3A_14 = vector.shape_cast %reduce_min3A_13 : vector<2048xi32> to vector<2048x1xi32>
    %eq3A_15 = vector.broadcast %broadcast_in_dim3A_14 : vector<2048x1xi32> to vector<2048x8xi32>
    %eq3A_16 = arith.cmpi eq, %iota3A, %eq3A_15 : vector<2048x8xi32>
    %jit3A_17 = arith.constant 0xFF800000 : f32
    %broadcast_in_dim3A_18 = vector.broadcast %jit3A_17 : f32 to vector<2048x8xf32>
    %select_n3A_19 = arith.select %eq3A_16, %broadcast_in_dim3A_18, %add3A_9 : vector<2048x8xi1>, vector<2048x8xf32>
    %reduce_max3A_20 = arith.constant dense<0xFF800000> : vector<2048xf32>
    %reduce_max3A_21 = vector.multi_reduction <maximumf>, %select_n3A_19, %reduce_max3A_20 [1] : vector<2048x8xf32> to vector<2048xf32>
    %broadcast_in_dim3A_22 = vector.shape_cast %reduce_max3A_21 : vector<2048xf32> to vector<2048x1xf32>
    %eq3A_23 = vector.broadcast %broadcast_in_dim3A_22 : vector<2048x1xf32> to vector<2048x8xf32>
    %eq3A_24 = arith.cmpf oeq, %select_n3A_19, %eq3A_23 : vector<2048x8xf32>
    %jit3A_25 = arith.constant 8 : i32
    %broadcast_in_dim3A_26 = vector.broadcast %jit3A_25 : i32 to vector<2048x8xi32>
    %select_n3A_27 = arith.select %eq3A_24, %iota3A, %broadcast_in_dim3A_26 : vector<2048x8xi1>, vector<2048x8xi32>
    %reduce_min3A_28 = arith.constant dense<2147483647> : vector<2048xi32>
    %reduce_min3A_29 = vector.multi_reduction <minsi>, %select_n3A_27, %reduce_min3A_28 [1] : vector<2048x8xi32> to vector<2048xi32>
    %broadcast_in_dim3A_30 = vector.shape_cast %reduce_min3A_29 : vector<2048xi32> to vector<2048x1xi32>
    %sub3A = arith.subf %broadcast_in_dim3A_22, %broadcast_in_dim3A : vector<2048x1xf32>
    %exp3A = math.exp %sub3A : vector<2048x1xf32>
    %add3A_31 = arith.constant 1.000000e+00 : f32
    %add3A_32 = vector.broadcast %add3A_31 : f32 to vector<2048x1xf32>
    %add3A_33 = arith.addf %add3A_32, %exp3A : vector<2048x1xf32>
    %div3A = arith.constant 1.000000e+00 : f32
    %div3A_34 = vector.broadcast %div3A : f32 to vector<2048x1xf32>
    %div3A_35 = arith.divf %div3A_34, %add3A_33 : vector<2048x1xf32>
    %add3A_36 = arith.constant 1.000000e+00 : f32
    %add3A_37 = vector.broadcast %add3A_36 : f32 to vector<2048x1xf32>
    %add3A_38 = arith.addf %add3A_37, %exp3A : vector<2048x1xf32>
    %div3A_39 = arith.divf %exp3A, %add3A_38 : vector<2048x1xf32>
    %eq3A_40 = vector.broadcast %broadcast_in_dim3A_14 : vector<2048x1xi32> to vector<2048x8xi32>
    %eq3A_41 = arith.cmpi eq, %iota3A, %eq3A_40 : vector<2048x8xi32>
    %convert_element_type3A = arith.extui %eq3A_41 : vector<2048x8xi1> to vector<2048x8xi32>
    %convert_element_type3A_42 = arith.sitofp %convert_element_type3A : vector<2048x8xi32> to vector<2048x8xf32>
    %eq3A_43 = vector.broadcast %broadcast_in_dim3A_30 : vector<2048x1xi32> to vector<2048x8xi32>
    %eq3A_44 = arith.cmpi eq, %iota3A, %eq3A_43 : vector<2048x8xi32>
    %convert_element_type3A_45 = arith.extui %eq3A_44 : vector<2048x8xi1> to vector<2048x8xi32>
    %convert_element_type3A_46 = arith.sitofp %convert_element_type3A_45 : vector<2048x8xi32> to vector<2048x8xf32>
    %add3A_47 = arith.addf %convert_element_type3A_42, %convert_element_type3A_46 : vector<2048x8xf32>
    %iota3A_48 = tpu.iota {dimensions = array<i32: 0>} : vector<256x256xi32>
    %iota3A_49 = tpu.iota {dimensions = array<i32: 1>} : vector<256x256xi32>
    %lt3A = arith.cmpi slt, %iota3A_49, %iota3A_48 : vector<256x256xi32>
    %convert_element_type3A_50 = arith.extui %lt3A : vector<256x256xi1> to vector<256x256xi32>
    %convert_element_type3A_51 = arith.sitofp %convert_element_type3A_50 : vector<256x256xi32> to vector<256x256xf32>
    %broadcast_in_dim3A_52 = arith.constant 0.000000e+00 : f32
    %broadcast_in_dim3A_53 = vector.broadcast %broadcast_in_dim3A_52 : f32 to vector<1x8xf32>
    %slice3A = vector.extract_strided_slice %add3A_47 {offsets = [0, 0], sizes = [256, 8], strides = [1, 1]} : vector<2048x8xf32> to vector<256x8xf32>
    %dot_general3A_54 = arith.constant dense<0.000000e+00> : vector<256x8xf32>
    %dot_general3A_55 = tpu.matmul %convert_element_type3A_51, %slice3A, %dot_general3A_54 {dimension_numbers = #tpu.dot_dimension_numbers<[1], [0], [0], [1], [0, 0, 1, 1], [], []>, transpose_lhs_hint = false} : vector<256x256xf32>, vector<256x8xf32>, vector<256x8xf32> -> vector<256x8xf32>
    %add3A_56 = vector.broadcast %broadcast_in_dim3A_53 : vector<1x8xf32> to vector<256x8xf32>
    %add3A_57 = arith.addf %dot_general3A_55, %add3A_56 : vector<256x8xf32>
    %reduce_sum3A = arith.constant dense<0.000000e+00> : vector<8xf32>
    %reduce_sum3A_58 = vector.multi_reduction <add>, %slice3A, %reduce_sum3A [0] : vector<256x8xf32> to vector<8xf32>
    %broadcast_in_dim3A_59 = vector.shape_cast %reduce_sum3A_58 : vector<8xf32> to vector<1x8xf32>
    %add3A_60 = arith.addf %broadcast_in_dim3A_53, %broadcast_in_dim3A_59 : vector<1x8xf32>
    %slice3A_61 = vector.extract_strided_slice %add3A_47 {offsets = [256, 0], sizes = [256, 8], strides = [1, 1]} : vector<2048x8xf32> to vector<256x8xf32>
    %dot_general3A_62 = arith.constant dense<0.000000e+00> : vector<256x8xf32>
    %dot_general3A_63 = tpu.matmul %convert_element_type3A_51, %slice3A_61, %dot_general3A_62 {dimension_numbers = #tpu.dot_dimension_numbers<[1], [0], [0], [1], [0, 0, 1, 1], [], []>, transpose_lhs_hint = false} : vector<256x256xf32>, vector<256x8xf32>, vector<256x8xf32> -> vector<256x8xf32>
    %add3A_64 = vector.broadcast %add3A_60 : vector<1x8xf32> to vector<256x8xf32>
    %add3A_65 = arith.addf %dot_general3A_63, %add3A_64 : vector<256x8xf32>
    %reduce_sum3A_66 = arith.constant dense<0.000000e+00> : vector<8xf32>
    %reduce_sum3A_67 = vector.multi_reduction <add>, %slice3A_61, %reduce_sum3A_66 [0] : vector<256x8xf32> to vector<8xf32>
    %broadcast_in_dim3A_68 = vector.shape_cast %reduce_sum3A_67 : vector<8xf32> to vector<1x8xf32>
    %add3A_69 = arith.addf %add3A_60, %broadcast_in_dim3A_68 : vector<1x8xf32>
    %slice3A_70 = vector.extract_strided_slice %add3A_47 {offsets = [512, 0], sizes = [256, 8], strides = [1, 1]} : vector<2048x8xf32> to vector<256x8xf32>
    %dot_general3A_71 = arith.constant dense<0.000000e+00> : vector<256x8xf32>
    %dot_general3A_72 = tpu.matmul %convert_element_type3A_51, %slice3A_70, %dot_general3A_71 {dimension_numbers = #tpu.dot_dimension_numbers<[1], [0], [0], [1], [0, 0, 1, 1], [], []>, transpose_lhs_hint = false} : vector<256x256xf32>, vector<256x8xf32>, vector<256x8xf32> -> vector<256x8xf32>
    %add3A_73 = vector.broadcast %add3A_69 : vector<1x8xf32> to vector<256x8xf32>
    %add3A_74 = arith.addf %dot_general3A_72, %add3A_73 : vector<256x8xf32>
    %reduce_sum3A_75 = arith.constant dense<0.000000e+00> : vector<8xf32>
    %reduce_sum3A_76 = vector.multi_reduction <add>, %slice3A_70, %reduce_sum3A_75 [0] : vector<256x8xf32> to vector<8xf32>
    %broadcast_in_dim3A_77 = vector.shape_cast %reduce_sum3A_76 : vector<8xf32> to vector<1x8xf32>
    %add3A_78 = arith.addf %add3A_69, %broadcast_in_dim3A_77 : vector<1x8xf32>
    %slice3A_79 = vector.extract_strided_slice %add3A_47 {offsets = [768, 0], sizes = [256, 8], strides = [1, 1]} : vector<2048x8xf32> to vector<256x8xf32>
    %dot_general3A_80 = arith.constant dense<0.000000e+00> : vector<256x8xf32>
    %dot_general3A_81 = tpu.matmul %convert_element_type3A_51, %slice3A_79, %dot_general3A_80 {dimension_numbers = #tpu.dot_dimension_numbers<[1], [0], [0], [1], [0, 0, 1, 1], [], []>, transpose_lhs_hint = false} : vector<256x256xf32>, vector<256x8xf32>, vector<256x8xf32> -> vector<256x8xf32>
    %add3A_82 = vector.broadcast %add3A_78 : vector<1x8xf32> to vector<256x8xf32>
    %add3A_83 = arith.addf %dot_general3A_81, %add3A_82 : vector<256x8xf32>
    %reduce_sum3A_84 = arith.constant dense<0.000000e+00> : vector<8xf32>
    %reduce_sum3A_85 = vector.multi_reduction <add>, %slice3A_79, %reduce_sum3A_84 [0] : vector<256x8xf32> to vector<8xf32>
    %broadcast_in_dim3A_86 = vector.shape_cast %reduce_sum3A_85 : vector<8xf32> to vector<1x8xf32>
    %add3A_87 = arith.addf %add3A_78, %broadcast_in_dim3A_86 : vector<1x8xf32>
    %slice3A_88 = vector.extract_strided_slice %add3A_47 {offsets = [1024, 0], sizes = [256, 8], strides = [1, 1]} : vector<2048x8xf32> to vector<256x8xf32>
    %dot_general3A_89 = arith.constant dense<0.000000e+00> : vector<256x8xf32>
    %dot_general3A_90 = tpu.matmul %convert_element_type3A_51, %slice3A_88, %dot_general3A_89 {dimension_numbers = #tpu.dot_dimension_numbers<[1], [0], [0], [1], [0, 0, 1, 1], [], []>, transpose_lhs_hint = false} : vector<256x256xf32>, vector<256x8xf32>, vector<256x8xf32> -> vector<256x8xf32>
    %add3A_91 = vector.broadcast %add3A_87 : vector<1x8xf32> to vector<256x8xf32>
    %add3A_92 = arith.addf %dot_general3A_90, %add3A_91 : vector<256x8xf32>
    %reduce_sum3A_93 = arith.constant dense<0.000000e+00> : vector<8xf32>
    %reduce_sum3A_94 = vector.multi_reduction <add>, %slice3A_88, %reduce_sum3A_93 [0] : vector<256x8xf32> to vector<8xf32>
    %broadcast_in_dim3A_95 = vector.shape_cast %reduce_sum3A_94 : vector<8xf32> to vector<1x8xf32>
    %add3A_96 = arith.addf %add3A_87, %broadcast_in_dim3A_95 : vector<1x8xf32>
    %slice3A_97 = vector.extract_strided_slice %add3A_47 {offsets = [1280, 0], sizes = [256, 8], strides = [1, 1]} : vector<2048x8xf32> to vector<256x8xf32>
    %dot_general3A_98 = arith.constant dense<0.000000e+00> : vector<256x8xf32>
    %dot_general3A_99 = tpu.matmul %convert_element_type3A_51, %slice3A_97, %dot_general3A_98 {dimension_numbers = #tpu.dot_dimension_numbers<[1], [0], [0], [1], [0, 0, 1, 1], [], []>, transpose_lhs_hint = false} : vector<256x256xf32>, vector<256x8xf32>, vector<256x8xf32> -> vector<256x8xf32>
    %add3A_100 = vector.broadcast %add3A_96 : vector<1x8xf32> to vector<256x8xf32>
    %add3A_101 = arith.addf %dot_general3A_99, %add3A_100 : vector<256x8xf32>
    %reduce_sum3A_102 = arith.constant dense<0.000000e+00> : vector<8xf32>
    %reduce_sum3A_103 = vector.multi_reduction <add>, %slice3A_97, %reduce_sum3A_102 [0] : vector<256x8xf32> to vector<8xf32>
    %broadcast_in_dim3A_104 = vector.shape_cast %reduce_sum3A_103 : vector<8xf32> to vector<1x8xf32>
    %add3A_105 = arith.addf %add3A_96, %broadcast_in_dim3A_104 : vector<1x8xf32>
    %slice3A_106 = vector.extract_strided_slice %add3A_47 {offsets = [1536, 0], sizes = [256, 8], strides = [1, 1]} : vector<2048x8xf32> to vector<256x8xf32>
    %dot_general3A_107 = arith.constant dense<0.000000e+00> : vector<256x8xf32>
    %dot_general3A_108 = tpu.matmul %convert_element_type3A_51, %slice3A_106, %dot_general3A_107 {dimension_numbers = #tpu.dot_dimension_numbers<[1], [0], [0], [1], [0, 0, 1, 1], [], []>, transpose_lhs_hint = false} : vector<256x256xf32>, vector<256x8xf32>, vector<256x8xf32> -> vector<256x8xf32>
    %add3A_109 = vector.broadcast %add3A_105 : vector<1x8xf32> to vector<256x8xf32>
    %add3A_110 = arith.addf %dot_general3A_108, %add3A_109 : vector<256x8xf32>
    %reduce_sum3A_111 = arith.constant dense<0.000000e+00> : vector<8xf32>
    %reduce_sum3A_112 = vector.multi_reduction <add>, %slice3A_106, %reduce_sum3A_111 [0] : vector<256x8xf32> to vector<8xf32>
    %broadcast_in_dim3A_113 = vector.shape_cast %reduce_sum3A_112 : vector<8xf32> to vector<1x8xf32>
    %add3A_114 = arith.addf %add3A_105, %broadcast_in_dim3A_113 : vector<1x8xf32>
    %slice3A_115 = vector.extract_strided_slice %add3A_47 {offsets = [1792, 0], sizes = [256, 8], strides = [1, 1]} : vector<2048x8xf32> to vector<256x8xf32>
    %dot_general3A_116 = arith.constant dense<0.000000e+00> : vector<256x8xf32>
    %dot_general3A_117 = tpu.matmul %convert_element_type3A_51, %slice3A_115, %dot_general3A_116 {dimension_numbers = #tpu.dot_dimension_numbers<[1], [0], [0], [1], [0, 0, 1, 1], [], []>, transpose_lhs_hint = false} : vector<256x256xf32>, vector<256x8xf32>, vector<256x8xf32> -> vector<256x8xf32>
    %add3A_118 = vector.broadcast %add3A_114 : vector<1x8xf32> to vector<256x8xf32>
    %add3A_119 = arith.addf %dot_general3A_117, %add3A_118 : vector<256x8xf32>
    %concatenate3A = tpu.concatenate %add3A_57, %add3A_65, %add3A_74, %add3A_83, %add3A_92, %add3A_101, %add3A_110, %add3A_119 in 0 : vector<256x8xf32>, vector<256x8xf32>, vector<256x8xf32>, vector<256x8xf32>, vector<256x8xf32>, vector<256x8xf32>, vector<256x8xf32>, vector<256x8xf32> -> vector<2048x8xf32>
    %mul3A = arith.mulf %concatenate3A, %convert_element_type3A_42 : vector<2048x8xf32>
    %reduce_sum3A_120 = arith.constant dense<0.000000e+00> : vector<2048xf32>
    %reduce_sum3A_121 = vector.multi_reduction <add>, %mul3A, %reduce_sum3A_120 [1] : vector<2048x8xf32> to vector<2048xf32>
    %broadcast_in_dim3A_122 = vector.shape_cast %reduce_sum3A_121 : vector<2048xf32> to vector<2048x1xf32>
    %convert_element_type3A_123 = arith.fptosi %broadcast_in_dim3A_122 : vector<2048x1xf32> to vector<2048x1xi32>
    %mul3A_124 = arith.mulf %concatenate3A, %convert_element_type3A_46 : vector<2048x8xf32>
    %reduce_sum3A_125 = arith.constant dense<0.000000e+00> : vector<2048xf32>
    %reduce_sum3A_126 = vector.multi_reduction <add>, %mul3A_124, %reduce_sum3A_125 [1] : vector<2048x8xf32> to vector<2048xf32>
    %broadcast_in_dim3A_127 = vector.shape_cast %reduce_sum3A_126 : vector<2048xf32> to vector<2048x1xf32>
    %convert_element_type3A_128 = arith.fptosi %broadcast_in_dim3A_127 : vector<2048x1xf32> to vector<2048x1xi32>
    %lt3A_129 = arith.constant 512 : i32
    %lt3A_130 = vector.broadcast %lt3A_129 : i32 to vector<2048x1xi32>
    %lt3A_131 = arith.cmpi slt, %convert_element_type3A_123, %lt3A_130 : vector<2048x1xi32>
    %lt3A_132 = arith.constant 512 : i32
    %lt3A_133 = vector.broadcast %lt3A_132 : i32 to vector<2048x1xi32>
    %lt3A_134 = arith.cmpi slt, %convert_element_type3A_128, %lt3A_133 : vector<2048x1xi32>
    %mul3A_135 = arith.constant 512 : i32
    %mul3A_136 = vector.broadcast %mul3A_135 : i32 to vector<2048x1xi32>
    %mul3A_137 = arith.muli %broadcast_in_dim3A_14, %mul3A_136 : vector<2048x1xi32>
    %add3A_138 = arith.addi %mul3A_137, %convert_element_type3A_123 : vector<2048x1xi32>
    %mul3A_139 = arith.constant 512 : i32
    %mul3A_140 = vector.broadcast %mul3A_139 : i32 to vector<2048x1xi32>
    %mul3A_141 = arith.muli %broadcast_in_dim3A_30, %mul3A_140 : vector<2048x1xi32>
    %add3A_142 = arith.addi %mul3A_141, %convert_element_type3A_128 : vector<2048x1xi32>
    %iota3A_143 = tpu.iota {dimensions = array<i32: 0>} : vector<2048x1xi32>
    %mul3A_144 = arith.constant 2 : i32
    %mul3A_145 = vector.broadcast %mul3A_144 : i32 to vector<2048x1xi32>
    %mul3A_146 = arith.muli %mul3A_145, %iota3A_143 : vector<2048x1xi32>
    %jit3A_147 = arith.constant 16 : i32
    %eq3A_148 = arith.constant 0 : i32
    %eq3A_149 = arith.cmpi eq, %jit3A_147, %eq3A_148 : i32
    %jit3A_150 = arith.constant 1 : i32
    %select_n3A_151 = arith.select %eq3A_149, %jit3A_150, %jit3A_147 : i32
    %rem3A = vector.broadcast %select_n3A_151 : i32 to vector<2048x1xi32>
    %rem3A_152 = arith.remsi %mul3A_146, %rem3A : vector<2048x1xi32>
    %ne3A = arith.constant 0 : i32
    %ne3A_153 = vector.broadcast %ne3A : i32 to vector<2048x1xi32>
    %ne3A_154 = arith.cmpi ne, %rem3A_152, %ne3A_153 : vector<2048x1xi32>
    %lt3A_155 = arith.constant 0 : i32
    %lt3A_156 = vector.broadcast %lt3A_155 : i32 to vector<2048x1xi32>
    %lt3A_157 = arith.cmpi slt, %rem3A_152, %lt3A_156 : vector<2048x1xi32>
    %lt3A_158 = arith.constant 0 : i32
    %lt3A_159 = arith.cmpi slt, %select_n3A_151, %lt3A_158 : i32
    %ne3A_160 = vector.broadcast %lt3A_159 : i1 to vector<2048x1xi1>
    %ne3A_161 = vector.broadcast %ne3A_160 : vector<2048x1xi1> to vector<2048x1xi1>
    %ne3A_162 = arith.xori %lt3A_157, %ne3A_161 : vector<2048x1xi1>
    %and3A = arith.andi %ne3A_162, %ne3A_154 : vector<2048x1xi1>
    %add3A_163 = vector.broadcast %select_n3A_151 : i32 to vector<2048x1xi32>
    %add3A_164 = arith.addi %rem3A_152, %add3A_163 : vector<2048x1xi32>
    %select_n3A_165 = arith.select %and3A, %add3A_164, %rem3A_152 : vector<2048x1xi1>, vector<2048x1xi32>
    %add3A_166 = arith.constant 4096 : i32
    %add3A_167 = vector.broadcast %add3A_166 : i32 to vector<2048x1xi32>
    %add3A_168 = arith.addi %add3A_167, %select_n3A_165 : vector<2048x1xi32>
    %mul3A_169 = arith.constant 2 : i32
    %mul3A_170 = vector.broadcast %mul3A_169 : i32 to vector<2048x1xi32>
    %mul3A_171 = arith.muli %mul3A_170, %iota3A_143 : vector<2048x1xi32>
    %add3A_172 = arith.constant 1 : i32
    %add3A_173 = vector.broadcast %add3A_172 : i32 to vector<2048x1xi32>
    %add3A_174 = arith.addi %mul3A_171, %add3A_173 : vector<2048x1xi32>
    %jit3A_175 = arith.constant 16 : i32
    %eq3A_176 = arith.constant 0 : i32
    %eq3A_177 = arith.cmpi eq, %jit3A_175, %eq3A_176 : i32
    %jit3A_178 = arith.constant 1 : i32
    %select_n3A_179 = arith.select %eq3A_177, %jit3A_178, %jit3A_175 : i32
    %rem3A_180 = vector.broadcast %select_n3A_179 : i32 to vector<2048x1xi32>
    %rem3A_181 = arith.remsi %add3A_174, %rem3A_180 : vector<2048x1xi32>
    %ne3A_182 = arith.constant 0 : i32
    %ne3A_183 = vector.broadcast %ne3A_182 : i32 to vector<2048x1xi32>
    %ne3A_184 = arith.cmpi ne, %rem3A_181, %ne3A_183 : vector<2048x1xi32>
    %lt3A_185 = arith.constant 0 : i32
    %lt3A_186 = vector.broadcast %lt3A_185 : i32 to vector<2048x1xi32>
    %lt3A_187 = arith.cmpi slt, %rem3A_181, %lt3A_186 : vector<2048x1xi32>
    %lt3A_188 = arith.constant 0 : i32
    %lt3A_189 = arith.cmpi slt, %select_n3A_179, %lt3A_188 : i32
    %ne3A_190 = vector.broadcast %lt3A_189 : i1 to vector<2048x1xi1>
    %ne3A_191 = vector.broadcast %ne3A_190 : vector<2048x1xi1> to vector<2048x1xi1>
    %ne3A_192 = arith.xori %lt3A_187, %ne3A_191 : vector<2048x1xi1>
    %and3A_193 = arith.andi %ne3A_192, %ne3A_184 : vector<2048x1xi1>
    %add3A_194 = vector.broadcast %select_n3A_179 : i32 to vector<2048x1xi32>
    %add3A_195 = arith.addi %rem3A_181, %add3A_194 : vector<2048x1xi32>
    %select_n3A_196 = arith.select %and3A_193, %add3A_195, %rem3A_181 : vector<2048x1xi1>, vector<2048x1xi32>
    %add3A_197 = arith.constant 4096 : i32
    %add3A_198 = vector.broadcast %add3A_197 : i32 to vector<2048x1xi32>
    %add3A_199 = arith.addi %add3A_198, %select_n3A_196 : vector<2048x1xi32>
    %select_n3A_200 = arith.select %lt3A_131, %add3A_138, %add3A_168 : vector<2048x1xi1>, vector<2048x1xi32>
    %select_n3A_201 = arith.select %lt3A_134, %add3A_142, %add3A_199 : vector<2048x1xi1>, vector<2048x1xi32>
    %concatenate3A_202 = tpu.concatenate %select_n3A_200, %select_n3A_201 in 1 : vector<2048x1xi32>, vector<2048x1xi32> -> vector<2048x2xi32>
    %swap3A = arith.constant 0 : index
    %swap3A_203 = arith.constant 0 : index
    %swap3A_204 = vector.load %arg3[%swap3A, %swap3A_203] : memref<2048x2xi32, #tpu.memory_space<vmem>>, vector<2048x2xi32>
    tpu.vector_store %arg3[%swap3A, %swap3A_203], %concatenate3A_202 {strides = array<i32>} : memref<2048x2xi32, #tpu.memory_space<vmem>>, vector<2048x2xi32>,
    %jit3A_205 = arith.constant 0 : i32
    %broadcast_in_dim3A_206 = vector.broadcast %jit3A_205 : i32 to vector<2048x1xi32>
    %select_n3A_207 = arith.select %lt3A_131, %add3A_138, %broadcast_in_dim3A_206 : vector<2048x1xi1>, vector<2048x1xi32>
    %jit3A_208 = arith.constant 0 : i32
    %broadcast_in_dim3A_209 = vector.broadcast %jit3A_208 : i32 to vector<2048x1xi32>
    %select_n3A_210 = arith.select %lt3A_134, %add3A_142, %broadcast_in_dim3A_209 : vector<2048x1xi1>, vector<2048x1xi32>
    %concatenate3A_211 = tpu.concatenate %select_n3A_207, %select_n3A_210 in 1 : vector<2048x1xi32>, vector<2048x1xi32> -> vector<2048x2xi32>
    %swap3A_212 = arith.constant 0 : index
    %swap3A_213 = arith.constant 0 : index
    %swap3A_214 = vector.load %arg4[%swap3A_212, %swap3A_213] : memref<2048x2xi32, #tpu.memory_space<vmem>>, vector<2048x2xi32>
    tpu.vector_store %arg4[%swap3A_212, %swap3A_213], %concatenate3A_211 {strides = array<i32>} : memref<2048x2xi32, #tpu.memory_space<vmem>>, vector<2048x2xi32>,
    %jit3A_215 = arith.constant 0.000000e+00 : f32
    %broadcast_in_dim3A_216 = vector.broadcast %jit3A_215 : f32 to vector<2048x1xf32>
    %select_n3A_217 = arith.select %lt3A_131, %div3A_35, %broadcast_in_dim3A_216 : vector<2048x1xi1>, vector<2048x1xf32>
    %jit3A_218 = arith.constant 0.000000e+00 : f32
    %broadcast_in_dim3A_219 = vector.broadcast %jit3A_218 : f32 to vector<2048x1xf32>
    %select_n3A_220 = arith.select %lt3A_134, %div3A_39, %broadcast_in_dim3A_219 : vector<2048x1xi1>, vector<2048x1xf32>
    %broadcast_in_dim3A_221 = vector.shape_cast %select_n3A_217 : vector<2048x1xf32> to vector<2048x1xf32>
    %broadcast_in_dim3A_222 = vector.broadcast %broadcast_in_dim3A_221 : vector<2048x1xf32> to vector<2048x16xf32>
    %broadcast_in_dim3A_223 = vector.shape_cast %select_n3A_220 : vector<2048x1xf32> to vector<2048x1xf32>
    %broadcast_in_dim3A_224 = vector.broadcast %broadcast_in_dim3A_223 : vector<2048x1xf32> to vector<2048x16xf32>
    %concatenate3A_225 = tpu.concatenate %broadcast_in_dim3A_222, %broadcast_in_dim3A_224 in 1 : vector<2048x16xf32>, vector<2048x16xf32> -> vector<2048x32xf32>
    %swap3A_226 = arith.constant 0 : index
    %swap3A_227 = arith.constant 0 : index
    %swap3A_228 = vector.load %arg5[%swap3A_226, %swap3A_227] : memref<2048x32xf32, #tpu.memory_space<vmem>>, vector<2048x32xf32>
    tpu.vector_store %arg5[%swap3A_226, %swap3A_227], %concatenate3A_225 {strides = array<i32>} : memref<2048x32xf32, #tpu.memory_space<vmem>>, vector<2048x32xf32>,
    return
  }
}

module attributes {stable_mosaic.version = 14 : i64} {
  func.func @_expert_body(%arg0: i32, %arg1: memref<512x1024xf32, #tpu.memory_space<vmem>>, %arg2: memref<1x1024x1024xf32, #tpu.memory_space<vmem>>, %arg3: memref<1x1x1024xf32, #tpu.memory_space<vmem>>, %arg4: memref<1x1x1024xf32, #tpu.memory_space<vmem>>, %arg5: memref<1x1x1024xf32, #tpu.memory_space<vmem>>, %arg6: memref<1x1024x1024xf32, #tpu.memory_space<vmem>>, %arg7: memref<1x1x1024xf32, #tpu.memory_space<vmem>>, %arg8: memref<1x1x1024xf32, #tpu.memory_space<vmem>>, %arg9: memref<1x1x1024xf32, #tpu.memory_space<vmem>>, %arg10: memref<512x1024xf32, #tpu.memory_space<vmem>>) attributes {dimension_semantics = [#tpu.dimension_semantics<arbitrary>], iteration_bounds = array<i64: 8>, scalar_prefetch = 0 : i64, scratch_operands = 0 : i64, tpu.core_type = #tpu.core_type<tc>, window_params = [{transform_indices = @transform_0, window_bounds = array<i64: 512, 1024>}, {transform_indices = @transform_1, window_bounds = array<i64: 1, 1024, 1024>}, {transform_indices = @transform_2, window_bounds = array<i64: 1, 1, 1024>}, {transform_indices = @transform_3, window_bounds = array<i64: 1, 1, 1024>}, {transform_indices = @transform_4, window_bounds = array<i64: 1, 1, 1024>}, {transform_indices = @transform_5, window_bounds = array<i64: 1, 1024, 1024>}, {transform_indices = @transform_6, window_bounds = array<i64: 1, 1, 1024>}, {transform_indices = @transform_7, window_bounds = array<i64: 1, 1, 1024>}, {transform_indices = @transform_8, window_bounds = array<i64: 1, 1, 1024>}, {transform_indices = @transform_9, window_bounds = array<i64: 512, 1024>}]} {
    %get3A = arith.constant 0 : index
    %get3A_0 = arith.constant 0 : index
    %get3A_1 = vector.load %arg1[%get3A, %get3A_0] : memref<512x1024xf32, #tpu.memory_space<vmem>>, vector<512x1024xf32>
    %get3A_2 = arith.constant 0 : index
    %get3A_3 = arith.constant 0 : index
    %get3A_4 = arith.constant 0 : index
    %get3A_5 = vector.load %arg2[%get3A_2, %get3A_3, %get3A_4] : memref<1x1024x1024xf32, #tpu.memory_space<vmem>>, vector<1x1024x1024xf32>
    %get3A_6 = vector.shape_cast %get3A_5 : vector<1x1024x1024xf32> to vector<1024x1024xf32>
    %dot_general3A = arith.constant dense<0.000000e+00> : vector<512x1024xf32>
    %dot_general3A_7 = tpu.matmul %get3A_1, %get3A_6, %dot_general3A {dimension_numbers = #tpu.dot_dimension_numbers<[1], [0], [0], [1], [0, 0, 1, 1], [], []>, transpose_lhs_hint = false} : vector<512x1024xf32>, vector<1024x1024xf32>, vector<512x1024xf32> -> vector<512x1024xf32>
    %get3A_8 = arith.constant 0 : index
    %get3A_9 = arith.constant 0 : index
    %get3A_10 = arith.constant 0 : index
    %get3A_11 = vector.load %arg3[%get3A_8, %get3A_9, %get3A_10] : memref<1x1x1024xf32, #tpu.memory_space<vmem>>, vector<1x1x1024xf32>
    %get3A_12 = vector.shape_cast %get3A_11 : vector<1x1x1024xf32> to vector<1x1024xf32>
    %add3A = vector.broadcast %get3A_12 : vector<1x1024xf32> to vector<512x1024xf32>
    %add3A_13 = arith.addf %dot_general3A_7, %add3A : vector<512x1024xf32>
    %reduce_sum3A = arith.constant dense<0.000000e+00> : vector<512xf32>
    %reduce_sum3A_14 = vector.multi_reduction <add>, %add3A_13, %reduce_sum3A [1] : vector<512x1024xf32> to vector<512xf32>
    %broadcast_in_dim3A = vector.shape_cast %reduce_sum3A_14 : vector<512xf32> to vector<512x1xf32>
    %div3A = arith.constant 1.024000e+03 : f32
    %div3A_15 = vector.broadcast %div3A : f32 to vector<512x1xf32>
    %div3A_16 = arith.divf %broadcast_in_dim3A, %div3A_15 : vector<512x1xf32>
    %sub3A = vector.broadcast %div3A_16 : vector<512x1xf32> to vector<512x1024xf32>
    %sub3A_17 = arith.subf %add3A_13, %sub3A : vector<512x1024xf32>
    %sub3A_18 = vector.broadcast %div3A_16 : vector<512x1xf32> to vector<512x1024xf32>
    %sub3A_19 = arith.subf %add3A_13, %sub3A_18 : vector<512x1024xf32>
    %mul3A = arith.mulf %sub3A_17, %sub3A_19 : vector<512x1024xf32>
    %reduce_sum3A_20 = arith.constant dense<0.000000e+00> : vector<512xf32>
    %reduce_sum3A_21 = vector.multi_reduction <add>, %mul3A, %reduce_sum3A_20 [1] : vector<512x1024xf32> to vector<512xf32>
    %broadcast_in_dim3A_22 = vector.shape_cast %reduce_sum3A_21 : vector<512xf32> to vector<512x1xf32>
    %div3A_23 = arith.constant 1.024000e+03 : f32
    %div3A_24 = vector.broadcast %div3A_23 : f32 to vector<512x1xf32>
    %div3A_25 = arith.divf %broadcast_in_dim3A_22, %div3A_24 : vector<512x1xf32>
    %sub3A_26 = vector.broadcast %div3A_16 : vector<512x1xf32> to vector<512x1024xf32>
    %sub3A_27 = arith.subf %add3A_13, %sub3A_26 : vector<512x1024xf32>
    %add3A_28 = arith.constant 9.99999997E-7 : f32
    %add3A_29 = vector.broadcast %add3A_28 : f32 to vector<512x1xf32>
    %add3A_30 = arith.addf %div3A_25, %add3A_29 : vector<512x1xf32>
    %sqrt3A = math.sqrt %add3A_30 : vector<512x1xf32>
    %div3A_31 = vector.broadcast %sqrt3A : vector<512x1xf32> to vector<512x1024xf32>
    %div3A_32 = arith.divf %sub3A_27, %div3A_31 : vector<512x1024xf32>
    %get3A_33 = arith.constant 0 : index
    %get3A_34 = arith.constant 0 : index
    %get3A_35 = arith.constant 0 : index
    %get3A_36 = vector.load %arg4[%get3A_33, %get3A_34, %get3A_35] : memref<1x1x1024xf32, #tpu.memory_space<vmem>>, vector<1x1x1024xf32>
    %get3A_37 = vector.shape_cast %get3A_36 : vector<1x1x1024xf32> to vector<1x1024xf32>
    %mul3A_38 = vector.broadcast %get3A_37 : vector<1x1024xf32> to vector<512x1024xf32>
    %mul3A_39 = arith.mulf %div3A_32, %mul3A_38 : vector<512x1024xf32>
    %get3A_40 = arith.constant 0 : index
    %get3A_41 = arith.constant 0 : index
    %get3A_42 = arith.constant 0 : index
    %get3A_43 = vector.load %arg5[%get3A_40, %get3A_41, %get3A_42] : memref<1x1x1024xf32, #tpu.memory_space<vmem>>, vector<1x1x1024xf32>
    %get3A_44 = vector.shape_cast %get3A_43 : vector<1x1x1024xf32> to vector<1x1024xf32>
    %add3A_45 = vector.broadcast %get3A_44 : vector<1x1024xf32> to vector<512x1024xf32>
    %add3A_46 = arith.addf %mul3A_39, %add3A_45 : vector<512x1024xf32>
    %max3A = arith.constant 0.000000e+00 : f32
    %max3A_47 = vector.broadcast %max3A : f32 to vector<512x1024xf32>
    %max3A_48 = arith.maximumf %add3A_46, %max3A_47 : vector<512x1024xf32>
    %get3A_49 = arith.constant 0 : index
    %get3A_50 = arith.constant 0 : index
    %get3A_51 = arith.constant 0 : index
    %get3A_52 = vector.load %arg6[%get3A_49, %get3A_50, %get3A_51] : memref<1x1024x1024xf32, #tpu.memory_space<vmem>>, vector<1x1024x1024xf32>
    %get3A_53 = vector.shape_cast %get3A_52 : vector<1x1024x1024xf32> to vector<1024x1024xf32>
    %dot_general3A_54 = arith.constant dense<0.000000e+00> : vector<512x1024xf32>
    %dot_general3A_55 = tpu.matmul %max3A_48, %get3A_53, %dot_general3A_54 {dimension_numbers = #tpu.dot_dimension_numbers<[1], [0], [0], [1], [0, 0, 1, 1], [], []>, transpose_lhs_hint = false} : vector<512x1024xf32>, vector<1024x1024xf32>, vector<512x1024xf32> -> vector<512x1024xf32>
    %get3A_56 = arith.constant 0 : index
    %get3A_57 = arith.constant 0 : index
    %get3A_58 = arith.constant 0 : index
    %get3A_59 = vector.load %arg7[%get3A_56, %get3A_57, %get3A_58] : memref<1x1x1024xf32, #tpu.memory_space<vmem>>, vector<1x1x1024xf32>
    %get3A_60 = vector.shape_cast %get3A_59 : vector<1x1x1024xf32> to vector<1x1024xf32>
    %add3A_61 = vector.broadcast %get3A_60 : vector<1x1024xf32> to vector<512x1024xf32>
    %add3A_62 = arith.addf %dot_general3A_55, %add3A_61 : vector<512x1024xf32>
    %reduce_sum3A_63 = arith.constant dense<0.000000e+00> : vector<512xf32>
    %reduce_sum3A_64 = vector.multi_reduction <add>, %add3A_62, %reduce_sum3A_63 [1] : vector<512x1024xf32> to vector<512xf32>
    %broadcast_in_dim3A_65 = vector.shape_cast %reduce_sum3A_64 : vector<512xf32> to vector<512x1xf32>
    %div3A_66 = arith.constant 1.024000e+03 : f32
    %div3A_67 = vector.broadcast %div3A_66 : f32 to vector<512x1xf32>
    %div3A_68 = arith.divf %broadcast_in_dim3A_65, %div3A_67 : vector<512x1xf32>
    %sub3A_69 = vector.broadcast %div3A_68 : vector<512x1xf32> to vector<512x1024xf32>
    %sub3A_70 = arith.subf %add3A_62, %sub3A_69 : vector<512x1024xf32>
    %sub3A_71 = vector.broadcast %div3A_68 : vector<512x1xf32> to vector<512x1024xf32>
    %sub3A_72 = arith.subf %add3A_62, %sub3A_71 : vector<512x1024xf32>
    %mul3A_73 = arith.mulf %sub3A_70, %sub3A_72 : vector<512x1024xf32>
    %reduce_sum3A_74 = arith.constant dense<0.000000e+00> : vector<512xf32>
    %reduce_sum3A_75 = vector.multi_reduction <add>, %mul3A_73, %reduce_sum3A_74 [1] : vector<512x1024xf32> to vector<512xf32>
    %broadcast_in_dim3A_76 = vector.shape_cast %reduce_sum3A_75 : vector<512xf32> to vector<512x1xf32>
    %div3A_77 = arith.constant 1.024000e+03 : f32
    %div3A_78 = vector.broadcast %div3A_77 : f32 to vector<512x1xf32>
    %div3A_79 = arith.divf %broadcast_in_dim3A_76, %div3A_78 : vector<512x1xf32>
    %sub3A_80 = vector.broadcast %div3A_68 : vector<512x1xf32> to vector<512x1024xf32>
    %sub3A_81 = arith.subf %add3A_62, %sub3A_80 : vector<512x1024xf32>
    %add3A_82 = arith.constant 9.99999997E-7 : f32
    %add3A_83 = vector.broadcast %add3A_82 : f32 to vector<512x1xf32>
    %add3A_84 = arith.addf %div3A_79, %add3A_83 : vector<512x1xf32>
    %sqrt3A_85 = math.sqrt %add3A_84 : vector<512x1xf32>
    %div3A_86 = vector.broadcast %sqrt3A_85 : vector<512x1xf32> to vector<512x1024xf32>
    %div3A_87 = arith.divf %sub3A_81, %div3A_86 : vector<512x1024xf32>
    %get3A_88 = arith.constant 0 : index
    %get3A_89 = arith.constant 0 : index
    %get3A_90 = arith.constant 0 : index
    %get3A_91 = vector.load %arg8[%get3A_88, %get3A_89, %get3A_90] : memref<1x1x1024xf32, #tpu.memory_space<vmem>>, vector<1x1x1024xf32>
    %get3A_92 = vector.shape_cast %get3A_91 : vector<1x1x1024xf32> to vector<1x1024xf32>
    %mul3A_93 = vector.broadcast %get3A_92 : vector<1x1024xf32> to vector<512x1024xf32>
    %mul3A_94 = arith.mulf %div3A_87, %mul3A_93 : vector<512x1024xf32>
    %get3A_95 = arith.constant 0 : index
    %get3A_96 = arith.constant 0 : index
    %get3A_97 = arith.constant 0 : index
    %get3A_98 = vector.load %arg9[%get3A_95, %get3A_96, %get3A_97] : memref<1x1x1024xf32, #tpu.memory_space<vmem>>, vector<1x1x1024xf32>
    %get3A_99 = vector.shape_cast %get3A_98 : vector<1x1x1024xf32> to vector<1x1024xf32>
    %add3A_100 = vector.broadcast %get3A_99 : vector<1x1024xf32> to vector<512x1024xf32>
    %add3A_101 = arith.addf %mul3A_94, %add3A_100 : vector<512x1024xf32>
    %swap3A = arith.constant 0 : index
    %swap3A_102 = arith.constant 0 : index
    %swap3A_103 = vector.load %arg10[%swap3A, %swap3A_102] : memref<512x1024xf32, #tpu.memory_space<vmem>>, vector<512x1024xf32>
    tpu.vector_store %arg10[%swap3A, %swap3A_102], %add3A_101 {strides = array<i32>} : memref<512x1024xf32, #tpu.memory_space<vmem>>, vector<512x1024xf32>,
    return
  }
  func.func @transform_0(%arg0: i32) -> (i32, i32) {
    %c0_i32 = arith.constant 0 : i32
    %c0_i32_0 = arith.constant 0 : i32
    return %arg0, %c0_i32 : i32, i32
  }
  func.func @transform_1(%arg0: i32) -> (i32, i32, i32) {
    %c0_i32 = arith.constant 0 : i32
    %c0_i32_0 = arith.constant 0 : i32
    %c0_i32_1 = arith.constant 0 : i32
    return %arg0, %c0_i32, %c0_i32_0 : i32, i32, i32
  }
  func.func @transform_2(%arg0: i32) -> (i32, i32, i32) {
    %c0_i32 = arith.constant 0 : i32
    %c0_i32_0 = arith.constant 0 : i32
    %c0_i32_1 = arith.constant 0 : i32
    return %arg0, %c0_i32, %c0_i32_0 : i32, i32, i32
  }
  func.func @transform_3(%arg0: i32) -> (i32, i32, i32) {
    %c0_i32 = arith.constant 0 : i32
    %c0_i32_0 = arith.constant 0 : i32
    %c0_i32_1 = arith.constant 0 : i32
    return %arg0, %c0_i32, %c0_i32_0 : i32, i32, i32
  }
  func.func @transform_4(%arg0: i32) -> (i32, i32, i32) {
    %c0_i32 = arith.constant 0 : i32
    %c0_i32_0 = arith.constant 0 : i32
    %c0_i32_1 = arith.constant 0 : i32
    return %arg0, %c0_i32, %c0_i32_0 : i32, i32, i32
  }
  func.func @transform_5(%arg0: i32) -> (i32, i32, i32) {
    %c0_i32 = arith.constant 0 : i32
    %c0_i32_0 = arith.constant 0 : i32
    %c0_i32_1 = arith.constant 0 : i32
    return %arg0, %c0_i32, %c0_i32_0 : i32, i32, i32
  }
  func.func @transform_6(%arg0: i32) -> (i32, i32, i32) {
    %c0_i32 = arith.constant 0 : i32
    %c0_i32_0 = arith.constant 0 : i32
    %c0_i32_1 = arith.constant 0 : i32
    return %arg0, %c0_i32, %c0_i32_0 : i32, i32, i32
  }
  func.func @transform_7(%arg0: i32) -> (i32, i32, i32) {
    %c0_i32 = arith.constant 0 : i32
    %c0_i32_0 = arith.constant 0 : i32
    %c0_i32_1 = arith.constant 0 : i32
    return %arg0, %c0_i32, %c0_i32_0 : i32, i32, i32
  }
  func.func @transform_8(%arg0: i32) -> (i32, i32, i32) {
    %c0_i32 = arith.constant 0 : i32
    %c0_i32_0 = arith.constant 0 : i32
    %c0_i32_1 = arith.constant 0 : i32
    return %arg0, %c0_i32, %c0_i32_0 : i32, i32, i32
  }
  func.func @transform_9(%arg0: i32) -> (i32, i32) {
    %c0_i32 = arith.constant 0 : i32
    %c0_i32_0 = arith.constant 0 : i32
    return %arg0, %c0_i32 : i32, i32
  }
}

</mosaic_0001>

<sc_bundles>
// kernel: kernel.6.cloned.1.call-start
scs
__scs_entry_jumppad:
0x0: {  	(pc) =	sbr.rel $0x88, $3  }
0x1: {  	(tag) =	ssettag $0x0;
	lr =	simm.s32 $0x1  }
0x2: {  	[smem:$0x3F96] =	sst lr;
	_ =	strace $0xD0000000  }
0x3: {  	_ = 	snop  }
0x4: {  	_ = 	snop  }
0x5: {  	_ = 	snop  }
0x6: {  	_ = 	snop  }
0x7: {  	_ = 	snop  }
__scs_overlays_trampoline_lowered:
0x8: {  	[smem:$0x3FA5] =	sst s0  }
0x9: {  	[smem:$0x3FA6] =	sst s1  }
0xa: {  	[smem:$0x3FA7] =	sst s2  }
0xb: {  	[smem:$0x3FA8] =	sst s3  }
0xc: {  	[smem:$0x3FA9] =	sst s4  }
0xd: {  	[smem:$0x3FAA] =	sst s5  }
0xe: {  	[smem:$0x3FAB] =	sst s6  }
0xf: {  	[smem:$0x3FAC] =	sst s7  }
0x10: {  	[smem:$0x3FAD] =	sst s8  }
0x11: {  	[smem:$0x3FAE] =	sst s9;
	s0 =	simm.s32 @!p0 $0x0  }
0x12: {  	s1 =	sld [smem:$0x3F94];
	s0 =	simm.s32 @p0 $0x1  }
0x13: {  	[smem:$0x3FAF] =	sst s0;
	s0 =	simm.s32 @!p1 $0x0  }
0x14: {  	s2 =	sld [smem:$0x3F93];
	s0 =	simm.s32 @p1 $0x1  }
0x15: {  	[smem:$0x3FB0] =	sst s0;
	s0 =	simm.s32 @!p2 $0x0  }
0x16: {  	s3 =	sld [smem:$0x3FDB];
	s0 =	simm.s32 @p2 $0x1  }
0x17: {  	s4 =	simm.s32 $0x1BF5;
	[smem:$0x3FB2] =	sst s0  }
0x18: {  	s0 =	sld [smem:$0x3F95];
	_ =	swait.ge [sflag:s4], $0x0  }
0x19: {  	s7 =	sld [smem:$0x3F96]  }
0x1a: {  	s8 =	sadd.s32 $0xFFFFE003, lr  }
0x1b: {  	s9 =	sadd.s32 $0xFFFFFEF7, lr;
	s5 =	simm.s32 $0xFFFFFFFF;
	p2 =	slt.u32 s8, $0xFFFFF086  }
0x1c: {  	p1 =	slt.u32 s9, $0xF7A;
	s5 =	simm.s32 @!p2 $0x0  }
0x1d: {  	s5 =	simm.s32 @p1 $0x1;
	p0 =	seq.s32 s7, s2  }
0x1e: {  	s7 =	smul.u32 @!p0 $0xF7A, s2;
	p2 =	seq.s32 @!p0 s5, $0x0  }
0x1f: {  	s9 =	smul.u32 $0xF7A, s1;
	s8 =	simm.s32 @!p0 $0x1BF5;
	p2 =	por !p2, p0  }
0x20: {  	[sflag:s8] =	ssyncset.s32 @!p0 $0xFFFFF086;
	s6 =	sadd.s32 @!p0 s3, s7;
	s7 =	simm.s32 @!p0 $0x108  }
0x21: {  	s3 =	sadd.s32 s3, s9;
	s6 =	sadd.s32 @!p0 $0x88, s6;
	s7 =	simm.s32 @p2 $0x1082  }
0x22: {  	[simem:s7], [sflag:s8] =	dma.local @!p0 [hbm:s6], $0xF7A  }
0x23: {  	s9 =	sor.u32 $0xD0000000, s2;
	s6 =	simm.s32 $0x108;
	_ =	swait.ge @!p0 [sflag:s8], $0x0  }
0x24: {  	s3 =	sadd.s32 $0x88, s3;
	s6 =	simm.s32 @!p1 $0x1082;
	[sflag:s4] =	ssyncset.s32 $0xFFFFF086  }
0x25: {  	[simem:s6], [sflag:s4] =	dma.local [hbm:s3], $0xF7A  }
0x26: {  	[smem:$0x3F96] =	sst s1;
	(tag) =	ssettag s2;
	_ =	strace s9  }
0x27: {  	s1 =	sld [smem:$0x3FA6]  }
0x28: {  	s2 =	sld [smem:$0x3FA7]  }
0x29: {  	s4 =	sld [smem:$0x3FA9]  }
0x2a: {  	p0 =	seq.s32 s5, $0x0;
	s5 =	sld [smem:$0x3FAA]  }
0x2b: {  	s6 =	sld [smem:$0x3FAB]  }
0x2c: {  	s7 =	sld [smem:$0x3FAC]  }
0x2d: {  	s3 =	simm.s32 $0x108;
	s8 =	sld [smem:$0x3FAD]  }
0x2e: {  	s3 =	simm.s32 @!p0 $0x1082;
	s9 =	sld [smem:$0x3FAE]  }
0x2f: {  	lr =	sadd.s32 s0, s3;
	s0 =	sld [smem:$0x3FA5]  }
0x30: {  	s3 =	sld [smem:$0x3FA8]  }
0x31: {  	[smem:$0x3FB1] =	sst s10  }
0x32: {  	s10 =	sld [smem:$0x3FAF];
	_ =	sdelay $0x3  }
0x33: {  	p0 =	seq.s32 s10, $0x1;
	s10 =	sld [smem:$0x3FB1];
	_ =	sdelay $0x3  }
0x34: {  	[smem:$0x3FB1] =	sst s10  }
0x35: {  	s10 =	sld [smem:$0x3FB0];
	_ =	sdelay $0x3  }
0x36: {  	p1 =	seq.s32 s10, $0x1;
	s10 =	sld [smem:$0x3FB1];
	_ =	sdelay $0x3  }
0x37: {  	[smem:$0x3FB1] =	sst s10  }
0x38: {  	s10 =	sld [smem:$0x3FB2]  }
0x39: {  	_ = 	snop;
	(pc) =	sbr.ind lr, $3  }
0x3a: {  	_ = 	snop  }
0x3b: {  	_ = 	snop  }
0x3c: {  	p2 =	seq.s32 s10, $0x1;
	s10 =	sld [smem:$0x3FB1]  }
0x3d: {  	_ =	shalt  }
0x3e: {  	_ =	shalt  }
0x3f: {  	_ =	shalt  }
0x40: {  	_ =	shalt  }
0x41: {  	_ =	shalt  }
0x42: {  	_ =	shalt  }
0x43: {  	_ =	shalt  }
0x44: {  	_ =	shalt  }
0x45: {  	_ =	shalt  }
0x46: {  	_ =	shalt  }
0x47: {  	_ =	shalt  }
0x48: {  	_ =	shalt  }
0x49: {  	_ =	shalt  }
0x4a: {  	_ =	shalt  }
0x4b: {  	_ =	shalt  }
0x4c: {  	_ =	shalt  }
0x4d: {  	_ =	shalt  }
0x4e: {  	_ =	shalt  }
0x4f: {  	_ =	shalt  }
0x50: {  	_ =	shalt  }
0x51: {  	_ =	shalt  }
0x52: {  	_ =	shalt  }
0x53: {  	_ =	shalt  }
0x54: {  	_ =	shalt  }
0x55: {  	_ =	shalt  }
0x56: {  	_ =	shalt  }
0x57: {  	_ =	shalt  }
0x58: {  	_ =	shalt  }
0x59: {  	_ =	shalt  }
0x5a: {  	_ =	shalt  }
0x5b: {  	_ =	shalt  }
0x5c: {  	_ =	shalt  }
0x5d: {  	_ =	shalt  }
0x5e: {  	_ =	shalt  }
0x5f: {  	_ =	shalt  }
0x60: {  	_ =	shalt  }
0x61: {  	_ =	shalt  }
0x62: {  	_ =	shalt  }
0x63: {  	_ =	shalt  }
0x64: {  	_ =	shalt  }
0x65: {  	_ =	shalt  }
0x66: {  	_ =	shalt  }
0x67: {  	_ =	shalt  }
0x68: {  	_ =	shalt  }
0x69: {  	_ =	shalt  }
0x6a: {  	_ =	shalt  }
0x6b: {  	_ =	shalt  }
0x6c: {  	_ =	shalt  }
0x6d: {  	_ =	shalt  }
0x6e: {  	_ =	shalt  }
0x6f: {  	_ =	shalt  }
0x70: {  	_ =	shalt  }
0x71: {  	_ =	shalt  }
0x72: {  	_ =	shalt  }
0x73: {  	_ =	shalt  }
0x74: {  	_ =	shalt  }
0x75: {  	_ =	shalt  }
0x76: {  	_ =	shalt  }
0x77: {  	_ =	shalt  }
0x78: {  	_ =	shalt  }
0x79: {  	_ =	shalt  }
0x7a: {  	_ =	shalt  }
0x7b: {  	_ =	shalt  }
0x7c: {  	_ =	shalt  }
0x7d: {  	_ =	shalt  }
0x7e: {  	_ =	shalt  }
0x7f: {  	_ =	shalt  }
0x80: {  	_ =	shalt  }
0x81: {  	_ =	shalt  }
0x82: {  	_ =	shalt  }
0x83: {  	_ =	shalt  }
0x84: {  	_ =	shalt  }
0x85: {  	_ =	shalt  }
0x86: {  	_ =	shalt  }
0x87: {  	_ =	shalt  }
.Lfunc_end0:
.L_simem_size_0:
called_computation_lowered:
.L_overlay_start_0:
0x88: {  	s2 =	sld [smem:$0x3FD9]  }
0x89: {  	s3 =	sld [smem:$0x3FFE];
	_ =	sdelay $0x1  }
0x8a: {  	s1 =	srdreg.scid  }
0x8b: {  	s0 =	sand.u32 $0x1, s1  }
0x8c: {  	s17 =	sshll.u32 s0, $0xA;
	s2 =	sadd.s32 s3, s2  }
0x8d: {  	s2 =	sadd.s32 s2, s17  }
0x8e: {  	[smem:$0x3FBD] =	sst s2  }
0x8f: {  	_ = 	snop  }
0x90: {  	s2 =	sld [smem:$0x3FC9]  }
0x91: {  	s18 =	sld [smem:$0x3FD0];
	(tm) =	ssettm $0x1  }
0x92: {  	s4 =	sld [smem:$0x3FFB];
	_ =	sdelay $0x3  }
0x93: {  	_ =	strace s4  }
0x94: {  	s4 =	sld [smem:$0x3FFC];
	_ =	sdelay $0x3  }
0x95: {  	_ =	strace s4  }
0x96: {  	s4 =	sld [smem:$0x3FFD];
	_ =	sdelay $0x3  }
0x97: {  	_ =	strace s4  }
0x98: {  	_ =	strace $0x8FFFFFFF  }
0x99: {  	s19 =	sld [smem:$0x3FDB];
	_ =	sdelay $0x1  }
0x9a: {  	s5 =	simm.s32 $_scs_section_size  }
0x9b: {  	s6 =	simm.s32 $_size__tile_overlayer_lowered;
	s7 =	simm.s32 $_tile_overlayer_lowered  }
0x9c: {  	s22 =	simm.s32 $0x1BFF;
	s21 =	sshll.u32 s7, $0x1;
	s4 =	sadd.s32 s5, s19  }
0x9d: {  	s8 =	simm.s32 $0x0;
	s20 =	sshll.u32 s6, $0x1;
	s6 =	sadd.s32 s21, s4  }
0x9e: {  	[timem:s8], [sflag:s22] =	dma.local [hbm:s6], s20  }
0x9f: {  	_ =	swait.ge [sflag:s22], s20  }
0xa0: {  	s5 =	ssub.s32 $0x0, s20;
	[sflag:s22] =	ssyncset.done $0x0  }
0xa1: {  	[sflag:s22] =	ssyncadd.s32 s5;
	_ =	sdelay $0x1  }
0xa2: {  	s23 =	simm.s32 $0x1B8B  }
0xa3: {  	_ =	swait.ge [sflag:s23], $0x1  }
0xa4: {  	[sflag:s23] =	ssyncset.done $0x0  }
0xa5: {  	s25 =	simm.s32 $0x1B8E;
	s24 =	sld [smem:$0x3FFE];
	[sflag:s23] =	ssyncadd.s32 $0xFFFFFFFF  }
0xa6: {  	s26 =	simm.s32 $execute0_lowered;
	[smem:$0x3FD2] =	sst s25  }
0xa7: {  	s6 =	sshll.u32 s26, $0x1;
	_ =	strace $0x80000046;
	[dreg:$0x1] =	wrdreg $0xFFFFFFFF  }
0xa8: {  	s28 =	simm.s32 $_size_execute0_lowered;
	s4 =	sadd.s32 s4, s6;
	[dreg:$0x0] =	wrdreg $0x0  }
0xa9: {  	s6 =	sshll.u32 s28, $0x1;
	[dreg:$0x2] =	wrdreg s4  }
0xaa: {  	[dreg:$0x3] =	wrdreg s6  }
0xab: {  	[dreg:$0x4] =	wrdreg $0xC0  }
0xac: {  	_ =	task [dreg:s8], $0x5FFFF  }
0xad: {  	[dreg:$0x1] =	wrdreg $0xFFFFFFFF  }
0xae: {  	[dreg:$0x0] =	wrdreg $0x60  }
0xaf: {  	[dreg:$0x2] =	wrdreg s2  }
0xb0: {  	[dreg:$0x3] =	wrdreg s18  }
0xb1: {  	[dreg:$0x4] =	wrdreg s24  }
0xb2: {  	[dreg:$0x5] =	wrdreg $0x9  }
0xb3: {  	_ =	task.clear_ibuf [dreg:s8], $0x6FFFF;
	_ =	strace $0x90000046  }
0xb4: {  	s29 =	simm.s32 $0x9;
	_ =	strace $0x80000048  }
0xb5: {  	_ =	swait.ge [sflag:s29], $0x1  }
0xb6: {  	[sflag:s29] =	ssyncadd.s32 $0xFFFFFFFF  }
0xb7: {  	_ =	strace $0x90000048  }
0xb8: {  	_ =	sfence  }
0xb9: {  	s30 =	sld [smem:$0x0];
	_ =	sdelay $0x2  }
0xba: {  	s31 =	sshll.u32 s1, $0xD;
	s1 =	sshrl.u32 s1, $0x2  }
0xbb: {  	s3 =	sand.u32 $0x4000, s31;
	s1 =	sadd.s32 s1, s30  }
0xbc: {  	s0 =	sor.u32 s3, s0;
	s1 =	sshll.u32 s1, $0x11  }
0xbd: {  	s0 =	sor.u32 s1, s0  }
0xbe: {  	s0 =	sadd.s32 $0x8F2B, s0  }
0xbf: {  	[sflag:s0] =	ssyncadd.remote.s32 $0x1  }
0xc0: {  	_ =	sfence.sel $0xFFFF  }
0xc1: {  	[dreg:$0x0] =	wrdreg $0xFFFFFFFF;
	(pc) =	sbr.abs _section_cstart, $3  }
0xc2: {  	[dreg:$0x1] =	wrdreg $0xFFFFFFFF  }
0xc3: {  	_ =	task.clear_ibuf [dreg:s8], $0x2FFFF;
	_ =	strace $0x9FFFFFFF  }
0xc4: {  	(tm) =	ssettm $0x7FFFFFFF  }
0xc5: {  	_ =	shalt  }
tec
execute0_lowered:
.L_overlay_start_1:
0x0: {  	(tag) =	ssettag $0x1  }
0x1: {  	s1 =	rddreg [dreg:$0x0]  }
0x2: {  	s0 =	rddreg [dreg:$0x2]  }
0x3: {  	s3 =	simm.s32 $0x0;
	s2 =	srdreg.scid;
	s6 =	stileid.u32  }
0x4: {  	s12 =	simm.s32 $0x2080;
	s30 =	simm.s32 $0x2880;
	s31 =	simm.s32 $0x3080  }
0x5: {  	s28 =	simm.s32 $0xA080;
	s29 =	simm.s32 $0xC880;
	[smem:$0x7FF] =	sst s3  }
0x6: {  	s2 =	sand.u32 $0x1, s2;
	s0 =	sadd.s32 $0x1C00, s0;
	s13 =	sshll.u32 s6, $0x8  }
0x7: {  	s6 =	sadd.s32 $0x100, s1;
	s7 =	sadd.s32 $0x200, s1;
	s4 =	ssub.s32 $0x2, s2  }
0x8: {  	s8 =	sadd.s32 $0x300, s1;
	s2 =	sshll.u32 s2, $0x7;
	s5 =	sshrl.u32 s4, $0x1  }
0x9: {  	_ =	strace $0x80000047;
	s4 =	ssub.s32 s4, s5;
	s5 =	sor.u32 s2, s13  }
0xa: {  	s13 =	simm.s32 $0x4080;
	s9 =	sor.u32 $0x10, s5;
	s2 =	sshll.u32 s5, $0x7  }
0xb: {  	s10 =	sor.u32 $0x20, s5;
	s15 =	sor.u32 $0x30, s5;
	[dreg:$0x14] =	wrdreg s5  }
0xc: {  	s17 =	sor.u32 $0x40, s5;
	s19 =	sor.u32 $0x50, s5;
	[dreg:$0x4] =	wrdreg s9  }
0xd: {  	s21 =	sor.u32 $0x60, s5;
	s11 =	sor.u32 $0x70, s5;
	[dreg:$0x6] =	wrdreg s10  }
0xe: {  	s26 =	smax.u32 s4, $0x1;
	s4 =	simm.s32 $0xD880;
	[dreg:$0x8] =	wrdreg s15  }
0xf: {  	s2 =	sadd.s32 s0, s2;
	s14 =	sshll.u32 s9, $0x7;
	[dreg:$0xa] =	wrdreg s17  }
0x10: {  	s16 =	sshll.u32 s10, $0x7;
	s18 =	sshll.u32 s15, $0x7;
	[dreg:$0xc] =	wrdreg s19  }
0x11: {  	s20 =	sshll.u32 s17, $0x7;
	s22 =	sshll.u32 s19, $0x7;
	[dreg:$0xe] =	wrdreg s21  }
0x12: {  	s23 =	sshll.u32 s21, $0x7;
	[dreg:$0xf] =	wrdreg s11;
	s24 =	sshll.u32 s11, $0x7  }
0x13: {  	[dreg:$0x13] =	wrdreg s26;
	s26 =	simm.s32 $0x1000;
	s21 =	simm.s32 $0x2  }
0x14: {  	s19 =	simm.s32 $0x0;
	s9 =	simm.s32 $0x3880;
	s11 =	simm.s32 $0x4880  }
0x15: {  	s10 =	simm.s32 $0x5080;
	[dreg:$0x5] =	wrdreg s2;
	s2 =	sadd.s32 s0, s14  }
0x16: {  	s15 =	simm.s32 $0x9080;
	s25 =	sadd.s32 s0, s23;
	[dreg:$0x7] =	wrdreg s2  }
0x17: {  	s14 =	simm.s32 $0x5880;
	s2 =	sadd.s32 s0, s16;
	[dreg:$0x11] =	wrdreg s25  }
0x18: {  	s16 =	simm.s32 $0x7080;
	[dreg:$0x9] =	wrdreg s2;
	s2 =	sadd.s32 s0, s18  }
0x19: {  	s25 =	simm.s32 $0xC080;
	[dreg:$0xb] =	wrdreg s2;
	s2 =	sadd.s32 s0, s20  }
0x1a: {  	v0 =	vlaneseq.u32;
	s18 =	simm.s32 $0x8080;
	[dreg:$0xd] =	wrdreg s2;
	s2 =	sadd.s32 s0, s22  }
0x1b: {  	v1 =	vimm.s32 $0x0;
	vm0 =	vmmov $0xffff;
	v3 =	vshrl.u32 v0, $0x3;
	s0 =	sadd.s32 s0, s24;
	s24 =	simm.s32 $0x3;
	[dreg:$0x10] =	wrdreg s2  }
0x1c: {  	v2 =	vand.u32 $0x7, v0;
	v4 =	vor.u32 $0x8, v0;
	v3 =	vmul.u32 $0x8, v3;
	s22 =	simm.s32 $0x9880;
	[dreg:$0x12] =	wrdreg s0;
	s0 =	simm.s32 $0x6080  }
.LBB2_1:
0x1d: {  	s17 =	rddreg [dreg:$0x1]  }
0x1e: {  	[tilespmem:s3], [sflag:$0x1] =	stream.linear.gather [hbm4b:s17+s3], $0x1000, $0x38;
	[tilespmem:$0xE080] =	vst v63  }
0x1f: {  	s20 =	simm.s32 $0x100;
	s17 =	simm.s32 $0x0  }
.LBB2_2:
0x20: {  	p0 =	sne.s32 s20, $0x3F00;
	[tilespmem:s17+$0x1030] =	vst v1;
	s23 =	smov.u32 s20;
	s20 =	sadd.s32 $0x100, s20  }
.Ltmp0:
0x21: {  	[tilespmem:s17+$0x1020] =	vst v1;
	(pc) =	sbr.rel @p0 .LBB2_2-.Ltmp0, $3  }
0x22: {  	[tilespmem:s17+$0x1000] =	vst v1  }
0x23: {  	[tilespmem:s17+$0x1010] =	vst v1;
	_ =	sdelay $0x1  }
0x24: {  	s17 =	sshra.s32 s23, $0x2  }
0x25: {  	[tilespmem:s17+$0x1030] =	vst v1  }
0x26: {  	[tilespmem:s17+$0x1020] =	vst v1  }
0x27: {  	[tilespmem:s17+$0x1000] =	vst v1  }
0x28: {  	[tilespmem:s17+$0x1010] =	vst v1  }
0x29: {  	s5 =	simm.s32 $0x1;
	[tilespmem:$0x2000] =	vst v1  }
0x2a: {  	_ =	swait.ge [sflag:s5], $0x1000  }
0x2b: {  	[sflag:s5] =	ssyncset.done $0x0  }
0x2c: {  	s20 =	simm.s32 $0x0;
	s17 =	simm.s32 $0x20;
	[sflag:s5] =	ssyncadd.s32 $0xFFFFF000  }
.LBB2_4:
0x2d: {  	v5 =	vld [tilespmem:s17+$0xFFFFFFE0];
	_ =	sdelay $0x5  }
0x2e: {  	v6 =	vor.u32 s20, v0  }
0x2f: {  	v6 =	vshrl.u32 v6, $0x1  }
0x30: {  	[tilespmem:v5+s26+$0x0] =	vst.idx.msk $0xffff, v6  }
0x31: {  	v5 =	vld [tilespmem:s17+$0xFFFFFFF0];
	_ =	sdelay $0x4  }
0x32: {  	s23 =	sadd.s32 $0x10, s20  }
0x33: {  	v6 =	vor.u32 s23, v0  }
0x34: {  	v6 =	vshrl.u32 v6, $0x1  }
0x35: {  	[tilespmem:v5+s26+$0x0] =	vst.idx.msk $0xffff, v6  }
0x36: {  	v5 =	vld [tilespmem:s17+$0x0];
	_ =	sdelay $0x4  }
0x37: {  	s2 =	sadd.s32 $0x20, s20  }
0x38: {  	v6 =	vor.u32 s2, v0  }
0x39: {  	v6 =	vshrl.u32 v6, $0x1  }
0x3a: {  	[tilespmem:v5+s26+$0x0] =	vst.idx.msk $0xffff, v6  }
0x3b: {  	v5 =	vld [tilespmem:s17+$0x10];
	_ =	sdelay $0x2  }
0x3c: {  	p0 =	sne.s32 s20, $0xFC0  }
.Ltmp1:
0x3d: {  	_ = 	snop;
	(pc) =	sbr.rel @p0 .LBB2_4-.Ltmp1, $4  }
0x3e: {  	s5 =	sadd.s32 $0x30, s20  }
0x3f: {  	v6 =	vor.u32 s5, v0  }
0x40: {  	v6 =	vshrl.u32 v6, $0x1  }
0x41: {  	s20 =	sadd.s32 $0x40, s20;
	s17 =	sadd.s32 $0x40, s17;
	[tilespmem:v5+s26+$0x0] =	vst.idx.msk $0xffff, v6  }
0x42: {  	s5 =	rddreg [dreg:$0x14]  }
0x43: {  	v5 =	vld [tilespmem:s5+$0x1000];
	_ =	sdelay $0x4  }
0x44: {  	v6 =	vshll.u32 v5, $0x3  }
0x45: {  	v5 =	vand.u32 $0x7, v5;
	v6 =	vand.u32 $0xFFFFFFC0, v6  }
0x46: {  	v5 =	vor.u32 v5, v6  }
0x47: {  	v6 =	vperm.xlane v5, v2;
	_ =	sdelay $0x1  }
0x48: {  	v6 =	vadd.s32 v3, v6;
	_ =	sdelay $0x4  }
0x49: {  	[tilespmem:s12], [sflag:$0x2] =	stream.indirect_vreg.gather [hbm4b:s1+s3], $0x80, v6, vm0, $0xb8;
	[tilespmem:$0xE080] =	vst v63  }
0x4a: {  	v5 =	vperm.xlane v5, v4  }
0x4b: {  	[tilespmem:s30], [sflag:$0x2] =	stream.indirect_vreg.gather [hbm4b:s6+s3], $0x80, v6, vm0, $0xb8;
	[tilespmem:$0xE080] =	vst v63  }
0x4c: {  	v5 =	vadd.s32 v3, v5  }
0x4d: {  	[tilespmem:s31], [sflag:$0x2] =	stream.indirect_vreg.gather [hbm4b:s7+s3], $0x80, v6, vm0, $0xb8;
	[tilespmem:$0xE080] =	vst v63  }
0x4e: {  	_ = 	snop  }
0x4f: {  	[tilespmem:s9], [sflag:$0x2] =	stream.indirect_vreg.gather [hbm4b:s8+s3], $0x80, v6, vm0, $0xb8;
	[tilespmem:$0xE080] =	vst v63  }
0x50: {  	_ = 	snop  }
0x51: {  	[tilespmem:s13], [sflag:$0x2] =	stream.indirect_vreg.gather [hbm4b:s1+s3], $0x80, v5, vm0, $0xb8;
	[tilespmem:$0xE080] =	vst v63  }
0x52: {  	_ = 	snop  }
0x53: {  	[tilespmem:s11], [sflag:$0x2] =	stream.indirect_vreg.gather [hbm4b:s6+s3], $0x80, v5, vm0, $0xb8;
	[tilespmem:$0xE080] =	vst v63  }
0x54: {  	_ = 	snop  }
0x55: {  	[tilespmem:s10], [sflag:$0x2] =	stream.indirect_vreg.gather [hbm4b:s7+s3], $0x80, v5, vm0, $0xb8;
	[tilespmem:$0xE080] =	vst v63  }
0x56: {  	s17 =	rddreg [dreg:$0x4]  }
0x57: {  	[tilespmem:s14], [sflag:$0x2] =	stream.indirect_vreg.gather [hbm4b:s8+s3], $0x80, v5, vm0, $0xb8;
	[tilespmem:$0xE080] =	vst v63  }
0x58: {  	v5 =	vld [tilespmem:s17+$0x1000];
	_ =	sdelay $0x4  }
0x59: {  	v6 =	vshll.u32 v5, $0x3  }
0x5a: {  	v5 =	vand.u32 $0x7, v5;
	v6 =	vand.u32 $0xFFFFFFC0, v6  }
0x5b: {  	v5 =	vor.u32 v5, v6  }
0x5c: {  	v6 =	vperm.xlane v5, v2;
	_ =	sdelay $0x1  }
0x5d: {  	v6 =	vadd.s32 v3, v6;
	_ =	sdelay $0x4  }
0x5e: {  	[tilespmem:s0], [sflag:$0x2] =	stream.indirect_vreg.gather [hbm4b:s1+s3], $0x80, v6, vm0, $0xb8;
	[tilespmem:$0xE080] =	vst v63  }
0x5f: {  	s2 =	simm.s32 $0x6880;
	v5 =	vperm.xlane v5, v4  }
0x60: {  	[tilespmem:s2], [sflag:$0x2] =	stream.indirect_vreg.gather [hbm4b:s6+s3], $0x80, v6, vm0, $0xb8;
	[tilespmem:$0xE080] =	vst v63  }
0x61: {  	v5 =	vadd.s32 v3, v5  }
0x62: {  	[tilespmem:s16], [sflag:$0x2] =	stream.indirect_vreg.gather [hbm4b:s7+s3], $0x80, v6, vm0, $0xb8;
	[tilespmem:$0xE080] =	vst v63  }
0x63: {  	s20 =	simm.s32 $0x7880  }
0x64: {  	[tilespmem:s20], [sflag:$0x2] =	stream.indirect_vreg.gather [hbm4b:s8+s3], $0x80, v6, vm0, $0xb8;
	[tilespmem:$0xE080] =	vst v63  }
0x65: {  	_ = 	snop  }
0x66: {  	[tilespmem:s18], [sflag:$0x2] =	stream.indirect_vreg.gather [hbm4b:s1+s3], $0x80, v5, vm0, $0xb8;
	[tilespmem:$0xE080] =	vst v63  }
0x67: {  	s23 =	simm.s32 $0x8880  }
0x68: {  	[tilespmem:s23], [sflag:$0x2] =	stream.indirect_vreg.gather [hbm4b:s6+s3], $0x80, v5, vm0, $0xb8;
	[tilespmem:$0xE080] =	vst v63  }
0x69: {  	_ = 	snop  }
0x6a: {  	[tilespmem:s15], [sflag:$0x2] =	stream.indirect_vreg.gather [hbm4b:s7+s3], $0x80, v5, vm0, $0xb8;
	[tilespmem:$0xE080] =	vst v63  }
0x6b: {  	_ = 	snop  }
0x6c: {  	[tilespmem:s22], [sflag:$0x2] =	stream.indirect_vreg.gather [hbm4b:s8+s3], $0x80, v5, vm0, $0xb8;
	[tilespmem:$0xE080] =	vst v63  }
0x6d: {  	_ =	swait.ge [sflag:s21], $0x4000  }
0x6e: {  	[sflag:s21] =	ssyncset.done $0x0;
	s2 =	rddreg [dreg:$0x5]  }
0x6f: {  	s5 =	rddreg [dreg:$0x6];
	[sflag:s21] =	ssyncadd.s32 $0xFFFFC000  }
0x70: {  	[hbm4b:s2+s3] =	stream.linear.scatter [tilespmem:s12], [sflag:$0x3], $0x4000, $0x38;
	[tilespmem:$0xE080] =	vst v63  }
0x71: {  	v5 =	vld [tilespmem:s5+$0x1000];
	_ =	sdelay $0x4  }
0x72: {  	v6 =	vshll.u32 v5, $0x3  }
0x73: {  	v5 =	vand.u32 $0x7, v5;
	v6 =	vand.u32 $0xFFFFFFC0, v6  }
0x74: {  	v5 =	vor.u32 v5, v6  }
0x75: {  	v6 =	vperm.xlane v5, v2;
	_ =	sdelay $0x1  }
0x76: {  	v6 =	vadd.s32 v3, v6;
	_ =	sdelay $0x4  }
0x77: {  	[tilespmem:s28], [sflag:$0x2] =	stream.indirect_vreg.gather [hbm4b:s1+s3], $0x80, v6, vm0, $0xb8;
	[tilespmem:$0xE080] =	vst v63  }
0x78: {  	s20 =	simm.s32 $0xA880;
	v5 =	vperm.xlane v5, v4  }
0x79: {  	[tilespmem:s20], [sflag:$0x2] =	stream.indirect_vreg.gather [hbm4b:s6+s3], $0x80, v6, vm0, $0xb8;
	[tilespmem:$0xE080] =	vst v63  }
0x7a: {  	s23 =	simm.s32 $0xB080;
	v5 =	vadd.s32 v3, v5  }
0x7b: {  	[tilespmem:s23], [sflag:$0x2] =	stream.indirect_vreg.gather [hbm4b:s7+s3], $0x80, v6, vm0, $0xb8;
	[tilespmem:$0xE080] =	vst v63  }
0x7c: {  	s5 =	simm.s32 $0xB880  }
0x7d: {  	[tilespmem:s5], [sflag:$0x2] =	stream.indirect_vreg.gather [hbm4b:s8+s3], $0x80, v6, vm0, $0xb8;
	[tilespmem:$0xE080] =	vst v63  }
0x7e: {  	_ = 	snop  }
0x7f: {  	[tilespmem:s25], [sflag:$0x2] =	stream.indirect_vreg.gather [hbm4b:s1+s3], $0x80, v5, vm0, $0xb8;
	[tilespmem:$0xE080] =	vst v63  }
0x80: {  	_ = 	snop  }
0x81: {  	[tilespmem:s29], [sflag:$0x2] =	stream.indirect_vreg.gather [hbm4b:s6+s3], $0x80, v5, vm0, $0xb8;
	[tilespmem:$0xE080] =	vst v63  }
0x82: {  	s2 =	simm.s32 $0xD080  }
0x83: {  	[tilespmem:s2], [sflag:$0x2] =	stream.indirect_vreg.gather [hbm4b:s7+s3], $0x80, v5, vm0, $0xb8;
	[tilespmem:$0xE080] =	vst v63  }
0x84: {  	_ = 	snop  }
0x85: {  	[tilespmem:s4], [sflag:$0x2] =	stream.indirect_vreg.gather [hbm4b:s8+s3], $0x80, v5, vm0, $0xb8;
	[tilespmem:$0xE080] =	vst v63  }
0x86: {  	_ =	swait.ge [sflag:s21], $0x4000  }
0x87: {  	[sflag:s21] =	ssyncset.done $0x0  }
0x88: {  	s17 =	rddreg [dreg:$0x7];
	[sflag:s21] =	ssyncadd.s32 $0xFFFFC000  }
0x89: {  	[hbm4b:s17+s3] =	stream.linear.scatter [tilespmem:s0], [sflag:$0x3], $0x4000, $0x38;
	[tilespmem:$0xE080] =	vst v63  }
0x8a: {  	_ =	swait.ge [sflag:s24], $0x4000  }
0x8b: {  	[sflag:s24] =	ssyncset.done $0x0  }
0x8c: {  	s17 =	rddreg [dreg:$0x8];
	[sflag:s24] =	ssyncadd.s32 $0xFFFFC000  }
0x8d: {  	v5 =	vld [tilespmem:s17+$0x1000];
	_ =	sdelay $0x4  }
0x8e: {  	v6 =	vshll.u32 v5, $0x3  }
0x8f: {  	v5 =	vand.u32 $0x7, v5;
	v6 =	vand.u32 $0xFFFFFFC0, v6  }
0x90: {  	v5 =	vor.u32 v5, v6  }
0x91: {  	v6 =	vperm.xlane v5, v2;
	_ =	sdelay $0x1  }
0x92: {  	v6 =	vadd.s32 v3, v6;
	_ =	sdelay $0x4  }
0x93: {  	[tilespmem:s12], [sflag:$0x2] =	stream.indirect_vreg.gather [hbm4b:s1+s3], $0x80, v6, vm0, $0xb8;
	[tilespmem:$0xE080] =	vst v63  }
0x94: {  	v5 =	vperm.xlane v5, v4  }
0x95: {  	[tilespmem:s30], [sflag:$0x2] =	stream.indirect_vreg.gather [hbm4b:s6+s3], $0x80, v6, vm0, $0xb8;
	[tilespmem:$0xE080] =	vst v63  }
0x96: {  	v5 =	vadd.s32 v3, v5  }
0x97: {  	[tilespmem:s31], [sflag:$0x2] =	stream.indirect_vreg.gather [hbm4b:s7+s3], $0x80, v6, vm0, $0xb8;
	[tilespmem:$0xE080] =	vst v63  }
0x98: {  	_ = 	snop  }
0x99: {  	[tilespmem:s9], [sflag:$0x2] =	stream.indirect_vreg.gather [hbm4b:s8+s3], $0x80, v6, vm0, $0xb8;
	[tilespmem:$0xE080] =	vst v63  }
0x9a: {  	_ = 	snop  }
0x9b: {  	[tilespmem:s13], [sflag:$0x2] =	stream.indirect_vreg.gather [hbm4b:s1+s3], $0x80, v5, vm0, $0xb8;
	[tilespmem:$0xE080] =	vst v63  }
0x9c: {  	_ = 	snop  }
0x9d: {  	[tilespmem:s11], [sflag:$0x2] =	stream.indirect_vreg.gather [hbm4b:s6+s3], $0x80, v5, vm0, $0xb8;
	[tilespmem:$0xE080] =	vst v63  }
0x9e: {  	_ = 	snop  }
0x9f: {  	[tilespmem:s10], [sflag:$0x2] =	stream.indirect_vreg.gather [hbm4b:s7+s3], $0x80, v5, vm0, $0xb8;
	[tilespmem:$0xE080] =	vst v63  }
0xa0: {  	_ = 	snop  }
0xa1: {  	[tilespmem:s14], [sflag:$0x2] =	stream.indirect_vreg.gather [hbm4b:s8+s3], $0x80, v5, vm0, $0xb8;
	[tilespmem:$0xE080] =	vst v63  }
0xa2: {  	_ =	swait.ge [sflag:s21], $0x4000  }
0xa3: {  	[sflag:s21] =	ssyncset.done $0x0  }
0xa4: {  	s17 =	rddreg [dreg:$0x9];
	[sflag:s21] =	ssyncadd.s32 $0xFFFFC000  }
0xa5: {  	[hbm4b:s17+s3] =	stream.linear.scatter [tilespmem:s28], [sflag:$0x3], $0x4000, $0x38;
	[tilespmem:$0xE080] =	vst v63  }
0xa6: {  	_ =	swait.ge [sflag:s24], $0x4000  }
0xa7: {  	[sflag:s24] =	ssyncset.done $0x0  }
0xa8: {  	s17 =	rddreg [dreg:$0xa];
	[sflag:s24] =	ssyncadd.s32 $0xFFFFC000  }
0xa9: {  	v5 =	vld [tilespmem:s17+$0x1000];
	_ =	sdelay $0x4  }
0xaa: {  	v6 =	vshll.u32 v5, $0x3  }
0xab: {  	v5 =	vand.u32 $0x7, v5;
	v6 =	vand.u32 $0xFFFFFFC0, v6  }
0xac: {  	v5 =	vor.u32 v5, v6  }
0xad: {  	v6 =	vperm.xlane v5, v2;
	_ =	sdelay $0x1  }
0xae: {  	v6 =	vadd.s32 v3, v6;
	_ =	sdelay $0x4  }
0xaf: {  	[tilespmem:s0], [sflag:$0x2] =	stream.indirect_vreg.gather [hbm4b:s1+s3], $0x80, v6, vm0, $0xb8;
	[tilespmem:$0xE080] =	vst v63  }
0xb0: {  	s17 =	simm.s32 $0x6880;
	v5 =	vperm.xlane v5, v4  }
0xb1: {  	[tilespmem:s17], [sflag:$0x2] =	stream.indirect_vreg.gather [hbm4b:s6+s3], $0x80, v6, vm0, $0xb8;
	[tilespmem:$0xE080] =	vst v63  }
0xb2: {  	v5 =	vadd.s32 v3, v5  }
0xb3: {  	[tilespmem:s16], [sflag:$0x2] =	stream.indirect_vreg.gather [hbm4b:s7+s3], $0x80, v6, vm0, $0xb8;
	[tilespmem:$0xE080] =	vst v63  }
0xb4: {  	s17 =	simm.s32 $0x7880  }
0xb5: {  	[tilespmem:s17], [sflag:$0x2] =	stream.indirect_vreg.gather [hbm4b:s8+s3], $0x80, v6, vm0, $0xb8;
	[tilespmem:$0xE080] =	vst v63  }
0xb6: {  	_ = 	snop  }
0xb7: {  	[tilespmem:s18], [sflag:$0x2] =	stream.indirect_vreg.gather [hbm4b:s1+s3], $0x80, v5, vm0, $0xb8;
	[tilespmem:$0xE080] =	vst v63  }
0xb8: {  	s17 =	simm.s32 $0x8880  }
0xb9: {  	[tilespmem:s17], [sflag:$0x2] =	stream.indirect_vreg.gather [hbm4b:s6+s3], $0x80, v5, vm0, $0xb8;
	[tilespmem:$0xE080] =	vst v63  }
0xba: {  	_ = 	snop  }
0xbb: {  	[tilespmem:s15], [sflag:$0x2] =	stream.indirect_vreg.gather [hbm4b:s7+s3], $0x80, v5, vm0, $0xb8;
	[tilespmem:$0xE080] =	vst v63  }
0xbc: {  	_ = 	snop  }
0xbd: {  	[tilespmem:s22], [sflag:$0x2] =	stream.indirect_vreg.gather [hbm4b:s8+s3], $0x80, v5, vm0, $0xb8;
	[tilespmem:$0xE080] =	vst v63  }
0xbe: {  	_ =	swait.ge [sflag:s21], $0x4000  }
0xbf: {  	[sflag:s21] =	ssyncset.done $0x0  }
0xc0: {  	s17 =	rddreg [dreg:$0xb];
	[sflag:s21] =	ssyncadd.s32 $0xFFFFC000  }
0xc1: {  	[hbm4b:s17+s3] =	stream.linear.scatter [tilespmem:s12], [sflag:$0x3], $0x4000, $0x38;
	[tilespmem:$0xE080] =	vst v63  }
0xc2: {  	_ =	swait.ge [sflag:s24], $0x4000  }
0xc3: {  	[sflag:s24] =	ssyncset.done $0x0  }
0xc4: {  	s17 =	rddreg [dreg:$0xc];
	[sflag:s24] =	ssyncadd.s32 $0xFFFFC000  }
0xc5: {  	v5 =	vld [tilespmem:s17+$0x1000];
	_ =	sdelay $0x4  }
0xc6: {  	v6 =	vshll.u32 v5, $0x3  }
0xc7: {  	v5 =	vand.u32 $0x7, v5;
	v6 =	vand.u32 $0xFFFFFFC0, v6  }
0xc8: {  	v5 =	vor.u32 v5, v6  }
0xc9: {  	v6 =	vperm.xlane v5, v2;
	_ =	sdelay $0x1  }
0xca: {  	v6 =	vadd.s32 v3, v6;
	_ =	sdelay $0x4  }
0xcb: {  	[tilespmem:s28], [sflag:$0x2] =	stream.indirect_vreg.gather [hbm4b:s1+s3], $0x80, v6, vm0, $0xb8;
	[tilespmem:$0xE080] =	vst v63  }
0xcc: {  	v5 =	vperm.xlane v5, v4  }
0xcd: {  	[tilespmem:s20], [sflag:$0x2] =	stream.indirect_vreg.gather [hbm4b:s6+s3], $0x80, v6, vm0, $0xb8;
	[tilespmem:$0xE080] =	vst v63  }
0xce: {  	v5 =	vadd.s32 v3, v5  }
0xcf: {  	[tilespmem:s23], [sflag:$0x2] =	stream.indirect_vreg.gather [hbm4b:s7+s3], $0x80, v6, vm0, $0xb8;
	[tilespmem:$0xE080] =	vst v63  }
0xd0: {  	_ = 	snop  }
0xd1: {  	[tilespmem:s5], [sflag:$0x2] =	stream.indirect_vreg.gather [hbm4b:s8+s3], $0x80, v6, vm0, $0xb8;
	[tilespmem:$0xE080] =	vst v63  }
0xd2: {  	_ = 	snop  }
0xd3: {  	[tilespmem:s25], [sflag:$0x2] =	stream.indirect_vreg.gather [hbm4b:s1+s3], $0x80, v5, vm0, $0xb8;
	[tilespmem:$0xE080] =	vst v63  }
0xd4: {  	_ = 	snop  }
0xd5: {  	[tilespmem:s29], [sflag:$0x2] =	stream.indirect_vreg.gather [hbm4b:s6+s3], $0x80, v5, vm0, $0xb8;
	[tilespmem:$0xE080] =	vst v63  }
0xd6: {  	_ = 	snop  }
0xd7: {  	[tilespmem:s2], [sflag:$0x2] =	stream.indirect_vreg.gather [hbm4b:s7+s3], $0x80, v5, vm0, $0xb8;
	[tilespmem:$0xE080] =	vst v63  }
0xd8: {  	_ = 	snop  }
0xd9: {  	[tilespmem:s4], [sflag:$0x2] =	stream.indirect_vreg.gather [hbm4b:s8+s3], $0x80, v5, vm0, $0xb8;
	[tilespmem:$0xE080] =	vst v63  }
0xda: {  	_ =	swait.ge [sflag:s21], $0x4000  }
0xdb: {  	[sflag:s21] =	ssyncset.done $0x0  }
0xdc: {  	s20 =	rddreg [dreg:$0xd];
	[sflag:s21] =	ssyncadd.s32 $0xFFFFC000  }
0xdd: {  	[hbm4b:s20+s3] =	stream.linear.scatter [tilespmem:s0], [sflag:$0x3], $0x4000, $0x38;
	[tilespmem:$0xE080] =	vst v63  }
0xde: {  	_ =	swait.ge [sflag:s24], $0x4000  }
0xdf: {  	[sflag:s24] =	ssyncset.done $0x0  }
0xe0: {  	s23 =	rddreg [dreg:$0xe];
	[sflag:s24] =	ssyncadd.s32 $0xFFFFC000  }
0xe1: {  	v5 =	vld [tilespmem:s23+$0x1000];
	_ =	sdelay $0x4  }
0xe2: {  	v6 =	vshll.u32 v5, $0x3  }
0xe3: {  	v5 =	vand.u32 $0x7, v5;
	v6 =	vand.u32 $0xFFFFFFC0, v6  }
0xe4: {  	v5 =	vor.u32 v5, v6  }
0xe5: {  	v6 =	vperm.xlane v5, v2;
	_ =	sdelay $0x1  }
0xe6: {  	v6 =	vadd.s32 v3, v6;
	_ =	sdelay $0x4  }
0xe7: {  	[tilespmem:s12], [sflag:$0x2] =	stream.indirect_vreg.gather [hbm4b:s1+s3], $0x80, v6, vm0, $0xb8;
	[tilespmem:$0xE080] =	vst v63  }
0xe8: {  	v5 =	vperm.xlane v5, v4  }
0xe9: {  	[tilespmem:s30], [sflag:$0x2] =	stream.indirect_vreg.gather [hbm4b:s6+s3], $0x80, v6, vm0, $0xb8;
	[tilespmem:$0xE080] =	vst v63  }
0xea: {  	v5 =	vadd.s32 v3, v5  }
0xeb: {  	[tilespmem:s31], [sflag:$0x2] =	stream.indirect_vreg.gather [hbm4b:s7+s3], $0x80, v6, vm0, $0xb8;
	[tilespmem:$0xE080] =	vst v63  }
0xec: {  	_ = 	snop  }
0xed: {  	[tilespmem:s9], [sflag:$0x2] =	stream.indirect_vreg.gather [hbm4b:s8+s3], $0x80, v6, vm0, $0xb8;
	[tilespmem:$0xE080] =	vst v63  }
0xee: {  	_ = 	snop  }
0xef: {  	[tilespmem:s13], [sflag:$0x2] =	stream.indirect_vreg.gather [hbm4b:s1+s3], $0x80, v5, vm0, $0xb8;
	[tilespmem:$0xE080] =	vst v63  }
0xf0: {  	_ = 	snop  }
0xf1: {  	[tilespmem:s11], [sflag:$0x2] =	stream.indirect_vreg.gather [hbm4b:s6+s3], $0x80, v5, vm0, $0xb8;
	[tilespmem:$0xE080] =	vst v63  }
0xf2: {  	_ = 	snop  }
0xf3: {  	[tilespmem:s10], [sflag:$0x2] =	stream.indirect_vreg.gather [hbm4b:s7+s3], $0x80, v5, vm0, $0xb8;
	[tilespmem:$0xE080] =	vst v63  }
0xf4: {  	_ = 	snop  }
0xf5: {  	[tilespmem:s14], [sflag:$0x2] =	stream.indirect_vreg.gather [hbm4b:s8+s3], $0x80, v5, vm0, $0xb8;
	[tilespmem:$0xE080] =	vst v63  }
0xf6: {  	_ =	swait.ge [sflag:s21], $0x4000  }
0xf7: {  	[sflag:s21] =	ssyncset.done $0x0  }
0xf8: {  	s2 =	rddreg [dreg:$0x10];
	[sflag:s21] =	ssyncadd.s32 $0xFFFFC000  }
0xf9: {  	[hbm4b:s2+s3] =	stream.linear.scatter [tilespmem:s28], [sflag:$0x3], $0x4000, $0x38;
	[tilespmem:$0xE080] =	vst v63  }
0xfa: {  	_ =	swait.ge [sflag:s24], $0x4000  }
0xfb: {  	[sflag:s24] =	ssyncset.done $0x0  }
0xfc: {  	s5 =	rddreg [dreg:$0xf];
	[sflag:s24] =	ssyncadd.s32 $0xFFFFC000  }
0xfd: {  	v5 =	vld [tilespmem:s5+$0x1000];
	_ =	sdelay $0x4  }
0xfe: {  	v6 =	vshll.u32 v5, $0x3  }
0xff: {  	v5 =	vand.u32 $0x7, v5;
	v6 =	vand.u32 $0xFFFFFFC0, v6  }
0x100: {  	v5 =	vor.u32 v5, v6  }
0x101: {  	v6 =	vperm.xlane v5, v2;
	_ =	sdelay $0x1  }
0x102: {  	v6 =	vadd.s32 v3, v6;
	_ =	sdelay $0x4  }
0x103: {  	[tilespmem:s0], [sflag:$0x2] =	stream.indirect_vreg.gather [hbm4b:s1+s3], $0x80, v6, vm0, $0xb8;
	[tilespmem:$0xE080] =	vst v63  }
0x104: {  	s17 =	simm.s32 $0x6880;
	v5 =	vperm.xlane v5, v4  }
0x105: {  	[tilespmem:s17], [sflag:$0x2] =	stream.indirect_vreg.gather [hbm4b:s6+s3], $0x80, v6, vm0, $0xb8;
	[tilespmem:$0xE080] =	vst v63  }
0x106: {  	v5 =	vadd.s32 v3, v5  }
0x107: {  	[tilespmem:s16], [sflag:$0x2] =	stream.indirect_vreg.gather [hbm4b:s7+s3], $0x80, v6, vm0, $0xb8;
	[tilespmem:$0xE080] =	vst v63  }
0x108: {  	s20 =	simm.s32 $0x7880  }
0x109: {  	[tilespmem:s20], [sflag:$0x2] =	stream.indirect_vreg.gather [hbm4b:s8+s3], $0x80, v6, vm0, $0xb8;
	[tilespmem:$0xE080] =	vst v63  }
0x10a: {  	_ = 	snop  }
0x10b: {  	[tilespmem:s18], [sflag:$0x2] =	stream.indirect_vreg.gather [hbm4b:s1+s3], $0x80, v5, vm0, $0xb8;
	[tilespmem:$0xE080] =	vst v63  }
0x10c: {  	s23 =	simm.s32 $0x8880  }
0x10d: {  	[tilespmem:s23], [sflag:$0x2] =	stream.indirect_vreg.gather [hbm4b:s6+s3], $0x80, v5, vm0, $0xb8;
	[tilespmem:$0xE080] =	vst v63  }
0x10e: {  	_ = 	snop  }
0x10f: {  	[tilespmem:s15], [sflag:$0x2] =	stream.indirect_vreg.gather [hbm4b:s7+s3], $0x80, v5, vm0, $0xb8;
	[tilespmem:$0xE080] =	vst v63  }
0x110: {  	_ = 	snop  }
0x111: {  	[tilespmem:s22], [sflag:$0x2] =	stream.indirect_vreg.gather [hbm4b:s8+s3], $0x80, v5, vm0, $0xb8;
	[tilespmem:$0xE080] =	vst v63  }
0x112: {  	_ =	swait.ge [sflag:s21], $0x4000  }
0x113: {  	[sflag:s21] =	ssyncset.done $0x0  }
0x114: {  	s5 =	rddreg [dreg:$0x11];
	[sflag:s21] =	ssyncadd.s32 $0xFFFFC000  }
0x115: {  	[hbm4b:s5+s3] =	stream.linear.scatter [tilespmem:s12], [sflag:$0x3], $0x4000, $0x38;
	[tilespmem:$0xE080] =	vst v63  }
0x116: {  	_ =	swait.ge [sflag:s21], $0x4000  }
0x117: {  	[sflag:s21] =	ssyncset.done $0x0  }
0x118: {  	s20 =	rddreg [dreg:$0x12];
	[sflag:s21] =	ssyncadd.s32 $0xFFFFC000  }
0x119: {  	[hbm4b:s20+s3] =	stream.linear.scatter [tilespmem:s0], [sflag:$0x3], $0x4000, $0x38;
	[tilespmem:$0xE080] =	vst v63  }
0x11a: {  	_ =	swait.ge [sflag:s24], $0x4000  }
0x11b: {  	[sflag:s24] =	ssyncset.done $0x0  }
0x11c: {  	[sflag:s24] =	ssyncadd.s32 $0xFFFFC000  }
0x11d: {  	_ =	swait.ge [sflag:s24], $0x4000  }
0x11e: {  	s19 =	sadd.s32 $0x1, s19;
	s23 =	rddreg [dreg:$0x13]  }
0x11f: {  	p0 =	sne.s32 s19, s23  }
.Ltmp2:
0x120: {  	_ = 	snop;
	(pc) =	sbr.rel @p0 .LBB2_1-.Ltmp2, $3  }
0x121: {  	_ =	sdelay $0x1  }
0x122: {  	[sflag:s24] =	ssyncset.done $0x0  }
0x123: {  	[sflag:s24] =	ssyncadd.s32 $0xFFFFC000  }
0x124: {  	_ =	sfence.sel $0x180000  }
0x125: {  	[bflag:$0x0] =	sbarrier.arrive $0xFFFF  }
0x126: {  	_ =	strace $0x90000047  }
0x127: {  	s0 =	stileid.u32;
	[bflag:$0x2] =	sbarrier.arrive $0xFFFF  }
0x128: {  	p0 =	sne.s32 s0, $0x0;
	s0 =	rddreg [dreg:$0x3]  }
0x129: {  	s0 =	sadd.s32 @!p0 $0x100000, s0  }
0x12a: {  	[sflag:s0] =	ssyncadd.tile.s32 @!p0 $0x1;
	_ =	shalt  }
.Lfunc_end2:
_tile_overlayer_lowered:
.L_overlay_start_2:
0x12b: {  	(tag) =	ssettag $0x2  }
0x12c: {  	s0 =	rddreg [dreg:$0x0];
	s2 =	stileid.u32  }
0x12d: {  	s1 =	rddreg [dreg:$0x1];
	p0 =	sne.s32 s2, $0x0  }
0x12e: {  	s3 =	rddreg [dreg:$0x2];
	[bflag:$0x3] =	sbarrier.arrive $0xFFFF;
	s2 =	simm.s32 @!p0 $0x1C04  }
0x12f: {  	[timem:s3], [sflag:s2] =	dma.local @!p0 [hbm:s0], s1  }
0x130: {  	s0 =	simm.s32 @!p0 $0x4  }
0x131: {  	_ =	swait.ge @!p0 [sflag:s0], s1  }
0x132: {  	s1 =	ssub.s32 @!p0 $0x0, s1;
	[sflag:s0] =	ssyncset.done @!p0 $0x0  }
0x133: {  	[sflag:s0] =	ssyncadd.s32 @!p0 s1  }
0x134: {  	[bflag:$0x3] =	sbarrier.arrive $0xFFFF  }
0x135: {  	_ =	shalt  }

// kernel: kernel.9.cloned.1.call-start
scs
__scs_entry_jumppad:
0x0: {  	(pc) =	sbr.rel $0x88, $3  }
0x1: {  	(tag) =	ssettag $0x0;
	lr =	simm.s32 $0x1  }
0x2: {  	[smem:$0x3F96] =	sst lr;
	_ =	strace $0xD0000000  }
0x3: {  	_ = 	snop  }
0x4: {  	_ = 	snop  }
0x5: {  	_ = 	snop  }
0x6: {  	_ = 	snop  }
0x7: {  	_ = 	snop  }
__scs_overlays_trampoline_lowered:
0x8: {  	[smem:$0x3FA5] =	sst s0  }
0x9: {  	[smem:$0x3FA6] =	sst s1  }
0xa: {  	[smem:$0x3FA7] =	sst s2  }
0xb: {  	[smem:$0x3FA8] =	sst s3  }
0xc: {  	[smem:$0x3FA9] =	sst s4  }
0xd: {  	[smem:$0x3FAA] =	sst s5  }
0xe: {  	[smem:$0x3FAB] =	sst s6  }
0xf: {  	[smem:$0x3FAC] =	sst s7  }
0x10: {  	[smem:$0x3FAD] =	sst s8  }
0x11: {  	[smem:$0x3FAE] =	sst s9;
	s0 =	simm.s32 @!p0 $0x0  }
0x12: {  	s1 =	sld [smem:$0x3F94];
	s0 =	simm.s32 @p0 $0x1  }
0x13: {  	[smem:$0x3FAF] =	sst s0;
	s0 =	simm.s32 @!p1 $0x0  }
0x14: {  	s2 =	sld [smem:$0x3F93];
	s0 =	simm.s32 @p1 $0x1  }
0x15: {  	[smem:$0x3FB0] =	sst s0;
	s0 =	simm.s32 @!p2 $0x0  }
0x16: {  	s3 =	sld [smem:$0x3FDB];
	s0 =	simm.s32 @p2 $0x1  }
0x17: {  	s4 =	simm.s32 $0x1BF5;
	[smem:$0x3FB2] =	sst s0  }
0x18: {  	s0 =	sld [smem:$0x3F95];
	_ =	swait.ge [sflag:s4], $0x0  }
0x19: {  	s7 =	sld [smem:$0x3F96]  }
0x1a: {  	s8 =	sadd.s32 $0xFFFFE003, lr  }
0x1b: {  	s9 =	sadd.s32 $0xFFFFFEF7, lr;
	s5 =	simm.s32 $0xFFFFFFFF;
	p2 =	slt.u32 s8, $0xFFFFF086  }
0x1c: {  	p1 =	slt.u32 s9, $0xF7A;
	s5 =	simm.s32 @!p2 $0x0  }
0x1d: {  	s5 =	simm.s32 @p1 $0x1;
	p0 =	seq.s32 s7, s2  }
0x1e: {  	s7 =	smul.u32 @!p0 $0xF7A, s2;
	p2 =	seq.s32 @!p0 s5, $0x0  }
0x1f: {  	s9 =	smul.u32 $0xF7A, s1;
	s8 =	simm.s32 @!p0 $0x1BF5;
	p2 =	por !p2, p0  }
0x20: {  	[sflag:s8] =	ssyncset.s32 @!p0 $0xFFFFF086;
	s6 =	sadd.s32 @!p0 s3, s7;
	s7 =	simm.s32 @!p0 $0x108  }
0x21: {  	s3 =	sadd.s32 s3, s9;
	s6 =	sadd.s32 @!p0 $0x88, s6;
	s7 =	simm.s32 @p2 $0x1082  }
0x22: {  	[simem:s7], [sflag:s8] =	dma.local @!p0 [hbm:s6], $0xF7A  }
0x23: {  	s9 =	sor.u32 $0xD0000000, s2;
	s6 =	simm.s32 $0x108;
	_ =	swait.ge @!p0 [sflag:s8], $0x0  }
0x24: {  	s3 =	sadd.s32 $0x88, s3;
	s6 =	simm.s32 @!p1 $0x1082;
	[sflag:s4] =	ssyncset.s32 $0xFFFFF086  }
0x25: {  	[simem:s6], [sflag:s4] =	dma.local [hbm:s3], $0xF7A  }
0x26: {  	[smem:$0x3F96] =	sst s1;
	(tag) =	ssettag s2;
	_ =	strace s9  }
0x27: {  	s1 =	sld [smem:$0x3FA6]  }
0x28: {  	s2 =	sld [smem:$0x3FA7]  }
0x29: {  	s4 =	sld [smem:$0x3FA9]  }
0x2a: {  	p0 =	seq.s32 s5, $0x0;
	s5 =	sld [smem:$0x3FAA]  }
0x2b: {  	s6 =	sld [smem:$0x3FAB]  }
0x2c: {  	s7 =	sld [smem:$0x3FAC]  }
0x2d: {  	s3 =	simm.s32 $0x108;
	s8 =	sld [smem:$0x3FAD]  }
0x2e: {  	s3 =	simm.s32 @!p0 $0x1082;
	s9 =	sld [smem:$0x3FAE]  }
0x2f: {  	lr =	sadd.s32 s0, s3;
	s0 =	sld [smem:$0x3FA5]  }
0x30: {  	s3 =	sld [smem:$0x3FA8]  }
0x31: {  	[smem:$0x3FB1] =	sst s10  }
0x32: {  	s10 =	sld [smem:$0x3FAF];
	_ =	sdelay $0x3  }
0x33: {  	p0 =	seq.s32 s10, $0x1;
	s10 =	sld [smem:$0x3FB1];
	_ =	sdelay $0x3  }
0x34: {  	[smem:$0x3FB1] =	sst s10  }
0x35: {  	s10 =	sld [smem:$0x3FB0];
	_ =	sdelay $0x3  }
0x36: {  	p1 =	seq.s32 s10, $0x1;
	s10 =	sld [smem:$0x3FB1];
	_ =	sdelay $0x3  }
0x37: {  	[smem:$0x3FB1] =	sst s10  }
0x38: {  	s10 =	sld [smem:$0x3FB2]  }
0x39: {  	_ = 	snop;
	(pc) =	sbr.ind lr, $3  }
0x3a: {  	_ = 	snop  }
0x3b: {  	_ = 	snop  }
0x3c: {  	p2 =	seq.s32 s10, $0x1;
	s10 =	sld [smem:$0x3FB1]  }
0x3d: {  	_ =	shalt  }
0x3e: {  	_ =	shalt  }
0x3f: {  	_ =	shalt  }
0x40: {  	_ =	shalt  }
0x41: {  	_ =	shalt  }
0x42: {  	_ =	shalt  }
0x43: {  	_ =	shalt  }
0x44: {  	_ =	shalt  }
0x45: {  	_ =	shalt  }
0x46: {  	_ =	shalt  }
0x47: {  	_ =	shalt  }
0x48: {  	_ =	shalt  }
0x49: {  	_ =	shalt  }
0x4a: {  	_ =	shalt  }
0x4b: {  	_ =	shalt  }
0x4c: {  	_ =	shalt  }
0x4d: {  	_ =	shalt  }
0x4e: {  	_ =	shalt  }
0x4f: {  	_ =	shalt  }
0x50: {  	_ =	shalt  }
0x51: {  	_ =	shalt  }
0x52: {  	_ =	shalt  }
0x53: {  	_ =	shalt  }
0x54: {  	_ =	shalt  }
0x55: {  	_ =	shalt  }
0x56: {  	_ =	shalt  }
0x57: {  	_ =	shalt  }
0x58: {  	_ =	shalt  }
0x59: {  	_ =	shalt  }
0x5a: {  	_ =	shalt  }
0x5b: {  	_ =	shalt  }
0x5c: {  	_ =	shalt  }
0x5d: {  	_ =	shalt  }
0x5e: {  	_ =	shalt  }
0x5f: {  	_ =	shalt  }
0x60: {  	_ =	shalt  }
0x61: {  	_ =	shalt  }
0x62: {  	_ =	shalt  }
0x63: {  	_ =	shalt  }
0x64: {  	_ =	shalt  }
0x65: {  	_ =	shalt  }
0x66: {  	_ =	shalt  }
0x67: {  	_ =	shalt  }
0x68: {  	_ =	shalt  }
0x69: {  	_ =	shalt  }
0x6a: {  	_ =	shalt  }
0x6b: {  	_ =	shalt  }
0x6c: {  	_ =	shalt  }
0x6d: {  	_ =	shalt  }
0x6e: {  	_ =	shalt  }
0x6f: {  	_ =	shalt  }
0x70: {  	_ =	shalt  }
0x71: {  	_ =	shalt  }
0x72: {  	_ =	shalt  }
0x73: {  	_ =	shalt  }
0x74: {  	_ =	shalt  }
0x75: {  	_ =	shalt  }
0x76: {  	_ =	shalt  }
0x77: {  	_ =	shalt  }
0x78: {  	_ =	shalt  }
0x79: {  	_ =	shalt  }
0x7a: {  	_ =	shalt  }
0x7b: {  	_ =	shalt  }
0x7c: {  	_ =	shalt  }
0x7d: {  	_ =	shalt  }
0x7e: {  	_ =	shalt  }
0x7f: {  	_ =	shalt  }
0x80: {  	_ =	shalt  }
0x81: {  	_ =	shalt  }
0x82: {  	_ =	shalt  }
0x83: {  	_ =	shalt  }
0x84: {  	_ =	shalt  }
0x85: {  	_ =	shalt  }
0x86: {  	_ =	shalt  }
0x87: {  	_ =	shalt  }
.Lfunc_end0:
.L_simem_size_0:
called_computation.1_lowered:
.L_overlay_start_0:
0x88: {  	s2 =	sld [smem:$0x3FD9]  }
0x89: {  	s3 =	sld [smem:$0x3FFE];
	_ =	sdelay $0x1  }
0x8a: {  	s1 =	srdreg.scid  }
0x8b: {  	s0 =	sand.u32 $0x1, s1  }
0x8c: {  	s17 =	sshll.u32 s0, $0xA;
	s2 =	sadd.s32 s3, s2  }
0x8d: {  	s2 =	sadd.s32 s2, s17  }
0x8e: {  	[smem:$0x3FBD] =	sst s2  }
0x8f: {  	_ = 	snop  }
0x90: {  	s2 =	sld [smem:$0x3FC9]  }
0x91: {  	s18 =	sld [smem:$0x3FD0];
	(tm) =	ssettm $0x1  }
0x92: {  	s4 =	sld [smem:$0x3FFB];
	_ =	sdelay $0x3  }
0x93: {  	_ =	strace s4  }
0x94: {  	s4 =	sld [smem:$0x3FFC];
	_ =	sdelay $0x3  }
0x95: {  	_ =	strace s4  }
0x96: {  	s4 =	sld [smem:$0x3FFD];
	_ =	sdelay $0x3  }
0x97: {  	_ =	strace s4  }
0x98: {  	_ =	strace $0x8FFFFFFF  }
0x99: {  	s19 =	sld [smem:$0x3FDB];
	_ =	sdelay $0x1  }
0x9a: {  	s5 =	simm.s32 $_scs_section_size  }
0x9b: {  	s6 =	simm.s32 $_size__tile_overlayer_lowered;
	s7 =	simm.s32 $_tile_overlayer_lowered  }
0x9c: {  	s22 =	simm.s32 $0x1BFF;
	s21 =	sshll.u32 s7, $0x1;
	s4 =	sadd.s32 s5, s19  }
0x9d: {  	s8 =	simm.s32 $0x0;
	s20 =	sshll.u32 s6, $0x1;
	s6 =	sadd.s32 s21, s4  }
0x9e: {  	[timem:s8], [sflag:s22] =	dma.local [hbm:s6], s20  }
0x9f: {  	_ =	swait.ge [sflag:s22], s20  }
0xa0: {  	s5 =	ssub.s32 $0x0, s20;
	[sflag:s22] =	ssyncset.done $0x0  }
0xa1: {  	[sflag:s22] =	ssyncadd.s32 s5;
	_ =	sdelay $0x1  }
0xa2: {  	s23 =	simm.s32 $0x1B8B  }
0xa3: {  	_ =	swait.ge [sflag:s23], $0x1  }
0xa4: {  	[sflag:s23] =	ssyncset.done $0x0  }
0xa5: {  	s25 =	simm.s32 $0x1B8E;
	s24 =	sld [smem:$0x3FFE];
	[sflag:s23] =	ssyncadd.s32 $0xFFFFFFFF  }
0xa6: {  	s26 =	simm.s32 $execute0_lowered;
	[smem:$0x3FD2] =	sst s25  }
0xa7: {  	s6 =	sshll.u32 s26, $0x1;
	_ =	strace $0x80000049;
	[dreg:$0x1] =	wrdreg $0xFFFFFFFF  }
0xa8: {  	s28 =	simm.s32 $_size_execute0_lowered;
	s4 =	sadd.s32 s4, s6;
	[dreg:$0x0] =	wrdreg $0x0  }
0xa9: {  	s6 =	sshll.u32 s28, $0x1;
	[dreg:$0x2] =	wrdreg s4  }
0xaa: {  	[dreg:$0x3] =	wrdreg s6  }
0xab: {  	[dreg:$0x4] =	wrdreg $0xC0  }
0xac: {  	_ =	task [dreg:s8], $0x5FFFF  }
0xad: {  	[dreg:$0x1] =	wrdreg $0xFFFFFFFF  }
0xae: {  	[dreg:$0x0] =	wrdreg $0x60  }
0xaf: {  	[dreg:$0x2] =	wrdreg s2  }
0xb0: {  	[dreg:$0x3] =	wrdreg s24  }
0xb1: {  	[dreg:$0x4] =	wrdreg s18  }
0xb2: {  	[dreg:$0x5] =	wrdreg $0x9  }
0xb3: {  	_ =	task.clear_ibuf [dreg:s8], $0x6FFFF;
	_ =	strace $0x90000049  }
0xb4: {  	s29 =	simm.s32 $0x9;
	_ =	strace $0x8000004B  }
0xb5: {  	_ =	swait.ge [sflag:s29], $0x1  }
0xb6: {  	[sflag:s29] =	ssyncadd.s32 $0xFFFFFFFF  }
0xb7: {  	_ =	strace $0x9000004B  }
0xb8: {  	_ =	sfence  }
0xb9: {  	s30 =	sld [smem:$0x0];
	_ =	sdelay $0x2  }
0xba: {  	s31 =	sshll.u32 s1, $0xD;
	s1 =	sshrl.u32 s1, $0x2  }
0xbb: {  	s3 =	sand.u32 $0x4000, s31;
	s1 =	sadd.s32 s1, s30  }
0xbc: {  	s0 =	sor.u32 s3, s0;
	s1 =	sshll.u32 s1, $0x11  }
0xbd: {  	s0 =	sor.u32 s1, s0  }
0xbe: {  	s0 =	sadd.s32 $0x8F2B, s0  }
0xbf: {  	[sflag:s0] =	ssyncadd.remote.s32 $0x1  }
0xc0: {  	_ =	sfence.sel $0xFFFF  }
0xc1: {  	[dreg:$0x0] =	wrdreg $0xFFFFFFFF;
	(pc) =	sbr.abs _section_cstart, $3  }
0xc2: {  	[dreg:$0x1] =	wrdreg $0xFFFFFFFF  }
0xc3: {  	_ =	task.clear_ibuf [dreg:s8], $0x2FFFF;
	_ =	strace $0x9FFFFFFF  }
0xc4: {  	(tm) =	ssettm $0x7FFFFFFF  }
0xc5: {  	_ =	shalt  }
tec
execute0_lowered:
.L_overlay_start_1:
0x0: {  	(tag) =	ssettag $0x1  }
0x1: {  	s0 =	rddreg [dreg:$0x0]  }
0x2: {  	s1 =	rddreg [dreg:$0x1]  }
0x3: {  	s4 =	rddreg [dreg:$0x2];
	s2 =	simm.s32 $0x0  }
0x4: {  	s3 =	srdreg.scid;
	s6 =	stileid.u32;
	s28 =	simm.s32 $0x6880  }
0x5: {  	[smem:$0x7FF] =	sst s2;
	s5 =	sand.u32 $0x1, s3;
	s6 =	sshll.u32 s6, $0x1  }
0x6: {  	s3 =	sadd.s32 $0x1C00, s1;
	_ =	strace $0x8000004A;
	s6 =	sor.u32 s5, s6  }
0x7: {  	s5 =	ssub.s32 $0x2, s5;
	s7 =	sshll.u32 s6, $0x4;
	s8 =	sshll.u32 s6, $0xB  }
0x8: {  	s9 =	sshrl.u32 s5, $0x1;
	s11 =	sshll.u32 s6, $0xD;
	s6 =	sadd.s32 $0x1D00, s1  }
0x9: {  	s7 =	sadd.s32 s7, s1;
	s8 =	sadd.s32 s8, s1;
	s14 =	sadd.s32 s0, s11  }
0xa: {  	s5 =	ssub.s32 s5, s9;
	s10 =	sadd.s32 s4, s11;
	[dreg:$0x6] =	wrdreg s14  }
0xb: {  	s13 =	sor.u32 $0x400, s11;
	s7 =	sadd.s32 $0x91C00, s7;
	[dreg:$0x8] =	wrdreg s10  }
0xc: {  	s16 =	sor.u32 $0x800, s11;
	s12 =	sadd.s32 $0x81C00, s8;
	[dreg:$0x4] =	wrdreg s7  }
0xd: {  	s18 =	sor.u32 $0xC00, s11;
	s15 =	sadd.s32 s0, s13;
	[dreg:$0x5] =	wrdreg s12  }
0xe: {  	s20 =	sor.u32 $0x1000, s11;
	s17 =	sadd.s32 s0, s16;
	[dreg:$0x7] =	wrdreg s15  }
0xf: {  	s22 =	sor.u32 $0x1400, s11;
	s8 =	sadd.s32 s4, s13;
	[dreg:$0x9] =	wrdreg s17  }
0x10: {  	s24 =	sor.u32 $0x1800, s11;
	s19 =	sadd.s32 s0, s18;
	[dreg:$0xa] =	wrdreg s8  }
0x11: {  	s9 =	sadd.s32 s4, s16;
	s21 =	sadd.s32 s0, s20;
	[dreg:$0xb] =	wrdreg s19  }
0x12: {  	s10 =	sadd.s32 s4, s18;
	s23 =	sadd.s32 s0, s22;
	[dreg:$0xc] =	wrdreg s9  }
0x13: {  	s25 =	sadd.s32 s0, s24;
	s26 =	sadd.s32 s4, s22;
	[dreg:$0xd] =	wrdreg s21  }
0x14: {  	s29 =	sadd.s32 s4, s24;
	s24 =	sadd.s32 $0x1F00, s1;
	[dreg:$0xe] =	wrdreg s10  }
0x15: {  	s31 =	smax.u32 s5, $0x1;
	s5 =	simm.s32 $0x7880;
	[dreg:$0xf] =	wrdreg s23  }
0x16: {  	s13 =	simm.s32 $0xA880;
	s14 =	simm.s32 $0xB080;
	[dreg:$0x11] =	wrdreg s25  }
0x17: {  	s16 =	simm.s32 $0xE080;
	s18 =	simm.s32 $0x2;
	[dreg:$0x12] =	wrdreg s26  }
0x18: {  	s22 =	simm.s32 $0x0;
	s8 =	sadd.s32 s4, s20;
	[dreg:$0x14] =	wrdreg s29  }
0x19: {  	s7 =	sor.u32 $0x1C00, s11;
	s23 =	sadd.s32 $0x1E00, s1;
	[dreg:$0x16] =	wrdreg s31  }
0x1a: {  	s26 =	simm.s32 $0x4;
	s9 =	simm.s32 $0x8880;
	s10 =	simm.s32 $0x9080  }
0x1b: {  	s11 =	simm.s32 $0x9880;
	s12 =	simm.s32 $0xA080;
	s15 =	simm.s32 $0xB880  }
0x1c: {  	s17 =	simm.s32 $0x1;
	s19 =	simm.s32 $0x10080;
	s20 =	simm.s32 $0x12080  }
0x1d: {  	v2 =	vlaneseq.u32;
	s21 =	simm.s32 $0x3;
	[dreg:$0x10] =	wrdreg s8;
	s0 =	sadd.s32 s0, s7  }
0x1e: {  	vm0 =	vmmov $0xffff;
	v1 =	vshrl.u32 v2, $0x3;
	s30 =	sadd.s32 s4, s7;
	s4 =	simm.s32 $0x7080;
	[dreg:$0x13] =	wrdreg s0  }
0x1f: {  	v0 =	vand.u32 $0x7, v2;
	v2 =	vor.u32 $0x8, v2;
	v1 =	vmul.u32 $0x8, v1;
	s7 =	simm.s32 $0xC080;
	s8 =	simm.s32 $0x8080;
	[dreg:$0x15] =	wrdreg s30  }
.LBB2_1:
0x20: {  	s0 =	rddreg [dreg:$0x4]  }
0x21: {  	[tilespmem:s2], [sflag:$0x4] =	stream.linear.gather [hbm4b:s0+s2], $0x80, $0x38;
	[tilespmem:$0x14080] =	vst v63  }
0x22: {  	_ =	swait.ge [sflag:s26], $0x80  }
0x23: {  	[sflag:s26] =	ssyncset.done $0x0  }
0x24: {  	s1 =	simm.s32 $0x80;
	s25 =	rddreg [dreg:$0x5];
	[sflag:s26] =	ssyncadd.s32 $0xFFFFFF80  }
0x25: {  	[tilespmem:s1], [sflag:$0x4] =	stream.linear.gather [hbm4b:s25+s2], $0x4000, $0x38;
	[tilespmem:$0x14080] =	vst v63  }
0x26: {  	_ =	swait.ge [sflag:s26], $0x4000  }
0x27: {  	[sflag:s26] =	ssyncset.done $0x0  }
0x28: {  	[sflag:s26] =	ssyncadd.s32 $0xFFFFC000  }
0x29: {  	v3 =	vld [tilespmem:$0x0];
	_ =	sdelay $0x4  }
0x2a: {  	v4 =	vshll.u32 v3, $0x3  }
0x2b: {  	v3 =	vand.u32 $0x7, v3;
	v4 =	vand.u32 $0xFFFFFFC0, v4  }
0x2c: {  	v3 =	vor.u32 v3, v4  }
0x2d: {  	v4 =	vperm.xlane v3, v0;
	_ =	sdelay $0x1  }
0x2e: {  	v4 =	vadd.s32 v1, v4;
	_ =	sdelay $0x3  }
0x2f: {  	s30 =	simm.s32 $0x4080  }
0x30: {  	[tilespmem:s30], [sflag:$0x1] =	stream.indirect_vreg.gather [hbm4b:s3+s2], $0x80, v4, vm0, $0xb8;
	[tilespmem:$0x14080] =	vst v63  }
0x31: {  	s1 =	simm.s32 $0x4880;
	v3 =	vperm.xlane v3, v2  }
0x32: {  	[tilespmem:s1], [sflag:$0x1] =	stream.indirect_vreg.gather [hbm4b:s6+s2], $0x80, v4, vm0, $0xb8;
	[tilespmem:$0x14080] =	vst v63  }
0x33: {  	s25 =	simm.s32 $0x5080;
	v3 =	vadd.s32 v1, v3  }
0x34: {  	[tilespmem:s25], [sflag:$0x1] =	stream.indirect_vreg.gather [hbm4b:s23+s2], $0x80, v4, vm0, $0xb8;
	[tilespmem:$0x14080] =	vst v63  }
0x35: {  	s30 =	simm.s32 $0x5880  }
0x36: {  	[tilespmem:s30], [sflag:$0x1] =	stream.indirect_vreg.gather [hbm4b:s24+s2], $0x80, v4, vm0, $0xb8;
	[tilespmem:$0x14080] =	vst v63  }
0x37: {  	s1 =	simm.s32 $0x6080  }
0x38: {  	[tilespmem:s1], [sflag:$0x1] =	stream.indirect_vreg.gather [hbm4b:s3+s2], $0x80, v3, vm0, $0xb8;
	[tilespmem:$0x14080] =	vst v63  }
0x39: {  	_ = 	snop  }
0x3a: {  	[tilespmem:s28], [sflag:$0x1] =	stream.indirect_vreg.gather [hbm4b:s6+s2], $0x80, v3, vm0, $0xb8;
	[tilespmem:$0x14080] =	vst v63  }
0x3b: {  	_ = 	snop  }
0x3c: {  	[tilespmem:s4], [sflag:$0x1] =	stream.indirect_vreg.gather [hbm4b:s23+s2], $0x80, v3, vm0, $0xb8;
	[tilespmem:$0x14080] =	vst v63  }
0x3d: {  	_ = 	snop  }
0x3e: {  	[tilespmem:s5], [sflag:$0x1] =	stream.indirect_vreg.gather [hbm4b:s24+s2], $0x80, v3, vm0, $0xb8;
	[tilespmem:$0x14080] =	vst v63  }
0x3f: {  	s25 =	rddreg [dreg:$0x6]  }
0x40: {  	[tilespmem:s7], [sflag:$0x2] =	stream.linear.gather [hbm4b:s25+s2], $0x2000, $0x38;
	[tilespmem:$0x14080] =	vst v63  }
0x41: {  	v3 =	vld [tilespmem:$0x10];
	_ =	sdelay $0x4  }
0x42: {  	v4 =	vshll.u32 v3, $0x3  }
0x43: {  	v3 =	vand.u32 $0x7, v3;
	v4 =	vand.u32 $0xFFFFFFC0, v4  }
0x44: {  	v3 =	vor.u32 v3, v4  }
0x45: {  	v4 =	vperm.xlane v3, v0;
	_ =	sdelay $0x1  }
0x46: {  	v4 =	vadd.s32 v1, v4;
	_ =	sdelay $0x4  }
0x47: {  	[tilespmem:s8], [sflag:$0x1] =	stream.indirect_vreg.gather [hbm4b:s3+s2], $0x80, v4, vm0, $0xb8;
	[tilespmem:$0x14080] =	vst v63  }
0x48: {  	v3 =	vperm.xlane v3, v2  }
0x49: {  	[tilespmem:s9], [sflag:$0x1] =	stream.indirect_vreg.gather [hbm4b:s6+s2], $0x80, v4, vm0, $0xb8;
	[tilespmem:$0x14080] =	vst v63  }
0x4a: {  	v3 =	vadd.s32 v1, v3  }
0x4b: {  	[tilespmem:s10], [sflag:$0x1] =	stream.indirect_vreg.gather [hbm4b:s23+s2], $0x80, v4, vm0, $0xb8;
	[tilespmem:$0x14080] =	vst v63  }
0x4c: {  	_ = 	snop  }
0x4d: {  	[tilespmem:s11], [sflag:$0x1] =	stream.indirect_vreg.gather [hbm4b:s24+s2], $0x80, v4, vm0, $0xb8;
	[tilespmem:$0x14080] =	vst v63  }
0x4e: {  	_ = 	snop  }
0x4f: {  	[tilespmem:s12], [sflag:$0x1] =	stream.indirect_vreg.gather [hbm4b:s3+s2], $0x80, v3, vm0, $0xb8;
	[tilespmem:$0x14080] =	vst v63  }
0x50: {  	_ = 	snop  }
0x51: {  	[tilespmem:s13], [sflag:$0x1] =	stream.indirect_vreg.gather [hbm4b:s6+s2], $0x80, v3, vm0, $0xb8;
	[tilespmem:$0x14080] =	vst v63  }
0x52: {  	_ = 	snop  }
0x53: {  	[tilespmem:s14], [sflag:$0x1] =	stream.indirect_vreg.gather [hbm4b:s23+s2], $0x80, v3, vm0, $0xb8;
	[tilespmem:$0x14080] =	vst v63  }
0x54: {  	_ = 	snop  }
0x55: {  	[tilespmem:s15], [sflag:$0x1] =	stream.indirect_vreg.gather [hbm4b:s24+s2], $0x80, v3, vm0, $0xb8;
	[tilespmem:$0x14080] =	vst v63  }
0x56: {  	s30 =	rddreg [dreg:$0x7]  }
0x57: {  	[tilespmem:s16], [sflag:$0x2] =	stream.linear.gather [hbm4b:s30+s2], $0x2000, $0x38;
	[tilespmem:$0x14080] =	vst v63  }
0x58: {  	_ =	swait.ge [sflag:s17], $0x4000  }
0x59: {  	[sflag:s17] =	ssyncset.done $0x0  }
0x5a: {  	[sflag:s17] =	ssyncadd.s32 $0xFFFFC000  }
0x5b: {  	_ =	swait.ge [sflag:s18], $0x2000  }
0x5c: {  	[sflag:s18] =	ssyncset.done $0x0  }
0x5d: {  	[sflag:s18] =	ssyncadd.s32 $0xFFFFE000  }
0x5e: {  	v3 =	vld [tilespmem:$0x80]  }
0x5f: {  	v4 =	vld [tilespmem:$0x100]  }
0x60: {  	v5 =	vld [tilespmem:$0x180]  }
0x61: {  	v6 =	vld [tilespmem:$0x200]  }
0x62: {  	v7 =	vld [tilespmem:$0x280]  }
0x63: {  	v8 =	vld [tilespmem:$0x300]  }
0x64: {  	v9 =	vld [tilespmem:$0x380]  }
0x65: {  	v10 =	vld [tilespmem:$0x400]  }
0x66: {  	v11 =	vld [tilespmem:$0x480]  }
0x67: {  	v12 =	vld [tilespmem:$0x500]  }
0x68: {  	v13 =	vld [tilespmem:$0x580]  }
0x69: {  	v14 =	vld [tilespmem:$0x600]  }
0x6a: {  	v15 =	vld [tilespmem:$0x680]  }
0x6b: {  	v17 =	vld [tilespmem:$0x700]  }
0x6c: {  	s1 =	sand.u32 $0x70, s2;
	s25 =	sand.u32 $0x1C00, s2;
	v16 =	vld [tilespmem:$0x780]  }
0x6d: {  	s0 =	sor.u32 s1, s25;
	v18 =	vld [tilespmem:$0x800]  }
0x6e: {  	v19 =	vld [tilespmem:s0+$0x4200]  }
0x6f: {  	v20 =	vld [tilespmem:s0+$0x4100]  }
0x70: {  	v21 =	vld [tilespmem:s0+$0xC180]  }
0x71: {  	v22 =	vld [tilespmem:s0+$0x4300]  }
0x72: {  	v23 =	vld [tilespmem:s0+$0x4280]  }
0x73: {  	v24 =	vld [tilespmem:s0+$0x4180]  }
0x74: {  	v25 =	vld [tilespmem:s0+$0x4080]  }
0x75: {  	v26 =	vld [tilespmem:s0+$0xC080]  }
0x76: {  	v27 =	vld [tilespmem:s0+$0xC100]  }
0x77: {  	v28 =	vld [tilespmem:s0+$0x6200]  }
0x78: {  	v29 =	vld [tilespmem:s0+$0xC300];
	v23 =	vmul.f32 v23, v7  }
0x79: {  	v30 =	vld [tilespmem:s0+$0x6300];
	v24 =	vmul.f32 v24, v5  }
0x7a: {  	v57 =	vld [tilespmem:s0+$0xC380];
	v22 =	vmul.f32 v22, v8;
	v21 =	vadd.f32 v23, v21;
	v23 =	vmul.f32 v25, v3  }
0x7b: {  	v58 =	vld [tilespmem:s0+$0x6180];
	v19 =	vmul.f32 v19, v6;
	v24 =	vadd.f32 v24, v27  }
0x7c: {  	v59 =	vld [tilespmem:s0+$0x6080];
	v20 =	vmul.f32 v20, v4;
	v21 =	vadd.f32 v22, v21;
	v22 =	vadd.f32 v23, v26  }
0x7d: {  	v23 =	vld [tilespmem:s0+$0x6280];
	v19 =	vadd.f32 v19, v24  }
0x7e: {  	v21 =	vmax.f32 v21, $0.0e+00;
	v20 =	vadd.f32 v20, v22;
	v22 =	vld [tilespmem:s0+$0x6100]  }
0x7f: {  	v19 =	vmax.f32 v19, $0.0e+00;
	[tilespmem:s0+$0x10180] =	vst v21;
	v21 =	vld [tilespmem:s0+$0xC280]  }
0x80: {  	s30 =	sor.u32 s2, s2;
	[tilespmem:s0+$0x10100] =	vst v19;
	v19 =	vld [tilespmem:s0+$0x4380];
	v20 =	vmax.f32 v20, $0.0e+00  }
0x81: {  	s31 =	sor.u32 $0x380, s30;
	[tilespmem:s0+$0x10080] =	vst v20;
	v20 =	vld [tilespmem:s0+$0xC200]  }
0x82: {  	v24 =	vmul.f32 v59, v11;
	v60 =	vld [tilespmem:s31+$0x4080]  }
0x83: {  	v23 =	vmul.f32 v23, v15  }
0x84: {  	v27 =	vmul.f32 v58, v13;
	v22 =	vmul.f32 v22, v12;
	v21 =	vadd.f32 v24, v21  }
0x85: {  	v61 =	vmul.f32 v30, v17;
	v23 =	vadd.f32 v23, v57;
	v19 =	vmul.f32 v19, v9  }
0x86: {  	v63 =	vmul.f32 v28, v14;
	v62 =	vadd.f32 v27, v29;
	v21 =	vadd.f32 v22, v21  }
0x87: {  	v22 =	vadd.f32 v61, v23;
	v19 =	vadd.f32 v19, v20;
	v20 =	vmul.f32 v60, v10  }
0x88: {  	v23 =	vadd.f32 v63, v62;
	v21 =	vmax.f32 v21, $0.0e+00  }
0x89: {  	v19 =	vadd.f32 v20, v19;
	[tilespmem:s0+$0x10280] =	vst v21;
	v20 =	vmax.f32 v22, $0.0e+00  }
0x8a: {  	v21 =	vmax.f32 v23, $0.0e+00;
	[tilespmem:s0+$0x10380] =	vst v20  }
0x8b: {  	[tilespmem:s0+$0x10300] =	vst v21;
	v20 =	vld [tilespmem:s0+$0x6380];
	v19 =	vmax.f32 v19, $0.0e+00  }
0x8c: {  	[tilespmem:s0+$0x10200] =	vst v19;
	v19 =	vld [tilespmem:s0+$0x6400]  }
0x8d: {  	s29 =	simm.s32 $0x0;
	s25 =	simm.s32 $0x10;
	v21 =	vld [tilespmem:s31+$0xC080]  }
.LBB2_2:
0x8e: {  	p0 =	sne.s32 s25, $0x3F0  }
0x8f: {  	s29 =	sadd.s32 $0x80, s29;
	s0 =	smov.u32 s25;
	s25 =	sadd.s32 $0x10, s25  }
0x90: {  	v20 =	vmul.f32 v20, v16;
	_ =	sdelay $0x1  }
0x91: {  	v19 =	vmul.f32 v19, v18;
	v20 =	vadd.f32 v20, v21;
	_ =	sdelay $0x1  }
0x92: {  	v19 =	vadd.f32 v19, v20  }
0x93: {  	s30 =	sand.u32 $0x70, s0;
	s1 =	sand.u32 $0x1C00, s29  }
0x94: {  	s30 =	sor.u32 s30, s1;
	v19 =	vmax.f32 v19, $0.0e+00  }
0x95: {  	[tilespmem:s31+$0x10080] =	vst v19  }
0x96: {  	v19 =	vld [tilespmem:s30+$0x4200]  }
0x97: {  	v20 =	vld [tilespmem:s30+$0x4100]  }
0x98: {  	v21 =	vld [tilespmem:s30+$0xC180]  }
0x99: {  	v22 =	vld [tilespmem:s30+$0x4300]  }
0x9a: {  	v23 =	vld [tilespmem:s30+$0x4280]  }
0x9b: {  	v24 =	vld [tilespmem:s30+$0x4180]  }
0x9c: {  	v25 =	vld [tilespmem:s30+$0x4080]  }
0x9d: {  	v26 =	vld [tilespmem:s30+$0xC080]  }
0x9e: {  	v27 =	vld [tilespmem:s30+$0xC100];
	v22 =	vmul.f32 v22, v8  }
0x9f: {  	v23 =	vmul.f32 v23, v7;
	v28 =	vld [tilespmem:s30+$0x6200]  }
0xa0: {  	v20 =	vmul.f32 v20, v4;
	v29 =	vld [tilespmem:s30+$0xC300]  }
0xa1: {  	v19 =	vmul.f32 v19, v6;
	v24 =	vmul.f32 v24, v5;
	v21 =	vadd.f32 v23, v21;
	v23 =	vld [tilespmem:s30+$0x6300]  }
0xa2: {  	v25 =	vmul.f32 v25, v3;
	v30 =	vld [tilespmem:s30+$0xC380]  }
0xa3: {  	v24 =	vadd.f32 v24, v27;
	v21 =	vadd.f32 v22, v21;
	v22 =	vld [tilespmem:s30+$0x6180]  }
0xa4: {  	v25 =	vadd.f32 v25, v26;
	v26 =	vld [tilespmem:s30+$0x6280]  }
0xa5: {  	v19 =	vadd.f32 v19, v24;
	v21 =	vmax.f32 v21, $0.0e+00;
	v24 =	vld [tilespmem:s30+$0x6080]  }
0xa6: {  	v20 =	vadd.f32 v20, v25;
	v25 =	vld [tilespmem:s30+$0x6100]  }
0xa7: {  	v19 =	vmax.f32 v19, $0.0e+00;
	[tilespmem:s30+$0x10180] =	vst v21;
	v21 =	vld [tilespmem:s30+$0xC280]  }
0xa8: {  	s0 =	sor.u32 s29, s0;
	v20 =	vmax.f32 v20, $0.0e+00;
	[tilespmem:s30+$0x10100] =	vst v19;
	v19 =	vld [tilespmem:s30+$0x4380];
	v22 =	vmul.f32 v22, v13  }
0xa9: {  	s31 =	sor.u32 $0x380, s0;
	[tilespmem:s30+$0x10080] =	vst v20;
	v20 =	vld [tilespmem:s30+$0xC200];
	v26 =	vmul.f32 v26, v15  }
0xaa: {  	v28 =	vmul.f32 v28, v14;
	v27 =	vld [tilespmem:s31+$0x4080];
	v24 =	vmul.f32 v24, v11;
	v22 =	vadd.f32 v22, v29  }
0xab: {  	v23 =	vmul.f32 v23, v17;
	v26 =	vadd.f32 v26, v30  }
0xac: {  	v21 =	vadd.f32 v24, v21;
	v24 =	vmul.f32 v25, v12;
	v22 =	vadd.f32 v28, v22  }
0xad: {  	v19 =	vmul.f32 v19, v9;
	v23 =	vadd.f32 v23, v26  }
0xae: {  	v21 =	vadd.f32 v24, v21  }
0xaf: {  	v19 =	vadd.f32 v19, v20;
	v20 =	vmul.f32 v27, v10  }
0xb0: {  	v21 =	vmax.f32 v21, $0.0e+00  }
.Ltmp0:
0xb1: {  	v19 =	vadd.f32 v20, v19;
	[tilespmem:s30+$0x10280] =	vst v21;
	v20 =	vmax.f32 v23, $0.0e+00;
	(pc) =	sbr.rel @p0 .LBB2_2-.Ltmp0, $4  }
0xb2: {  	v21 =	vmax.f32 v22, $0.0e+00;
	[tilespmem:s30+$0x10380] =	vst v20  }
0xb3: {  	v19 =	vmax.f32 v19, $0.0e+00;
	[tilespmem:s30+$0x10300] =	vst v21;
	v20 =	vld [tilespmem:s30+$0x6380]  }
0xb4: {  	[tilespmem:s30+$0x10200] =	vst v19;
	v19 =	vld [tilespmem:s30+$0x6400]  }
0xb5: {  	v21 =	vld [tilespmem:s31+$0xC080]  }
0xb6: {  	_ =	sdelay $0x1  }
0xb7: {  	v3 =	vmul.f32 v20, v16;
	_ =	sdelay $0x1  }
0xb8: {  	v4 =	vmul.f32 v19, v18;
	v3 =	vadd.f32 v3, v21;
	_ =	sdelay $0x1  }
0xb9: {  	v3 =	vadd.f32 v4, v3;
	_ =	sdelay $0x1  }
0xba: {  	v3 =	vmax.f32 v3, $0.0e+00  }
0xbb: {  	s25 =	simm.s32 $0x0;
	s0 =	rddreg [dreg:$0x8];
	[tilespmem:s31+$0x10080] =	vst v3  }
0xbc: {  	[hbm4b:s0+s25] =	stream.linear.scatter [tilespmem:s19], [sflag:$0x3], $0x2000, $0x38;
	[tilespmem:$0x14080] =	vst v63  }
0xbd: {  	v3 =	vld [tilespmem:$0x20];
	_ =	sdelay $0x4  }
0xbe: {  	v4 =	vshll.u32 v3, $0x3  }
0xbf: {  	v3 =	vand.u32 $0x7, v3;
	v4 =	vand.u32 $0xFFFFFFC0, v4  }
0xc0: {  	v3 =	vor.u32 v3, v4  }
0xc1: {  	v4 =	vperm.xlane v3, v0;
	_ =	sdelay $0x1  }
0xc2: {  	v4 =	vadd.s32 v1, v4;
	_ =	sdelay $0x3  }
0xc3: {  	s30 =	simm.s32 $0x4080  }
0xc4: {  	[tilespmem:s30], [sflag:$0x1] =	stream.indirect_vreg.gather [hbm4b:s3+s25], $0x80, v4, vm0, $0xb8;
	[tilespmem:$0x14080] =	vst v63  }
0xc5: {  	s1 =	simm.s32 $0x4880;
	v3 =	vperm.xlane v3, v2  }
0xc6: {  	[tilespmem:s1], [sflag:$0x1] =	stream.indirect_vreg.gather [hbm4b:s6+s25], $0x80, v4, vm0, $0xb8;
	[tilespmem:$0x14080] =	vst v63  }
0xc7: {  	v3 =	vadd.s32 v1, v3;
	s30 =	simm.s32 $0x5080  }
0xc8: {  	[tilespmem:s30], [sflag:$0x1] =	stream.indirect_vreg.gather [hbm4b:s23+s25], $0x80, v4, vm0, $0xb8;
	[tilespmem:$0x14080] =	vst v63  }
0xc9: {  	s1 =	simm.s32 $0x5880  }
0xca: {  	[tilespmem:s1], [sflag:$0x1] =	stream.indirect_vreg.gather [hbm4b:s24+s25], $0x80, v4, vm0, $0xb8;
	[tilespmem:$0x14080] =	vst v63  }
0xcb: {  	s30 =	simm.s32 $0x6080  }
0xcc: {  	[tilespmem:s30], [sflag:$0x1] =	stream.indirect_vreg.gather [hbm4b:s3+s25], $0x80, v3, vm0, $0xb8;
	[tilespmem:$0x14080] =	vst v63  }
0xcd: {  	_ = 	snop  }
0xce: {  	[tilespmem:s28], [sflag:$0x1] =	stream.indirect_vreg.gather [hbm4b:s6+s25], $0x80, v3, vm0, $0xb8;
	[tilespmem:$0x14080] =	vst v63  }
0xcf: {  	_ = 	snop  }
0xd0: {  	[tilespmem:s4], [sflag:$0x1] =	stream.indirect_vreg.gather [hbm4b:s23+s25], $0x80, v3, vm0, $0xb8;
	[tilespmem:$0x14080] =	vst v63  }
0xd1: {  	_ = 	snop  }
0xd2: {  	[tilespmem:s5], [sflag:$0x1] =	stream.indirect_vreg.gather [hbm4b:s24+s25], $0x80, v3, vm0, $0xb8;
	[tilespmem:$0x14080] =	vst v63  }
0xd3: {  	s1 =	rddreg [dreg:$0x9]  }
0xd4: {  	[tilespmem:s7], [sflag:$0x2] =	stream.linear.gather [hbm4b:s1+s25], $0x2000, $0x38;
	[tilespmem:$0x14080] =	vst v63  }
0xd5: {  	_ =	swait.ge [sflag:s17], $0x4000  }
0xd6: {  	[sflag:s17] =	ssyncset.done $0x0  }
0xd7: {  	[sflag:s17] =	ssyncadd.s32 $0xFFFFC000  }
0xd8: {  	_ =	swait.ge [sflag:s18], $0x2000  }
0xd9: {  	[sflag:s18] =	ssyncset.done $0x0  }
0xda: {  	[sflag:s18] =	ssyncadd.s32 $0xFFFFE000  }
0xdb: {  	v3 =	vld [tilespmem:$0x880]  }
0xdc: {  	v4 =	vld [tilespmem:$0x900]  }
0xdd: {  	v5 =	vld [tilespmem:$0x980]  }
0xde: {  	v6 =	vld [tilespmem:$0xA00]  }
0xdf: {  	v7 =	vld [tilespmem:$0xA80]  }
0xe0: {  	v8 =	vld [tilespmem:$0xB00]  }
0xe1: {  	v9 =	vld [tilespmem:$0xB80]  }
0xe2: {  	v10 =	vld [tilespmem:$0xC00]  }
0xe3: {  	v11 =	vld [tilespmem:$0xC80]  }
0xe4: {  	v12 =	vld [tilespmem:$0xD00]  }
0xe5: {  	v13 =	vld [tilespmem:$0xD80]  }
0xe6: {  	v14 =	vld [tilespmem:$0xE00]  }
0xe7: {  	v15 =	vld [tilespmem:$0xE80]  }
0xe8: {  	v17 =	vld [tilespmem:$0xF00]  }
0xe9: {  	s30 =	sand.u32 $0x70, s25;
	s1 =	sand.u32 $0x1C00, s25;
	v16 =	vld [tilespmem:$0xF80]  }
0xea: {  	s0 =	sor.u32 s30, s1;
	v18 =	vld [tilespmem:$0x1000]  }
0xeb: {  	v19 =	vld [tilespmem:s0+$0x8200]  }
0xec: {  	v20 =	vld [tilespmem:s0+$0x8100]  }
0xed: {  	v21 =	vld [tilespmem:s0+$0xE180]  }
0xee: {  	v22 =	vld [tilespmem:s0+$0x8300]  }
0xef: {  	v23 =	vld [tilespmem:s0+$0x8280]  }
0xf0: {  	v24 =	vld [tilespmem:s0+$0x8180]  }
0xf1: {  	v25 =	vld [tilespmem:s0+$0x8080]  }
0xf2: {  	v26 =	vld [tilespmem:s0+$0xE080]  }
0xf3: {  	v27 =	vld [tilespmem:s0+$0xE100]  }
0xf4: {  	v28 =	vld [tilespmem:s0+$0xA200]  }
0xf5: {  	v29 =	vld [tilespmem:s0+$0xE300];
	v23 =	vmul.f32 v23, v7  }
0xf6: {  	v30 =	vld [tilespmem:s0+$0xA300];
	v24 =	vmul.f32 v24, v5  }
0xf7: {  	v57 =	vld [tilespmem:s0+$0xE380];
	v22 =	vmul.f32 v22, v8;
	v21 =	vadd.f32 v23, v21;
	v23 =	vmul.f32 v25, v3  }
0xf8: {  	v58 =	vld [tilespmem:s0+$0xA180];
	v19 =	vmul.f32 v19, v6;
	v24 =	vadd.f32 v24, v27  }
0xf9: {  	v59 =	vld [tilespmem:s0+$0xA080];
	v20 =	vmul.f32 v20, v4;
	v21 =	vadd.f32 v22, v21;
	v22 =	vadd.f32 v23, v26  }
0xfa: {  	v23 =	vld [tilespmem:s0+$0xA280];
	v19 =	vadd.f32 v19, v24  }
0xfb: {  	v21 =	vmax.f32 v21, $0.0e+00;
	v20 =	vadd.f32 v20, v22;
	v22 =	vld [tilespmem:s0+$0xA100]  }
0xfc: {  	v19 =	vmax.f32 v19, $0.0e+00;
	[tilespmem:s0+$0x12180] =	vst v21;
	v21 =	vld [tilespmem:s0+$0xE280]  }
0xfd: {  	s30 =	sor.u32 s25, s25;
	[tilespmem:s0+$0x12100] =	vst v19;
	v19 =	vld [tilespmem:s0+$0x8380];
	v20 =	vmax.f32 v20, $0.0e+00  }
0xfe: {  	s31 =	sor.u32 $0x380, s30;
	[tilespmem:s0+$0x12080] =	vst v20;
	v20 =	vld [tilespmem:s0+$0xE200]  }
0xff: {  	v24 =	vmul.f32 v59, v11;
	v60 =	vld [tilespmem:s31+$0x8080]  }
0x100: {  	v23 =	vmul.f32 v23, v15  }
0x101: {  	v27 =	vmul.f32 v58, v13;
	v22 =	vmul.f32 v22, v12;
	v21 =	vadd.f32 v24, v21  }
0x102: {  	v61 =	vmul.f32 v30, v17;
	v23 =	vadd.f32 v23, v57;
	v19 =	vmul.f32 v19, v9  }
0x103: {  	v63 =	vmul.f32 v28, v14;
	v62 =	vadd.f32 v27, v29;
	v21 =	vadd.f32 v22, v21  }
0x104: {  	v22 =	vadd.f32 v61, v23;
	v19 =	vadd.f32 v19, v20;
	v20 =	vmul.f32 v60, v10  }
0x105: {  	v23 =	vadd.f32 v63, v62;
	v21 =	vmax.f32 v21, $0.0e+00  }
0x106: {  	v19 =	vadd.f32 v20, v19;
	[tilespmem:s0+$0x12280] =	vst v21;
	v20 =	vmax.f32 v22, $0.0e+00  }
0x107: {  	v21 =	vmax.f32 v23, $0.0e+00;
	[tilespmem:s0+$0x12380] =	vst v20  }
0x108: {  	[tilespmem:s0+$0x12300] =	vst v21;
	v20 =	vld [tilespmem:s0+$0xA380];
	v19 =	vmax.f32 v19, $0.0e+00  }
0x109: {  	[tilespmem:s0+$0x12200] =	vst v19;
	v19 =	vld [tilespmem:s0+$0xA400]  }
0x10a: {  	s29 =	simm.s32 $0x10;
	v21 =	vld [tilespmem:s31+$0xE080]  }
.LBB2_4:
0x10b: {  	p0 =	sne.s32 s29, $0x3F0  }
0x10c: {  	s25 =	sadd.s32 $0x80, s25;
	s0 =	smov.u32 s29;
	s29 =	sadd.s32 $0x10, s29  }
0x10d: {  	v20 =	vmul.f32 v20, v16;
	_ =	sdelay $0x1  }
0x10e: {  	v19 =	vmul.f32 v19, v18;
	v20 =	vadd.f32 v20, v21;
	_ =	sdelay $0x1  }
0x10f: {  	v19 =	vadd.f32 v19, v20  }
0x110: {  	s1 =	sand.u32 $0x70, s0;
	s30 =	sand.u32 $0x1C00, s25  }
0x111: {  	s30 =	sor.u32 s1, s30;
	v19 =	vmax.f32 v19, $0.0e+00  }
0x112: {  	[tilespmem:s31+$0x12080] =	vst v19  }
0x113: {  	v19 =	vld [tilespmem:s30+$0x8200]  }
0x114: {  	v20 =	vld [tilespmem:s30+$0x8100]  }
0x115: {  	v21 =	vld [tilespmem:s30+$0xE180]  }
0x116: {  	v22 =	vld [tilespmem:s30+$0x8300]  }
0x117: {  	v23 =	vld [tilespmem:s30+$0x8280]  }
0x118: {  	v24 =	vld [tilespmem:s30+$0x8180]  }
0x119: {  	v25 =	vld [tilespmem:s30+$0x8080]  }
0x11a: {  	v26 =	vld [tilespmem:s30+$0xE080]  }
0x11b: {  	v27 =	vld [tilespmem:s30+$0xE100];
	v22 =	vmul.f32 v22, v8  }
0x11c: {  	v23 =	vmul.f32 v23, v7;
	v28 =	vld [tilespmem:s30+$0xA200]  }
0x11d: {  	v20 =	vmul.f32 v20, v4;
	v29 =	vld [tilespmem:s30+$0xE300]  }
0x11e: {  	v19 =	vmul.f32 v19, v6;
	v24 =	vmul.f32 v24, v5;
	v21 =	vadd.f32 v23, v21;
	v23 =	vld [tilespmem:s30+$0xA300]  }
0x11f: {  	v25 =	vmul.f32 v25, v3;
	v30 =	vld [tilespmem:s30+$0xE380]  }
0x120: {  	v24 =	vadd.f32 v24, v27;
	v21 =	vadd.f32 v22, v21;
	v22 =	vld [tilespmem:s30+$0xA180]  }
0x121: {  	v25 =	vadd.f32 v25, v26;
	v26 =	vld [tilespmem:s30+$0xA280]  }
0x122: {  	v19 =	vadd.f32 v19, v24;
	v21 =	vmax.f32 v21, $0.0e+00;
	v24 =	vld [tilespmem:s30+$0xA080]  }
0x123: {  	v20 =	vadd.f32 v20, v25;
	v25 =	vld [tilespmem:s30+$0xA100]  }
0x124: {  	v19 =	vmax.f32 v19, $0.0e+00;
	[tilespmem:s30+$0x12180] =	vst v21;
	v21 =	vld [tilespmem:s30+$0xE280]  }
0x125: {  	s0 =	sor.u32 s25, s0;
	v20 =	vmax.f32 v20, $0.0e+00;
	[tilespmem:s30+$0x12100] =	vst v19;
	v19 =	vld [tilespmem:s30+$0x8380];
	v22 =	vmul.f32 v22, v13  }
0x126: {  	s31 =	sor.u32 $0x380, s0;
	[tilespmem:s30+$0x12080] =	vst v20;
	v20 =	vld [tilespmem:s30+$0xE200];
	v26 =	vmul.f32 v26, v15  }
0x127: {  	v28 =	vmul.f32 v28, v14;
	v27 =	vld [tilespmem:s31+$0x8080];
	v24 =	vmul.f32 v24, v11;
	v22 =	vadd.f32 v22, v29  }
0x128: {  	v23 =	vmul.f32 v23, v17;
	v26 =	vadd.f32 v26, v30  }
0x129: {  	v21 =	vadd.f32 v24, v21;
	v24 =	vmul.f32 v25, v12;
	v22 =	vadd.f32 v28, v22  }
0x12a: {  	v19 =	vmul.f32 v19, v9;
	v23 =	vadd.f32 v23, v26  }
0x12b: {  	v21 =	vadd.f32 v24, v21  }
0x12c: {  	v19 =	vadd.f32 v19, v20;
	v20 =	vmul.f32 v27, v10  }
0x12d: {  	v21 =	vmax.f32 v21, $0.0e+00  }
.Ltmp1:
0x12e: {  	v19 =	vadd.f32 v20, v19;
	[tilespmem:s30+$0x12280] =	vst v21;
	v20 =	vmax.f32 v23, $0.0e+00;
	(pc) =	sbr.rel @p0 .LBB2_4-.Ltmp1, $4  }
0x12f: {  	v21 =	vmax.f32 v22, $0.0e+00;
	[tilespmem:s30+$0x12380] =	vst v20  }
0x130: {  	v19 =	vmax.f32 v19, $0.0e+00;
	[tilespmem:s30+$0x12300] =	vst v21;
	v20 =	vld [tilespmem:s30+$0xA380]  }
0x131: {  	[tilespmem:s30+$0x12200] =	vst v19;
	v19 =	vld [tilespmem:s30+$0xA400]  }
0x132: {  	v21 =	vld [tilespmem:s31+$0xE080]  }
0x133: {  	_ =	sdelay $0x1  }
0x134: {  	v3 =	vmul.f32 v20, v16;
	_ =	sdelay $0x1  }
0x135: {  	v4 =	vmul.f32 v19, v18;
	v3 =	vadd.f32 v3, v21;
	_ =	sdelay $0x1  }
0x136: {  	v3 =	vadd.f32 v4, v3;
	_ =	sdelay $0x1  }
0x137: {  	v3 =	vmax.f32 v3, $0.0e+00  }
0x138: {  	s25 =	simm.s32 $0x0;
	s0 =	rddreg [dreg:$0xa];
	[tilespmem:s31+$0x12080] =	vst v3  }
0x139: {  	[hbm4b:s0+s25] =	stream.linear.scatter [tilespmem:s20], [sflag:$0x3], $0x2000, $0x38;
	[tilespmem:$0x14080] =	vst v63  }
0x13a: {  	v3 =	vld [tilespmem:$0x30];
	_ =	sdelay $0x4  }
0x13b: {  	v4 =	vshll.u32 v3, $0x3  }
0x13c: {  	v3 =	vand.u32 $0x7, v3;
	v4 =	vand.u32 $0xFFFFFFC0, v4  }
0x13d: {  	v3 =	vor.u32 v3, v4  }
0x13e: {  	v4 =	vperm.xlane v3, v0;
	_ =	sdelay $0x1  }
0x13f: {  	v4 =	vadd.s32 v1, v4;
	_ =	sdelay $0x4  }
0x140: {  	[tilespmem:s8], [sflag:$0x1] =	stream.indirect_vreg.gather [hbm4b:s3+s25], $0x80, v4, vm0, $0xb8;
	[tilespmem:$0x14080] =	vst v63  }
0x141: {  	v3 =	vperm.xlane v3, v2  }
0x142: {  	[tilespmem:s9], [sflag:$0x1] =	stream.indirect_vreg.gather [hbm4b:s6+s25], $0x80, v4, vm0, $0xb8;
	[tilespmem:$0x14080] =	vst v63  }
0x143: {  	v3 =	vadd.s32 v1, v3  }
0x144: {  	[tilespmem:s10], [sflag:$0x1] =	stream.indirect_vreg.gather [hbm4b:s23+s25], $0x80, v4, vm0, $0xb8;
	[tilespmem:$0x14080] =	vst v63  }
0x145: {  	_ = 	snop  }
0x146: {  	[tilespmem:s11], [sflag:$0x1] =	stream.indirect_vreg.gather [hbm4b:s24+s25], $0x80, v4, vm0, $0xb8;
	[tilespmem:$0x14080] =	vst v63  }
0x147: {  	_ = 	snop  }
0x148: {  	[tilespmem:s12], [sflag:$0x1] =	stream.indirect_vreg.gather [hbm4b:s3+s25], $0x80, v3, vm0, $0xb8;
	[tilespmem:$0x14080] =	vst v63  }
0x149: {  	_ = 	snop  }
0x14a: {  	[tilespmem:s13], [sflag:$0x1] =	stream.indirect_vreg.gather [hbm4b:s6+s25], $0x80, v3, vm0, $0xb8;
	[tilespmem:$0x14080] =	vst v63  }
0x14b: {  	_ = 	snop  }
0x14c: {  	[tilespmem:s14], [sflag:$0x1] =	stream.indirect_vreg.gather [hbm4b:s23+s25], $0x80, v3, vm0, $0xb8;
	[tilespmem:$0x14080] =	vst v63  }
0x14d: {  	_ = 	snop  }
0x14e: {  	[tilespmem:s15], [sflag:$0x1] =	stream.indirect_vreg.gather [hbm4b:s24+s25], $0x80, v3, vm0, $0xb8;
	[tilespmem:$0x14080] =	vst v63  }
0x14f: {  	s1 =	rddreg [dreg:$0xb]  }
0x150: {  	[tilespmem:s16], [sflag:$0x2] =	stream.linear.gather [hbm4b:s1+s25], $0x2000, $0x38;
	[tilespmem:$0x14080] =	vst v63  }
0x151: {  	_ =	swait.ge [sflag:s17], $0x4000  }
0x152: {  	[sflag:s17] =	ssyncset.done $0x0  }
0x153: {  	[sflag:s17] =	ssyncadd.s32 $0xFFFFC000  }
0x154: {  	_ =	swait.ge [sflag:s18], $0x2000  }
0x155: {  	[sflag:s18] =	ssyncset.done $0x0  }
0x156: {  	[sflag:s18] =	ssyncadd.s32 $0xFFFFE000  }
0x157: {  	_ =	swait.ge [sflag:s21], $0x2000  }
0x158: {  	[sflag:s21] =	ssyncset.done $0x0  }
0x159: {  	[sflag:s21] =	ssyncadd.s32 $0xFFFFE000  }
0x15a: {  	v3 =	vld [tilespmem:$0x1080]  }
0x15b: {  	v4 =	vld [tilespmem:$0x1100]  }
0x15c: {  	v5 =	vld [tilespmem:$0x1180]  }
0x15d: {  	v6 =	vld [tilespmem:$0x1200]  }
0x15e: {  	v7 =	vld [tilespmem:$0x1280]  }
0x15f: {  	v8 =	vld [tilespmem:$0x1300]  }
0x160: {  	v9 =	vld [tilespmem:$0x1380]  }
0x161: {  	v10 =	vld [tilespmem:$0x1400]  }
0x162: {  	v11 =	vld [tilespmem:$0x1480]  }
0x163: {  	v12 =	vld [tilespmem:$0x1500]  }
0x164: {  	v13 =	vld [tilespmem:$0x1580]  }
0x165: {  	v14 =	vld [tilespmem:$0x1600]  }
0x166: {  	v15 =	vld [tilespmem:$0x1680]  }
0x167: {  	v17 =	vld [tilespmem:$0x1700]  }
0x168: {  	s30 =	sand.u32 $0x70, s25;
	s1 =	sand.u32 $0x1C00, s25;
	v16 =	vld [tilespmem:$0x1780]  }
0x169: {  	s0 =	sor.u32 s30, s1;
	v18 =	vld [tilespmem:$0x1800]  }
0x16a: {  	v19 =	vld [tilespmem:s0+$0x4200]  }
0x16b: {  	v20 =	vld [tilespmem:s0+$0x4100]  }
0x16c: {  	v21 =	vld [tilespmem:s0+$0xC180]  }
0x16d: {  	v22 =	vld [tilespmem:s0+$0x4300]  }
0x16e: {  	v23 =	vld [tilespmem:s0+$0x4280]  }
0x16f: {  	v24 =	vld [tilespmem:s0+$0x4180]  }
0x170: {  	v25 =	vld [tilespmem:s0+$0x4080]  }
0x171: {  	v26 =	vld [tilespmem:s0+$0xC080]  }
0x172: {  	v27 =	vld [tilespmem:s0+$0xC100]  }
0x173: {  	v28 =	vld [tilespmem:s0+$0x6200]  }
0x174: {  	v29 =	vld [tilespmem:s0+$0xC300];
	v23 =	vmul.f32 v23, v7  }
0x175: {  	v30 =	vld [tilespmem:s0+$0x6300];
	v24 =	vmul.f32 v24, v5  }
0x176: {  	v57 =	vld [tilespmem:s0+$0xC380];
	v22 =	vmul.f32 v22, v8;
	v21 =	vadd.f32 v23, v21;
	v23 =	vmul.f32 v25, v3  }
0x177: {  	v58 =	vld [tilespmem:s0+$0x6180];
	v19 =	vmul.f32 v19, v6;
	v24 =	vadd.f32 v24, v27  }
0x178: {  	v59 =	vld [tilespmem:s0+$0x6080];
	v20 =	vmul.f32 v20, v4;
	v21 =	vadd.f32 v22, v21;
	v22 =	vadd.f32 v23, v26  }
0x179: {  	v23 =	vld [tilespmem:s0+$0x6280];
	v19 =	vadd.f32 v19, v24  }
0x17a: {  	v21 =	vmax.f32 v21, $0.0e+00;
	v20 =	vadd.f32 v20, v22;
	v22 =	vld [tilespmem:s0+$0x6100]  }
0x17b: {  	v19 =	vmax.f32 v19, $0.0e+00;
	[tilespmem:s0+$0x10180] =	vst v21;
	v21 =	vld [tilespmem:s0+$0xC280]  }
0x17c: {  	s30 =	sor.u32 s25, s25;
	[tilespmem:s0+$0x10100] =	vst v19;
	v19 =	vld [tilespmem:s0+$0x4380];
	v20 =	vmax.f32 v20, $0.0e+00  }
0x17d: {  	s31 =	sor.u32 $0x380, s30;
	[tilespmem:s0+$0x10080] =	vst v20;
	v20 =	vld [tilespmem:s0+$0xC200]  }
0x17e: {  	v24 =	vmul.f32 v59, v11;
	v60 =	vld [tilespmem:s31+$0x4080]  }
0x17f: {  	v23 =	vmul.f32 v23, v15  }
0x180: {  	v27 =	vmul.f32 v58, v13;
	v22 =	vmul.f32 v22, v12;
	v21 =	vadd.f32 v24, v21  }
0x181: {  	v61 =	vmul.f32 v30, v17;
	v23 =	vadd.f32 v23, v57;
	v19 =	vmul.f32 v19, v9  }
0x182: {  	v63 =	vmul.f32 v28, v14;
	v62 =	vadd.f32 v27, v29;
	v21 =	vadd.f32 v22, v21  }
0x183: {  	v22 =	vadd.f32 v61, v23;
	v19 =	vadd.f32 v19, v20;
	v20 =	vmul.f32 v60, v10  }
0x184: {  	v23 =	vadd.f32 v63, v62;
	v21 =	vmax.f32 v21, $0.0e+00  }
0x185: {  	v19 =	vadd.f32 v20, v19;
	[tilespmem:s0+$0x10280] =	vst v21;
	v20 =	vmax.f32 v22, $0.0e+00  }
0x186: {  	v21 =	vmax.f32 v23, $0.0e+00;
	[tilespmem:s0+$0x10380] =	vst v20  }
0x187: {  	[tilespmem:s0+$0x10300] =	vst v21;
	v20 =	vld [tilespmem:s0+$0x6380];
	v19 =	vmax.f32 v19, $0.0e+00  }
0x188: {  	[tilespmem:s0+$0x10200] =	vst v19;
	v19 =	vld [tilespmem:s0+$0x6400]  }
0x189: {  	s29 =	simm.s32 $0x10;
	v21 =	vld [tilespmem:s31+$0xC080]  }
.LBB2_6:
0x18a: {  	p0 =	sne.s32 s29, $0x3F0  }
0x18b: {  	s25 =	sadd.s32 $0x80, s25;
	s0 =	smov.u32 s29;
	s29 =	sadd.s32 $0x10, s29  }
0x18c: {  	v20 =	vmul.f32 v20, v16;
	_ =	sdelay $0x1  }
0x18d: {  	v19 =	vmul.f32 v19, v18;
	v20 =	vadd.f32 v20, v21;
	_ =	sdelay $0x1  }
0x18e: {  	v19 =	vadd.f32 v19, v20  }
0x18f: {  	s1 =	sand.u32 $0x70, s0;
	s30 =	sand.u32 $0x1C00, s25  }
0x190: {  	s30 =	sor.u32 s1, s30;
	v19 =	vmax.f32 v19, $0.0e+00  }
0x191: {  	[tilespmem:s31+$0x10080] =	vst v19  }
0x192: {  	v19 =	vld [tilespmem:s30+$0x4200]  }
0x193: {  	v20 =	vld [tilespmem:s30+$0x4100]  }
0x194: {  	v21 =	vld [tilespmem:s30+$0xC180]  }
0x195: {  	v22 =	vld [tilespmem:s30+$0x4300]  }
0x196: {  	v23 =	vld [tilespmem:s30+$0x4280]  }
0x197: {  	v24 =	vld [tilespmem:s30+$0x4180]  }
0x198: {  	v25 =	vld [tilespmem:s30+$0x4080]  }
0x199: {  	v26 =	vld [tilespmem:s30+$0xC080]  }
0x19a: {  	v27 =	vld [tilespmem:s30+$0xC100];
	v22 =	vmul.f32 v22, v8  }
0x19b: {  	v23 =	vmul.f32 v23, v7;
	v28 =	vld [tilespmem:s30+$0x6200]  }
0x19c: {  	v20 =	vmul.f32 v20, v4;
	v29 =	vld [tilespmem:s30+$0xC300]  }
0x19d: {  	v19 =	vmul.f32 v19, v6;
	v24 =	vmul.f32 v24, v5;
	v21 =	vadd.f32 v23, v21;
	v23 =	vld [tilespmem:s30+$0x6300]  }
0x19e: {  	v25 =	vmul.f32 v25, v3;
	v30 =	vld [tilespmem:s30+$0xC380]  }
0x19f: {  	v24 =	vadd.f32 v24, v27;
	v21 =	vadd.f32 v22, v21;
	v22 =	vld [tilespmem:s30+$0x6180]  }
0x1a0: {  	v25 =	vadd.f32 v25, v26;
	v26 =	vld [tilespmem:s30+$0x6280]  }
0x1a1: {  	v19 =	vadd.f32 v19, v24;
	v21 =	vmax.f32 v21, $0.0e+00;
	v24 =	vld [tilespmem:s30+$0x6080]  }
0x1a2: {  	v20 =	vadd.f32 v20, v25;
	v25 =	vld [tilespmem:s30+$0x6100]  }
0x1a3: {  	v19 =	vmax.f32 v19, $0.0e+00;
	[tilespmem:s30+$0x10180] =	vst v21;
	v21 =	vld [tilespmem:s30+$0xC280]  }
0x1a4: {  	s0 =	sor.u32 s25, s0;
	v20 =	vmax.f32 v20, $0.0e+00;
	[tilespmem:s30+$0x10100] =	vst v19;
	v19 =	vld [tilespmem:s30+$0x4380];
	v22 =	vmul.f32 v22, v13  }
0x1a5: {  	s31 =	sor.u32 $0x380, s0;
	[tilespmem:s30+$0x10080] =	vst v20;
	v20 =	vld [tilespmem:s30+$0xC200];
	v26 =	vmul.f32 v26, v15  }
0x1a6: {  	v28 =	vmul.f32 v28, v14;
	v27 =	vld [tilespmem:s31+$0x4080];
	v24 =	vmul.f32 v24, v11;
	v22 =	vadd.f32 v22, v29  }
0x1a7: {  	v23 =	vmul.f32 v23, v17;
	v26 =	vadd.f32 v26, v30  }
0x1a8: {  	v21 =	vadd.f32 v24, v21;
	v24 =	vmul.f32 v25, v12;
	v22 =	vadd.f32 v28, v22  }
0x1a9: {  	v19 =	vmul.f32 v19, v9;
	v23 =	vadd.f32 v23, v26  }
0x1aa: {  	v21 =	vadd.f32 v24, v21  }
0x1ab: {  	v19 =	vadd.f32 v19, v20;
	v20 =	vmul.f32 v27, v10  }
0x1ac: {  	v21 =	vmax.f32 v21, $0.0e+00  }
.Ltmp2:
0x1ad: {  	v19 =	vadd.f32 v20, v19;
	[tilespmem:s30+$0x10280] =	vst v21;
	v20 =	vmax.f32 v23, $0.0e+00;
	(pc) =	sbr.rel @p0 .LBB2_6-.Ltmp2, $4  }
0x1ae: {  	v21 =	vmax.f32 v22, $0.0e+00;
	[tilespmem:s30+$0x10380] =	vst v20  }
0x1af: {  	v19 =	vmax.f32 v19, $0.0e+00;
	[tilespmem:s30+$0x10300] =	vst v21;
	v20 =	vld [tilespmem:s30+$0x6380]  }
0x1b0: {  	[tilespmem:s30+$0x10200] =	vst v19;
	v19 =	vld [tilespmem:s30+$0x6400]  }
0x1b1: {  	v21 =	vld [tilespmem:s31+$0xC080]  }
0x1b2: {  	_ =	sdelay $0x1  }
0x1b3: {  	v3 =	vmul.f32 v20, v16;
	_ =	sdelay $0x1  }
0x1b4: {  	v4 =	vmul.f32 v19, v18;
	v3 =	vadd.f32 v3, v21;
	_ =	sdelay $0x1  }
0x1b5: {  	v3 =	vadd.f32 v4, v3;
	_ =	sdelay $0x1  }
0x1b6: {  	v3 =	vmax.f32 v3, $0.0e+00  }
0x1b7: {  	s25 =	simm.s32 $0x0;
	s0 =	rddreg [dreg:$0xc];
	[tilespmem:s31+$0x10080] =	vst v3  }
0x1b8: {  	[hbm4b:s0+s25] =	stream.linear.scatter [tilespmem:s19], [sflag:$0x3], $0x2000, $0x38;
	[tilespmem:$0x14080] =	vst v63  }
0x1b9: {  	v3 =	vld [tilespmem:$0x40];
	_ =	sdelay $0x4  }
0x1ba: {  	v4 =	vshll.u32 v3, $0x3  }
0x1bb: {  	v3 =	vand.u32 $0x7, v3;
	v4 =	vand.u32 $0xFFFFFFC0, v4  }
0x1bc: {  	v3 =	vor.u32 v3, v4  }
0x1bd: {  	v4 =	vperm.xlane v3, v0;
	_ =	sdelay $0x1  }
0x1be: {  	v4 =	vadd.s32 v1, v4;
	_ =	sdelay $0x3  }
0x1bf: {  	s30 =	simm.s32 $0x4080  }
0x1c0: {  	[tilespmem:s30], [sflag:$0x1] =	stream.indirect_vreg.gather [hbm4b:s3+s25], $0x80, v4, vm0, $0xb8;
	[tilespmem:$0x14080] =	vst v63  }
0x1c1: {  	s1 =	simm.s32 $0x4880;
	v3 =	vperm.xlane v3, v2  }
0x1c2: {  	[tilespmem:s1], [sflag:$0x1] =	stream.indirect_vreg.gather [hbm4b:s6+s25], $0x80, v4, vm0, $0xb8;
	[tilespmem:$0x14080] =	vst v63  }
0x1c3: {  	v3 =	vadd.s32 v1, v3;
	s30 =	simm.s32 $0x5080  }
0x1c4: {  	[tilespmem:s30], [sflag:$0x1] =	stream.indirect_vreg.gather [hbm4b:s23+s25], $0x80, v4, vm0, $0xb8;
	[tilespmem:$0x14080] =	vst v63  }
0x1c5: {  	s1 =	simm.s32 $0x5880  }
0x1c6: {  	[tilespmem:s1], [sflag:$0x1] =	stream.indirect_vreg.gather [hbm4b:s24+s25], $0x80, v4, vm0, $0xb8;
	[tilespmem:$0x14080] =	vst v63  }
0x1c7: {  	s30 =	simm.s32 $0x6080  }
0x1c8: {  	[tilespmem:s30], [sflag:$0x1] =	stream.indirect_vreg.gather [hbm4b:s3+s25], $0x80, v3, vm0, $0xb8;
	[tilespmem:$0x14080] =	vst v63  }
0x1c9: {  	_ = 	snop  }
0x1ca: {  	[tilespmem:s28], [sflag:$0x1] =	stream.indirect_vreg.gather [hbm4b:s6+s25], $0x80, v3, vm0, $0xb8;
	[tilespmem:$0x14080] =	vst v63  }
0x1cb: {  	_ = 	snop  }
0x1cc: {  	[tilespmem:s4], [sflag:$0x1] =	stream.indirect_vreg.gather [hbm4b:s23+s25], $0x80, v3, vm0, $0xb8;
	[tilespmem:$0x14080] =	vst v63  }
0x1cd: {  	_ = 	snop  }
0x1ce: {  	[tilespmem:s5], [sflag:$0x1] =	stream.indirect_vreg.gather [hbm4b:s24+s25], $0x80, v3, vm0, $0xb8;
	[tilespmem:$0x14080] =	vst v63  }
0x1cf: {  	s1 =	rddreg [dreg:$0xd]  }
0x1d0: {  	[tilespmem:s7], [sflag:$0x2] =	stream.linear.gather [hbm4b:s1+s25], $0x2000, $0x38;
	[tilespmem:$0x14080] =	vst v63  }
0x1d1: {  	_ =	swait.ge [sflag:s17], $0x4000  }
0x1d2: {  	[sflag:s17] =	ssyncset.done $0x0  }
0x1d3: {  	[sflag:s17] =	ssyncadd.s32 $0xFFFFC000  }
0x1d4: {  	_ =	swait.ge [sflag:s18], $0x2000  }
0x1d5: {  	[sflag:s18] =	ssyncset.done $0x0  }
0x1d6: {  	[sflag:s18] =	ssyncadd.s32 $0xFFFFE000  }
0x1d7: {  	_ =	swait.ge [sflag:s21], $0x2000  }
0x1d8: {  	[sflag:s21] =	ssyncset.done $0x0  }
0x1d9: {  	[sflag:s21] =	ssyncadd.s32 $0xFFFFE000  }
0x1da: {  	v3 =	vld [tilespmem:$0x1880]  }
0x1db: {  	v4 =	vld [tilespmem:$0x1900]  }
0x1dc: {  	v5 =	vld [tilespmem:$0x1980]  }
0x1dd: {  	v6 =	vld [tilespmem:$0x1A00]  }
0x1de: {  	v7 =	vld [tilespmem:$0x1A80]  }
0x1df: {  	v8 =	vld [tilespmem:$0x1B00]  }
0x1e0: {  	v9 =	vld [tilespmem:$0x1B80]  }
0x1e1: {  	v10 =	vld [tilespmem:$0x1C00]  }
0x1e2: {  	v11 =	vld [tilespmem:$0x1C80]  }
0x1e3: {  	v12 =	vld [tilespmem:$0x1D00]  }
0x1e4: {  	v13 =	vld [tilespmem:$0x1D80]  }
0x1e5: {  	v14 =	vld [tilespmem:$0x1E00]  }
0x1e6: {  	v15 =	vld [tilespmem:$0x1E80]  }
0x1e7: {  	v17 =	vld [tilespmem:$0x1F00]  }
0x1e8: {  	s30 =	sand.u32 $0x70, s25;
	s1 =	sand.u32 $0x1C00, s25;
	v16 =	vld [tilespmem:$0x1F80]  }
0x1e9: {  	s0 =	sor.u32 s30, s1;
	v18 =	vld [tilespmem:$0x2000]  }
0x1ea: {  	v19 =	vld [tilespmem:s0+$0x8200]  }
0x1eb: {  	v20 =	vld [tilespmem:s0+$0x8100]  }
0x1ec: {  	v21 =	vld [tilespmem:s0+$0xE180]  }
0x1ed: {  	v22 =	vld [tilespmem:s0+$0x8300]  }
0x1ee: {  	v23 =	vld [tilespmem:s0+$0x8280]  }
0x1ef: {  	v24 =	vld [tilespmem:s0+$0x8180]  }
0x1f0: {  	v25 =	vld [tilespmem:s0+$0x8080]  }
0x1f1: {  	v26 =	vld [tilespmem:s0+$0xE080]  }
0x1f2: {  	v27 =	vld [tilespmem:s0+$0xE100]  }
0x1f3: {  	v28 =	vld [tilespmem:s0+$0xA200]  }
0x1f4: {  	v29 =	vld [tilespmem:s0+$0xE300];
	v23 =	vmul.f32 v23, v7  }
0x1f5: {  	v30 =	vld [tilespmem:s0+$0xA300];
	v24 =	vmul.f32 v24, v5  }
0x1f6: {  	v57 =	vld [tilespmem:s0+$0xE380];
	v22 =	vmul.f32 v22, v8;
	v21 =	vadd.f32 v23, v21;
	v23 =	vmul.f32 v25, v3  }
0x1f7: {  	v58 =	vld [tilespmem:s0+$0xA180];
	v19 =	vmul.f32 v19, v6;
	v24 =	vadd.f32 v24, v27  }
0x1f8: {  	v59 =	vld [tilespmem:s0+$0xA080];
	v20 =	vmul.f32 v20, v4;
	v21 =	vadd.f32 v22, v21;
	v22 =	vadd.f32 v23, v26  }
0x1f9: {  	v23 =	vld [tilespmem:s0+$0xA280];
	v19 =	vadd.f32 v19, v24  }
0x1fa: {  	v21 =	vmax.f32 v21, $0.0e+00;
	v20 =	vadd.f32 v20, v22;
	v22 =	vld [tilespmem:s0+$0xA100]  }
0x1fb: {  	v19 =	vmax.f32 v19, $0.0e+00;
	[tilespmem:s0+$0x12180] =	vst v21;
	v21 =	vld [tilespmem:s0+$0xE280]  }
0x1fc: {  	s30 =	sor.u32 s25, s25;
	[tilespmem:s0+$0x12100] =	vst v19;
	v19 =	vld [tilespmem:s0+$0x8380];
	v20 =	vmax.f32 v20, $0.0e+00  }
0x1fd: {  	s31 =	sor.u32 $0x380, s30;
	[tilespmem:s0+$0x12080] =	vst v20;
	v20 =	vld [tilespmem:s0+$0xE200]  }
0x1fe: {  	v24 =	vmul.f32 v59, v11;
	v60 =	vld [tilespmem:s31+$0x8080]  }
0x1ff: {  	v23 =	vmul.f32 v23, v15  }
0x200: {  	v27 =	vmul.f32 v58, v13;
	v22 =	vmul.f32 v22, v12;
	v21 =	vadd.f32 v24, v21  }
0x201: {  	v61 =	vmul.f32 v30, v17;
	v23 =	vadd.f32 v23, v57;
	v19 =	vmul.f32 v19, v9  }
0x202: {  	v63 =	vmul.f32 v28, v14;
	v62 =	vadd.f32 v27, v29;
	v21 =	vadd.f32 v22, v21  }
0x203: {  	v22 =	vadd.f32 v61, v23;
	v19 =	vadd.f32 v19, v20;
	v20 =	vmul.f32 v60, v10  }
0x204: {  	v23 =	vadd.f32 v63, v62;
	v21 =	vmax.f32 v21, $0.0e+00  }
0x205: {  	v19 =	vadd.f32 v20, v19;
	[tilespmem:s0+$0x12280] =	vst v21;
	v20 =	vmax.f32 v22, $0.0e+00  }
0x206: {  	v21 =	vmax.f32 v23, $0.0e+00;
	[tilespmem:s0+$0x12380] =	vst v20  }
0x207: {  	[tilespmem:s0+$0x12300] =	vst v21;
	v20 =	vld [tilespmem:s0+$0xA380];
	v19 =	vmax.f32 v19, $0.0e+00  }
0x208: {  	[tilespmem:s0+$0x12200] =	vst v19;
	v19 =	vld [tilespmem:s0+$0xA400]  }
0x209: {  	s29 =	simm.s32 $0x10;
	v21 =	vld [tilespmem:s31+$0xE080]  }
.LBB2_8:
0x20a: {  	p0 =	sne.s32 s29, $0x3F0  }
0x20b: {  	s25 =	sadd.s32 $0x80, s25;
	s0 =	smov.u32 s29;
	s29 =	sadd.s32 $0x10, s29  }
0x20c: {  	v20 =	vmul.f32 v20, v16;
	_ =	sdelay $0x1  }
0x20d: {  	v19 =	vmul.f32 v19, v18;
	v20 =	vadd.f32 v20, v21;
	_ =	sdelay $0x1  }
0x20e: {  	v19 =	vadd.f32 v19, v20  }
0x20f: {  	s1 =	sand.u32 $0x70, s0;
	s30 =	sand.u32 $0x1C00, s25  }
0x210: {  	s30 =	sor.u32 s1, s30;
	v19 =	vmax.f32 v19, $0.0e+00  }
0x211: {  	[tilespmem:s31+$0x12080] =	vst v19  }
0x212: {  	v19 =	vld [tilespmem:s30+$0x8200]  }
0x213: {  	v20 =	vld [tilespmem:s30+$0x8100]  }
0x214: {  	v21 =	vld [tilespmem:s30+$0xE180]  }
0x215: {  	v22 =	vld [tilespmem:s30+$0x8300]  }
0x216: {  	v23 =	vld [tilespmem:s30+$0x8280]  }
0x217: {  	v24 =	vld [tilespmem:s30+$0x8180]  }
0x218: {  	v25 =	vld [tilespmem:s30+$0x8080]  }
0x219: {  	v26 =	vld [tilespmem:s30+$0xE080]  }
0x21a: {  	v27 =	vld [tilespmem:s30+$0xE100];
	v22 =	vmul.f32 v22, v8  }
0x21b: {  	v23 =	vmul.f32 v23, v7;
	v28 =	vld [tilespmem:s30+$0xA200]  }
0x21c: {  	v20 =	vmul.f32 v20, v4;
	v29 =	vld [tilespmem:s30+$0xE300]  }
0x21d: {  	v19 =	vmul.f32 v19, v6;
	v24 =	vmul.f32 v24, v5;
	v21 =	vadd.f32 v23, v21;
	v23 =	vld [tilespmem:s30+$0xA300]  }
0x21e: {  	v25 =	vmul.f32 v25, v3;
	v30 =	vld [tilespmem:s30+$0xE380]  }
0x21f: {  	v24 =	vadd.f32 v24, v27;
	v21 =	vadd.f32 v22, v21;
	v22 =	vld [tilespmem:s30+$0xA180]  }
0x220: {  	v25 =	vadd.f32 v25, v26;
	v26 =	vld [tilespmem:s30+$0xA280]  }
0x221: {  	v19 =	vadd.f32 v19, v24;
	v21 =	vmax.f32 v21, $0.0e+00;
	v24 =	vld [tilespmem:s30+$0xA080]  }
0x222: {  	v20 =	vadd.f32 v20, v25;
	v25 =	vld [tilespmem:s30+$0xA100]  }
0x223: {  	v19 =	vmax.f32 v19, $0.0e+00;
	[tilespmem:s30+$0x12180] =	vst v21;
	v21 =	vld [tilespmem:s30+$0xE280]  }
0x224: {  	s0 =	sor.u32 s25, s0;
	v20 =	vmax.f32 v20, $0.0e+00;
	[tilespmem:s30+$0x12100] =	vst v19;
	v19 =	vld [tilespmem:s30+$0x8380];
	v22 =	vmul.f32 v22, v13  }
0x225: {  	s31 =	sor.u32 $0x380, s0;
	[tilespmem:s30+$0x12080] =	vst v20;
	v20 =	vld [tilespmem:s30+$0xE200];
	v26 =	vmul.f32 v26, v15  }
0x226: {  	v28 =	vmul.f32 v28, v14;
	v27 =	vld [tilespmem:s31+$0x8080];
	v24 =	vmul.f32 v24, v11;
	v22 =	vadd.f32 v22, v29  }
0x227: {  	v23 =	vmul.f32 v23, v17;
	v26 =	vadd.f32 v26, v30  }
0x228: {  	v21 =	vadd.f32 v24, v21;
	v24 =	vmul.f32 v25, v12;
	v22 =	vadd.f32 v28, v22  }
0x229: {  	v19 =	vmul.f32 v19, v9;
	v23 =	vadd.f32 v23, v26  }
0x22a: {  	v21 =	vadd.f32 v24, v21  }
0x22b: {  	v19 =	vadd.f32 v19, v20;
	v20 =	vmul.f32 v27, v10  }
0x22c: {  	v21 =	vmax.f32 v21, $0.0e+00  }
.Ltmp3:
0x22d: {  	v19 =	vadd.f32 v20, v19;
	[tilespmem:s30+$0x12280] =	vst v21;
	v20 =	vmax.f32 v23, $0.0e+00;
	(pc) =	sbr.rel @p0 .LBB2_8-.Ltmp3, $4  }
0x22e: {  	v21 =	vmax.f32 v22, $0.0e+00;
	[tilespmem:s30+$0x12380] =	vst v20  }
0x22f: {  	v19 =	vmax.f32 v19, $0.0e+00;
	[tilespmem:s30+$0x12300] =	vst v21;
	v20 =	vld [tilespmem:s30+$0xA380]  }
0x230: {  	[tilespmem:s30+$0x12200] =	vst v19;
	v19 =	vld [tilespmem:s30+$0xA400]  }
0x231: {  	v21 =	vld [tilespmem:s31+$0xE080]  }
0x232: {  	_ =	sdelay $0x1  }
0x233: {  	v3 =	vmul.f32 v20, v16;
	_ =	sdelay $0x1  }
0x234: {  	v4 =	vmul.f32 v19, v18;
	v3 =	vadd.f32 v3, v21;
	_ =	sdelay $0x1  }
0x235: {  	v3 =	vadd.f32 v4, v3;
	_ =	sdelay $0x1  }
0x236: {  	v3 =	vmax.f32 v3, $0.0e+00  }
0x237: {  	s25 =	simm.s32 $0x0;
	s0 =	rddreg [dreg:$0xe];
	[tilespmem:s31+$0x12080] =	vst v3  }
0x238: {  	[hbm4b:s0+s25] =	stream.linear.scatter [tilespmem:s20], [sflag:$0x3], $0x2000, $0x38;
	[tilespmem:$0x14080] =	vst v63  }
0x239: {  	v3 =	vld [tilespmem:$0x50];
	_ =	sdelay $0x4  }
0x23a: {  	v4 =	vshll.u32 v3, $0x3  }
0x23b: {  	v3 =	vand.u32 $0x7, v3;
	v4 =	vand.u32 $0xFFFFFFC0, v4  }
0x23c: {  	v3 =	vor.u32 v3, v4  }
0x23d: {  	v4 =	vperm.xlane v3, v0;
	_ =	sdelay $0x1  }
0x23e: {  	v4 =	vadd.s32 v1, v4;
	_ =	sdelay $0x4  }
0x23f: {  	[tilespmem:s8], [sflag:$0x1] =	stream.indirect_vreg.gather [hbm4b:s3+s25], $0x80, v4, vm0, $0xb8;
	[tilespmem:$0x14080] =	vst v63  }
0x240: {  	v3 =	vperm.xlane v3, v2  }
0x241: {  	[tilespmem:s9], [sflag:$0x1] =	stream.indirect_vreg.gather [hbm4b:s6+s25], $0x80, v4, vm0, $0xb8;
	[tilespmem:$0x14080] =	vst v63  }
0x242: {  	v3 =	vadd.s32 v1, v3  }
0x243: {  	[tilespmem:s10], [sflag:$0x1] =	stream.indirect_vreg.gather [hbm4b:s23+s25], $0x80, v4, vm0, $0xb8;
	[tilespmem:$0x14080] =	vst v63  }
0x244: {  	_ = 	snop  }
0x245: {  	[tilespmem:s11], [sflag:$0x1] =	stream.indirect_vreg.gather [hbm4b:s24+s25], $0x80, v4, vm0, $0xb8;
	[tilespmem:$0x14080] =	vst v63  }
0x246: {  	_ = 	snop  }
0x247: {  	[tilespmem:s12], [sflag:$0x1] =	stream.indirect_vreg.gather [hbm4b:s3+s25], $0x80, v3, vm0, $0xb8;
	[tilespmem:$0x14080] =	vst v63  }
0x248: {  	_ = 	snop  }
0x249: {  	[tilespmem:s13], [sflag:$0x1] =	stream.indirect_vreg.gather [hbm4b:s6+s25], $0x80, v3, vm0, $0xb8;
	[tilespmem:$0x14080] =	vst v63  }
0x24a: {  	_ = 	snop  }
0x24b: {  	[tilespmem:s14], [sflag:$0x1] =	stream.indirect_vreg.gather [hbm4b:s23+s25], $0x80, v3, vm0, $0xb8;
	[tilespmem:$0x14080] =	vst v63  }
0x24c: {  	_ = 	snop  }
0x24d: {  	[tilespmem:s15], [sflag:$0x1] =	stream.indirect_vreg.gather [hbm4b:s24+s25], $0x80, v3, vm0, $0xb8;
	[tilespmem:$0x14080] =	vst v63  }
0x24e: {  	s1 =	rddreg [dreg:$0xf]  }
0x24f: {  	[tilespmem:s16], [sflag:$0x2] =	stream.linear.gather [hbm4b:s1+s25], $0x2000, $0x38;
	[tilespmem:$0x14080] =	vst v63  }
0x250: {  	_ =	swait.ge [sflag:s17], $0x4000  }
0x251: {  	[sflag:s17] =	ssyncset.done $0x0  }
0x252: {  	[sflag:s17] =	ssyncadd.s32 $0xFFFFC000  }
0x253: {  	_ =	swait.ge [sflag:s18], $0x2000  }
0x254: {  	[sflag:s18] =	ssyncset.done $0x0  }
0x255: {  	[sflag:s18] =	ssyncadd.s32 $0xFFFFE000  }
0x256: {  	_ =	swait.ge [sflag:s21], $0x2000  }
0x257: {  	[sflag:s21] =	ssyncset.done $0x0  }
0x258: {  	[sflag:s21] =	ssyncadd.s32 $0xFFFFE000  }
0x259: {  	v3 =	vld [tilespmem:$0x2080]  }
0x25a: {  	v4 =	vld [tilespmem:$0x2100]  }
0x25b: {  	v5 =	vld [tilespmem:$0x2180]  }
0x25c: {  	v6 =	vld [tilespmem:$0x2200]  }
0x25d: {  	v7 =	vld [tilespmem:$0x2280]  }
0x25e: {  	v8 =	vld [tilespmem:$0x2300]  }
0x25f: {  	v9 =	vld [tilespmem:$0x2380]  }
0x260: {  	v10 =	vld [tilespmem:$0x2400]  }
0x261: {  	v11 =	vld [tilespmem:$0x2480]  }
0x262: {  	v12 =	vld [tilespmem:$0x2500]  }
0x263: {  	v13 =	vld [tilespmem:$0x2580]  }
0x264: {  	v14 =	vld [tilespmem:$0x2600]  }
0x265: {  	v15 =	vld [tilespmem:$0x2680]  }
0x266: {  	v17 =	vld [tilespmem:$0x2700]  }
0x267: {  	s30 =	sand.u32 $0x70, s25;
	s1 =	sand.u32 $0x1C00, s25;
	v16 =	vld [tilespmem:$0x2780]  }
0x268: {  	s0 =	sor.u32 s30, s1;
	v18 =	vld [tilespmem:$0x2800]  }
0x269: {  	v19 =	vld [tilespmem:s0+$0x4200]  }
0x26a: {  	v20 =	vld [tilespmem:s0+$0x4100]  }
0x26b: {  	v21 =	vld [tilespmem:s0+$0xC180]  }
0x26c: {  	v22 =	vld [tilespmem:s0+$0x4300]  }
0x26d: {  	v23 =	vld [tilespmem:s0+$0x4280]  }
0x26e: {  	v24 =	vld [tilespmem:s0+$0x4180]  }
0x26f: {  	v25 =	vld [tilespmem:s0+$0x4080]  }
0x270: {  	v26 =	vld [tilespmem:s0+$0xC080]  }
0x271: {  	v27 =	vld [tilespmem:s0+$0xC100]  }
0x272: {  	v28 =	vld [tilespmem:s0+$0x6200]  }
0x273: {  	v29 =	vld [tilespmem:s0+$0xC300];
	v23 =	vmul.f32 v23, v7  }
0x274: {  	v30 =	vld [tilespmem:s0+$0x6300];
	v24 =	vmul.f32 v24, v5  }
0x275: {  	v57 =	vld [tilespmem:s0+$0xC380];
	v22 =	vmul.f32 v22, v8;
	v21 =	vadd.f32 v23, v21;
	v23 =	vmul.f32 v25, v3  }
0x276: {  	v58 =	vld [tilespmem:s0+$0x6180];
	v19 =	vmul.f32 v19, v6;
	v24 =	vadd.f32 v24, v27  }
0x277: {  	v59 =	vld [tilespmem:s0+$0x6080];
	v20 =	vmul.f32 v20, v4;
	v21 =	vadd.f32 v22, v21;
	v22 =	vadd.f32 v23, v26  }
0x278: {  	v23 =	vld [tilespmem:s0+$0x6280];
	v19 =	vadd.f32 v19, v24  }
0x279: {  	v21 =	vmax.f32 v21, $0.0e+00;
	v20 =	vadd.f32 v20, v22;
	v22 =	vld [tilespmem:s0+$0x6100]  }
0x27a: {  	v19 =	vmax.f32 v19, $0.0e+00;
	[tilespmem:s0+$0x10180] =	vst v21;
	v21 =	vld [tilespmem:s0+$0xC280]  }
0x27b: {  	s30 =	sor.u32 s25, s25;
	[tilespmem:s0+$0x10100] =	vst v19;
	v19 =	vld [tilespmem:s0+$0x4380];
	v20 =	vmax.f32 v20, $0.0e+00  }
0x27c: {  	s31 =	sor.u32 $0x380, s30;
	[tilespmem:s0+$0x10080] =	vst v20;
	v20 =	vld [tilespmem:s0+$0xC200]  }
0x27d: {  	v24 =	vmul.f32 v59, v11;
	v60 =	vld [tilespmem:s31+$0x4080]  }
0x27e: {  	v23 =	vmul.f32 v23, v15  }
0x27f: {  	v27 =	vmul.f32 v58, v13;
	v22 =	vmul.f32 v22, v12;
	v21 =	vadd.f32 v24, v21  }
0x280: {  	v61 =	vmul.f32 v30, v17;
	v23 =	vadd.f32 v23, v57;
	v19 =	vmul.f32 v19, v9  }
0x281: {  	v63 =	vmul.f32 v28, v14;
	v62 =	vadd.f32 v27, v29;
	v21 =	vadd.f32 v22, v21  }
0x282: {  	v22 =	vadd.f32 v61, v23;
	v19 =	vadd.f32 v19, v20;
	v20 =	vmul.f32 v60, v10  }
0x283: {  	v23 =	vadd.f32 v63, v62;
	v21 =	vmax.f32 v21, $0.0e+00  }
0x284: {  	v19 =	vadd.f32 v20, v19;
	[tilespmem:s0+$0x10280] =	vst v21;
	v20 =	vmax.f32 v22, $0.0e+00  }
0x285: {  	v21 =	vmax.f32 v23, $0.0e+00;
	[tilespmem:s0+$0x10380] =	vst v20  }
0x286: {  	[tilespmem:s0+$0x10300] =	vst v21;
	v20 =	vld [tilespmem:s0+$0x6380];
	v19 =	vmax.f32 v19, $0.0e+00  }
0x287: {  	[tilespmem:s0+$0x10200] =	vst v19;
	v19 =	vld [tilespmem:s0+$0x6400]  }
0x288: {  	s29 =	simm.s32 $0x10;
	v21 =	vld [tilespmem:s31+$0xC080]  }
.LBB2_10:
0x289: {  	p0 =	sne.s32 s29, $0x3F0  }
0x28a: {  	s25 =	sadd.s32 $0x80, s25;
	s0 =	smov.u32 s29;
	s29 =	sadd.s32 $0x10, s29  }
0x28b: {  	v20 =	vmul.f32 v20, v16;
	_ =	sdelay $0x1  }
0x28c: {  	v19 =	vmul.f32 v19, v18;
	v20 =	vadd.f32 v20, v21;
	_ =	sdelay $0x1  }
0x28d: {  	v19 =	vadd.f32 v19, v20  }
0x28e: {  	s1 =	sand.u32 $0x70, s0;
	s30 =	sand.u32 $0x1C00, s25  }
0x28f: {  	s30 =	sor.u32 s1, s30;
	v19 =	vmax.f32 v19, $0.0e+00  }
0x290: {  	[tilespmem:s31+$0x10080] =	vst v19  }
0x291: {  	v19 =	vld [tilespmem:s30+$0x4200]  }
0x292: {  	v20 =	vld [tilespmem:s30+$0x4100]  }
0x293: {  	v21 =	vld [tilespmem:s30+$0xC180]  }
0x294: {  	v22 =	vld [tilespmem:s30+$0x4300]  }
0x295: {  	v23 =	vld [tilespmem:s30+$0x4280]  }
0x296: {  	v24 =	vld [tilespmem:s30+$0x4180]  }
0x297: {  	v25 =	vld [tilespmem:s30+$0x4080]  }
0x298: {  	v26 =	vld [tilespmem:s30+$0xC080]  }
0x299: {  	v27 =	vld [tilespmem:s30+$0xC100];
	v22 =	vmul.f32 v22, v8  }
0x29a: {  	v23 =	vmul.f32 v23, v7;
	v28 =	vld [tilespmem:s30+$0x6200]  }
0x29b: {  	v20 =	vmul.f32 v20, v4;
	v29 =	vld [tilespmem:s30+$0xC300]  }
0x29c: {  	v19 =	vmul.f32 v19, v6;
	v24 =	vmul.f32 v24, v5;
	v21 =	vadd.f32 v23, v21;
	v23 =	vld [tilespmem:s30+$0x6300]  }
0x29d: {  	v25 =	vmul.f32 v25, v3;
	v30 =	vld [tilespmem:s30+$0xC380]  }
0x29e: {  	v24 =	vadd.f32 v24, v27;
	v21 =	vadd.f32 v22, v21;
	v22 =	vld [tilespmem:s30+$0x6180]  }
0x29f: {  	v25 =	vadd.f32 v25, v26;
	v26 =	vld [tilespmem:s30+$0x6280]  }
0x2a0: {  	v19 =	vadd.f32 v19, v24;
	v21 =	vmax.f32 v21, $0.0e+00;
	v24 =	vld [tilespmem:s30+$0x6080]  }
0x2a1: {  	v20 =	vadd.f32 v20, v25;
	v25 =	vld [tilespmem:s30+$0x6100]  }
0x2a2: {  	v19 =	vmax.f32 v19, $0.0e+00;
	[tilespmem:s30+$0x10180] =	vst v21;
	v21 =	vld [tilespmem:s30+$0xC280]  }
0x2a3: {  	s0 =	sor.u32 s25, s0;
	v20 =	vmax.f32 v20, $0.0e+00;
	[tilespmem:s30+$0x10100] =	vst v19;
	v19 =	vld [tilespmem:s30+$0x4380];
	v22 =	vmul.f32 v22, v13  }
0x2a4: {  	s31 =	sor.u32 $0x380, s0;
	[tilespmem:s30+$0x10080] =	vst v20;
	v20 =	vld [tilespmem:s30+$0xC200];
	v26 =	vmul.f32 v26, v15  }
0x2a5: {  	v28 =	vmul.f32 v28, v14;
	v27 =	vld [tilespmem:s31+$0x4080];
	v24 =	vmul.f32 v24, v11;
	v22 =	vadd.f32 v22, v29  }
0x2a6: {  	v23 =	vmul.f32 v23, v17;
	v26 =	vadd.f32 v26, v30  }
0x2a7: {  	v21 =	vadd.f32 v24, v21;
	v24 =	vmul.f32 v25, v12;
	v22 =	vadd.f32 v28, v22  }
0x2a8: {  	v19 =	vmul.f32 v19, v9;
	v23 =	vadd.f32 v23, v26  }
0x2a9: {  	v21 =	vadd.f32 v24, v21  }
0x2aa: {  	v19 =	vadd.f32 v19, v20;
	v20 =	vmul.f32 v27, v10  }
0x2ab: {  	v21 =	vmax.f32 v21, $0.0e+00  }
.Ltmp4:
0x2ac: {  	v19 =	vadd.f32 v20, v19;
	[tilespmem:s30+$0x10280] =	vst v21;
	v20 =	vmax.f32 v23, $0.0e+00;
	(pc) =	sbr.rel @p0 .LBB2_10-.Ltmp4, $4  }
0x2ad: {  	v21 =	vmax.f32 v22, $0.0e+00;
	[tilespmem:s30+$0x10380] =	vst v20  }
0x2ae: {  	v19 =	vmax.f32 v19, $0.0e+00;
	[tilespmem:s30+$0x10300] =	vst v21;
	v20 =	vld [tilespmem:s30+$0x6380]  }
0x2af: {  	[tilespmem:s30+$0x10200] =	vst v19;
	v19 =	vld [tilespmem:s30+$0x6400]  }
0x2b0: {  	v21 =	vld [tilespmem:s31+$0xC080]  }
0x2b1: {  	_ =	sdelay $0x1  }
0x2b2: {  	v3 =	vmul.f32 v20, v16;
	_ =	sdelay $0x1  }
0x2b3: {  	v4 =	vmul.f32 v19, v18;
	v3 =	vadd.f32 v3, v21;
	_ =	sdelay $0x1  }
0x2b4: {  	v3 =	vadd.f32 v4, v3;
	_ =	sdelay $0x1  }
0x2b5: {  	v3 =	vmax.f32 v3, $0.0e+00  }
0x2b6: {  	s25 =	simm.s32 $0x0;
	s0 =	rddreg [dreg:$0x10];
	[tilespmem:s31+$0x10080] =	vst v3  }
0x2b7: {  	[hbm4b:s0+s25] =	stream.linear.scatter [tilespmem:s19], [sflag:$0x3], $0x2000, $0x38;
	[tilespmem:$0x14080] =	vst v63  }
0x2b8: {  	v3 =	vld [tilespmem:$0x60];
	_ =	sdelay $0x4  }
0x2b9: {  	v4 =	vshll.u32 v3, $0x3  }
0x2ba: {  	v3 =	vand.u32 $0x7, v3;
	v4 =	vand.u32 $0xFFFFFFC0, v4  }
0x2bb: {  	v3 =	vor.u32 v3, v4  }
0x2bc: {  	v4 =	vperm.xlane v3, v0;
	_ =	sdelay $0x1  }
0x2bd: {  	v4 =	vadd.s32 v1, v4;
	_ =	sdelay $0x3  }
0x2be: {  	s30 =	simm.s32 $0x4080  }
0x2bf: {  	[tilespmem:s30], [sflag:$0x1] =	stream.indirect_vreg.gather [hbm4b:s3+s25], $0x80, v4, vm0, $0xb8;
	[tilespmem:$0x14080] =	vst v63  }
0x2c0: {  	s1 =	simm.s32 $0x4880;
	v3 =	vperm.xlane v3, v2  }
0x2c1: {  	[tilespmem:s1], [sflag:$0x1] =	stream.indirect_vreg.gather [hbm4b:s6+s25], $0x80, v4, vm0, $0xb8;
	[tilespmem:$0x14080] =	vst v63  }
0x2c2: {  	v3 =	vadd.s32 v1, v3;
	s30 =	simm.s32 $0x5080  }
0x2c3: {  	[tilespmem:s30], [sflag:$0x1] =	stream.indirect_vreg.gather [hbm4b:s23+s25], $0x80, v4, vm0, $0xb8;
	[tilespmem:$0x14080] =	vst v63  }
0x2c4: {  	s1 =	simm.s32 $0x5880  }
0x2c5: {  	[tilespmem:s1], [sflag:$0x1] =	stream.indirect_vreg.gather [hbm4b:s24+s25], $0x80, v4, vm0, $0xb8;
	[tilespmem:$0x14080] =	vst v63  }
0x2c6: {  	s30 =	simm.s32 $0x6080  }
0x2c7: {  	[tilespmem:s30], [sflag:$0x1] =	stream.indirect_vreg.gather [hbm4b:s3+s25], $0x80, v3, vm0, $0xb8;
	[tilespmem:$0x14080] =	vst v63  }
0x2c8: {  	_ = 	snop  }
0x2c9: {  	[tilespmem:s28], [sflag:$0x1] =	stream.indirect_vreg.gather [hbm4b:s6+s25], $0x80, v3, vm0, $0xb8;
	[tilespmem:$0x14080] =	vst v63  }
0x2ca: {  	_ = 	snop  }
0x2cb: {  	[tilespmem:s4], [sflag:$0x1] =	stream.indirect_vreg.gather [hbm4b:s23+s25], $0x80, v3, vm0, $0xb8;
	[tilespmem:$0x14080] =	vst v63  }
0x2cc: {  	_ = 	snop  }
0x2cd: {  	[tilespmem:s5], [sflag:$0x1] =	stream.indirect_vreg.gather [hbm4b:s24+s25], $0x80, v3, vm0, $0xb8;
	[tilespmem:$0x14080] =	vst v63  }
0x2ce: {  	s1 =	rddreg [dreg:$0x11]  }
0x2cf: {  	[tilespmem:s7], [sflag:$0x2] =	stream.linear.gather [hbm4b:s1+s25], $0x2000, $0x38;
	[tilespmem:$0x14080] =	vst v63  }
0x2d0: {  	_ =	swait.ge [sflag:s17], $0x4000  }
0x2d1: {  	[sflag:s17] =	ssyncset.done $0x0  }
0x2d2: {  	[sflag:s17] =	ssyncadd.s32 $0xFFFFC000  }
0x2d3: {  	_ =	swait.ge [sflag:s18], $0x2000  }
0x2d4: {  	[sflag:s18] =	ssyncset.done $0x0  }
0x2d5: {  	[sflag:s18] =	ssyncadd.s32 $0xFFFFE000  }
0x2d6: {  	_ =	swait.ge [sflag:s21], $0x2000  }
0x2d7: {  	[sflag:s21] =	ssyncset.done $0x0  }
0x2d8: {  	[sflag:s21] =	ssyncadd.s32 $0xFFFFE000  }
0x2d9: {  	v3 =	vld [tilespmem:$0x2880]  }
0x2da: {  	v4 =	vld [tilespmem:$0x2900]  }
0x2db: {  	v5 =	vld [tilespmem:$0x2980]  }
0x2dc: {  	v6 =	vld [tilespmem:$0x2A00]  }
0x2dd: {  	v7 =	vld [tilespmem:$0x2A80]  }
0x2de: {  	v8 =	vld [tilespmem:$0x2B00]  }
0x2df: {  	v9 =	vld [tilespmem:$0x2B80]  }
0x2e0: {  	v10 =	vld [tilespmem:$0x2C00]  }
0x2e1: {  	v11 =	vld [tilespmem:$0x2C80]  }
0x2e2: {  	v12 =	vld [tilespmem:$0x2D00]  }
0x2e3: {  	v13 =	vld [tilespmem:$0x2D80]  }
0x2e4: {  	v14 =	vld [tilespmem:$0x2E00]  }
0x2e5: {  	v15 =	vld [tilespmem:$0x2E80]  }
0x2e6: {  	v17 =	vld [tilespmem:$0x2F00]  }
0x2e7: {  	s30 =	sand.u32 $0x70, s25;
	s1 =	sand.u32 $0x1C00, s25;
	v16 =	vld [tilespmem:$0x2F80]  }
0x2e8: {  	s0 =	sor.u32 s30, s1;
	v18 =	vld [tilespmem:$0x3000]  }
0x2e9: {  	v19 =	vld [tilespmem:s0+$0x8200]  }
0x2ea: {  	v20 =	vld [tilespmem:s0+$0x8100]  }
0x2eb: {  	v21 =	vld [tilespmem:s0+$0xE180]  }
0x2ec: {  	v22 =	vld [tilespmem:s0+$0x8300]  }
0x2ed: {  	v23 =	vld [tilespmem:s0+$0x8280]  }
0x2ee: {  	v24 =	vld [tilespmem:s0+$0x8180]  }
0x2ef: {  	v25 =	vld [tilespmem:s0+$0x8080]  }
0x2f0: {  	v26 =	vld [tilespmem:s0+$0xE080]  }
0x2f1: {  	v27 =	vld [tilespmem:s0+$0xE100]  }
0x2f2: {  	v28 =	vld [tilespmem:s0+$0xA200]  }
0x2f3: {  	v29 =	vld [tilespmem:s0+$0xE300];
	v23 =	vmul.f32 v23, v7  }
0x2f4: {  	v30 =	vld [tilespmem:s0+$0xA300];
	v24 =	vmul.f32 v24, v5  }
0x2f5: {  	v57 =	vld [tilespmem:s0+$0xE380];
	v22 =	vmul.f32 v22, v8;
	v21 =	vadd.f32 v23, v21;
	v23 =	vmul.f32 v25, v3  }
0x2f6: {  	v58 =	vld [tilespmem:s0+$0xA180];
	v19 =	vmul.f32 v19, v6;
	v24 =	vadd.f32 v24, v27  }
0x2f7: {  	v59 =	vld [tilespmem:s0+$0xA080];
	v20 =	vmul.f32 v20, v4;
	v21 =	vadd.f32 v22, v21;
	v22 =	vadd.f32 v23, v26  }
0x2f8: {  	v23 =	vld [tilespmem:s0+$0xA280];
	v19 =	vadd.f32 v19, v24  }
0x2f9: {  	v21 =	vmax.f32 v21, $0.0e+00;
	v20 =	vadd.f32 v20, v22;
	v22 =	vld [tilespmem:s0+$0xA100]  }
0x2fa: {  	v19 =	vmax.f32 v19, $0.0e+00;
	[tilespmem:s0+$0x12180] =	vst v21;
	v21 =	vld [tilespmem:s0+$0xE280]  }
0x2fb: {  	s30 =	sor.u32 s25, s25;
	[tilespmem:s0+$0x12100] =	vst v19;
	v19 =	vld [tilespmem:s0+$0x8380];
	v20 =	vmax.f32 v20, $0.0e+00  }
0x2fc: {  	s31 =	sor.u32 $0x380, s30;
	[tilespmem:s0+$0x12080] =	vst v20;
	v20 =	vld [tilespmem:s0+$0xE200]  }
0x2fd: {  	v24 =	vmul.f32 v59, v11;
	v60 =	vld [tilespmem:s31+$0x8080]  }
0x2fe: {  	v23 =	vmul.f32 v23, v15  }
0x2ff: {  	v27 =	vmul.f32 v58, v13;
	v22 =	vmul.f32 v22, v12;
	v21 =	vadd.f32 v24, v21  }
0x300: {  	v61 =	vmul.f32 v30, v17;
	v23 =	vadd.f32 v23, v57;
	v19 =	vmul.f32 v19, v9  }
0x301: {  	v63 =	vmul.f32 v28, v14;
	v62 =	vadd.f32 v27, v29;
	v21 =	vadd.f32 v22, v21  }
0x302: {  	v22 =	vadd.f32 v61, v23;
	v19 =	vadd.f32 v19, v20;
	v20 =	vmul.f32 v60, v10  }
0x303: {  	v23 =	vadd.f32 v63, v62;
	v21 =	vmax.f32 v21, $0.0e+00  }
0x304: {  	v19 =	vadd.f32 v20, v19;
	[tilespmem:s0+$0x12280] =	vst v21;
	v20 =	vmax.f32 v22, $0.0e+00  }
0x305: {  	v21 =	vmax.f32 v23, $0.0e+00;
	[tilespmem:s0+$0x12380] =	vst v20  }
0x306: {  	[tilespmem:s0+$0x12300] =	vst v21;
	v20 =	vld [tilespmem:s0+$0xA380];
	v19 =	vmax.f32 v19, $0.0e+00  }
0x307: {  	[tilespmem:s0+$0x12200] =	vst v19;
	v19 =	vld [tilespmem:s0+$0xA400]  }
0x308: {  	s29 =	simm.s32 $0x10;
	v21 =	vld [tilespmem:s31+$0xE080]  }
.LBB2_12:
0x309: {  	p0 =	sne.s32 s29, $0x3F0  }
0x30a: {  	s25 =	sadd.s32 $0x80, s25;
	s0 =	smov.u32 s29;
	s29 =	sadd.s32 $0x10, s29  }
0x30b: {  	v20 =	vmul.f32 v20, v16;
	_ =	sdelay $0x1  }
0x30c: {  	v19 =	vmul.f32 v19, v18;
	v20 =	vadd.f32 v20, v21;
	_ =	sdelay $0x1  }
0x30d: {  	v19 =	vadd.f32 v19, v20  }
0x30e: {  	s1 =	sand.u32 $0x70, s0;
	s30 =	sand.u32 $0x1C00, s25  }
0x30f: {  	s30 =	sor.u32 s1, s30;
	v19 =	vmax.f32 v19, $0.0e+00  }
0x310: {  	[tilespmem:s31+$0x12080] =	vst v19  }
0x311: {  	v19 =	vld [tilespmem:s30+$0x8200]  }
0x312: {  	v20 =	vld [tilespmem:s30+$0x8100]  }
0x313: {  	v21 =	vld [tilespmem:s30+$0xE180]  }
0x314: {  	v22 =	vld [tilespmem:s30+$0x8300]  }
0x315: {  	v23 =	vld [tilespmem:s30+$0x8280]  }
0x316: {  	v24 =	vld [tilespmem:s30+$0x8180]  }
0x317: {  	v25 =	vld [tilespmem:s30+$0x8080]  }
0x318: {  	v26 =	vld [tilespmem:s30+$0xE080]  }
0x319: {  	v27 =	vld [tilespmem:s30+$0xE100];
	v22 =	vmul.f32 v22, v8  }
0x31a: {  	v23 =	vmul.f32 v23, v7;
	v28 =	vld [tilespmem:s30+$0xA200]  }
0x31b: {  	v20 =	vmul.f32 v20, v4;
	v29 =	vld [tilespmem:s30+$0xE300]  }
0x31c: {  	v19 =	vmul.f32 v19, v6;
	v24 =	vmul.f32 v24, v5;
	v21 =	vadd.f32 v23, v21;
	v23 =	vld [tilespmem:s30+$0xA300]  }
0x31d: {  	v25 =	vmul.f32 v25, v3;
	v30 =	vld [tilespmem:s30+$0xE380]  }
0x31e: {  	v24 =	vadd.f32 v24, v27;
	v21 =	vadd.f32 v22, v21;
	v22 =	vld [tilespmem:s30+$0xA180]  }
0x31f: {  	v25 =	vadd.f32 v25, v26;
	v26 =	vld [tilespmem:s30+$0xA280]  }
0x320: {  	v19 =	vadd.f32 v19, v24;
	v21 =	vmax.f32 v21, $0.0e+00;
	v24 =	vld [tilespmem:s30+$0xA080]  }
0x321: {  	v20 =	vadd.f32 v20, v25;
	v25 =	vld [tilespmem:s30+$0xA100]  }
0x322: {  	v19 =	vmax.f32 v19, $0.0e+00;
	[tilespmem:s30+$0x12180] =	vst v21;
	v21 =	vld [tilespmem:s30+$0xE280]  }
0x323: {  	s0 =	sor.u32 s25, s0;
	v20 =	vmax.f32 v20, $0.0e+00;
	[tilespmem:s30+$0x12100] =	vst v19;
	v19 =	vld [tilespmem:s30+$0x8380];
	v22 =	vmul.f32 v22, v13  }
0x324: {  	s31 =	sor.u32 $0x380, s0;
	[tilespmem:s30+$0x12080] =	vst v20;
	v20 =	vld [tilespmem:s30+$0xE200];
	v26 =	vmul.f32 v26, v15  }
0x325: {  	v28 =	vmul.f32 v28, v14;
	v27 =	vld [tilespmem:s31+$0x8080];
	v24 =	vmul.f32 v24, v11;
	v22 =	vadd.f32 v22, v29  }
0x326: {  	v23 =	vmul.f32 v23, v17;
	v26 =	vadd.f32 v26, v30  }
0x327: {  	v21 =	vadd.f32 v24, v21;
	v24 =	vmul.f32 v25, v12;
	v22 =	vadd.f32 v28, v22  }
0x328: {  	v19 =	vmul.f32 v19, v9;
	v23 =	vadd.f32 v23, v26  }
0x329: {  	v21 =	vadd.f32 v24, v21  }
0x32a: {  	v19 =	vadd.f32 v19, v20;
	v20 =	vmul.f32 v27, v10  }
0x32b: {  	v21 =	vmax.f32 v21, $0.0e+00  }
.Ltmp5:
0x32c: {  	v19 =	vadd.f32 v20, v19;
	[tilespmem:s30+$0x12280] =	vst v21;
	v20 =	vmax.f32 v23, $0.0e+00;
	(pc) =	sbr.rel @p0 .LBB2_12-.Ltmp5, $4  }
0x32d: {  	v21 =	vmax.f32 v22, $0.0e+00;
	[tilespmem:s30+$0x12380] =	vst v20  }
0x32e: {  	v19 =	vmax.f32 v19, $0.0e+00;
	[tilespmem:s30+$0x12300] =	vst v21;
	v20 =	vld [tilespmem:s30+$0xA380]  }
0x32f: {  	[tilespmem:s30+$0x12200] =	vst v19;
	v19 =	vld [tilespmem:s30+$0xA400]  }
0x330: {  	v21 =	vld [tilespmem:s31+$0xE080]  }
0x331: {  	_ =	sdelay $0x1  }
0x332: {  	v3 =	vmul.f32 v20, v16;
	_ =	sdelay $0x1  }
0x333: {  	v4 =	vmul.f32 v19, v18;
	v3 =	vadd.f32 v3, v21;
	_ =	sdelay $0x1  }
0x334: {  	v3 =	vadd.f32 v4, v3;
	_ =	sdelay $0x1  }
0x335: {  	v3 =	vmax.f32 v3, $0.0e+00  }
0x336: {  	s25 =	simm.s32 $0x0;
	s0 =	rddreg [dreg:$0x12];
	[tilespmem:s31+$0x12080] =	vst v3  }
0x337: {  	[hbm4b:s0+s25] =	stream.linear.scatter [tilespmem:s20], [sflag:$0x3], $0x2000, $0x38;
	[tilespmem:$0x14080] =	vst v63  }
0x338: {  	v3 =	vld [tilespmem:$0x70];
	_ =	sdelay $0x4  }
0x339: {  	v4 =	vshll.u32 v3, $0x3  }
0x33a: {  	v3 =	vand.u32 $0x7, v3;
	v4 =	vand.u32 $0xFFFFFFC0, v4  }
0x33b: {  	v3 =	vor.u32 v3, v4  }
0x33c: {  	v4 =	vperm.xlane v3, v0;
	_ =	sdelay $0x1  }
0x33d: {  	v4 =	vadd.s32 v1, v4;
	_ =	sdelay $0x4  }
0x33e: {  	[tilespmem:s8], [sflag:$0x1] =	stream.indirect_vreg.gather [hbm4b:s3+s25], $0x80, v4, vm0, $0xb8;
	[tilespmem:$0x14080] =	vst v63  }
0x33f: {  	v3 =	vperm.xlane v3, v2  }
0x340: {  	[tilespmem:s9], [sflag:$0x1] =	stream.indirect_vreg.gather [hbm4b:s6+s25], $0x80, v4, vm0, $0xb8;
	[tilespmem:$0x14080] =	vst v63  }
0x341: {  	v3 =	vadd.s32 v1, v3  }
0x342: {  	[tilespmem:s10], [sflag:$0x1] =	stream.indirect_vreg.gather [hbm4b:s23+s25], $0x80, v4, vm0, $0xb8;
	[tilespmem:$0x14080] =	vst v63  }
0x343: {  	_ = 	snop  }
0x344: {  	[tilespmem:s11], [sflag:$0x1] =	stream.indirect_vreg.gather [hbm4b:s24+s25], $0x80, v4, vm0, $0xb8;
	[tilespmem:$0x14080] =	vst v63  }
0x345: {  	_ = 	snop  }
0x346: {  	[tilespmem:s12], [sflag:$0x1] =	stream.indirect_vreg.gather [hbm4b:s3+s25], $0x80, v3, vm0, $0xb8;
	[tilespmem:$0x14080] =	vst v63  }
0x347: {  	_ = 	snop  }
0x348: {  	[tilespmem:s13], [sflag:$0x1] =	stream.indirect_vreg.gather [hbm4b:s6+s25], $0x80, v3, vm0, $0xb8;
	[tilespmem:$0x14080] =	vst v63  }
0x349: {  	_ = 	snop  }
0x34a: {  	[tilespmem:s14], [sflag:$0x1] =	stream.indirect_vreg.gather [hbm4b:s23+s25], $0x80, v3, vm0, $0xb8;
	[tilespmem:$0x14080] =	vst v63  }
0x34b: {  	_ = 	snop  }
0x34c: {  	[tilespmem:s15], [sflag:$0x1] =	stream.indirect_vreg.gather [hbm4b:s24+s25], $0x80, v3, vm0, $0xb8;
	[tilespmem:$0x14080] =	vst v63  }
0x34d: {  	s1 =	rddreg [dreg:$0x13]  }
0x34e: {  	[tilespmem:s16], [sflag:$0x2] =	stream.linear.gather [hbm4b:s1+s25], $0x2000, $0x38;
	[tilespmem:$0x14080] =	vst v63  }
0x34f: {  	_ =	swait.ge [sflag:s17], $0x4000  }
0x350: {  	[sflag:s17] =	ssyncset.done $0x0  }
0x351: {  	[sflag:s17] =	ssyncadd.s32 $0xFFFFC000  }
0x352: {  	_ =	swait.ge [sflag:s18], $0x2000  }
0x353: {  	[sflag:s18] =	ssyncset.done $0x0  }
0x354: {  	[sflag:s18] =	ssyncadd.s32 $0xFFFFE000  }
0x355: {  	_ =	swait.ge [sflag:s21], $0x2000  }
0x356: {  	[sflag:s21] =	ssyncset.done $0x0  }
0x357: {  	[sflag:s21] =	ssyncadd.s32 $0xFFFFE000  }
0x358: {  	v3 =	vld [tilespmem:$0x3080]  }
0x359: {  	v4 =	vld [tilespmem:$0x3100]  }
0x35a: {  	v5 =	vld [tilespmem:$0x3180]  }
0x35b: {  	v6 =	vld [tilespmem:$0x3200]  }
0x35c: {  	v7 =	vld [tilespmem:$0x3280]  }
0x35d: {  	v8 =	vld [tilespmem:$0x3300]  }
0x35e: {  	v9 =	vld [tilespmem:$0x3380]  }
0x35f: {  	v10 =	vld [tilespmem:$0x3400]  }
0x360: {  	v11 =	vld [tilespmem:$0x3480]  }
0x361: {  	v12 =	vld [tilespmem:$0x3500]  }
0x362: {  	v13 =	vld [tilespmem:$0x3580]  }
0x363: {  	v14 =	vld [tilespmem:$0x3600]  }
0x364: {  	v15 =	vld [tilespmem:$0x3680]  }
0x365: {  	v17 =	vld [tilespmem:$0x3700]  }
0x366: {  	s30 =	sand.u32 $0x70, s25;
	s1 =	sand.u32 $0x1C00, s25;
	v16 =	vld [tilespmem:$0x3780]  }
0x367: {  	s0 =	sor.u32 s30, s1;
	v18 =	vld [tilespmem:$0x3800]  }
0x368: {  	v19 =	vld [tilespmem:s0+$0x4200]  }
0x369: {  	v20 =	vld [tilespmem:s0+$0x4100]  }
0x36a: {  	v21 =	vld [tilespmem:s0+$0xC180]  }
0x36b: {  	v22 =	vld [tilespmem:s0+$0x4300]  }
0x36c: {  	v23 =	vld [tilespmem:s0+$0x4280]  }
0x36d: {  	v24 =	vld [tilespmem:s0+$0x4180]  }
0x36e: {  	v25 =	vld [tilespmem:s0+$0x4080]  }
0x36f: {  	v26 =	vld [tilespmem:s0+$0xC080]  }
0x370: {  	v27 =	vld [tilespmem:s0+$0xC100]  }
0x371: {  	v28 =	vld [tilespmem:s0+$0x6200]  }
0x372: {  	v29 =	vld [tilespmem:s0+$0xC300];
	v23 =	vmul.f32 v23, v7  }
0x373: {  	v30 =	vld [tilespmem:s0+$0x6300];
	v24 =	vmul.f32 v24, v5  }
0x374: {  	v57 =	vld [tilespmem:s0+$0xC380];
	v22 =	vmul.f32 v22, v8;
	v21 =	vadd.f32 v23, v21;
	v23 =	vmul.f32 v25, v3  }
0x375: {  	v58 =	vld [tilespmem:s0+$0x6180];
	v19 =	vmul.f32 v19, v6;
	v24 =	vadd.f32 v24, v27  }
0x376: {  	v59 =	vld [tilespmem:s0+$0x6080];
	v20 =	vmul.f32 v20, v4;
	v21 =	vadd.f32 v22, v21;
	v22 =	vadd.f32 v23, v26  }
0x377: {  	v23 =	vld [tilespmem:s0+$0x6280];
	v19 =	vadd.f32 v19, v24  }
0x378: {  	v21 =	vmax.f32 v21, $0.0e+00;
	v20 =	vadd.f32 v20, v22;
	v22 =	vld [tilespmem:s0+$0x6100]  }
0x379: {  	v19 =	vmax.f32 v19, $0.0e+00;
	[tilespmem:s0+$0x10180] =	vst v21;
	v21 =	vld [tilespmem:s0+$0xC280]  }
0x37a: {  	s30 =	sor.u32 s25, s25;
	[tilespmem:s0+$0x10100] =	vst v19;
	v19 =	vld [tilespmem:s0+$0x4380];
	v20 =	vmax.f32 v20, $0.0e+00  }
0x37b: {  	s31 =	sor.u32 $0x380, s30;
	[tilespmem:s0+$0x10080] =	vst v20;
	v20 =	vld [tilespmem:s0+$0xC200]  }
0x37c: {  	v24 =	vmul.f32 v59, v11;
	v60 =	vld [tilespmem:s31+$0x4080]  }
0x37d: {  	v23 =	vmul.f32 v23, v15  }
0x37e: {  	v27 =	vmul.f32 v58, v13;
	v22 =	vmul.f32 v22, v12;
	v21 =	vadd.f32 v24, v21  }
0x37f: {  	v61 =	vmul.f32 v30, v17;
	v23 =	vadd.f32 v23, v57;
	v19 =	vmul.f32 v19, v9  }
0x380: {  	v63 =	vmul.f32 v28, v14;
	v62 =	vadd.f32 v27, v29;
	v21 =	vadd.f32 v22, v21  }
0x381: {  	v22 =	vadd.f32 v61, v23;
	v19 =	vadd.f32 v19, v20;
	v20 =	vmul.f32 v60, v10  }
0x382: {  	v23 =	vadd.f32 v63, v62;
	v21 =	vmax.f32 v21, $0.0e+00  }
0x383: {  	v19 =	vadd.f32 v20, v19;
	[tilespmem:s0+$0x10280] =	vst v21;
	v20 =	vmax.f32 v22, $0.0e+00  }
0x384: {  	v21 =	vmax.f32 v23, $0.0e+00;
	[tilespmem:s0+$0x10380] =	vst v20  }
0x385: {  	[tilespmem:s0+$0x10300] =	vst v21;
	v20 =	vld [tilespmem:s0+$0x6380];
	v19 =	vmax.f32 v19, $0.0e+00  }
0x386: {  	[tilespmem:s0+$0x10200] =	vst v19;
	v19 =	vld [tilespmem:s0+$0x6400]  }
0x387: {  	s29 =	simm.s32 $0x10;
	v21 =	vld [tilespmem:s31+$0xC080]  }
.LBB2_14:
0x388: {  	p0 =	sne.s32 s29, $0x3F0  }
0x389: {  	s25 =	sadd.s32 $0x80, s25;
	s0 =	smov.u32 s29;
	s29 =	sadd.s32 $0x10, s29  }
0x38a: {  	v20 =	vmul.f32 v20, v16;
	_ =	sdelay $0x1  }
0x38b: {  	v19 =	vmul.f32 v19, v18;
	v20 =	vadd.f32 v20, v21;
	_ =	sdelay $0x1  }
0x38c: {  	v19 =	vadd.f32 v19, v20  }
0x38d: {  	s1 =	sand.u32 $0x70, s0;
	s30 =	sand.u32 $0x1C00, s25  }
0x38e: {  	s30 =	sor.u32 s1, s30;
	v19 =	vmax.f32 v19, $0.0e+00  }
0x38f: {  	[tilespmem:s31+$0x10080] =	vst v19  }
0x390: {  	v19 =	vld [tilespmem:s30+$0x4200]  }
0x391: {  	v20 =	vld [tilespmem:s30+$0x4100]  }
0x392: {  	v21 =	vld [tilespmem:s30+$0xC180]  }
0x393: {  	v22 =	vld [tilespmem:s30+$0x4300]  }
0x394: {  	v23 =	vld [tilespmem:s30+$0x4280]  }
0x395: {  	v24 =	vld [tilespmem:s30+$0x4180]  }
0x396: {  	v25 =	vld [tilespmem:s30+$0x4080]  }
0x397: {  	v26 =	vld [tilespmem:s30+$0xC080]  }
0x398: {  	v27 =	vld [tilespmem:s30+$0xC100];
	v22 =	vmul.f32 v22, v8  }
0x399: {  	v23 =	vmul.f32 v23, v7;
	v28 =	vld [tilespmem:s30+$0x6200]  }
0x39a: {  	v20 =	vmul.f32 v20, v4;
	v29 =	vld [tilespmem:s30+$0xC300]  }
0x39b: {  	v19 =	vmul.f32 v19, v6;
	v24 =	vmul.f32 v24, v5;
	v21 =	vadd.f32 v23, v21;
	v23 =	vld [tilespmem:s30+$0x6300]  }
0x39c: {  	v25 =	vmul.f32 v25, v3;
	v30 =	vld [tilespmem:s30+$0xC380]  }
0x39d: {  	v24 =	vadd.f32 v24, v27;
	v21 =	vadd.f32 v22, v21;
	v22 =	vld [tilespmem:s30+$0x6180]  }
0x39e: {  	v25 =	vadd.f32 v25, v26;
	v26 =	vld [tilespmem:s30+$0x6280]  }
0x39f: {  	v19 =	vadd.f32 v19, v24;
	v21 =	vmax.f32 v21, $0.0e+00;
	v24 =	vld [tilespmem:s30+$0x6080]  }
0x3a0: {  	v20 =	vadd.f32 v20, v25;
	v25 =	vld [tilespmem:s30+$0x6100]  }
0x3a1: {  	v19 =	vmax.f32 v19, $0.0e+00;
	[tilespmem:s30+$0x10180] =	vst v21;
	v21 =	vld [tilespmem:s30+$0xC280]  }
0x3a2: {  	s0 =	sor.u32 s25, s0;
	v20 =	vmax.f32 v20, $0.0e+00;
	[tilespmem:s30+$0x10100] =	vst v19;
	v19 =	vld [tilespmem:s30+$0x4380];
	v22 =	vmul.f32 v22, v13  }
0x3a3: {  	s31 =	sor.u32 $0x380, s0;
	[tilespmem:s30+$0x10080] =	vst v20;
	v20 =	vld [tilespmem:s30+$0xC200];
	v26 =	vmul.f32 v26, v15  }
0x3a4: {  	v28 =	vmul.f32 v28, v14;
	v27 =	vld [tilespmem:s31+$0x4080];
	v24 =	vmul.f32 v24, v11;
	v22 =	vadd.f32 v22, v29  }
0x3a5: {  	v23 =	vmul.f32 v23, v17;
	v26 =	vadd.f32 v26, v30  }
0x3a6: {  	v21 =	vadd.f32 v24, v21;
	v24 =	vmul.f32 v25, v12;
	v22 =	vadd.f32 v28, v22  }
0x3a7: {  	v19 =	vmul.f32 v19, v9;
	v23 =	vadd.f32 v23, v26  }
0x3a8: {  	v21 =	vadd.f32 v24, v21  }
0x3a9: {  	v19 =	vadd.f32 v19, v20;
	v20 =	vmul.f32 v27, v10  }
0x3aa: {  	v21 =	vmax.f32 v21, $0.0e+00  }
.Ltmp6:
0x3ab: {  	v19 =	vadd.f32 v20, v19;
	[tilespmem:s30+$0x10280] =	vst v21;
	v20 =	vmax.f32 v23, $0.0e+00;
	(pc) =	sbr.rel @p0 .LBB2_14-.Ltmp6, $4  }
0x3ac: {  	v21 =	vmax.f32 v22, $0.0e+00;
	[tilespmem:s30+$0x10380] =	vst v20  }
0x3ad: {  	v19 =	vmax.f32 v19, $0.0e+00;
	[tilespmem:s30+$0x10300] =	vst v21;
	v20 =	vld [tilespmem:s30+$0x6380]  }
0x3ae: {  	[tilespmem:s30+$0x10200] =	vst v19;
	v19 =	vld [tilespmem:s30+$0x6400]  }
0x3af: {  	v21 =	vld [tilespmem:s31+$0xC080]  }
0x3b0: {  	_ =	sdelay $0x1  }
0x3b1: {  	v3 =	vmul.f32 v20, v16;
	_ =	sdelay $0x1  }
0x3b2: {  	v4 =	vmul.f32 v19, v18;
	v3 =	vadd.f32 v3, v21;
	_ =	sdelay $0x1  }
0x3b3: {  	v3 =	vadd.f32 v4, v3;
	_ =	sdelay $0x1  }
0x3b4: {  	v3 =	vmax.f32 v3, $0.0e+00  }
0x3b5: {  	s25 =	simm.s32 $0x0;
	s0 =	rddreg [dreg:$0x14];
	[tilespmem:s31+$0x10080] =	vst v3  }
0x3b6: {  	[hbm4b:s0+s25] =	stream.linear.scatter [tilespmem:s19], [sflag:$0x3], $0x2000, $0x38;
	[tilespmem:$0x14080] =	vst v63  }
0x3b7: {  	_ =	swait.ge [sflag:s17], $0x4000  }
0x3b8: {  	[sflag:s17] =	ssyncset.done $0x0  }
0x3b9: {  	[sflag:s17] =	ssyncadd.s32 $0xFFFFC000  }
0x3ba: {  	_ =	swait.ge [sflag:s18], $0x2000  }
0x3bb: {  	[sflag:s18] =	ssyncset.done $0x0  }
0x3bc: {  	[sflag:s18] =	ssyncadd.s32 $0xFFFFE000  }
0x3bd: {  	_ =	swait.ge [sflag:s21], $0x2000  }
0x3be: {  	[sflag:s21] =	ssyncset.done $0x0  }
0x3bf: {  	[sflag:s21] =	ssyncadd.s32 $0xFFFFE000  }
0x3c0: {  	v3 =	vld [tilespmem:$0x3880]  }
0x3c1: {  	v4 =	vld [tilespmem:$0x3900]  }
0x3c2: {  	v5 =	vld [tilespmem:$0x3980]  }
0x3c3: {  	v6 =	vld [tilespmem:$0x3A00]  }
0x3c4: {  	v7 =	vld [tilespmem:$0x3A80]  }
0x3c5: {  	v8 =	vld [tilespmem:$0x3B00]  }
0x3c6: {  	v9 =	vld [tilespmem:$0x3B80]  }
0x3c7: {  	v10 =	vld [tilespmem:$0x3C00]  }
0x3c8: {  	v11 =	vld [tilespmem:$0x3C80]  }
0x3c9: {  	v12 =	vld [tilespmem:$0x3D00]  }
0x3ca: {  	v13 =	vld [tilespmem:$0x3D80]  }
0x3cb: {  	v14 =	vld [tilespmem:$0x3E00]  }
0x3cc: {  	v15 =	vld [tilespmem:$0x3E80]  }
0x3cd: {  	v17 =	vld [tilespmem:$0x3F00]  }
0x3ce: {  	s30 =	sand.u32 $0x70, s25;
	s1 =	sand.u32 $0x1C00, s25;
	v16 =	vld [tilespmem:$0x3F80]  }
0x3cf: {  	s0 =	sor.u32 s30, s1;
	v18 =	vld [tilespmem:$0x4000]  }
0x3d0: {  	v19 =	vld [tilespmem:s0+$0x8200]  }
0x3d1: {  	v20 =	vld [tilespmem:s0+$0x8100]  }
0x3d2: {  	v21 =	vld [tilespmem:s0+$0xE180]  }
0x3d3: {  	v22 =	vld [tilespmem:s0+$0x8300]  }
0x3d4: {  	v23 =	vld [tilespmem:s0+$0x8280]  }
0x3d5: {  	v24 =	vld [tilespmem:s0+$0x8180]  }
0x3d6: {  	v25 =	vld [tilespmem:s0+$0x8080]  }
0x3d7: {  	v26 =	vld [tilespmem:s0+$0xE080]  }
0x3d8: {  	v27 =	vld [tilespmem:s0+$0xE100]  }
0x3d9: {  	v28 =	vld [tilespmem:s0+$0xA200]  }
0x3da: {  	v29 =	vld [tilespmem:s0+$0xE300];
	v23 =	vmul.f32 v23, v7  }
0x3db: {  	v30 =	vld [tilespmem:s0+$0xA300];
	v24 =	vmul.f32 v24, v5  }
0x3dc: {  	v57 =	vld [tilespmem:s0+$0xE380];
	v22 =	vmul.f32 v22, v8;
	v21 =	vadd.f32 v23, v21;
	v23 =	vmul.f32 v25, v3  }
0x3dd: {  	v58 =	vld [tilespmem:s0+$0xA180];
	v19 =	vmul.f32 v19, v6;
	v24 =	vadd.f32 v24, v27  }
0x3de: {  	v59 =	vld [tilespmem:s0+$0xA080];
	v20 =	vmul.f32 v20, v4;
	v21 =	vadd.f32 v22, v21;
	v22 =	vadd.f32 v23, v26  }
0x3df: {  	v23 =	vld [tilespmem:s0+$0xA280];
	v19 =	vadd.f32 v19, v24  }
0x3e0: {  	v21 =	vmax.f32 v21, $0.0e+00;
	v20 =	vadd.f32 v20, v22;
	v22 =	vld [tilespmem:s0+$0xA100]  }
0x3e1: {  	v19 =	vmax.f32 v19, $0.0e+00;
	[tilespmem:s0+$0x12180] =	vst v21;
	v21 =	vld [tilespmem:s0+$0xE280]  }
0x3e2: {  	s30 =	sor.u32 s25, s25;
	[tilespmem:s0+$0x12100] =	vst v19;
	v19 =	vld [tilespmem:s0+$0x8380];
	v20 =	vmax.f32 v20, $0.0e+00  }
0x3e3: {  	s31 =	sor.u32 $0x380, s30;
	[tilespmem:s0+$0x12080] =	vst v20;
	v20 =	vld [tilespmem:s0+$0xE200]  }
0x3e4: {  	v24 =	vmul.f32 v59, v11;
	v60 =	vld [tilespmem:s31+$0x8080]  }
0x3e5: {  	v23 =	vmul.f32 v23, v15  }
0x3e6: {  	v27 =	vmul.f32 v58, v13;
	v22 =	vmul.f32 v22, v12;
	v21 =	vadd.f32 v24, v21  }
0x3e7: {  	v61 =	vmul.f32 v30, v17;
	v23 =	vadd.f32 v23, v57;
	v19 =	vmul.f32 v19, v9  }
0x3e8: {  	v63 =	vmul.f32 v28, v14;
	v62 =	vadd.f32 v27, v29;
	v21 =	vadd.f32 v22, v21  }
0x3e9: {  	v22 =	vadd.f32 v61, v23;
	v19 =	vadd.f32 v19, v20;
	v20 =	vmul.f32 v60, v10  }
0x3ea: {  	v23 =	vadd.f32 v63, v62;
	v21 =	vmax.f32 v21, $0.0e+00  }
0x3eb: {  	v19 =	vadd.f32 v20, v19;
	[tilespmem:s0+$0x12280] =	vst v21;
	v20 =	vmax.f32 v22, $0.0e+00  }
0x3ec: {  	v21 =	vmax.f32 v23, $0.0e+00;
	[tilespmem:s0+$0x12380] =	vst v20  }
0x3ed: {  	[tilespmem:s0+$0x12300] =	vst v21;
	v20 =	vld [tilespmem:s0+$0xA380];
	v19 =	vmax.f32 v19, $0.0e+00  }
0x3ee: {  	[tilespmem:s0+$0x12200] =	vst v19;
	v19 =	vld [tilespmem:s0+$0xA400]  }
0x3ef: {  	s29 =	simm.s32 $0x10;
	v21 =	vld [tilespmem:s31+$0xE080]  }
.LBB2_16:
0x3f0: {  	p0 =	sne.s32 s29, $0x3F0  }
0x3f1: {  	s25 =	sadd.s32 $0x80, s25;
	s0 =	smov.u32 s29;
	s29 =	sadd.s32 $0x10, s29  }
0x3f2: {  	v20 =	vmul.f32 v20, v16;
	_ =	sdelay $0x1  }
0x3f3: {  	v19 =	vmul.f32 v19, v18;
	v20 =	vadd.f32 v20, v21;
	_ =	sdelay $0x1  }
0x3f4: {  	v19 =	vadd.f32 v19, v20  }
0x3f5: {  	s1 =	sand.u32 $0x70, s0;
	s30 =	sand.u32 $0x1C00, s25  }
0x3f6: {  	s30 =	sor.u32 s1, s30;
	v19 =	vmax.f32 v19, $0.0e+00  }
0x3f7: {  	[tilespmem:s31+$0x12080] =	vst v19  }
0x3f8: {  	v19 =	vld [tilespmem:s30+$0x8200]  }
0x3f9: {  	v20 =	vld [tilespmem:s30+$0x8100]  }
0x3fa: {  	v21 =	vld [tilespmem:s30+$0xE180]  }
0x3fb: {  	v22 =	vld [tilespmem:s30+$0x8300]  }
0x3fc: {  	v23 =	vld [tilespmem:s30+$0x8280]  }
0x3fd: {  	v24 =	vld [tilespmem:s30+$0x8180]  }
0x3fe: {  	v25 =	vld [tilespmem:s30+$0x8080]  }
0x3ff: {  	v26 =	vld [tilespmem:s30+$0xE080]  }
0x400: {  	v27 =	vld [tilespmem:s30+$0xE100];
	v22 =	vmul.f32 v22, v8  }
0x401: {  	v23 =	vmul.f32 v23, v7;
	v28 =	vld [tilespmem:s30+$0xA200]  }
0x402: {  	v20 =	vmul.f32 v20, v4;
	v29 =	vld [tilespmem:s30+$0xE300]  }
0x403: {  	v19 =	vmul.f32 v19, v6;
	v24 =	vmul.f32 v24, v5;
	v21 =	vadd.f32 v23, v21;
	v23 =	vld [tilespmem:s30+$0xA300]  }
0x404: {  	v25 =	vmul.f32 v25, v3;
	v30 =	vld [tilespmem:s30+$0xE380]  }
0x405: {  	v24 =	vadd.f32 v24, v27;
	v21 =	vadd.f32 v22, v21;
	v22 =	vld [tilespmem:s30+$0xA180]  }
0x406: {  	v25 =	vadd.f32 v25, v26;
	v26 =	vld [tilespmem:s30+$0xA280]  }
0x407: {  	v19 =	vadd.f32 v19, v24;
	v21 =	vmax.f32 v21, $0.0e+00;
	v24 =	vld [tilespmem:s30+$0xA080]  }
0x408: {  	v20 =	vadd.f32 v20, v25;
	v25 =	vld [tilespmem:s30+$0xA100]  }
0x409: {  	v19 =	vmax.f32 v19, $0.0e+00;
	[tilespmem:s30+$0x12180] =	vst v21;
	v21 =	vld [tilespmem:s30+$0xE280]  }
0x40a: {  	s0 =	sor.u32 s25, s0;
	v20 =	vmax.f32 v20, $0.0e+00;
	[tilespmem:s30+$0x12100] =	vst v19;
	v19 =	vld [tilespmem:s30+$0x8380];
	v22 =	vmul.f32 v22, v13  }
0x40b: {  	s31 =	sor.u32 $0x380, s0;
	[tilespmem:s30+$0x12080] =	vst v20;
	v20 =	vld [tilespmem:s30+$0xE200];
	v26 =	vmul.f32 v26, v15  }
0x40c: {  	v28 =	vmul.f32 v28, v14;
	v27 =	vld [tilespmem:s31+$0x8080];
	v24 =	vmul.f32 v24, v11;
	v22 =	vadd.f32 v22, v29  }
0x40d: {  	v23 =	vmul.f32 v23, v17;
	v26 =	vadd.f32 v26, v30  }
0x40e: {  	v21 =	vadd.f32 v24, v21;
	v24 =	vmul.f32 v25, v12;
	v22 =	vadd.f32 v28, v22  }
0x40f: {  	v19 =	vmul.f32 v19, v9;
	v23 =	vadd.f32 v23, v26  }
0x410: {  	v21 =	vadd.f32 v24, v21  }
0x411: {  	v19 =	vadd.f32 v19, v20;
	v20 =	vmul.f32 v27, v10  }
0x412: {  	v21 =	vmax.f32 v21, $0.0e+00  }
.Ltmp7:
0x413: {  	v19 =	vadd.f32 v20, v19;
	[tilespmem:s30+$0x12280] =	vst v21;
	v20 =	vmax.f32 v23, $0.0e+00;
	(pc) =	sbr.rel @p0 .LBB2_16-.Ltmp7, $4  }
0x414: {  	v21 =	vmax.f32 v22, $0.0e+00;
	[tilespmem:s30+$0x12380] =	vst v20  }
0x415: {  	v19 =	vmax.f32 v19, $0.0e+00;
	[tilespmem:s30+$0x12300] =	vst v21;
	v20 =	vld [tilespmem:s30+$0xA380]  }
0x416: {  	[tilespmem:s30+$0x12200] =	vst v19;
	v19 =	vld [tilespmem:s30+$0xA400]  }
0x417: {  	v21 =	vld [tilespmem:s31+$0xE080]  }
0x418: {  	_ =	sdelay $0x1  }
0x419: {  	v3 =	vmul.f32 v20, v16;
	_ =	sdelay $0x1  }
0x41a: {  	v4 =	vmul.f32 v19, v18;
	v3 =	vadd.f32 v3, v21;
	_ =	sdelay $0x1  }
0x41b: {  	v3 =	vadd.f32 v4, v3;
	_ =	sdelay $0x1  }
0x41c: {  	v3 =	vmax.f32 v3, $0.0e+00  }
0x41d: {  	s0 =	rddreg [dreg:$0x15];
	[tilespmem:s31+$0x12080] =	vst v3  }
0x41e: {  	[hbm4b:s0+s2] =	stream.linear.scatter [tilespmem:s20], [sflag:$0x3], $0x2000, $0x38;
	[tilespmem:$0x14080] =	vst v63  }
0x41f: {  	_ =	swait.ge [sflag:s21], $0x2000  }
0x420: {  	[sflag:s21] =	ssyncset.done $0x0  }
0x421: {  	[sflag:s21] =	ssyncadd.s32 $0xFFFFE000  }
0x422: {  	_ =	swait.ge [sflag:s21], $0x2000  }
0x423: {  	s22 =	sadd.s32 $0x1, s22;
	s31 =	rddreg [dreg:$0x16]  }
0x424: {  	p0 =	sne.s32 s22, s31  }
.Ltmp8:
0x425: {  	_ = 	snop;
	(pc) =	sbr.rel @p0 .LBB2_1-.Ltmp8, $3  }
0x426: {  	_ =	sdelay $0x1  }
0x427: {  	[sflag:s21] =	ssyncset.done $0x0  }
0x428: {  	[sflag:s21] =	ssyncadd.s32 $0xFFFFE000  }
0x429: {  	_ =	sfence.sel $0x180000  }
0x42a: {  	[bflag:$0x0] =	sbarrier.arrive $0xFFFF  }
0x42b: {  	_ =	strace $0x9000004A  }
0x42c: {  	s0 =	stileid.u32;
	[bflag:$0x2] =	sbarrier.arrive $0xFFFF  }
0x42d: {  	p0 =	sne.s32 s0, $0x0;
	s0 =	rddreg [dreg:$0x3]  }
0x42e: {  	s0 =	sadd.s32 @!p0 $0x100000, s0  }
0x42f: {  	[sflag:s0] =	ssyncadd.tile.s32 @!p0 $0x1;
	_ =	shalt  }
.Lfunc_end2:
_tile_overlayer_lowered:
.L_overlay_start_2:
0x430: {  	(tag) =	ssettag $0x2  }
0x431: {  	s0 =	rddreg [dreg:$0x0];
	s2 =	stileid.u32  }
0x432: {  	s1 =	rddreg [dreg:$0x1];
	p0 =	sne.s32 s2, $0x0  }
0x433: {  	s3 =	rddreg [dreg:$0x2];
	[bflag:$0x3] =	sbarrier.arrive $0xFFFF;
	s2 =	simm.s32 @!p0 $0x1C04  }
0x434: {  	[timem:s3], [sflag:s2] =	dma.local @!p0 [hbm:s0], s1  }
0x435: {  	s0 =	simm.s32 @!p0 $0x4  }
0x436: {  	_ =	swait.ge @!p0 [sflag:s0], s1  }
0x437: {  	s1 =	ssub.s32 @!p0 $0x0, s1;
	[sflag:s0] =	ssyncset.done @!p0 $0x0  }
0x438: {  	[sflag:s0] =	ssyncadd.s32 @!p0 s1  }
0x439: {  	[bflag:$0x3] =	sbarrier.arrive $0xFFFF  }
0x43a: {  	_ =	shalt  }

</sc_bundles>
